<compile_context>
chip_gen: v7x
topology: tpu7x:2x2x1
jax: 0.10.2.dev20260603
libtpu: 0.0.44.dev20260713+nightly
codegen_flags: <defaults>
</compile_context>

<pallas_src>
import functools
import jax
import jax.numpy as jnp
from jax import lax
from jax.experimental import pallas as pl
from jax.experimental.pallas import tpu as pltpu
from jax.experimental.pallas import tpu_sc as plsc

N = 10000
NPAD = 10240
E = 160000
HID = 256
F = 32
G = 64
NW = 32
EPT = 5120
EPAD = NW * EPT
NQ = 4
EPQ = EPAD // NQ
CE = 4096
NCH = EPQ // CE
FPT = 4
BT3 = 256
NB3 = NPAD // BT3
F2 = 48


def _k1_body(x_ref, wgt_ref, att_ref, ei_ref, ht_ref, avec_ref, pk_ref):
    ER = E - 3 * EPQ
    for q in range(NQ - 1):
        pk_ref[q, :] = (ei_ref[0, pl.ds(q * EPQ, EPQ)] * 16384
                        + ei_ref[1, pl.ds(q * EPQ, EPQ)])
    pk_ref[3, 0:ER] = (ei_ref[0, pl.ds(3 * EPQ, ER)] * 16384
                       + ei_ref[1, pl.ds(3 * EPQ, ER)])
    pk_ref[3, ER:EPQ] = jnp.full((EPQ - ER,), N, jnp.int32)
    ht = lax.dot_general(wgt_ref[...], x_ref[...],
                         (((1,), (1,)), ((), ())),
                         preferred_element_type=jnp.float32)
    ht_ref[:, 0:N] = ht
    ht_ref[:, N:NPAD] = jnp.zeros((F, NPAD - N), jnp.float32)
    a_s = jnp.sum(ht * att_ref[0, 0:F][:, None], axis=0)
    a_d = jnp.sum(ht * att_ref[1, 0:F][:, None], axis=0)
    e = a_s + a_d
    e = jnp.where(e >= 0, e, 0.2 * e)
    p_self = jnp.exp(e)
    zpad = jnp.zeros((NPAD - N,), jnp.float32)
    avec_ref[0, 0:N] = a_s
    avec_ref[0, N:NPAD] = zpad
    avec_ref[1, 0:N] = a_d
    avec_ref[1, N:NPAD] = jnp.full((NPAD - N,), -1e30, jnp.float32)
    avec_ref[2, 0:N] = p_self
    avec_ref[2, N:NPAD] = zpad


def _sc_edges(pk_hbm, avec_hbm, ht_hbm,
              s_out, o_out, p_out,
              as_v, ad_v, h2_v, h3_v, pkv, pv,
              s_loc, acc1, acc2, acc3,
              pkc, pc, pkc2, pc2, sem0, sema, semb):
    c = lax.axis_index("c")
    s = lax.axis_index("s")
    wid = c * 16 + s
    wq = wid // 8
    wo = (wid % 8) * EPT
    pltpu.async_copy(avec_hbm.at[0], as_v, sem0)
    pltpu.async_copy(avec_hbm.at[1], ad_v, sem0)
    pltpu.async_copy(pk_hbm.at[wq, pl.ds(wo, EPT)], pkv, sem0)

    zero16 = jnp.zeros((16,), jnp.float32)

    def zloop(i, _):
        for u in range(4):
            s_loc[pl.ds(i * 64 + u * 16, 16)] = zero16
        return 0
    lax.fori_loop(0, NPAD // 64, zloop, 0)

    pltpu.make_async_copy(avec_hbm.at[0], as_v, sem0).wait()
    pltpu.make_async_copy(avec_hbm.at[1], ad_v, sem0).wait()
    pltpu.make_async_copy(pk_hbm.at[wq, pl.ds(wo, EPT)], pkv, sem0).wait()

    @plsc.parallel_loop(0, EPT // 16, 1, unroll=8)
    def ploop(t):
        off = t * 16
        ev = pkv[pl.ds(off, 16)]
        sv = lax.shift_right_logical(ev, 14)
        dv = ev & 16383
        a1 = plsc.load_gather(as_v, [sv])
        a2 = plsc.load_gather(ad_v, [dv])
        e = a1 + a2
        e = jnp.where(e >= 0, e, 0.2 * e)
        pe = jnp.exp(e)
        pv[pl.ds(off, 16)] = pe
        plsc.addupdate_scatter(s_loc, [dv], pe)

    pltpu.sync_copy(pv, p_out.at[wq, pl.ds(wo, EPT)])
    pltpu.sync_copy(s_loc, s_out.at[wid])
    plsc.subcore_barrier()

    f0 = (wid % 8) * FPT
    pltpu.async_copy(ht_hbm.at[f0], as_v, sem0)
    pltpu.async_copy(ht_hbm.at[f0 + 1], ad_v, sem0)
    pltpu.async_copy(ht_hbm.at[f0 + 2], h2_v, sem0)
    pltpu.async_copy(ht_hbm.at[f0 + 3], h3_v, sem0)

    def zloop2(i, _):
        for u in range(2):
            o = i * 32 + u * 16
            s_loc[pl.ds(o, 16)] = zero16
            acc1[pl.ds(o, 16)] = zero16
            acc2[pl.ds(o, 16)] = zero16
            acc3[pl.ds(o, 16)] = zero16
        return 0
    lax.fori_loop(0, NPAD // 32, zloop2, 0)

    pltpu.make_async_copy(ht_hbm.at[f0], as_v, sem0).wait()
    pltpu.make_async_copy(ht_hbm.at[f0 + 1], ad_v, sem0).wait()
    pltpu.make_async_copy(ht_hbm.at[f0 + 2], h2_v, sem0).wait()
    pltpu.make_async_copy(ht_hbm.at[f0 + 3], h3_v, sem0).wait()

    def fire(k, eb, pb, sem):
        pltpu.async_copy(pk_hbm.at[wq, pl.ds(k * CE, CE)], eb, sem)
        pltpu.async_copy(p_out.at[wq, pl.ds(k * CE, CE)], pb, sem)

    def drain(k, eb, pb, sem):
        pltpu.make_async_copy(pk_hbm.at[wq, pl.ds(k * CE, CE)], eb, sem).wait()
        pltpu.make_async_copy(p_out.at[wq, pl.ds(k * CE, CE)], pb, sem).wait()

    def compute(eb, pb):
        @plsc.parallel_loop(0, CE // 16, 1, unroll=8)
        def inner(i):
            off = i * 16
            ev = eb[pl.ds(off, 16)]
            sv = lax.shift_right_logical(ev, 14)
            dv = ev & 16383
            pe = pb[pl.ds(off, 16)]
            g0 = plsc.load_gather(as_v, [sv])
            plsc.addupdate_scatter(s_loc, [dv], g0 * pe)
            g1 = plsc.load_gather(ad_v, [sv])
            plsc.addupdate_scatter(acc1, [dv], g1 * pe)
            g2 = plsc.load_gather(h2_v, [sv])
            plsc.addupdate_scatter(acc2, [dv], g2 * pe)
            g3 = plsc.load_gather(h3_v, [sv])
            plsc.addupdate_scatter(acc3, [dv], g3 * pe)

    fire(0, pkc, pc, sema)

    def chunk2(g, _):
        k0 = g * 2
        fire(k0 + 1, pkc2, pc2, semb)
        drain(k0, pkc, pc, sema)
        compute(pkc, pc)

        @pl.when(k0 + 2 < NCH)
        def _():
            fire(k0 + 2, pkc, pc, sema)
        drain(k0 + 1, pkc2, pc2, semb)
        compute(pkc2, pc2)
        return 0
    lax.fori_loop(0, NCH // 2, chunk2, 0)

    pltpu.sync_copy(s_loc, o_out.at[wq, f0])
    pltpu.sync_copy(acc1, o_out.at[wq, f0 + 1])
    pltpu.sync_copy(acc2, o_out.at[wq, f0 + 2])
    pltpu.sync_copy(acc3, o_out.at[wq, f0 + 3])


def _run_sc(pkr, avec, ht):
    mesh = plsc.VectorSubcoreMesh(core_axis_name="c", subcore_axis_name="s",
                                  num_cores=2, num_subcores=16)
    f = functools.partial(
        pl.kernel,
        out_type=[jax.ShapeDtypeStruct((NW, NPAD), jnp.float32),
                  jax.ShapeDtypeStruct((NQ, F, NPAD), jnp.float32),
                  jax.ShapeDtypeStruct((NQ, EPQ), jnp.float32)],
        mesh=mesh,
        compiler_params=pltpu.CompilerParams(needs_layout_passes=False),
        scratch_types=[
            pltpu.VMEM((NPAD,), jnp.float32),
            pltpu.VMEM((NPAD,), jnp.float32),
            pltpu.VMEM((NPAD,), jnp.float32),
            pltpu.VMEM((NPAD,), jnp.float32),
            pltpu.VMEM((EPT,), jnp.int32),
            pltpu.VMEM((EPT,), jnp.float32),
            pltpu.VMEM((NPAD,), jnp.float32),
            pltpu.VMEM((NPAD,), jnp.float32),
            pltpu.VMEM((NPAD,), jnp.float32),
            pltpu.VMEM((NPAD,), jnp.float32),
            pltpu.VMEM((CE,), jnp.int32),
            pltpu.VMEM((CE,), jnp.float32),
            pltpu.VMEM((CE,), jnp.int32),
            pltpu.VMEM((CE,), jnp.float32),
            pltpu.SemaphoreType.DMA,
            pltpu.SemaphoreType.DMA,
            pltpu.SemaphoreType.DMA,
        ],
    )(_sc_edges)
    return f(pkr, avec, ht)


def _k345_body(jlo_ref, opart_hbm, spart_hbm, avec_hbm, ht_hbm, w2t_ref,
               wb_ref, bat_ref, gx_ref, opart_ref, spart_ref, avec_ref,
               ht_ref, bpm_scr, dup_scr, sem0):
    for pair in ((opart_hbm, opart_ref), (spart_hbm, spart_ref),
                 (avec_hbm, avec_ref), (ht_hbm, ht_ref)):
        pltpu.async_copy(pair[0], pair[1], sem0)
    for pair in ((opart_hbm, opart_ref), (spart_hbm, spart_ref),
                 (avec_hbm, avec_ref), (ht_hbm, ht_ref)):
        pltpu.make_async_copy(pair[0], pair[1], sem0).wait()
    num = (opart_ref[0] + opart_ref[1]) + (opart_ref[2] + opart_ref[3])
    s_edges = jnp.sum(spart_ref[...], axis=0)
    p_self = avec_ref[2, :]
    ht = ht_ref[...]
    s_tot = s_edges + p_self + 1e-16
    xc = (num + p_self[None, :] * ht) / s_tot[None, :]
    xc = xc + wb_ref[0, 0:F][:, None]
    sg = jnp.where(xc > 0, 1.0, -1.0)
    bat = bat_ref[...]
    bc = jnp.minimum(bat, 63.0)
    brows = []
    for k in range(6):
        q = jnp.floor(bc * 0.5)
        brows.append((2.0 * (bc - 2.0 * q) - 1.0)[None, :])
        bc = q
    zrows = jnp.zeros((F2 - F - 6, NPAD), jnp.float32)
    bpm_scr[...] = jnp.concatenate([sg] + brows + [zrows],
                                   axis=0).astype(jnp.bfloat16)

    x1 = jnp.sum(xc * wb_ref[1, 0:F][:, None], axis=0) + wb_ref[3, 0]

    li = lax.broadcasted_iota(jnp.int32, (BT3, BT3), 0)
    lj = lax.broadcasted_iota(jnp.int32, (BT3, BT3), 1)
    dmask = jnp.where(lj < li, 0.0, -4096.0)
    for i in range(NB3):
        bi = bpm_scr[:, i * BT3:(i + 1) * BT3]
        simd = lax.dot_general(bi, bi, (((0,), (0,)), ((), ())),
                               preferred_element_type=jnp.float32)
        rm0 = jnp.max(simd + dmask, axis=1)
        d0 = jnp.where(rm0 > 37.0, 1.0, 0.0)

        def jbody(j, acc):
            bj = bpm_scr[:, pl.ds(j * BT3, BT3)]
            sim = lax.dot_general(bi, bj, (((0,), (0,)), ((), ())),
                                  preferred_element_type=jnp.float32)
            rm = jnp.max(sim, axis=1)
            return jnp.maximum(acc, jnp.where(rm > 37.0, 1.0, 0.0))
        d = lax.fori_loop(jlo_ref[i], i, jbody, d0)
        dup_scr[pl.ds(i * BT3, BT3)] = d

    pw = jnp.where(dup_scr[...] < 0.5, jnp.exp(x1), 0.0)
    gids = lax.broadcasted_iota(jnp.int32, (G, NPAD), 0).astype(jnp.float32)
    wxo = jnp.where(gids == bat[None, :], pw[None, :], 0.0)
    xcd = jnp.concatenate(
        [xc[0:30], jnp.ones((1, NPAD), jnp.float32), xc[31:32]], axis=0)
    m = lax.dot_general(wxo, xcd, (((1,), (1,)), ((), ())),
                        preferred_element_type=jnp.float32)
    numm = lax.dot_general(m, w2t_ref[...], (((1,), (1,)), ((), ())),
                           preferred_element_type=jnp.float32)
    den = m[:, 30:31]
    numm = numm + den * wb_ref[2, 0:G][None, :]
    gx_ref[...] = numm / (den + 1e-16)


def kernel(x, edge_index, batch, W_gat, att_src, att_dst, b_gat,
           W1, b1, W2, b2):
    wgt_pad = jnp.zeros((F, HID), jnp.float32).at[:30, :].set(W_gat.T)
    att2 = (jnp.zeros((2, F), jnp.float32)
            .at[0, :30].set(att_src).at[1, :30].set(att_dst))
    wb = (jnp.zeros((4, 128), jnp.float32)
          .at[0, :30].set(b_gat)
          .at[1, :30].set(W1[:, 0])
          .at[2, :G].set(b2)
          .at[3, 0].set(b1[0]))
    w2t_pad = jnp.zeros((G, F), jnp.float32).at[:, :30].set(W2.T)
    bat_f = jnp.concatenate(
        [batch.astype(jnp.float32), jnp.full((NPAD - N,), 1e9, jnp.float32)])
    bat_pad = jnp.concatenate(
        [batch, jnp.full((NPAD - N,), 2 ** 30, jnp.int32)])
    bmin = bat_pad[0::BT3]
    bmax = bat_pad[BT3 - 1::BT3]

    ht, avec, pkr = pl.pallas_call(
        _k1_body,
        out_shape=[jax.ShapeDtypeStruct((F, NPAD), jnp.float32),
                   jax.ShapeDtypeStruct((8, NPAD), jnp.float32),
                   jax.ShapeDtypeStruct((NQ, EPQ), jnp.int32)],
    )(x, wgt_pad, att2, edge_index)

    s_part, o_part, _ = _run_sc(pkr, avec, ht)

    jlo = jnp.searchsorted(bmax, bmin, side="left").astype(jnp.int32)

    gx = pl.pallas_call(
        _k345_body,
        in_specs=[pl.BlockSpec(memory_space=pltpu.MemorySpace.SMEM)]
        + [pl.BlockSpec(memory_space=pl.ANY)] * 4
        + [pl.BlockSpec()] * 3,
        scratch_shapes=[
            pltpu.VMEM((NQ, F, NPAD), jnp.float32),
            pltpu.VMEM((NW, NPAD), jnp.float32),
            pltpu.VMEM((8, NPAD), jnp.float32),
            pltpu.VMEM((F, NPAD), jnp.float32),
            pltpu.VMEM((F2, NPAD), jnp.bfloat16),
            pltpu.VMEM((NPAD,), jnp.float32),
            pltpu.SemaphoreType.DMA,
        ],
        out_shape=jax.ShapeDtypeStruct((G, G), jnp.float32),
    )(jlo, o_part, s_part, avec, ht, w2t_pad, wb, bat_f)
    return gx

# --- scband reference (transcript-rebuilt; emitter-appended) ---
"""Pipeline reference for scband-global-attention-poolh-66013647339965 (READ-ONLY COPY).

The authoritative reference and input builder live on the scoring server;
editing this copy changes nothing except your own understanding.
"""

import jax, jax.numpy as jnp
import numpy as np

N_NODES = 10000
N_EDGES = 160000
HID = 256
GAT_OUT = 30
N_GRAPHS = 64


def setup_inputs(seed: int = 0) -> dict:
    key = jax.random.key(seed)
    ks = jax.random.split(key, 12)
    x = jax.random.normal(ks[0], (N_NODES, HID), dtype=jnp.float32)
    edge_index = jax.random.randint(ks[1], (2, N_EDGES), 0, N_NODES, dtype=jnp.int32)
    batch = jnp.sort(jax.random.randint(ks[2], (N_NODES,), 0, N_GRAPHS, dtype=jnp.int32))
    # GATConv(hidden_dim, 30) parameters (single head)
    W_gat = jax.random.normal(ks[3], (HID, GAT_OUT), dtype=jnp.float32) * (1.0 / np.sqrt(HID))
    att_src = jax.random.normal(ks[4], (GAT_OUT,), dtype=jnp.float32) * 0.1
    att_dst = jax.random.normal(ks[5], (GAT_OUT,), dtype=jnp.float32) * 0.1
    b_gat = jnp.zeros((GAT_OUT,), dtype=jnp.float32)
    # l1: Linear(30, 1), l2: Linear(30, 64)
    W1 = jax.random.normal(ks[6], (GAT_OUT, 1), dtype=jnp.float32) * (1.0 / np.sqrt(GAT_OUT))
    b1 = jnp.zeros((1,), dtype=jnp.float32)
    W2 = jax.random.normal(ks[7], (GAT_OUT, 64), dtype=jnp.float32) * (1.0 / np.sqrt(GAT_OUT))
    b2 = jnp.zeros((64,), dtype=jnp.float32)
    return {"x": x, "edge_index": edge_index, "batch": batch,
            "W_gat": W_gat, "att_src": att_src, "att_dst": att_dst, "b_gat": b_gat,
            "W1": W1, "b1": b1, "W2": W2, "b2": b2}


def _gat_conv(x, edge_index, W_gat, att_src, att_dst, b_gat):
    # torch_geometric GATConv (heads=1) with self-loops added
    N = x.shape[0]
    loop = jnp.arange(N, dtype=edge_index.dtype)
    src = jnp.concatenate([edge_index[0], loop])
    dst = jnp.concatenate([edge_index[1], loop])
    h = x @ W_gat  # [N, 30]
    a_s = h @ att_src  # [N]
    a_d = h @ att_dst  # [N]
    e = a_s[src] + a_d[dst]
    e = jnp.where(e >= 0, e, 0.2 * e)  # LeakyReLU(0.2)
    emax = jax.ops.segment_max(e, dst, num_segments=N)
    emax = jnp.where(jnp.isfinite(emax), emax, 0.0)
    p = jnp.exp(e - emax[dst])
    s = jax.ops.segment_sum(p, dst, num_segments=N)
    alpha = p / (s[dst] + 1e-16)
    out = jax.ops.segment_sum(h[src] * alpha[:, None], dst, num_segments=N)
    return out + b_gat


def _meanshift_rep_mask(x_conv, batch):
    # MeanShift(bandwidth=0.2, bin_seeding=True) on binary vectors (value > 0):
    # distinct binary rows are >= 1 apart in L2, so clusters == unique binary rows.
    # np.unique(labels, return_index=True) then picks the first point of each cluster.
    # Representatives are the first occurrence of each distinct binary row within
    # each batch segment; mark them with a fixed-shape boolean mask.
    N = x_conv.shape[0]
    bits = (x_conv > 0).astype(jnp.int32)
    weights = jnp.left_shift(jnp.int32(1), jnp.arange(GAT_OUT, dtype=jnp.int32))
    code = jnp.sum(bits * weights, axis=1)
    order = jnp.lexsort((jnp.arange(N, dtype=jnp.int32), code, batch))
    kb = batch[order]
    kc = code[order]
    first = jnp.concatenate([
        jnp.ones((1,), dtype=bool),
        (kb[1:] != kb[:-1]) | (kc[1:] != kc[:-1]),
    ])
    rep = jnp.zeros((N,), dtype=bool).at[order].set(first)
    return rep


def reference(x, edge_index, batch, W_gat, att_src, att_dst, b_gat, W1, b1, W2, b2):
    x_conv = _gat_conv(x, edge_index, W_gat, att_src, att_dst, b_gat)
    rep = _meanshift_rep_mask(x_conv, batch)
    n_graphs = N_GRAPHS
    x1 = (x_conv @ W1 + b1)[:, 0]  # [N]
    x64 = x_conv @ W2 + b2  # [N, 64]
    # segment softmax of x1 over batch, restricted to representative nodes
    m = jax.ops.segment_max(jnp.where(rep, x1, -jnp.inf), batch, num_segments=n_graphs)
    p = jnp.where(rep, jnp.exp(x1 - m[batch]), 0.0)
    d = jax.ops.segment_sum(p, batch, num_segments=n_graphs)
    scores = (p / (d[batch] + 1e-16))[:, None]
    gx = jax.ops.segment_sum(x64 * scores, batch, num_segments=n_graphs)
    return gx


if False:  # reference __main__ guard neutralized (emitter)
    out = reference(**setup_inputs())
    print(out.shape)

if __name__ == "__main__":
    import jax
    _d = setup_inputs()
    print(jax.jit(kernel)(*tuple(_d.values())))

</pallas_src>

<mosaic_0001>
#map = affine_map<(d0, d1) -> (0, 0)>
#map1 = affine_map<(d0, d1) -> (0, 0, 0)>
module attributes {stable_mosaic.version = 14 : i64} {
  func.func @_sc_edges(%arg0: i32, %arg1: i32, %arg2: memref<4x40960xi32, #tpu.memory_space<hbm>>, %arg3: memref<8x10240xf32, #tpu.memory_space<hbm>>, %arg4: memref<32x10240xf32, #tpu.memory_space<hbm>>, %arg5: memref<32x10240xf32, #tpu.memory_space<hbm>>, %arg6: memref<4x32x10240xf32, #tpu.memory_space<hbm>>, %arg7: memref<4x40960xf32, #tpu.memory_space<hbm>>, %arg8: memref<10240xf32, #tpu.memory_space<vmem>>, %arg9: memref<10240xf32, #tpu.memory_space<vmem>>, %arg10: memref<10240xf32, #tpu.memory_space<vmem>>, %arg11: memref<10240xf32, #tpu.memory_space<vmem>>, %arg12: memref<5120xi32, #tpu.memory_space<vmem>>, %arg13: memref<5120xf32, #tpu.memory_space<vmem>>, %arg14: memref<10240xf32, #tpu.memory_space<vmem>>, %arg15: memref<10240xf32, #tpu.memory_space<vmem>>, %arg16: memref<10240xf32, #tpu.memory_space<vmem>>, %arg17: memref<10240xf32, #tpu.memory_space<vmem>>, %arg18: memref<4096xi32, #tpu.memory_space<vmem>>, %arg19: memref<4096xf32, #tpu.memory_space<vmem>>, %arg20: memref<4096xi32, #tpu.memory_space<vmem>>, %arg21: memref<4096xf32, #tpu.memory_space<vmem>>, %arg22: memref<!tpu.dma_semaphore, #tpu.memory_space<semaphore_mem>>, %arg23: memref<!tpu.dma_semaphore, #tpu.memory_space<semaphore_mem>>, %arg24: memref<!tpu.dma_semaphore, #tpu.memory_space<semaphore_mem>>) attributes {dimension_semantics = [#tpu.dimension_semantics<core_parallel>, #tpu.dimension_semantics<subcore_parallel>], iteration_bounds = array<i64: 2, 16>, scalar_prefetch = 0 : i64, scratch_operands = 17 : i64, tpu.core_type = #tpu.core_type<sc_vector_subcore>, window_params = [{transform_indices = #map}, {transform_indices = #map}, {transform_indices = #map}, {transform_indices = #map}, {transform_indices = #map1}, {transform_indices = #map}]} {
    %mul3A = arith.constant 16 : i32
    %mul3A_0 = arith.muli %arg0, %mul3A : i32
    %add3A = arith.addi %mul3A_0, %arg1 : i32
    %jit3A = arith.constant 8 : i32
    %div3A = arith.divsi %add3A, %jit3A : i32
    %sign3A = arith.constant 0 : i32
    %sign3A_1 = arith.cmpi sgt, %add3A, %sign3A : i32
    %sign3A_2 = arith.extui %sign3A_1 : i1 to i32
    %sign3A_3 = arith.constant 0 : i32
    %sign3A_4 = arith.cmpi slt, %add3A, %sign3A_3 : i32
    %sign3A_5 = arith.extui %sign3A_4 : i1 to i32
    %sign3A_6 = arith.subi %sign3A_2, %sign3A_5 : i32
    %sign3A_7 = arith.constant 0 : i32
    %sign3A_8 = arith.cmpi sgt, %jit3A, %sign3A_7 : i32
    %sign3A_9 = arith.extui %sign3A_8 : i1 to i32
    %sign3A_10 = arith.constant 0 : i32
    %sign3A_11 = arith.cmpi slt, %jit3A, %sign3A_10 : i32
    %sign3A_12 = arith.extui %sign3A_11 : i1 to i32
    %sign3A_13 = arith.subi %sign3A_9, %sign3A_12 : i32
    %ne3A = arith.cmpi ne, %sign3A_6, %sign3A_13 : i32
    %rem3A = arith.remsi %add3A, %jit3A : i32
    %ne3A_14 = arith.constant 0 : i32
    %ne3A_15 = arith.cmpi ne, %rem3A, %ne3A_14 : i32
    %and3A = arith.andi %ne3A, %ne3A_15 : i1
    %sub3A = arith.constant 1 : i32
    %sub3A_16 = arith.subi %div3A, %sub3A : i32
    %select_n3A = arith.select %and3A, %sub3A_16, %div3A : i32
    %jit3A_17 = arith.constant 8 : i32
    %eq3A = arith.constant 0 : i32
    %eq3A_18 = arith.cmpi eq, %jit3A_17, %eq3A : i32
    %jit3A_19 = arith.constant 1 : i32
    %select_n3A_20 = arith.select %eq3A_18, %jit3A_19, %jit3A_17 : i32
    %rem3A_21 = arith.remsi %add3A, %select_n3A_20 : i32
    %ne3A_22 = arith.constant 0 : i32
    %ne3A_23 = arith.cmpi ne, %rem3A_21, %ne3A_22 : i32
    %lt3A = arith.constant 0 : i32
    %lt3A_24 = arith.cmpi slt, %rem3A_21, %lt3A : i32
    %lt3A_25 = arith.constant 0 : i32
    %lt3A_26 = arith.cmpi slt, %select_n3A_20, %lt3A_25 : i32
    %ne3A_27 = arith.xori %lt3A_24, %lt3A_26 : i1
    %and3A_28 = arith.andi %ne3A_27, %ne3A_23 : i1
    %add3A_29 = arith.addi %rem3A_21, %select_n3A_20 : i32
    %select_n3A_30 = arith.select %and3A_28, %add3A_29, %rem3A_21 : i32
    %mul3A_31 = arith.constant 5120 : i32
    %mul3A_32 = arith.muli %select_n3A_30, %mul3A_31 : i32
    %dma_start3A = arith.constant 0 : i32
    %dma_start3A_33 = arith.constant 0 : i32
    %dma_start3A_34 = tpu.memref_slice %arg3[%dma_start3A, %dma_start3A_33] : memref<8x10240xf32, #tpu.memory_space<hbm>> -> memref<1x10240xf32, #tpu.memory_space<hbm>>
    %dma_start3A_35 = tpu.memref_squeeze %dma_start3A_34 : memref<1x10240xf32, #tpu.memory_space<hbm>> -> memref<10240xf32, #tpu.memory_space<hbm>>
    %dma_start3A_36 = arith.constant 0 : i32
    %dma_start3A_37 = tpu.memref_slice %arg3[%dma_start3A, %dma_start3A_36] : memref<8x10240xf32, #tpu.memory_space<hbm>> -> memref<1x10240xf32, #tpu.memory_space<hbm>>
    %dma_start3A_38 = tpu.memref_squeeze %dma_start3A_37 : memref<1x10240xf32, #tpu.memory_space<hbm>> -> memref<10240xf32, #tpu.memory_space<hbm>>
    tpu.enqueue_dma source(%dma_start3A_38 : memref<10240xf32, #tpu.memory_space<hbm>>) target(%arg8 : memref<10240xf32, #tpu.memory_space<vmem>>) target_semaphore(%arg22 : memref<!tpu.dma_semaphore, #tpu.memory_space<semaphore_mem>>)
    %dma_start3A_39 = arith.constant 1 : i32
    %dma_start3A_40 = arith.constant 0 : i32
    %dma_start3A_41 = tpu.memref_slice %arg3[%dma_start3A_39, %dma_start3A_40] : memref<8x10240xf32, #tpu.memory_space<hbm>> -> memref<1x10240xf32, #tpu.memory_space<hbm>>
    %dma_start3A_42 = tpu.memref_squeeze %dma_start3A_41 : memref<1x10240xf32, #tpu.memory_space<hbm>> -> memref<10240xf32, #tpu.memory_space<hbm>>
    %dma_start3A_43 = arith.constant 0 : i32
    %dma_start3A_44 = tpu.memref_slice %arg3[%dma_start3A_39, %dma_start3A_43] : memref<8x10240xf32, #tpu.memory_space<hbm>> -> memref<1x10240xf32, #tpu.memory_space<hbm>>
    %dma_start3A_45 = tpu.memref_squeeze %dma_start3A_44 : memref<1x10240xf32, #tpu.memory_space<hbm>> -> memref<10240xf32, #tpu.memory_space<hbm>>
    tpu.enqueue_dma source(%dma_start3A_45 : memref<10240xf32, #tpu.memory_space<hbm>>) target(%arg9 : memref<10240xf32, #tpu.memory_space<vmem>>) target_semaphore(%arg22 : memref<!tpu.dma_semaphore, #tpu.memory_space<semaphore_mem>>)
    %dma_start3A_46 = tpu.memref_slice %arg2[%select_n3A, %mul3A_32] : memref<4x40960xi32, #tpu.memory_space<hbm>> -> memref<1x5120xi32, #tpu.memory_space<hbm>>
    %dma_start3A_47 = tpu.memref_squeeze %dma_start3A_46 : memref<1x5120xi32, #tpu.memory_space<hbm>> -> memref<5120xi32, #tpu.memory_space<hbm>>
    %dma_start3A_48 = tpu.memref_slice %arg2[%select_n3A, %mul3A_32] : memref<4x40960xi32, #tpu.memory_space<hbm>> -> memref<1x5120xi32, #tpu.memory_space<hbm>>
    %dma_start3A_49 = tpu.memref_squeeze %dma_start3A_48 : memref<1x5120xi32, #tpu.memory_space<hbm>> -> memref<5120xi32, #tpu.memory_space<hbm>>
    tpu.enqueue_dma source(%dma_start3A_49 : memref<5120xi32, #tpu.memory_space<hbm>>) target(%arg12 : memref<5120xi32, #tpu.memory_space<vmem>>) target_semaphore(%arg22 : memref<!tpu.dma_semaphore, #tpu.memory_space<semaphore_mem>>)
    %broadcast_in_dim3A = arith.constant 0.000000e+00 : f32
    %broadcast_in_dim3A_50 = vector.broadcast %broadcast_in_dim3A : f32 to vector<16xf32>
    %scan3A = arith.constant 0 : i32
    %scan3A_51 = arith.constant 0 : i32
    %scan3A_52 = arith.constant 160 : i32
    %scan3A_53 = arith.addi %scan3A_51, %scan3A_52 : i32
    %scan3A_54 = arith.constant 1 : i32
    %scan3A_55 = scf.for %scan3A_186 = %scan3A_51 to %scan3A_53 step %scan3A_54 iter_args(%scan3A_187 = %scan3A) -> (i32)  : i32 {
      %mul3A_188 = arith.constant 64 : i32
      %mul3A_189 = arith.muli %scan3A_186, %mul3A_188 : i32
      %add3A_190 = arith.constant 0 : i32
      %add3A_191 = arith.addi %mul3A_189, %add3A_190 : i32
      %swap3A = arith.index_cast %add3A_191 : i32 to index
      %swap3A_192 = tpu.vector_load %arg14[%swap3A] {strides = array<i32>} : memref<10240xf32, #tpu.memory_space<vmem>>, vector<16xf32>,
      tpu.vector_store %arg14[%swap3A], %broadcast_in_dim3A_50 {strides = array<i32>} : memref<10240xf32, #tpu.memory_space<vmem>>, vector<16xf32>,
      %mul3A_193 = arith.constant 64 : i32
      %mul3A_194 = arith.muli %scan3A_186, %mul3A_193 : i32
      %add3A_195 = arith.constant 16 : i32
      %add3A_196 = arith.addi %mul3A_194, %add3A_195 : i32
      %swap3A_197 = arith.index_cast %add3A_196 : i32 to index
      %swap3A_198 = tpu.vector_load %arg14[%swap3A_197] {strides = array<i32>} : memref<10240xf32, #tpu.memory_space<vmem>>, vector<16xf32>,
      tpu.vector_store %arg14[%swap3A_197], %broadcast_in_dim3A_50 {strides = array<i32>} : memref<10240xf32, #tpu.memory_space<vmem>>, vector<16xf32>,
      %mul3A_199 = arith.constant 64 : i32
      %mul3A_200 = arith.muli %scan3A_186, %mul3A_199 : i32
      %add3A_201 = arith.constant 32 : i32
      %add3A_202 = arith.addi %mul3A_200, %add3A_201 : i32
      %swap3A_203 = arith.index_cast %add3A_202 : i32 to index
      %swap3A_204 = tpu.vector_load %arg14[%swap3A_203] {strides = array<i32>} : memref<10240xf32, #tpu.memory_space<vmem>>, vector<16xf32>,
      tpu.vector_store %arg14[%swap3A_203], %broadcast_in_dim3A_50 {strides = array<i32>} : memref<10240xf32, #tpu.memory_space<vmem>>, vector<16xf32>,
      %mul3A_205 = arith.constant 64 : i32
      %mul3A_206 = arith.muli %scan3A_186, %mul3A_205 : i32
      %add3A_207 = arith.constant 48 : i32
      %add3A_208 = arith.addi %mul3A_206, %add3A_207 : i32
      %swap3A_209 = arith.index_cast %add3A_208 : i32 to index
      %swap3A_210 = tpu.vector_load %arg14[%swap3A_209] {strides = array<i32>} : memref<10240xf32, #tpu.memory_space<vmem>>, vector<16xf32>,
      tpu.vector_store %arg14[%swap3A_209], %broadcast_in_dim3A_50 {strides = array<i32>} : memref<10240xf32, #tpu.memory_space<vmem>>, vector<16xf32>,
      %scan3A_211 = arith.constant 0 : i32
      scf.yield %scan3A_211 : i32
    }
    %scan3A_56 = arith.constant 160 : i32
    %dma_wait3A = arith.constant 0 : i32
    %dma_wait3A_57 = arith.constant 0 : i32
    %dma_wait3A_58 = tpu.memref_slice %arg3[%dma_wait3A, %dma_wait3A_57] : memref<8x10240xf32, #tpu.memory_space<hbm>> -> memref<1x10240xf32, #tpu.memory_space<hbm>>
    %dma_wait3A_59 = tpu.memref_squeeze %dma_wait3A_58 : memref<1x10240xf32, #tpu.memory_space<hbm>> -> memref<10240xf32, #tpu.memory_space<hbm>>
    %dma_wait3A_60 = arith.constant 0 : i32
    %dma_wait3A_61 = tpu.memref_slice %arg3[%dma_wait3A, %dma_wait3A_60] : memref<8x10240xf32, #tpu.memory_space<hbm>> -> memref<1x10240xf32, #tpu.memory_space<hbm>>
    %dma_wait3A_62 = tpu.memref_squeeze %dma_wait3A_61 : memref<1x10240xf32, #tpu.memory_space<hbm>> -> memref<10240xf32, #tpu.memory_space<hbm>>
    tpu.wait_dma2 semaphore(%arg22 : memref<!tpu.dma_semaphore, #tpu.memory_space<semaphore_mem>>) src(%dma_wait3A_62 : memref<10240xf32, #tpu.memory_space<hbm>>) dst(%arg8 : memref<10240xf32, #tpu.memory_space<vmem>>)
    %dma_wait3A_63 = arith.constant 1 : i32
    %dma_wait3A_64 = arith.constant 0 : i32
    %dma_wait3A_65 = tpu.memref_slice %arg3[%dma_wait3A_63, %dma_wait3A_64] : memref<8x10240xf32, #tpu.memory_space<hbm>> -> memref<1x10240xf32, #tpu.memory_space<hbm>>
    %dma_wait3A_66 = tpu.memref_squeeze %dma_wait3A_65 : memref<1x10240xf32, #tpu.memory_space<hbm>> -> memref<10240xf32, #tpu.memory_space<hbm>>
    %dma_wait3A_67 = arith.constant 0 : i32
    %dma_wait3A_68 = tpu.memref_slice %arg3[%dma_wait3A_63, %dma_wait3A_67] : memref<8x10240xf32, #tpu.memory_space<hbm>> -> memref<1x10240xf32, #tpu.memory_space<hbm>>
    %dma_wait3A_69 = tpu.memref_squeeze %dma_wait3A_68 : memref<1x10240xf32, #tpu.memory_space<hbm>> -> memref<10240xf32, #tpu.memory_space<hbm>>
    tpu.wait_dma2 semaphore(%arg22 : memref<!tpu.dma_semaphore, #tpu.memory_space<semaphore_mem>>) src(%dma_wait3A_69 : memref<10240xf32, #tpu.memory_space<hbm>>) dst(%arg9 : memref<10240xf32, #tpu.memory_space<vmem>>)
    %dma_wait3A_70 = tpu.memref_slice %arg2[%select_n3A, %mul3A_32] : memref<4x40960xi32, #tpu.memory_space<hbm>> -> memref<1x5120xi32, #tpu.memory_space<hbm>>
    %dma_wait3A_71 = tpu.memref_squeeze %dma_wait3A_70 : memref<1x5120xi32, #tpu.memory_space<hbm>> -> memref<5120xi32, #tpu.memory_space<hbm>>
    %dma_wait3A_72 = tpu.memref_slice %arg2[%select_n3A, %mul3A_32] : memref<4x40960xi32, #tpu.memory_space<hbm>> -> memref<1x5120xi32, #tpu.memory_space<hbm>>
    %dma_wait3A_73 = tpu.memref_squeeze %dma_wait3A_72 : memref<1x5120xi32, #tpu.memory_space<hbm>> -> memref<5120xi32, #tpu.memory_space<hbm>>
    tpu.wait_dma2 semaphore(%arg22 : memref<!tpu.dma_semaphore, #tpu.memory_space<semaphore_mem>>) src(%dma_wait3A_73 : memref<5120xi32, #tpu.memory_space<hbm>>) dst(%arg12 : memref<5120xi32, #tpu.memory_space<vmem>>)
    %parallel_loop3A = arith.constant 0 : i32
    %parallel_loop3A_74 = arith.constant 320 : i32
    %parallel_loop3A_75 = arith.constant 1 : i32
    scf.for %parallel_loop3A_186 = %parallel_loop3A to %parallel_loop3A_74 step %parallel_loop3A_75  : i32 {
      %parallel_loop3A_187 = arith.constant 16 : i32
      %parallel_loop3A_188 = arith.muli %parallel_loop3A_186, %parallel_loop3A_187 : i32
      %parallel_loop3A_189 = arith.index_cast %parallel_loop3A_188 : i32 to index
      %parallel_loop3A_190 = tpu.vector_load %arg12[%parallel_loop3A_189] {strides = array<i32>} : memref<5120xi32, #tpu.memory_space<vmem>>, vector<16xi32>,
      %parallel_loop3A_191 = arith.constant 14 : i32
      %parallel_loop3A_192 = vector.broadcast %parallel_loop3A_191 : i32 to vector<16xi32>
      %parallel_loop3A_193 = arith.shrui %parallel_loop3A_190, %parallel_loop3A_192 : vector<16xi32>
      %parallel_loop3A_194 = arith.constant 16383 : i32
      %parallel_loop3A_195 = vector.broadcast %parallel_loop3A_194 : i32 to vector<16xi32>
      %parallel_loop3A_196 = arith.andi %parallel_loop3A_190, %parallel_loop3A_195 : vector<16xi32>
      %parallel_loop3A_197 = tpu.vector_load_idx %arg8[%parallel_loop3A_193] : memref<10240xf32, #tpu.memory_space<vmem>>[vector<16xi32>], vector<16xf32>,
      %parallel_loop3A_198 = tpu.vector_load_idx %arg9[%parallel_loop3A_196] : memref<10240xf32, #tpu.memory_space<vmem>>[vector<16xi32>], vector<16xf32>,
      %parallel_loop3A_199 = arith.addf %parallel_loop3A_197, %parallel_loop3A_198 : vector<16xf32>
      %parallel_loop3A_200 = arith.constant 0.000000e+00 : f32
      %parallel_loop3A_201 = vector.broadcast %parallel_loop3A_200 : f32 to vector<16xf32>
      %parallel_loop3A_202 = arith.cmpf oge, %parallel_loop3A_199, %parallel_loop3A_201 : vector<16xf32>
      %parallel_loop3A_203 = arith.constant 2.000000e-01 : f32
      %parallel_loop3A_204 = vector.broadcast %parallel_loop3A_203 : f32 to vector<16xf32>
      %parallel_loop3A_205 = arith.mulf %parallel_loop3A_204, %parallel_loop3A_199 : vector<16xf32>
      %parallel_loop3A_206 = arith.select %parallel_loop3A_202, %parallel_loop3A_199, %parallel_loop3A_205 : vector<16xi1>, vector<16xf32>
      %parallel_loop3A_207 = math.exp %parallel_loop3A_206 : vector<16xf32>
      %parallel_loop3A_208 = arith.index_cast %parallel_loop3A_188 : i32 to index
      %parallel_loop3A_209 = tpu.vector_load %arg13[%parallel_loop3A_208] {strides = array<i32>} : memref<5120xf32, #tpu.memory_space<vmem>>, vector<16xf32>,
      tpu.vector_store %arg13[%parallel_loop3A_208], %parallel_loop3A_207 {strides = array<i32>} : memref<5120xf32, #tpu.memory_space<vmem>>, vector<16xf32>,
      tpu.vector_store_idx %arg14[%parallel_loop3A_196], %parallel_loop3A_207 {add = true} : memref<10240xf32, #tpu.memory_space<vmem>>[vector<16xi32>], vector<16xf32>,
    } {sc.loop_unroll_factor = 8 : i64, sc.parallel_access}
    "tpu.region"() ({
      %run_scoped3A = tpu.sem_alloc : memref<!tpu.dma_semaphore, #tpu.memory_space<semaphore_mem>>
      %dma_start3A_186 = tpu.memref_slice %arg7[%select_n3A, %mul3A_32] : memref<4x40960xf32, #tpu.memory_space<hbm>> -> memref<1x5120xf32, #tpu.memory_space<hbm>>
      %dma_start3A_187 = tpu.memref_squeeze %dma_start3A_186 : memref<1x5120xf32, #tpu.memory_space<hbm>> -> memref<5120xf32, #tpu.memory_space<hbm>>
      %dma_start3A_188 = tpu.memref_slice %arg7[%select_n3A, %mul3A_32] : memref<4x40960xf32, #tpu.memory_space<hbm>> -> memref<1x5120xf32, #tpu.memory_space<hbm>>
      %dma_start3A_189 = tpu.memref_squeeze %dma_start3A_188 : memref<1x5120xf32, #tpu.memory_space<hbm>> -> memref<5120xf32, #tpu.memory_space<hbm>>
      tpu.enqueue_dma source(%arg13 : memref<5120xf32, #tpu.memory_space<vmem>>) target(%dma_start3A_189 : memref<5120xf32, #tpu.memory_space<hbm>>) target_semaphore(%run_scoped3A : memref<!tpu.dma_semaphore, #tpu.memory_space<semaphore_mem>>)
      %dma_wait3A_190 = tpu.memref_slice %arg7[%select_n3A, %mul3A_32] : memref<4x40960xf32, #tpu.memory_space<hbm>> -> memref<1x5120xf32, #tpu.memory_space<hbm>>
      %dma_wait3A_191 = tpu.memref_squeeze %dma_wait3A_190 : memref<1x5120xf32, #tpu.memory_space<hbm>> -> memref<5120xf32, #tpu.memory_space<hbm>>
      %dma_wait3A_192 = tpu.memref_slice %arg7[%select_n3A, %mul3A_32] : memref<4x40960xf32, #tpu.memory_space<hbm>> -> memref<1x5120xf32, #tpu.memory_space<hbm>>
      %dma_wait3A_193 = tpu.memref_squeeze %dma_wait3A_192 : memref<1x5120xf32, #tpu.memory_space<hbm>> -> memref<5120xf32, #tpu.memory_space<hbm>>
      tpu.wait_dma2 semaphore(%run_scoped3A : memref<!tpu.dma_semaphore, #tpu.memory_space<semaphore_mem>>) src(%arg13 : memref<5120xf32, #tpu.memory_space<vmem>>) dst(%dma_wait3A_193 : memref<5120xf32, #tpu.memory_space<hbm>>)
      tpu.yield
    }) : () -> ()
    "tpu.region"() ({
      %run_scoped3A = tpu.sem_alloc : memref<!tpu.dma_semaphore, #tpu.memory_space<semaphore_mem>>
      %dma_start3A_186 = arith.constant 0 : i32
      %dma_start3A_187 = tpu.memref_slice %arg5[%add3A, %dma_start3A_186] : memref<32x10240xf32, #tpu.memory_space<hbm>> -> memref<1x10240xf32, #tpu.memory_space<hbm>>
      %dma_start3A_188 = tpu.memref_squeeze %dma_start3A_187 : memref<1x10240xf32, #tpu.memory_space<hbm>> -> memref<10240xf32, #tpu.memory_space<hbm>>
      %dma_start3A_189 = arith.constant 0 : i32
      %dma_start3A_190 = tpu.memref_slice %arg5[%add3A, %dma_start3A_189] : memref<32x10240xf32, #tpu.memory_space<hbm>> -> memref<1x10240xf32, #tpu.memory_space<hbm>>
      %dma_start3A_191 = tpu.memref_squeeze %dma_start3A_190 : memref<1x10240xf32, #tpu.memory_space<hbm>> -> memref<10240xf32, #tpu.memory_space<hbm>>
      tpu.enqueue_dma source(%arg14 : memref<10240xf32, #tpu.memory_space<vmem>>) target(%dma_start3A_191 : memref<10240xf32, #tpu.memory_space<hbm>>) target_semaphore(%run_scoped3A : memref<!tpu.dma_semaphore, #tpu.memory_space<semaphore_mem>>)
      %dma_wait3A_192 = arith.constant 0 : i32
      %dma_wait3A_193 = tpu.memref_slice %arg5[%add3A, %dma_wait3A_192] : memref<32x10240xf32, #tpu.memory_space<hbm>> -> memref<1x10240xf32, #tpu.memory_space<hbm>>
      %dma_wait3A_194 = tpu.memref_squeeze %dma_wait3A_193 : memref<1x10240xf32, #tpu.memory_space<hbm>> -> memref<10240xf32, #tpu.memory_space<hbm>>
      %dma_wait3A_195 = arith.constant 0 : i32
      %dma_wait3A_196 = tpu.memref_slice %arg5[%add3A, %dma_wait3A_195] : memref<32x10240xf32, #tpu.memory_space<hbm>> -> memref<1x10240xf32, #tpu.memory_space<hbm>>
      %dma_wait3A_197 = tpu.memref_squeeze %dma_wait3A_196 : memref<1x10240xf32, #tpu.memory_space<hbm>> -> memref<10240xf32, #tpu.memory_space<hbm>>
      tpu.wait_dma2 semaphore(%run_scoped3A : memref<!tpu.dma_semaphore, #tpu.memory_space<semaphore_mem>>) src(%arg14 : memref<10240xf32, #tpu.memory_space<vmem>>) dst(%dma_wait3A_197 : memref<10240xf32, #tpu.memory_space<hbm>>)
      tpu.yield
    }) : () -> ()
    %barrier3A = arith.constant 0 : index
    tpu.barrier barrier_id(%barrier3A)
    %jit3A_76 = arith.constant 8 : i32
    %eq3A_77 = arith.constant 0 : i32
    %eq3A_78 = arith.cmpi eq, %jit3A_76, %eq3A_77 : i32
    %jit3A_79 = arith.constant 1 : i32
    %select_n3A_80 = arith.select %eq3A_78, %jit3A_79, %jit3A_76 : i32
    %rem3A_81 = arith.remsi %add3A, %select_n3A_80 : i32
    %ne3A_82 = arith.constant 0 : i32
    %ne3A_83 = arith.cmpi ne, %rem3A_81, %ne3A_82 : i32
    %lt3A_84 = arith.constant 0 : i32
    %lt3A_85 = arith.cmpi slt, %rem3A_81, %lt3A_84 : i32
    %lt3A_86 = arith.constant 0 : i32
    %lt3A_87 = arith.cmpi slt, %select_n3A_80, %lt3A_86 : i32
    %ne3A_88 = arith.xori %lt3A_85, %lt3A_87 : i1
    %and3A_89 = arith.andi %ne3A_88, %ne3A_83 : i1
    %add3A_90 = arith.addi %rem3A_81, %select_n3A_80 : i32
    %select_n3A_91 = arith.select %and3A_89, %add3A_90, %rem3A_81 : i32
    %mul3A_92 = arith.constant 4 : i32
    %mul3A_93 = arith.muli %select_n3A_91, %mul3A_92 : i32
    %dma_start3A_94 = arith.constant 0 : i32
    %dma_start3A_95 = tpu.memref_slice %arg4[%mul3A_93, %dma_start3A_94] : memref<32x10240xf32, #tpu.memory_space<hbm>> -> memref<1x10240xf32, #tpu.memory_space<hbm>>
    %dma_start3A_96 = tpu.memref_squeeze %dma_start3A_95 : memref<1x10240xf32, #tpu.memory_space<hbm>> -> memref<10240xf32, #tpu.memory_space<hbm>>
    %dma_start3A_97 = arith.constant 0 : i32
    %dma_start3A_98 = tpu.memref_slice %arg4[%mul3A_93, %dma_start3A_97] : memref<32x10240xf32, #tpu.memory_space<hbm>> -> memref<1x10240xf32, #tpu.memory_space<hbm>>
    %dma_start3A_99 = tpu.memref_squeeze %dma_start3A_98 : memref<1x10240xf32, #tpu.memory_space<hbm>> -> memref<10240xf32, #tpu.memory_space<hbm>>
    tpu.enqueue_dma source(%dma_start3A_99 : memref<10240xf32, #tpu.memory_space<hbm>>) target(%arg8 : memref<10240xf32, #tpu.memory_space<vmem>>) target_semaphore(%arg22 : memref<!tpu.dma_semaphore, #tpu.memory_space<semaphore_mem>>)
    %add3A_100 = arith.constant 1 : i32
    %add3A_101 = arith.addi %mul3A_93, %add3A_100 : i32
    %dma_start3A_102 = arith.constant 0 : i32
    %dma_start3A_103 = tpu.memref_slice %arg4[%add3A_101, %dma_start3A_102] : memref<32x10240xf32, #tpu.memory_space<hbm>> -> memref<1x10240xf32, #tpu.memory_space<hbm>>
    %dma_start3A_104 = tpu.memref_squeeze %dma_start3A_103 : memref<1x10240xf32, #tpu.memory_space<hbm>> -> memref<10240xf32, #tpu.memory_space<hbm>>
    %dma_start3A_105 = arith.constant 0 : i32
    %dma_start3A_106 = tpu.memref_slice %arg4[%add3A_101, %dma_start3A_105] : memref<32x10240xf32, #tpu.memory_space<hbm>> -> memref<1x10240xf32, #tpu.memory_space<hbm>>
    %dma_start3A_107 = tpu.memref_squeeze %dma_start3A_106 : memref<1x10240xf32, #tpu.memory_space<hbm>> -> memref<10240xf32, #tpu.memory_space<hbm>>
    tpu.enqueue_dma source(%dma_start3A_107 : memref<10240xf32, #tpu.memory_space<hbm>>) target(%arg9 : memref<10240xf32, #tpu.memory_space<vmem>>) target_semaphore(%arg22 : memref<!tpu.dma_semaphore, #tpu.memory_space<semaphore_mem>>)
    %add3A_108 = arith.constant 2 : i32
    %add3A_109 = arith.addi %mul3A_93, %add3A_108 : i32
    %dma_start3A_110 = arith.constant 0 : i32
    %dma_start3A_111 = tpu.memref_slice %arg4[%add3A_109, %dma_start3A_110] : memref<32x10240xf32, #tpu.memory_space<hbm>> -> memref<1x10240xf32, #tpu.memory_space<hbm>>
    %dma_start3A_112 = tpu.memref_squeeze %dma_start3A_111 : memref<1x10240xf32, #tpu.memory_space<hbm>> -> memref<10240xf32, #tpu.memory_space<hbm>>
    %dma_start3A_113 = arith.constant 0 : i32
    %dma_start3A_114 = tpu.memref_slice %arg4[%add3A_109, %dma_start3A_113] : memref<32x10240xf32, #tpu.memory_space<hbm>> -> memref<1x10240xf32, #tpu.memory_space<hbm>>
    %dma_start3A_115 = tpu.memref_squeeze %dma_start3A_114 : memref<1x10240xf32, #tpu.memory_space<hbm>> -> memref<10240xf32, #tpu.memory_space<hbm>>
    tpu.enqueue_dma source(%dma_start3A_115 : memref<10240xf32, #tpu.memory_space<hbm>>) target(%arg10 : memref<10240xf32, #tpu.memory_space<vmem>>) target_semaphore(%arg22 : memref<!tpu.dma_semaphore, #tpu.memory_space<semaphore_mem>>)
    %add3A_116 = arith.constant 3 : i32
    %add3A_117 = arith.addi %mul3A_93, %add3A_116 : i32
    %dma_start3A_118 = arith.constant 0 : i32
    %dma_start3A_119 = tpu.memref_slice %arg4[%add3A_117, %dma_start3A_118] : memref<32x10240xf32, #tpu.memory_space<hbm>> -> memref<1x10240xf32, #tpu.memory_space<hbm>>
    %dma_start3A_120 = tpu.memref_squeeze %dma_start3A_119 : memref<1x10240xf32, #tpu.memory_space<hbm>> -> memref<10240xf32, #tpu.memory_space<hbm>>
    %dma_start3A_121 = arith.constant 0 : i32
    %dma_start3A_122 = tpu.memref_slice %arg4[%add3A_117, %dma_start3A_121] : memref<32x10240xf32, #tpu.memory_space<hbm>> -> memref<1x10240xf32, #tpu.memory_space<hbm>>
    %dma_start3A_123 = tpu.memref_squeeze %dma_start3A_122 : memref<1x10240xf32, #tpu.memory_space<hbm>> -> memref<10240xf32, #tpu.memory_space<hbm>>
    tpu.enqueue_dma source(%dma_start3A_123 : memref<10240xf32, #tpu.memory_space<hbm>>) target(%arg11 : memref<10240xf32, #tpu.memory_space<vmem>>) target_semaphore(%arg22 : memref<!tpu.dma_semaphore, #tpu.memory_space<semaphore_mem>>)
    %scan3A_124 = arith.constant 0 : i32
    %scan3A_125 = arith.constant 0 : i32
    %scan3A_126 = arith.constant 320 : i32
    %scan3A_127 = arith.addi %scan3A_125, %scan3A_126 : i32
    %scan3A_128 = arith.constant 1 : i32
    %scan3A_129 = scf.for %scan3A_186 = %scan3A_125 to %scan3A_127 step %scan3A_128 iter_args(%scan3A_187 = %scan3A_124) -> (i32)  : i32 {
      %mul3A_188 = arith.constant 32 : i32
      %mul3A_189 = arith.muli %scan3A_186, %mul3A_188 : i32
      %add3A_190 = arith.constant 0 : i32
      %add3A_191 = arith.addi %mul3A_189, %add3A_190 : i32
      %swap3A = arith.index_cast %add3A_191 : i32 to index
      %swap3A_192 = tpu.vector_load %arg14[%swap3A] {strides = array<i32>} : memref<10240xf32, #tpu.memory_space<vmem>>, vector<16xf32>,
      tpu.vector_store %arg14[%swap3A], %broadcast_in_dim3A_50 {strides = array<i32>} : memref<10240xf32, #tpu.memory_space<vmem>>, vector<16xf32>,
      %swap3A_193 = arith.index_cast %add3A_191 : i32 to index
      %swap3A_194 = tpu.vector_load %arg15[%swap3A_193] {strides = array<i32>} : memref<10240xf32, #tpu.memory_space<vmem>>, vector<16xf32>,
      tpu.vector_store %arg15[%swap3A_193], %broadcast_in_dim3A_50 {strides = array<i32>} : memref<10240xf32, #tpu.memory_space<vmem>>, vector<16xf32>,
      %swap3A_195 = arith.index_cast %add3A_191 : i32 to index
      %swap3A_196 = tpu.vector_load %arg16[%swap3A_195] {strides = array<i32>} : memref<10240xf32, #tpu.memory_space<vmem>>, vector<16xf32>,
      tpu.vector_store %arg16[%swap3A_195], %broadcast_in_dim3A_50 {strides = array<i32>} : memref<10240xf32, #tpu.memory_space<vmem>>, vector<16xf32>,
      %swap3A_197 = arith.index_cast %add3A_191 : i32 to index
      %swap3A_198 = tpu.vector_load %arg17[%swap3A_197] {strides = array<i32>} : memref<10240xf32, #tpu.memory_space<vmem>>, vector<16xf32>,
      tpu.vector_store %arg17[%swap3A_197], %broadcast_in_dim3A_50 {strides = array<i32>} : memref<10240xf32, #tpu.memory_space<vmem>>, vector<16xf32>,
      %mul3A_199 = arith.constant 32 : i32
      %mul3A_200 = arith.muli %scan3A_186, %mul3A_199 : i32
      %add3A_201 = arith.constant 16 : i32
      %add3A_202 = arith.addi %mul3A_200, %add3A_201 : i32
      %swap3A_203 = arith.index_cast %add3A_202 : i32 to index
      %swap3A_204 = tpu.vector_load %arg14[%swap3A_203] {strides = array<i32>} : memref<10240xf32, #tpu.memory_space<vmem>>, vector<16xf32>,
      tpu.vector_store %arg14[%swap3A_203], %broadcast_in_dim3A_50 {strides = array<i32>} : memref<10240xf32, #tpu.memory_space<vmem>>, vector<16xf32>,
      %swap3A_205 = arith.index_cast %add3A_202 : i32 to index
      %swap3A_206 = tpu.vector_load %arg15[%swap3A_205] {strides = array<i32>} : memref<10240xf32, #tpu.memory_space<vmem>>, vector<16xf32>,
      tpu.vector_store %arg15[%swap3A_205], %broadcast_in_dim3A_50 {strides = array<i32>} : memref<10240xf32, #tpu.memory_space<vmem>>, vector<16xf32>,
      %swap3A_207 = arith.index_cast %add3A_202 : i32 to index
      %swap3A_208 = tpu.vector_load %arg16[%swap3A_207] {strides = array<i32>} : memref<10240xf32, #tpu.memory_space<vmem>>, vector<16xf32>,
      tpu.vector_store %arg16[%swap3A_207], %broadcast_in_dim3A_50 {strides = array<i32>} : memref<10240xf32, #tpu.memory_space<vmem>>, vector<16xf32>,
      %swap3A_209 = arith.index_cast %add3A_202 : i32 to index
      %swap3A_210 = tpu.vector_load %arg17[%swap3A_209] {strides = array<i32>} : memref<10240xf32, #tpu.memory_space<vmem>>, vector<16xf32>,
      tpu.vector_store %arg17[%swap3A_209], %broadcast_in_dim3A_50 {strides = array<i32>} : memref<10240xf32, #tpu.memory_space<vmem>>, vector<16xf32>,
      %scan3A_211 = arith.constant 0 : i32
      scf.yield %scan3A_211 : i32
    }
    %scan3A_130 = arith.constant 320 : i32
    %dma_wait3A_131 = arith.constant 0 : i32
    %dma_wait3A_132 = tpu.memref_slice %arg4[%mul3A_93, %dma_wait3A_131] : memref<32x10240xf32, #tpu.memory_space<hbm>> -> memref<1x10240xf32, #tpu.memory_space<hbm>>
    %dma_wait3A_133 = tpu.memref_squeeze %dma_wait3A_132 : memref<1x10240xf32, #tpu.memory_space<hbm>> -> memref<10240xf32, #tpu.memory_space<hbm>>
    %dma_wait3A_134 = arith.constant 0 : i32
    %dma_wait3A_135 = tpu.memref_slice %arg4[%mul3A_93, %dma_wait3A_134] : memref<32x10240xf32, #tpu.memory_space<hbm>> -> memref<1x10240xf32, #tpu.memory_space<hbm>>
    %dma_wait3A_136 = tpu.memref_squeeze %dma_wait3A_135 : memref<1x10240xf32, #tpu.memory_space<hbm>> -> memref<10240xf32, #tpu.memory_space<hbm>>
    tpu.wait_dma2 semaphore(%arg22 : memref<!tpu.dma_semaphore, #tpu.memory_space<semaphore_mem>>) src(%dma_wait3A_136 : memref<10240xf32, #tpu.memory_space<hbm>>) dst(%arg8 : memref<10240xf32, #tpu.memory_space<vmem>>)
    %add3A_137 = arith.constant 1 : i32
    %add3A_138 = arith.addi %mul3A_93, %add3A_137 : i32
    %dma_wait3A_139 = arith.constant 0 : i32
    %dma_wait3A_140 = tpu.memref_slice %arg4[%add3A_138, %dma_wait3A_139] : memref<32x10240xf32, #tpu.memory_space<hbm>> -> memref<1x10240xf32, #tpu.memory_space<hbm>>
    %dma_wait3A_141 = tpu.memref_squeeze %dma_wait3A_140 : memref<1x10240xf32, #tpu.memory_space<hbm>> -> memref<10240xf32, #tpu.memory_space<hbm>>
    %dma_wait3A_142 = arith.constant 0 : i32
    %dma_wait3A_143 = tpu.memref_slice %arg4[%add3A_138, %dma_wait3A_142] : memref<32x10240xf32, #tpu.memory_space<hbm>> -> memref<1x10240xf32, #tpu.memory_space<hbm>>
    %dma_wait3A_144 = tpu.memref_squeeze %dma_wait3A_143 : memref<1x10240xf32, #tpu.memory_space<hbm>> -> memref<10240xf32, #tpu.memory_space<hbm>>
    tpu.wait_dma2 semaphore(%arg22 : memref<!tpu.dma_semaphore, #tpu.memory_space<semaphore_mem>>) src(%dma_wait3A_144 : memref<10240xf32, #tpu.memory_space<hbm>>) dst(%arg9 : memref<10240xf32, #tpu.memory_space<vmem>>)
    %add3A_145 = arith.constant 2 : i32
    %add3A_146 = arith.addi %mul3A_93, %add3A_145 : i32
    %dma_wait3A_147 = arith.constant 0 : i32
    %dma_wait3A_148 = tpu.memref_slice %arg4[%add3A_146, %dma_wait3A_147] : memref<32x10240xf32, #tpu.memory_space<hbm>> -> memref<1x10240xf32, #tpu.memory_space<hbm>>
    %dma_wait3A_149 = tpu.memref_squeeze %dma_wait3A_148 : memref<1x10240xf32, #tpu.memory_space<hbm>> -> memref<10240xf32, #tpu.memory_space<hbm>>
    %dma_wait3A_150 = arith.constant 0 : i32
    %dma_wait3A_151 = tpu.memref_slice %arg4[%add3A_146, %dma_wait3A_150] : memref<32x10240xf32, #tpu.memory_space<hbm>> -> memref<1x10240xf32, #tpu.memory_space<hbm>>
    %dma_wait3A_152 = tpu.memref_squeeze %dma_wait3A_151 : memref<1x10240xf32, #tpu.memory_space<hbm>> -> memref<10240xf32, #tpu.memory_space<hbm>>
    tpu.wait_dma2 semaphore(%arg22 : memref<!tpu.dma_semaphore, #tpu.memory_space<semaphore_mem>>) src(%dma_wait3A_152 : memref<10240xf32, #tpu.memory_space<hbm>>) dst(%arg10 : memref<10240xf32, #tpu.memory_space<vmem>>)
    %add3A_153 = arith.constant 3 : i32
    %add3A_154 = arith.addi %mul3A_93, %add3A_153 : i32
    %dma_wait3A_155 = arith.constant 0 : i32
    %dma_wait3A_156 = tpu.memref_slice %arg4[%add3A_154, %dma_wait3A_155] : memref<32x10240xf32, #tpu.memory_space<hbm>> -> memref<1x10240xf32, #tpu.memory_space<hbm>>
    %dma_wait3A_157 = tpu.memref_squeeze %dma_wait3A_156 : memref<1x10240xf32, #tpu.memory_space<hbm>> -> memref<10240xf32, #tpu.memory_space<hbm>>
    %dma_wait3A_158 = arith.constant 0 : i32
    %dma_wait3A_159 = tpu.memref_slice %arg4[%add3A_154, %dma_wait3A_158] : memref<32x10240xf32, #tpu.memory_space<hbm>> -> memref<1x10240xf32, #tpu.memory_space<hbm>>
    %dma_wait3A_160 = tpu.memref_squeeze %dma_wait3A_159 : memref<1x10240xf32, #tpu.memory_space<hbm>> -> memref<10240xf32, #tpu.memory_space<hbm>>
    tpu.wait_dma2 semaphore(%arg22 : memref<!tpu.dma_semaphore, #tpu.memory_space<semaphore_mem>>) src(%dma_wait3A_160 : memref<10240xf32, #tpu.memory_space<hbm>>) dst(%arg11 : memref<10240xf32, #tpu.memory_space<vmem>>)
    %dma_start3A_161 = arith.constant 0 : i32
    %dma_start3A_162 = tpu.memref_slice %arg2[%select_n3A, %dma_start3A_161] : memref<4x40960xi32, #tpu.memory_space<hbm>> -> memref<1x4096xi32, #tpu.memory_space<hbm>>
    %dma_start3A_163 = tpu.memref_squeeze %dma_start3A_162 : memref<1x4096xi32, #tpu.memory_space<hbm>> -> memref<4096xi32, #tpu.memory_space<hbm>>
    %dma_start3A_164 = arith.constant 0 : i32
    %dma_start3A_165 = tpu.memref_slice %arg2[%select_n3A, %dma_start3A_164] : memref<4x40960xi32, #tpu.memory_space<hbm>> -> memref<1x4096xi32, #tpu.memory_space<hbm>>
    %dma_start3A_166 = tpu.memref_squeeze %dma_start3A_165 : memref<1x4096xi32, #tpu.memory_space<hbm>> -> memref<4096xi32, #tpu.memory_space<hbm>>
    tpu.enqueue_dma source(%dma_start3A_166 : memref<4096xi32, #tpu.memory_space<hbm>>) target(%arg18 : memref<4096xi32, #tpu.memory_space<vmem>>) target_semaphore(%arg23 : memref<!tpu.dma_semaphore, #tpu.memory_space<semaphore_mem>>)
    %dma_start3A_167 = arith.constant 0 : i32
    %dma_start3A_168 = tpu.memref_slice %arg7[%select_n3A, %dma_start3A_167] : memref<4x40960xf32, #tpu.memory_space<hbm>> -> memref<1x4096xf32, #tpu.memory_space<hbm>>
    %dma_start3A_169 = tpu.memref_squeeze %dma_start3A_168 : memref<1x4096xf32, #tpu.memory_space<hbm>> -> memref<4096xf32, #tpu.memory_space<hbm>>
    %dma_start3A_170 = arith.constant 0 : i32
    %dma_start3A_171 = tpu.memref_slice %arg7[%select_n3A, %dma_start3A_170] : memref<4x40960xf32, #tpu.memory_space<hbm>> -> memref<1x4096xf32, #tpu.memory_space<hbm>>
    %dma_start3A_172 = tpu.memref_squeeze %dma_start3A_171 : memref<1x4096xf32, #tpu.memory_space<hbm>> -> memref<4096xf32, #tpu.memory_space<hbm>>
    tpu.enqueue_dma source(%dma_start3A_172 : memref<4096xf32, #tpu.memory_space<hbm>>) target(%arg19 : memref<4096xf32, #tpu.memory_space<vmem>>) target_semaphore(%arg23 : memref<!tpu.dma_semaphore, #tpu.memory_space<semaphore_mem>>)
    %scan3A_173 = arith.constant 0 : i32
    %scan3A_174 = arith.constant 0 : i32
    %scan3A_175 = arith.constant 5 : i32
    %scan3A_176 = arith.addi %scan3A_174, %scan3A_175 : i32
    %scan3A_177 = arith.constant 1 : i32
    %scan3A_178 = scf.for %scan3A_186 = %scan3A_174 to %scan3A_176 step %scan3A_177 iter_args(%scan3A_187 = %scan3A_173) -> (i32)  : i32 {
      %mul3A_188 = arith.constant 2 : i32
      %mul3A_189 = arith.muli %scan3A_186, %mul3A_188 : i32
      %add3A_190 = arith.constant 1 : i32
      %add3A_191 = arith.addi %mul3A_189, %add3A_190 : i32
      %mul3A_192 = arith.constant 4096 : i32
      %mul3A_193 = arith.muli %add3A_191, %mul3A_192 : i32
      %dma_start3A_194 = tpu.memref_slice %arg2[%select_n3A, %mul3A_193] : memref<4x40960xi32, #tpu.memory_space<hbm>> -> memref<1x4096xi32, #tpu.memory_space<hbm>>
      %dma_start3A_195 = tpu.memref_squeeze %dma_start3A_194 : memref<1x4096xi32, #tpu.memory_space<hbm>> -> memref<4096xi32, #tpu.memory_space<hbm>>
      %dma_start3A_196 = tpu.memref_slice %arg2[%select_n3A, %mul3A_193] : memref<4x40960xi32, #tpu.memory_space<hbm>> -> memref<1x4096xi32, #tpu.memory_space<hbm>>
      %dma_start3A_197 = tpu.memref_squeeze %dma_start3A_196 : memref<1x4096xi32, #tpu.memory_space<hbm>> -> memref<4096xi32, #tpu.memory_space<hbm>>
      tpu.enqueue_dma source(%dma_start3A_197 : memref<4096xi32, #tpu.memory_space<hbm>>) target(%arg20 : memref<4096xi32, #tpu.memory_space<vmem>>) target_semaphore(%arg24 : memref<!tpu.dma_semaphore, #tpu.memory_space<semaphore_mem>>)
      %mul3A_198 = arith.constant 4096 : i32
      %mul3A_199 = arith.muli %add3A_191, %mul3A_198 : i32
      %dma_start3A_200 = tpu.memref_slice %arg7[%select_n3A, %mul3A_199] : memref<4x40960xf32, #tpu.memory_space<hbm>> -> memref<1x4096xf32, #tpu.memory_space<hbm>>
      %dma_start3A_201 = tpu.memref_squeeze %dma_start3A_200 : memref<1x4096xf32, #tpu.memory_space<hbm>> -> memref<4096xf32, #tpu.memory_space<hbm>>
      %dma_start3A_202 = tpu.memref_slice %arg7[%select_n3A, %mul3A_199] : memref<4x40960xf32, #tpu.memory_space<hbm>> -> memref<1x4096xf32, #tpu.memory_space<hbm>>
      %dma_start3A_203 = tpu.memref_squeeze %dma_start3A_202 : memref<1x4096xf32, #tpu.memory_space<hbm>> -> memref<4096xf32, #tpu.memory_space<hbm>>
      tpu.enqueue_dma source(%dma_start3A_203 : memref<4096xf32, #tpu.memory_space<hbm>>) target(%arg21 : memref<4096xf32, #tpu.memory_space<vmem>>) target_semaphore(%arg24 : memref<!tpu.dma_semaphore, #tpu.memory_space<semaphore_mem>>)
      %mul3A_204 = arith.constant 4096 : i32
      %mul3A_205 = arith.muli %mul3A_189, %mul3A_204 : i32
      %dma_wait3A_206 = tpu.memref_slice %arg2[%select_n3A, %mul3A_205] : memref<4x40960xi32, #tpu.memory_space<hbm>> -> memref<1x4096xi32, #tpu.memory_space<hbm>>
      %dma_wait3A_207 = tpu.memref_squeeze %dma_wait3A_206 : memref<1x4096xi32, #tpu.memory_space<hbm>> -> memref<4096xi32, #tpu.memory_space<hbm>>
      %dma_wait3A_208 = tpu.memref_slice %arg2[%select_n3A, %mul3A_205] : memref<4x40960xi32, #tpu.memory_space<hbm>> -> memref<1x4096xi32, #tpu.memory_space<hbm>>
      %dma_wait3A_209 = tpu.memref_squeeze %dma_wait3A_208 : memref<1x4096xi32, #tpu.memory_space<hbm>> -> memref<4096xi32, #tpu.memory_space<hbm>>
      tpu.wait_dma2 semaphore(%arg23 : memref<!tpu.dma_semaphore, #tpu.memory_space<semaphore_mem>>) src(%dma_wait3A_209 : memref<4096xi32, #tpu.memory_space<hbm>>) dst(%arg18 : memref<4096xi32, #tpu.memory_space<vmem>>)
      %mul3A_210 = arith.constant 4096 : i32
      %mul3A_211 = arith.muli %mul3A_189, %mul3A_210 : i32
      %dma_wait3A_212 = tpu.memref_slice %arg7[%select_n3A, %mul3A_211] : memref<4x40960xf32, #tpu.memory_space<hbm>> -> memref<1x4096xf32, #tpu.memory_space<hbm>>
      %dma_wait3A_213 = tpu.memref_squeeze %dma_wait3A_212 : memref<1x4096xf32, #tpu.memory_space<hbm>> -> memref<4096xf32, #tpu.memory_space<hbm>>
      %dma_wait3A_214 = tpu.memref_slice %arg7[%select_n3A, %mul3A_211] : memref<4x40960xf32, #tpu.memory_space<hbm>> -> memref<1x4096xf32, #tpu.memory_space<hbm>>
      %dma_wait3A_215 = tpu.memref_squeeze %dma_wait3A_214 : memref<1x4096xf32, #tpu.memory_space<hbm>> -> memref<4096xf32, #tpu.memory_space<hbm>>
      tpu.wait_dma2 semaphore(%arg23 : memref<!tpu.dma_semaphore, #tpu.memory_space<semaphore_mem>>) src(%dma_wait3A_215 : memref<4096xf32, #tpu.memory_space<hbm>>) dst(%arg19 : memref<4096xf32, #tpu.memory_space<vmem>>)
      %parallel_loop3A_216 = arith.constant 0 : i32
      %parallel_loop3A_217 = arith.constant 256 : i32
      %parallel_loop3A_218 = arith.constant 1 : i32
      scf.for %parallel_loop3A_242 = %parallel_loop3A_216 to %parallel_loop3A_217 step %parallel_loop3A_218  : i32 {
        %parallel_loop3A_243 = arith.constant 16 : i32
        %parallel_loop3A_244 = arith.muli %parallel_loop3A_242, %parallel_loop3A_243 : i32
        %parallel_loop3A_245 = arith.index_cast %parallel_loop3A_244 : i32 to index
        %parallel_loop3A_246 = tpu.vector_load %arg18[%parallel_loop3A_245] {strides = array<i32>} : memref<4096xi32, #tpu.memory_space<vmem>>, vector<16xi32>,
        %parallel_loop3A_247 = arith.constant 14 : i32
        %parallel_loop3A_248 = vector.broadcast %parallel_loop3A_247 : i32 to vector<16xi32>
        %parallel_loop3A_249 = arith.shrui %parallel_loop3A_246, %parallel_loop3A_248 : vector<16xi32>
        %parallel_loop3A_250 = arith.constant 16383 : i32
        %parallel_loop3A_251 = vector.broadcast %parallel_loop3A_250 : i32 to vector<16xi32>
        %parallel_loop3A_252 = arith.andi %parallel_loop3A_246, %parallel_loop3A_251 : vector<16xi32>
        %parallel_loop3A_253 = arith.index_cast %parallel_loop3A_244 : i32 to index
        %parallel_loop3A_254 = tpu.vector_load %arg19[%parallel_loop3A_253] {strides = array<i32>} : memref<4096xf32, #tpu.memory_space<vmem>>, vector<16xf32>,
        %parallel_loop3A_255 = tpu.vector_load_idx %arg8[%parallel_loop3A_249] : memref<10240xf32, #tpu.memory_space<vmem>>[vector<16xi32>], vector<16xf32>,
        %parallel_loop3A_256 = arith.mulf %parallel_loop3A_255, %parallel_loop3A_254 : vector<16xf32>
        tpu.vector_store_idx %arg14[%parallel_loop3A_252], %parallel_loop3A_256 {add = true} : memref<10240xf32, #tpu.memory_space<vmem>>[vector<16xi32>], vector<16xf32>,
        %parallel_loop3A_257 = tpu.vector_load_idx %arg9[%parallel_loop3A_249] : memref<10240xf32, #tpu.memory_space<vmem>>[vector<16xi32>], vector<16xf32>,
        %parallel_loop3A_258 = arith.mulf %parallel_loop3A_257, %parallel_loop3A_254 : vector<16xf32>
        tpu.vector_store_idx %arg15[%parallel_loop3A_252], %parallel_loop3A_258 {add = true} : memref<10240xf32, #tpu.memory_space<vmem>>[vector<16xi32>], vector<16xf32>,
        %parallel_loop3A_259 = tpu.vector_load_idx %arg10[%parallel_loop3A_249] : memref<10240xf32, #tpu.memory_space<vmem>>[vector<16xi32>], vector<16xf32>,
        %parallel_loop3A_260 = arith.mulf %parallel_loop3A_259, %parallel_loop3A_254 : vector<16xf32>
        tpu.vector_store_idx %arg16[%parallel_loop3A_252], %parallel_loop3A_260 {add = true} : memref<10240xf32, #tpu.memory_space<vmem>>[vector<16xi32>], vector<16xf32>,
        %parallel_loop3A_261 = tpu.vector_load_idx %arg11[%parallel_loop3A_249] : memref<10240xf32, #tpu.memory_space<vmem>>[vector<16xi32>], vector<16xf32>,
        %parallel_loop3A_262 = arith.mulf %parallel_loop3A_261, %parallel_loop3A_254 : vector<16xf32>
        tpu.vector_store_idx %arg17[%parallel_loop3A_252], %parallel_loop3A_262 {add = true} : memref<10240xf32, #tpu.memory_space<vmem>>[vector<16xi32>], vector<16xf32>,
      } {sc.loop_unroll_factor = 8 : i64, sc.parallel_access}
      %add3A_219 = arith.constant 2 : i32
      %add3A_220 = arith.addi %mul3A_189, %add3A_219 : i32
      %lt3A_221 = arith.constant 10 : i32
      %lt3A_222 = arith.cmpi slt, %add3A_220, %lt3A_221 : i32
      %convert_element_type3A = arith.extui %lt3A_222 : i1 to i32
      %cond3A = arith.constant 0 : i32
      %cond3A_223 = arith.cmpi ne, %convert_element_type3A, %cond3A : i32
      scf.if %cond3A_223 {
        %add3A_242 = arith.constant 2 : i32
        %add3A_243 = arith.addi %mul3A_189, %add3A_242 : i32
        %mul3A_244 = arith.constant 4096 : i32
        %mul3A_245 = arith.muli %add3A_243, %mul3A_244 : i32
        %dma_start3A_246 = tpu.memref_slice %arg2[%select_n3A, %mul3A_245] : memref<4x40960xi32, #tpu.memory_space<hbm>> -> memref<1x4096xi32, #tpu.memory_space<hbm>>
        %dma_start3A_247 = tpu.memref_squeeze %dma_start3A_246 : memref<1x4096xi32, #tpu.memory_space<hbm>> -> memref<4096xi32, #tpu.memory_space<hbm>>
        %dma_start3A_248 = tpu.memref_slice %arg2[%select_n3A, %mul3A_245] : memref<4x40960xi32, #tpu.memory_space<hbm>> -> memref<1x4096xi32, #tpu.memory_space<hbm>>
        %dma_start3A_249 = tpu.memref_squeeze %dma_start3A_248 : memref<1x4096xi32, #tpu.memory_space<hbm>> -> memref<4096xi32, #tpu.memory_space<hbm>>
        tpu.enqueue_dma source(%dma_start3A_249 : memref<4096xi32, #tpu.memory_space<hbm>>) target(%arg18 : memref<4096xi32, #tpu.memory_space<vmem>>) target_semaphore(%arg23 : memref<!tpu.dma_semaphore, #tpu.memory_space<semaphore_mem>>)
        %mul3A_250 = arith.constant 4096 : i32
        %mul3A_251 = arith.muli %add3A_243, %mul3A_250 : i32
        %dma_start3A_252 = tpu.memref_slice %arg7[%select_n3A, %mul3A_251] : memref<4x40960xf32, #tpu.memory_space<hbm>> -> memref<1x4096xf32, #tpu.memory_space<hbm>>
        %dma_start3A_253 = tpu.memref_squeeze %dma_start3A_252 : memref<1x4096xf32, #tpu.memory_space<hbm>> -> memref<4096xf32, #tpu.memory_space<hbm>>
        %dma_start3A_254 = tpu.memref_slice %arg7[%select_n3A, %mul3A_251] : memref<4x40960xf32, #tpu.memory_space<hbm>> -> memref<1x4096xf32, #tpu.memory_space<hbm>>
        %dma_start3A_255 = tpu.memref_squeeze %dma_start3A_254 : memref<1x4096xf32, #tpu.memory_space<hbm>> -> memref<4096xf32, #tpu.memory_space<hbm>>
        tpu.enqueue_dma source(%dma_start3A_255 : memref<4096xf32, #tpu.memory_space<hbm>>) target(%arg19 : memref<4096xf32, #tpu.memory_space<vmem>>) target_semaphore(%arg23 : memref<!tpu.dma_semaphore, #tpu.memory_space<semaphore_mem>>)
      } else {
      }
      %add3A_224 = arith.constant 1 : i32
      %add3A_225 = arith.addi %mul3A_189, %add3A_224 : i32
      %mul3A_226 = arith.constant 4096 : i32
      %mul3A_227 = arith.muli %add3A_225, %mul3A_226 : i32
      %dma_wait3A_228 = tpu.memref_slice %arg2[%select_n3A, %mul3A_227] : memref<4x40960xi32, #tpu.memory_space<hbm>> -> memref<1x4096xi32, #tpu.memory_space<hbm>>
      %dma_wait3A_229 = tpu.memref_squeeze %dma_wait3A_228 : memref<1x4096xi32, #tpu.memory_space<hbm>> -> memref<4096xi32, #tpu.memory_space<hbm>>
      %dma_wait3A_230 = tpu.memref_slice %arg2[%select_n3A, %mul3A_227] : memref<4x40960xi32, #tpu.memory_space<hbm>> -> memref<1x4096xi32, #tpu.memory_space<hbm>>
      %dma_wait3A_231 = tpu.memref_squeeze %dma_wait3A_230 : memref<1x4096xi32, #tpu.memory_space<hbm>> -> memref<4096xi32, #tpu.memory_space<hbm>>
      tpu.wait_dma2 semaphore(%arg24 : memref<!tpu.dma_semaphore, #tpu.memory_space<semaphore_mem>>) src(%dma_wait3A_231 : memref<4096xi32, #tpu.memory_space<hbm>>) dst(%arg20 : memref<4096xi32, #tpu.memory_space<vmem>>)
      %mul3A_232 = arith.constant 4096 : i32
      %mul3A_233 = arith.muli %add3A_225, %mul3A_232 : i32
      %dma_wait3A_234 = tpu.memref_slice %arg7[%select_n3A, %mul3A_233] : memref<4x40960xf32, #tpu.memory_space<hbm>> -> memref<1x4096xf32, #tpu.memory_space<hbm>>
      %dma_wait3A_235 = tpu.memref_squeeze %dma_wait3A_234 : memref<1x4096xf32, #tpu.memory_space<hbm>> -> memref<4096xf32, #tpu.memory_space<hbm>>
      %dma_wait3A_236 = tpu.memref_slice %arg7[%select_n3A, %mul3A_233] : memref<4x40960xf32, #tpu.memory_space<hbm>> -> memref<1x4096xf32, #tpu.memory_space<hbm>>
      %dma_wait3A_237 = tpu.memref_squeeze %dma_wait3A_236 : memref<1x4096xf32, #tpu.memory_space<hbm>> -> memref<4096xf32, #tpu.memory_space<hbm>>
      tpu.wait_dma2 semaphore(%arg24 : memref<!tpu.dma_semaphore, #tpu.memory_space<semaphore_mem>>) src(%dma_wait3A_237 : memref<4096xf32, #tpu.memory_space<hbm>>) dst(%arg21 : memref<4096xf32, #tpu.memory_space<vmem>>)
      %parallel_loop3A_238 = arith.constant 0 : i32
      %parallel_loop3A_239 = arith.constant 256 : i32
      %parallel_loop3A_240 = arith.constant 1 : i32
      scf.for %parallel_loop3A_242 = %parallel_loop3A_238 to %parallel_loop3A_239 step %parallel_loop3A_240  : i32 {
        %parallel_loop3A_243 = arith.constant 16 : i32
        %parallel_loop3A_244 = arith.muli %parallel_loop3A_242, %parallel_loop3A_243 : i32
        %parallel_loop3A_245 = arith.index_cast %parallel_loop3A_244 : i32 to index
        %parallel_loop3A_246 = tpu.vector_load %arg20[%parallel_loop3A_245] {strides = array<i32>} : memref<4096xi32, #tpu.memory_space<vmem>>, vector<16xi32>,
        %parallel_loop3A_247 = arith.constant 14 : i32
        %parallel_loop3A_248 = vector.broadcast %parallel_loop3A_247 : i32 to vector<16xi32>
        %parallel_loop3A_249 = arith.shrui %parallel_loop3A_246, %parallel_loop3A_248 : vector<16xi32>
        %parallel_loop3A_250 = arith.constant 16383 : i32
        %parallel_loop3A_251 = vector.broadcast %parallel_loop3A_250 : i32 to vector<16xi32>
        %parallel_loop3A_252 = arith.andi %parallel_loop3A_246, %parallel_loop3A_251 : vector<16xi32>
        %parallel_loop3A_253 = arith.index_cast %parallel_loop3A_244 : i32 to index
        %parallel_loop3A_254 = tpu.vector_load %arg21[%parallel_loop3A_253] {strides = array<i32>} : memref<4096xf32, #tpu.memory_space<vmem>>, vector<16xf32>,
        %parallel_loop3A_255 = tpu.vector_load_idx %arg8[%parallel_loop3A_249] : memref<10240xf32, #tpu.memory_space<vmem>>[vector<16xi32>], vector<16xf32>,
        %parallel_loop3A_256 = arith.mulf %parallel_loop3A_255, %parallel_loop3A_254 : vector<16xf32>
        tpu.vector_store_idx %arg14[%parallel_loop3A_252], %parallel_loop3A_256 {add = true} : memref<10240xf32, #tpu.memory_space<vmem>>[vector<16xi32>], vector<16xf32>,
        %parallel_loop3A_257 = tpu.vector_load_idx %arg9[%parallel_loop3A_249] : memref<10240xf32, #tpu.memory_space<vmem>>[vector<16xi32>], vector<16xf32>,
        %parallel_loop3A_258 = arith.mulf %parallel_loop3A_257, %parallel_loop3A_254 : vector<16xf32>
        tpu.vector_store_idx %arg15[%parallel_loop3A_252], %parallel_loop3A_258 {add = true} : memref<10240xf32, #tpu.memory_space<vmem>>[vector<16xi32>], vector<16xf32>,
        %parallel_loop3A_259 = tpu.vector_load_idx %arg10[%parallel_loop3A_249] : memref<10240xf32, #tpu.memory_space<vmem>>[vector<16xi32>], vector<16xf32>,
        %parallel_loop3A_260 = arith.mulf %parallel_loop3A_259, %parallel_loop3A_254 : vector<16xf32>
        tpu.vector_store_idx %arg16[%parallel_loop3A_252], %parallel_loop3A_260 {add = true} : memref<10240xf32, #tpu.memory_space<vmem>>[vector<16xi32>], vector<16xf32>,
        %parallel_loop3A_261 = tpu.vector_load_idx %arg11[%parallel_loop3A_249] : memref<10240xf32, #tpu.memory_space<vmem>>[vector<16xi32>], vector<16xf32>,
        %parallel_loop3A_262 = arith.mulf %parallel_loop3A_261, %parallel_loop3A_254 : vector<16xf32>
        tpu.vector_store_idx %arg17[%parallel_loop3A_252], %parallel_loop3A_262 {add = true} : memref<10240xf32, #tpu.memory_space<vmem>>[vector<16xi32>], vector<16xf32>,
      } {sc.loop_unroll_factor = 8 : i64, sc.parallel_access}
      %scan3A_241 = arith.constant 0 : i32
      scf.yield %scan3A_241 : i32
    }
    %scan3A_179 = arith.constant 5 : i32
    "tpu.region"() ({
      %run_scoped3A = tpu.sem_alloc : memref<!tpu.dma_semaphore, #tpu.memory_space<semaphore_mem>>
      %dma_start3A_186 = arith.constant 0 : i32
      %dma_start3A_187 = tpu.memref_slice %arg6[%select_n3A, %mul3A_93, %dma_start3A_186] : memref<4x32x10240xf32, #tpu.memory_space<hbm>> -> memref<1x1x10240xf32, #tpu.memory_space<hbm>>
      %dma_start3A_188 = tpu.memref_squeeze %dma_start3A_187 : memref<1x1x10240xf32, #tpu.memory_space<hbm>> -> memref<10240xf32, #tpu.memory_space<hbm>>
      %dma_start3A_189 = arith.constant 0 : i32
      %dma_start3A_190 = tpu.memref_slice %arg6[%select_n3A, %mul3A_93, %dma_start3A_189] : memref<4x32x10240xf32, #tpu.memory_space<hbm>> -> memref<1x1x10240xf32, #tpu.memory_space<hbm>>
      %dma_start3A_191 = tpu.memref_squeeze %dma_start3A_190 : memref<1x1x10240xf32, #tpu.memory_space<hbm>> -> memref<10240xf32, #tpu.memory_space<hbm>>
      tpu.enqueue_dma source(%arg14 : memref<10240xf32, #tpu.memory_space<vmem>>) target(%dma_start3A_191 : memref<10240xf32, #tpu.memory_space<hbm>>) target_semaphore(%run_scoped3A : memref<!tpu.dma_semaphore, #tpu.memory_space<semaphore_mem>>)
      %dma_wait3A_192 = arith.constant 0 : i32
      %dma_wait3A_193 = tpu.memref_slice %arg6[%select_n3A, %mul3A_93, %dma_wait3A_192] : memref<4x32x10240xf32, #tpu.memory_space<hbm>> -> memref<1x1x10240xf32, #tpu.memory_space<hbm>>
      %dma_wait3A_194 = tpu.memref_squeeze %dma_wait3A_193 : memref<1x1x10240xf32, #tpu.memory_space<hbm>> -> memref<10240xf32, #tpu.memory_space<hbm>>
      %dma_wait3A_195 = arith.constant 0 : i32
      %dma_wait3A_196 = tpu.memref_slice %arg6[%select_n3A, %mul3A_93, %dma_wait3A_195] : memref<4x32x10240xf32, #tpu.memory_space<hbm>> -> memref<1x1x10240xf32, #tpu.memory_space<hbm>>
      %dma_wait3A_197 = tpu.memref_squeeze %dma_wait3A_196 : memref<1x1x10240xf32, #tpu.memory_space<hbm>> -> memref<10240xf32, #tpu.memory_space<hbm>>
      tpu.wait_dma2 semaphore(%run_scoped3A : memref<!tpu.dma_semaphore, #tpu.memory_space<semaphore_mem>>) src(%arg14 : memref<10240xf32, #tpu.memory_space<vmem>>) dst(%dma_wait3A_197 : memref<10240xf32, #tpu.memory_space<hbm>>)
      tpu.yield
    }) : () -> ()
    %add3A_180 = arith.constant 1 : i32
    %add3A_181 = arith.addi %mul3A_93, %add3A_180 : i32
    "tpu.region"() ({
      %run_scoped3A = tpu.sem_alloc : memref<!tpu.dma_semaphore, #tpu.memory_space<semaphore_mem>>
      %dma_start3A_186 = arith.constant 0 : i32
      %dma_start3A_187 = tpu.memref_slice %arg6[%select_n3A, %add3A_181, %dma_start3A_186] : memref<4x32x10240xf32, #tpu.memory_space<hbm>> -> memref<1x1x10240xf32, #tpu.memory_space<hbm>>
      %dma_start3A_188 = tpu.memref_squeeze %dma_start3A_187 : memref<1x1x10240xf32, #tpu.memory_space<hbm>> -> memref<10240xf32, #tpu.memory_space<hbm>>
      %dma_start3A_189 = arith.constant 0 : i32
      %dma_start3A_190 = tpu.memref_slice %arg6[%select_n3A, %add3A_181, %dma_start3A_189] : memref<4x32x10240xf32, #tpu.memory_space<hbm>> -> memref<1x1x10240xf32, #tpu.memory_space<hbm>>
      %dma_start3A_191 = tpu.memref_squeeze %dma_start3A_190 : memref<1x1x10240xf32, #tpu.memory_space<hbm>> -> memref<10240xf32, #tpu.memory_space<hbm>>
      tpu.enqueue_dma source(%arg15 : memref<10240xf32, #tpu.memory_space<vmem>>) target(%dma_start3A_191 : memref<10240xf32, #tpu.memory_space<hbm>>) target_semaphore(%run_scoped3A : memref<!tpu.dma_semaphore, #tpu.memory_space<semaphore_mem>>)
      %dma_wait3A_192 = arith.constant 0 : i32
      %dma_wait3A_193 = tpu.memref_slice %arg6[%select_n3A, %add3A_181, %dma_wait3A_192] : memref<4x32x10240xf32, #tpu.memory_space<hbm>> -> memref<1x1x10240xf32, #tpu.memory_space<hbm>>
      %dma_wait3A_194 = tpu.memref_squeeze %dma_wait3A_193 : memref<1x1x10240xf32, #tpu.memory_space<hbm>> -> memref<10240xf32, #tpu.memory_space<hbm>>
      %dma_wait3A_195 = arith.constant 0 : i32
      %dma_wait3A_196 = tpu.memref_slice %arg6[%select_n3A, %add3A_181, %dma_wait3A_195] : memref<4x32x10240xf32, #tpu.memory_space<hbm>> -> memref<1x1x10240xf32, #tpu.memory_space<hbm>>
      %dma_wait3A_197 = tpu.memref_squeeze %dma_wait3A_196 : memref<1x1x10240xf32, #tpu.memory_space<hbm>> -> memref<10240xf32, #tpu.memory_space<hbm>>
      tpu.wait_dma2 semaphore(%run_scoped3A : memref<!tpu.dma_semaphore, #tpu.memory_space<semaphore_mem>>) src(%arg15 : memref<10240xf32, #tpu.memory_space<vmem>>) dst(%dma_wait3A_197 : memref<10240xf32, #tpu.memory_space<hbm>>)
      tpu.yield
    }) : () -> ()
    %add3A_182 = arith.constant 2 : i32
    %add3A_183 = arith.addi %mul3A_93, %add3A_182 : i32
    "tpu.region"() ({
      %run_scoped3A = tpu.sem_alloc : memref<!tpu.dma_semaphore, #tpu.memory_space<semaphore_mem>>
      %dma_start3A_186 = arith.constant 0 : i32
      %dma_start3A_187 = tpu.memref_slice %arg6[%select_n3A, %add3A_183, %dma_start3A_186] : memref<4x32x10240xf32, #tpu.memory_space<hbm>> -> memref<1x1x10240xf32, #tpu.memory_space<hbm>>
      %dma_start3A_188 = tpu.memref_squeeze %dma_start3A_187 : memref<1x1x10240xf32, #tpu.memory_space<hbm>> -> memref<10240xf32, #tpu.memory_space<hbm>>
      %dma_start3A_189 = arith.constant 0 : i32
      %dma_start3A_190 = tpu.memref_slice %arg6[%select_n3A, %add3A_183, %dma_start3A_189] : memref<4x32x10240xf32, #tpu.memory_space<hbm>> -> memref<1x1x10240xf32, #tpu.memory_space<hbm>>
      %dma_start3A_191 = tpu.memref_squeeze %dma_start3A_190 : memref<1x1x10240xf32, #tpu.memory_space<hbm>> -> memref<10240xf32, #tpu.memory_space<hbm>>
      tpu.enqueue_dma source(%arg16 : memref<10240xf32, #tpu.memory_space<vmem>>) target(%dma_start3A_191 : memref<10240xf32, #tpu.memory_space<hbm>>) target_semaphore(%run_scoped3A : memref<!tpu.dma_semaphore, #tpu.memory_space<semaphore_mem>>)
      %dma_wait3A_192 = arith.constant 0 : i32
      %dma_wait3A_193 = tpu.memref_slice %arg6[%select_n3A, %add3A_183, %dma_wait3A_192] : memref<4x32x10240xf32, #tpu.memory_space<hbm>> -> memref<1x1x10240xf32, #tpu.memory_space<hbm>>
      %dma_wait3A_194 = tpu.memref_squeeze %dma_wait3A_193 : memref<1x1x10240xf32, #tpu.memory_space<hbm>> -> memref<10240xf32, #tpu.memory_space<hbm>>
      %dma_wait3A_195 = arith.constant 0 : i32
      %dma_wait3A_196 = tpu.memref_slice %arg6[%select_n3A, %add3A_183, %dma_wait3A_195] : memref<4x32x10240xf32, #tpu.memory_space<hbm>> -> memref<1x1x10240xf32, #tpu.memory_space<hbm>>
      %dma_wait3A_197 = tpu.memref_squeeze %dma_wait3A_196 : memref<1x1x10240xf32, #tpu.memory_space<hbm>> -> memref<10240xf32, #tpu.memory_space<hbm>>
      tpu.wait_dma2 semaphore(%run_scoped3A : memref<!tpu.dma_semaphore, #tpu.memory_space<semaphore_mem>>) src(%arg16 : memref<10240xf32, #tpu.memory_space<vmem>>) dst(%dma_wait3A_197 : memref<10240xf32, #tpu.memory_space<hbm>>)
      tpu.yield
    }) : () -> ()
    %add3A_184 = arith.constant 3 : i32
    %add3A_185 = arith.addi %mul3A_93, %add3A_184 : i32
    "tpu.region"() ({
      %run_scoped3A = tpu.sem_alloc : memref<!tpu.dma_semaphore, #tpu.memory_space<semaphore_mem>>
      %dma_start3A_186 = arith.constant 0 : i32
      %dma_start3A_187 = tpu.memref_slice %arg6[%select_n3A, %add3A_185, %dma_start3A_186] : memref<4x32x10240xf32, #tpu.memory_space<hbm>> -> memref<1x1x10240xf32, #tpu.memory_space<hbm>>
      %dma_start3A_188 = tpu.memref_squeeze %dma_start3A_187 : memref<1x1x10240xf32, #tpu.memory_space<hbm>> -> memref<10240xf32, #tpu.memory_space<hbm>>
      %dma_start3A_189 = arith.constant 0 : i32
      %dma_start3A_190 = tpu.memref_slice %arg6[%select_n3A, %add3A_185, %dma_start3A_189] : memref<4x32x10240xf32, #tpu.memory_space<hbm>> -> memref<1x1x10240xf32, #tpu.memory_space<hbm>>
      %dma_start3A_191 = tpu.memref_squeeze %dma_start3A_190 : memref<1x1x10240xf32, #tpu.memory_space<hbm>> -> memref<10240xf32, #tpu.memory_space<hbm>>
      tpu.enqueue_dma source(%arg17 : memref<10240xf32, #tpu.memory_space<vmem>>) target(%dma_start3A_191 : memref<10240xf32, #tpu.memory_space<hbm>>) target_semaphore(%run_scoped3A : memref<!tpu.dma_semaphore, #tpu.memory_space<semaphore_mem>>)
      %dma_wait3A_192 = arith.constant 0 : i32
      %dma_wait3A_193 = tpu.memref_slice %arg6[%select_n3A, %add3A_185, %dma_wait3A_192] : memref<4x32x10240xf32, #tpu.memory_space<hbm>> -> memref<1x1x10240xf32, #tpu.memory_space<hbm>>
      %dma_wait3A_194 = tpu.memref_squeeze %dma_wait3A_193 : memref<1x1x10240xf32, #tpu.memory_space<hbm>> -> memref<10240xf32, #tpu.memory_space<hbm>>
      %dma_wait3A_195 = arith.constant 0 : i32
      %dma_wait3A_196 = tpu.memref_slice %arg6[%select_n3A, %add3A_185, %dma_wait3A_195] : memref<4x32x10240xf32, #tpu.memory_space<hbm>> -> memref<1x1x10240xf32, #tpu.memory_space<hbm>>
      %dma_wait3A_197 = tpu.memref_squeeze %dma_wait3A_196 : memref<1x1x10240xf32, #tpu.memory_space<hbm>> -> memref<10240xf32, #tpu.memory_space<hbm>>
      tpu.wait_dma2 semaphore(%run_scoped3A : memref<!tpu.dma_semaphore, #tpu.memory_space<semaphore_mem>>) src(%arg17 : memref<10240xf32, #tpu.memory_space<vmem>>) dst(%dma_wait3A_197 : memref<10240xf32, #tpu.memory_space<hbm>>)
      tpu.yield
    }) : () -> ()
    return
  }
}

module attributes {stable_mosaic.version = 14 : i64} {
  func.func @_k1_body(%arg0: memref<10000x256xf32, #tpu.memory_space<vmem>>, %arg1: memref<32x256xf32, #tpu.memory_space<vmem>>, %arg2: memref<2x32xf32, #tpu.memory_space<vmem>>, %arg3: memref<2x160000xi32, #tpu.memory_space<vmem>>, %arg4: memref<32x10240xf32, #tpu.memory_space<vmem>>, %arg5: memref<8x10240xf32, #tpu.memory_space<vmem>>, %arg6: memref<4x40960xi32, #tpu.memory_space<vmem>>) attributes {dimension_semantics = [], scalar_prefetch = 0 : i64, scratch_operands = 0 : i64, tpu.core_type = #tpu.core_type<tc>} {
    %get3A = arith.constant 0 : index
    %get3A_0 = arith.constant 0 : index
    %get3A_1 = vector.load %arg3[%get3A, %get3A_0] : memref<2x160000xi32, #tpu.memory_space<vmem>>, vector<1x40960xi32>
    %get3A_2 = vector.shape_cast %get3A_1 : vector<1x40960xi32> to vector<40960xi32>
    %mul3A = arith.constant 16384 : i32
    %mul3A_3 = vector.broadcast %mul3A : i32 to vector<40960xi32>
    %mul3A_4 = arith.muli %get3A_2, %mul3A_3 : vector<40960xi32>
    %get3A_5 = arith.constant 1 : index
    %get3A_6 = arith.constant 0 : index
    %get3A_7 = vector.load %arg3[%get3A_5, %get3A_6] : memref<2x160000xi32, #tpu.memory_space<vmem>>, vector<1x40960xi32>
    %get3A_8 = vector.shape_cast %get3A_7 : vector<1x40960xi32> to vector<40960xi32>
    %add3A = arith.addi %mul3A_4, %get3A_8 : vector<40960xi32>
    %swap3A = arith.constant 0 : index
    %swap3A_9 = arith.constant 0 : index
    %swap3A_10 = vector.load %arg6[%swap3A, %swap3A_9] : memref<4x40960xi32, #tpu.memory_space<vmem>>, vector<1x40960xi32>
    %swap3A_11 = vector.shape_cast %swap3A_10 : vector<1x40960xi32> to vector<40960xi32>
    %swap3A_12 = vector.shape_cast %add3A : vector<40960xi32> to vector<1x40960xi32>
    tpu.vector_store %arg6[%swap3A, %swap3A_9], %swap3A_12 {strides = array<i32>} : memref<4x40960xi32, #tpu.memory_space<vmem>>, vector<1x40960xi32>,
    %get3A_13 = arith.constant 0 : index
    %get3A_14 = arith.constant 40960 : index
    %get3A_15 = vector.load %arg3[%get3A_13, %get3A_14] : memref<2x160000xi32, #tpu.memory_space<vmem>>, vector<1x40960xi32>
    %get3A_16 = vector.shape_cast %get3A_15 : vector<1x40960xi32> to vector<40960xi32>
    %mul3A_17 = arith.constant 16384 : i32
    %mul3A_18 = vector.broadcast %mul3A_17 : i32 to vector<40960xi32>
    %mul3A_19 = arith.muli %get3A_16, %mul3A_18 : vector<40960xi32>
    %get3A_20 = arith.constant 1 : index
    %get3A_21 = arith.constant 40960 : index
    %get3A_22 = vector.load %arg3[%get3A_20, %get3A_21] : memref<2x160000xi32, #tpu.memory_space<vmem>>, vector<1x40960xi32>
    %get3A_23 = vector.shape_cast %get3A_22 : vector<1x40960xi32> to vector<40960xi32>
    %add3A_24 = arith.addi %mul3A_19, %get3A_23 : vector<40960xi32>
    %swap3A_25 = arith.constant 1 : index
    %swap3A_26 = arith.constant 0 : index
    %swap3A_27 = vector.load %arg6[%swap3A_25, %swap3A_26] : memref<4x40960xi32, #tpu.memory_space<vmem>>, vector<1x40960xi32>
    %swap3A_28 = vector.shape_cast %swap3A_27 : vector<1x40960xi32> to vector<40960xi32>
    %swap3A_29 = vector.shape_cast %add3A_24 : vector<40960xi32> to vector<1x40960xi32>
    tpu.vector_store %arg6[%swap3A_25, %swap3A_26], %swap3A_29 {strides = array<i32>} : memref<4x40960xi32, #tpu.memory_space<vmem>>, vector<1x40960xi32>,
    %get3A_30 = arith.constant 0 : index
    %get3A_31 = arith.constant 81920 : index
    %get3A_32 = vector.load %arg3[%get3A_30, %get3A_31] : memref<2x160000xi32, #tpu.memory_space<vmem>>, vector<1x40960xi32>
    %get3A_33 = vector.shape_cast %get3A_32 : vector<1x40960xi32> to vector<40960xi32>
    %mul3A_34 = arith.constant 16384 : i32
    %mul3A_35 = vector.broadcast %mul3A_34 : i32 to vector<40960xi32>
    %mul3A_36 = arith.muli %get3A_33, %mul3A_35 : vector<40960xi32>
    %get3A_37 = arith.constant 1 : index
    %get3A_38 = arith.constant 81920 : index
    %get3A_39 = vector.load %arg3[%get3A_37, %get3A_38] : memref<2x160000xi32, #tpu.memory_space<vmem>>, vector<1x40960xi32>
    %get3A_40 = vector.shape_cast %get3A_39 : vector<1x40960xi32> to vector<40960xi32>
    %add3A_41 = arith.addi %mul3A_36, %get3A_40 : vector<40960xi32>
    %swap3A_42 = arith.constant 2 : index
    %swap3A_43 = arith.constant 0 : index
    %swap3A_44 = vector.load %arg6[%swap3A_42, %swap3A_43] : memref<4x40960xi32, #tpu.memory_space<vmem>>, vector<1x40960xi32>
    %swap3A_45 = vector.shape_cast %swap3A_44 : vector<1x40960xi32> to vector<40960xi32>
    %swap3A_46 = vector.shape_cast %add3A_41 : vector<40960xi32> to vector<1x40960xi32>
    tpu.vector_store %arg6[%swap3A_42, %swap3A_43], %swap3A_46 {strides = array<i32>} : memref<4x40960xi32, #tpu.memory_space<vmem>>, vector<1x40960xi32>,
    %get3A_47 = arith.constant 0 : index
    %get3A_48 = arith.constant 122880 : index
    %get3A_49 = vector.load %arg3[%get3A_47, %get3A_48] : memref<2x160000xi32, #tpu.memory_space<vmem>>, vector<1x37120xi32>
    %get3A_50 = vector.shape_cast %get3A_49 : vector<1x37120xi32> to vector<37120xi32>
    %mul3A_51 = arith.constant 16384 : i32
    %mul3A_52 = vector.broadcast %mul3A_51 : i32 to vector<37120xi32>
    %mul3A_53 = arith.muli %get3A_50, %mul3A_52 : vector<37120xi32>
    %get3A_54 = arith.constant 1 : index
    %get3A_55 = arith.constant 122880 : index
    %get3A_56 = vector.load %arg3[%get3A_54, %get3A_55] : memref<2x160000xi32, #tpu.memory_space<vmem>>, vector<1x37120xi32>
    %get3A_57 = vector.shape_cast %get3A_56 : vector<1x37120xi32> to vector<37120xi32>
    %add3A_58 = arith.addi %mul3A_53, %get3A_57 : vector<37120xi32>
    %swap3A_59 = arith.constant 3 : index
    %swap3A_60 = arith.constant 0 : index
    %swap3A_61 = vector.load %arg6[%swap3A_59, %swap3A_60] : memref<4x40960xi32, #tpu.memory_space<vmem>>, vector<1x37120xi32>
    %swap3A_62 = vector.shape_cast %swap3A_61 : vector<1x37120xi32> to vector<37120xi32>
    %swap3A_63 = vector.shape_cast %add3A_58 : vector<37120xi32> to vector<1x37120xi32>
    tpu.vector_store %arg6[%swap3A_59, %swap3A_60], %swap3A_63 {strides = array<i32>} : memref<4x40960xi32, #tpu.memory_space<vmem>>, vector<1x37120xi32>,
    %broadcast_in_dim3A = arith.constant 10000 : i32
    %broadcast_in_dim3A_64 = vector.broadcast %broadcast_in_dim3A : i32 to vector<3840xi32>
    %swap3A_65 = arith.constant 3 : index
    %swap3A_66 = arith.constant 37120 : index
    %swap3A_67 = vector.load %arg6[%swap3A_65, %swap3A_66] : memref<4x40960xi32, #tpu.memory_space<vmem>>, vector<1x3840xi32>
    %swap3A_68 = vector.shape_cast %swap3A_67 : vector<1x3840xi32> to vector<3840xi32>
    %swap3A_69 = vector.shape_cast %broadcast_in_dim3A_64 : vector<3840xi32> to vector<1x3840xi32>
    tpu.vector_store %arg6[%swap3A_65, %swap3A_66], %swap3A_69 {strides = array<i32>} : memref<4x40960xi32, #tpu.memory_space<vmem>>, vector<1x3840xi32>,
    %get3A_70 = arith.constant 0 : index
    %get3A_71 = arith.constant 0 : index
    %get3A_72 = vector.load %arg1[%get3A_70, %get3A_71] : memref<32x256xf32, #tpu.memory_space<vmem>>, vector<32x256xf32>
    %get3A_73 = arith.constant 0 : index
    %get3A_74 = arith.constant 0 : index
    %get3A_75 = vector.load %arg0[%get3A_73, %get3A_74] : memref<10000x256xf32, #tpu.memory_space<vmem>>, vector<10000x256xf32>
    %dot_general3A = arith.constant dense<0.000000e+00> : vector<32x10000xf32>
    %dot_general3A_76 = tpu.matmul %get3A_72, %get3A_75, %dot_general3A {dimension_numbers = #tpu.dot_dimension_numbers<[1], [1], [0], [0], [0, 0, 1, 0], [], []>, transpose_lhs_hint = false} : vector<32x256xf32>, vector<10000x256xf32>, vector<32x10000xf32> -> vector<32x10000xf32>
    %swap3A_77 = arith.constant 0 : index
    %swap3A_78 = arith.constant 0 : index
    %swap3A_79 = vector.load %arg4[%swap3A_77, %swap3A_78] : memref<32x10240xf32, #tpu.memory_space<vmem>>, vector<32x10000xf32>
    tpu.vector_store %arg4[%swap3A_77, %swap3A_78], %dot_general3A_76 {strides = array<i32>} : memref<32x10240xf32, #tpu.memory_space<vmem>>, vector<32x10000xf32>,
    %broadcast_in_dim3A_80 = arith.constant 0.000000e+00 : f32
    %broadcast_in_dim3A_81 = vector.broadcast %broadcast_in_dim3A_80 : f32 to vector<32x240xf32>
    %swap3A_82 = arith.constant 0 : index
    %swap3A_83 = arith.constant 10000 : index
    %swap3A_84 = vector.load %arg4[%swap3A_82, %swap3A_83] : memref<32x10240xf32, #tpu.memory_space<vmem>>, vector<32x240xf32>
    tpu.vector_store %arg4[%swap3A_82, %swap3A_83], %broadcast_in_dim3A_81 {strides = array<i32>} : memref<32x10240xf32, #tpu.memory_space<vmem>>, vector<32x240xf32>,
    %get3A_85 = arith.constant 0 : index
    %get3A_86 = arith.constant 0 : index
    %get3A_87 = vector.load %arg2[%get3A_85, %get3A_86] : memref<2x32xf32, #tpu.memory_space<vmem>>, vector<1x32xf32>
    %get3A_88 = vector.shape_cast %get3A_87 : vector<1x32xf32> to vector<32xf32>
    %broadcast_in_dim3A_89 = vector.shape_cast %get3A_88 : vector<32xf32> to vector<32x1xf32>
    %mul3A_90 = vector.broadcast %broadcast_in_dim3A_89 : vector<32x1xf32> to vector<32x10000xf32>
    %mul3A_91 = arith.mulf %dot_general3A_76, %mul3A_90 : vector<32x10000xf32>
    %reduce_sum3A = arith.constant dense<0.000000e+00> : vector<10000xf32>
    %reduce_sum3A_92 = vector.multi_reduction <add>, %mul3A_91, %reduce_sum3A [0] : vector<32x10000xf32> to vector<10000xf32>
    %get3A_93 = arith.constant 1 : index
    %get3A_94 = arith.constant 0 : index
    %get3A_95 = vector.load %arg2[%get3A_93, %get3A_94] : memref<2x32xf32, #tpu.memory_space<vmem>>, vector<1x32xf32>
    %get3A_96 = vector.shape_cast %get3A_95 : vector<1x32xf32> to vector<32xf32>
    %broadcast_in_dim3A_97 = vector.shape_cast %get3A_96 : vector<32xf32> to vector<32x1xf32>
    %mul3A_98 = vector.broadcast %broadcast_in_dim3A_97 : vector<32x1xf32> to vector<32x10000xf32>
    %mul3A_99 = arith.mulf %dot_general3A_76, %mul3A_98 : vector<32x10000xf32>
    %reduce_sum3A_100 = arith.constant dense<0.000000e+00> : vector<10000xf32>
    %reduce_sum3A_101 = vector.multi_reduction <add>, %mul3A_99, %reduce_sum3A_100 [0] : vector<32x10000xf32> to vector<10000xf32>
    %add3A_102 = arith.addf %reduce_sum3A_92, %reduce_sum3A_101 : vector<10000xf32>
    %ge3A = arith.constant 0.000000e+00 : f32
    %ge3A_103 = vector.broadcast %ge3A : f32 to vector<10000xf32>
    %ge3A_104 = arith.cmpf oge, %add3A_102, %ge3A_103 : vector<10000xf32>
    %mul3A_105 = arith.constant 2.000000e-01 : f32
    %mul3A_106 = vector.broadcast %mul3A_105 : f32 to vector<10000xf32>
    %mul3A_107 = arith.mulf %mul3A_106, %add3A_102 : vector<10000xf32>
    %select_n3A = arith.select %ge3A_104, %add3A_102, %mul3A_107 : vector<10000xi1>, vector<10000xf32>
    %exp3A = math.exp %select_n3A : vector<10000xf32>
    %broadcast_in_dim3A_108 = arith.constant 0.000000e+00 : f32
    %broadcast_in_dim3A_109 = vector.broadcast %broadcast_in_dim3A_108 : f32 to vector<240xf32>
    %swap3A_110 = arith.constant 0 : index
    %swap3A_111 = arith.constant 0 : index
    %swap3A_112 = vector.load %arg5[%swap3A_110, %swap3A_111] : memref<8x10240xf32, #tpu.memory_space<vmem>>, vector<1x10000xf32>
    %swap3A_113 = vector.shape_cast %swap3A_112 : vector<1x10000xf32> to vector<10000xf32>
    %swap3A_114 = vector.shape_cast %reduce_sum3A_92 : vector<10000xf32> to vector<1x10000xf32>
    tpu.vector_store %arg5[%swap3A_110, %swap3A_111], %swap3A_114 {strides = array<i32>} : memref<8x10240xf32, #tpu.memory_space<vmem>>, vector<1x10000xf32>,
    %swap3A_115 = arith.constant 0 : index
    %swap3A_116 = arith.constant 10000 : index
    %swap3A_117 = vector.load %arg5[%swap3A_115, %swap3A_116] : memref<8x10240xf32, #tpu.memory_space<vmem>>, vector<1x240xf32>
    %swap3A_118 = vector.shape_cast %swap3A_117 : vector<1x240xf32> to vector<240xf32>
    %swap3A_119 = vector.shape_cast %broadcast_in_dim3A_109 : vector<240xf32> to vector<1x240xf32>
    tpu.vector_store %arg5[%swap3A_115, %swap3A_116], %swap3A_119 {strides = array<i32>} : memref<8x10240xf32, #tpu.memory_space<vmem>>, vector<1x240xf32>,
    %swap3A_120 = arith.constant 1 : index
    %swap3A_121 = arith.constant 0 : index
    %swap3A_122 = vector.load %arg5[%swap3A_120, %swap3A_121] : memref<8x10240xf32, #tpu.memory_space<vmem>>, vector<1x10000xf32>
    %swap3A_123 = vector.shape_cast %swap3A_122 : vector<1x10000xf32> to vector<10000xf32>
    %swap3A_124 = vector.shape_cast %reduce_sum3A_101 : vector<10000xf32> to vector<1x10000xf32>
    tpu.vector_store %arg5[%swap3A_120, %swap3A_121], %swap3A_124 {strides = array<i32>} : memref<8x10240xf32, #tpu.memory_space<vmem>>, vector<1x10000xf32>,
    %broadcast_in_dim3A_125 = arith.constant -1.000000e+30 : f32
    %broadcast_in_dim3A_126 = vector.broadcast %broadcast_in_dim3A_125 : f32 to vector<240xf32>
    %swap3A_127 = arith.constant 1 : index
    %swap3A_128 = arith.constant 10000 : index
    %swap3A_129 = vector.load %arg5[%swap3A_127, %swap3A_128] : memref<8x10240xf32, #tpu.memory_space<vmem>>, vector<1x240xf32>
    %swap3A_130 = vector.shape_cast %swap3A_129 : vector<1x240xf32> to vector<240xf32>
    %swap3A_131 = vector.shape_cast %broadcast_in_dim3A_126 : vector<240xf32> to vector<1x240xf32>
    tpu.vector_store %arg5[%swap3A_127, %swap3A_128], %swap3A_131 {strides = array<i32>} : memref<8x10240xf32, #tpu.memory_space<vmem>>, vector<1x240xf32>,
    %swap3A_132 = arith.constant 2 : index
    %swap3A_133 = arith.constant 0 : index
    %swap3A_134 = vector.load %arg5[%swap3A_132, %swap3A_133] : memref<8x10240xf32, #tpu.memory_space<vmem>>, vector<1x10000xf32>
    %swap3A_135 = vector.shape_cast %swap3A_134 : vector<1x10000xf32> to vector<10000xf32>
    %swap3A_136 = vector.shape_cast %exp3A : vector<10000xf32> to vector<1x10000xf32>
    tpu.vector_store %arg5[%swap3A_132, %swap3A_133], %swap3A_136 {strides = array<i32>} : memref<8x10240xf32, #tpu.memory_space<vmem>>, vector<1x10000xf32>,
    %swap3A_137 = arith.constant 2 : index
    %swap3A_138 = arith.constant 10000 : index
    %swap3A_139 = vector.load %arg5[%swap3A_137, %swap3A_138] : memref<8x10240xf32, #tpu.memory_space<vmem>>, vector<1x240xf32>
    %swap3A_140 = vector.shape_cast %swap3A_139 : vector<1x240xf32> to vector<240xf32>
    %swap3A_141 = vector.shape_cast %broadcast_in_dim3A_109 : vector<240xf32> to vector<1x240xf32>
    tpu.vector_store %arg5[%swap3A_137, %swap3A_138], %swap3A_141 {strides = array<i32>} : memref<8x10240xf32, #tpu.memory_space<vmem>>, vector<1x240xf32>,
    return
  }
}

module attributes {stable_mosaic.version = 14 : i64} {
  func.func @_k345_body(%arg0: memref<40xi32, #tpu.memory_space<smem>>, %arg1: memref<4x32x10240xf32, #tpu.memory_space<any>>, %arg2: memref<32x10240xf32, #tpu.memory_space<any>>, %arg3: memref<8x10240xf32, #tpu.memory_space<any>>, %arg4: memref<32x10240xf32, #tpu.memory_space<any>>, %arg5: memref<64x32xf32, #tpu.memory_space<vmem>>, %arg6: memref<4x128xf32, #tpu.memory_space<vmem>>, %arg7: memref<10240xf32, #tpu.memory_space<vmem>>, %arg8: memref<64x64xf32, #tpu.memory_space<vmem>>, %arg9: memref<4x32x10240xf32, #tpu.memory_space<vmem>>, %arg10: memref<32x10240xf32, #tpu.memory_space<vmem>>, %arg11: memref<8x10240xf32, #tpu.memory_space<vmem>>, %arg12: memref<32x10240xf32, #tpu.memory_space<vmem>>, %arg13: memref<48x10240xbf16, #tpu.memory_space<vmem>>, %arg14: memref<10240xf32, #tpu.memory_space<vmem>>, %arg15: memref<!tpu.dma_semaphore, #tpu.memory_space<semaphore_mem>>) attributes {dimension_semantics = [], scalar_prefetch = 0 : i64, scratch_operands = 7 : i64, tpu.core_type = #tpu.core_type<tc>} {
    tpu.enqueue_dma source(%arg1 : memref<4x32x10240xf32, #tpu.memory_space<any>>) target(%arg9 : memref<4x32x10240xf32, #tpu.memory_space<vmem>>) target_semaphore(%arg15 : memref<!tpu.dma_semaphore, #tpu.memory_space<semaphore_mem>>)
    tpu.enqueue_dma source(%arg2 : memref<32x10240xf32, #tpu.memory_space<any>>) target(%arg10 : memref<32x10240xf32, #tpu.memory_space<vmem>>) target_semaphore(%arg15 : memref<!tpu.dma_semaphore, #tpu.memory_space<semaphore_mem>>)
    tpu.enqueue_dma source(%arg3 : memref<8x10240xf32, #tpu.memory_space<any>>) target(%arg11 : memref<8x10240xf32, #tpu.memory_space<vmem>>) target_semaphore(%arg15 : memref<!tpu.dma_semaphore, #tpu.memory_space<semaphore_mem>>)
    tpu.enqueue_dma source(%arg4 : memref<32x10240xf32, #tpu.memory_space<any>>) target(%arg12 : memref<32x10240xf32, #tpu.memory_space<vmem>>) target_semaphore(%arg15 : memref<!tpu.dma_semaphore, #tpu.memory_space<semaphore_mem>>)
    tpu.wait_dma2 semaphore(%arg15 : memref<!tpu.dma_semaphore, #tpu.memory_space<semaphore_mem>>) src(%arg1 : memref<4x32x10240xf32, #tpu.memory_space<any>>) dst(%arg9 : memref<4x32x10240xf32, #tpu.memory_space<vmem>>)
    tpu.wait_dma2 semaphore(%arg15 : memref<!tpu.dma_semaphore, #tpu.memory_space<semaphore_mem>>) src(%arg2 : memref<32x10240xf32, #tpu.memory_space<any>>) dst(%arg10 : memref<32x10240xf32, #tpu.memory_space<vmem>>)
    tpu.wait_dma2 semaphore(%arg15 : memref<!tpu.dma_semaphore, #tpu.memory_space<semaphore_mem>>) src(%arg3 : memref<8x10240xf32, #tpu.memory_space<any>>) dst(%arg11 : memref<8x10240xf32, #tpu.memory_space<vmem>>)
    tpu.wait_dma2 semaphore(%arg15 : memref<!tpu.dma_semaphore, #tpu.memory_space<semaphore_mem>>) src(%arg4 : memref<32x10240xf32, #tpu.memory_space<any>>) dst(%arg12 : memref<32x10240xf32, #tpu.memory_space<vmem>>)
    %get3A = arith.constant 0 : index
    %get3A_0 = arith.constant 0 : index
    %get3A_1 = arith.constant 0 : index
    %get3A_2 = vector.load %arg9[%get3A, %get3A_0, %get3A_1] : memref<4x32x10240xf32, #tpu.memory_space<vmem>>, vector<1x32x10240xf32>
    %get3A_3 = vector.shape_cast %get3A_2 : vector<1x32x10240xf32> to vector<32x10240xf32>
    %get3A_4 = arith.constant 1 : index
    %get3A_5 = arith.constant 0 : index
    %get3A_6 = arith.constant 0 : index
    %get3A_7 = vector.load %arg9[%get3A_4, %get3A_5, %get3A_6] : memref<4x32x10240xf32, #tpu.memory_space<vmem>>, vector<1x32x10240xf32>
    %get3A_8 = vector.shape_cast %get3A_7 : vector<1x32x10240xf32> to vector<32x10240xf32>
    %add3A = arith.addf %get3A_3, %get3A_8 : vector<32x10240xf32>
    %get3A_9 = arith.constant 2 : index
    %get3A_10 = arith.constant 0 : index
    %get3A_11 = arith.constant 0 : index
    %get3A_12 = vector.load %arg9[%get3A_9, %get3A_10, %get3A_11] : memref<4x32x10240xf32, #tpu.memory_space<vmem>>, vector<1x32x10240xf32>
    %get3A_13 = vector.shape_cast %get3A_12 : vector<1x32x10240xf32> to vector<32x10240xf32>
    %get3A_14 = arith.constant 3 : index
    %get3A_15 = arith.constant 0 : index
    %get3A_16 = arith.constant 0 : index
    %get3A_17 = vector.load %arg9[%get3A_14, %get3A_15, %get3A_16] : memref<4x32x10240xf32, #tpu.memory_space<vmem>>, vector<1x32x10240xf32>
    %get3A_18 = vector.shape_cast %get3A_17 : vector<1x32x10240xf32> to vector<32x10240xf32>
    %add3A_19 = arith.addf %get3A_13, %get3A_18 : vector<32x10240xf32>
    %add3A_20 = arith.addf %add3A, %add3A_19 : vector<32x10240xf32>
    %get3A_21 = arith.constant 0 : index
    %get3A_22 = arith.constant 0 : index
    %get3A_23 = vector.load %arg10[%get3A_21, %get3A_22] : memref<32x10240xf32, #tpu.memory_space<vmem>>, vector<32x10240xf32>
    %reduce_sum3A = arith.constant dense<0.000000e+00> : vector<10240xf32>
    %reduce_sum3A_24 = vector.multi_reduction <add>, %get3A_23, %reduce_sum3A [0] : vector<32x10240xf32> to vector<10240xf32>
    %get3A_25 = arith.constant 2 : index
    %get3A_26 = arith.constant 0 : index
    %get3A_27 = vector.load %arg11[%get3A_25, %get3A_26] : memref<8x10240xf32, #tpu.memory_space<vmem>>, vector<1x10240xf32>
    %get3A_28 = vector.shape_cast %get3A_27 : vector<1x10240xf32> to vector<10240xf32>
    %get3A_29 = arith.constant 0 : index
    %get3A_30 = arith.constant 0 : index
    %get3A_31 = vector.load %arg12[%get3A_29, %get3A_30] : memref<32x10240xf32, #tpu.memory_space<vmem>>, vector<32x10240xf32>
    %add3A_32 = arith.addf %reduce_sum3A_24, %get3A_28 : vector<10240xf32>
    %add3A_33 = arith.constant 1.000000e-16 : f32
    %add3A_34 = vector.broadcast %add3A_33 : f32 to vector<10240xf32>
    %add3A_35 = arith.addf %add3A_32, %add3A_34 : vector<10240xf32>
    %broadcast_in_dim3A = vector.shape_cast %get3A_28 : vector<10240xf32> to vector<1x10240xf32>
    %mul3A = vector.broadcast %broadcast_in_dim3A : vector<1x10240xf32> to vector<32x10240xf32>
    %mul3A_36 = arith.mulf %mul3A, %get3A_31 : vector<32x10240xf32>
    %add3A_37 = arith.addf %add3A_20, %mul3A_36 : vector<32x10240xf32>
    %broadcast_in_dim3A_38 = vector.shape_cast %add3A_35 : vector<10240xf32> to vector<1x10240xf32>
    %div3A = vector.broadcast %broadcast_in_dim3A_38 : vector<1x10240xf32> to vector<32x10240xf32>
    %div3A_39 = arith.divf %add3A_37, %div3A : vector<32x10240xf32>
    %get3A_40 = arith.constant 0 : index
    %get3A_41 = arith.constant 0 : index
    %get3A_42 = vector.load %arg6[%get3A_40, %get3A_41] : memref<4x128xf32, #tpu.memory_space<vmem>>, vector<1x32xf32>
    %get3A_43 = vector.shape_cast %get3A_42 : vector<1x32xf32> to vector<32xf32>
    %broadcast_in_dim3A_44 = vector.shape_cast %get3A_43 : vector<32xf32> to vector<32x1xf32>
    %add3A_45 = vector.broadcast %broadcast_in_dim3A_44 : vector<32x1xf32> to vector<32x10240xf32>
    %add3A_46 = arith.addf %div3A_39, %add3A_45 : vector<32x10240xf32>
    %gt3A = arith.constant 0.000000e+00 : f32
    %gt3A_47 = vector.broadcast %gt3A : f32 to vector<32x10240xf32>
    %gt3A_48 = arith.cmpf ogt, %add3A_46, %gt3A_47 : vector<32x10240xf32>
    %jit3A = arith.constant 1.000000e+00 : f32
    %jit3A_49 = arith.constant -1.000000e+00 : f32
    %broadcast_in_dim3A_50 = vector.broadcast %jit3A : f32 to vector<32x10240xf32>
    %broadcast_in_dim3A_51 = vector.broadcast %jit3A_49 : f32 to vector<32x10240xf32>
    %select_n3A = arith.select %gt3A_48, %broadcast_in_dim3A_50, %broadcast_in_dim3A_51 : vector<32x10240xi1>, vector<32x10240xf32>
    %get3A_52 = arith.constant 0 : index
    %get3A_53 = vector.load %arg7[%get3A_52] : memref<10240xf32, #tpu.memory_space<vmem>>, vector<10240xf32>
    %min3A = arith.constant 6.300000e+01 : f32
    %min3A_54 = vector.broadcast %min3A : f32 to vector<10240xf32>
    %min3A_55 = arith.minimumf %get3A_53, %min3A_54 : vector<10240xf32>
    %mul3A_56 = arith.constant 5.000000e-01 : f32
    %mul3A_57 = vector.broadcast %mul3A_56 : f32 to vector<10240xf32>
    %mul3A_58 = arith.mulf %min3A_55, %mul3A_57 : vector<10240xf32>
    %floor3A = math.floor %mul3A_58 : vector<10240xf32>
    %mul3A_59 = arith.constant 2.000000e+00 : f32
    %mul3A_60 = vector.broadcast %mul3A_59 : f32 to vector<10240xf32>
    %mul3A_61 = arith.mulf %mul3A_60, %floor3A : vector<10240xf32>
    %sub3A = arith.subf %min3A_55, %mul3A_61 : vector<10240xf32>
    %mul3A_62 = arith.constant 2.000000e+00 : f32
    %mul3A_63 = vector.broadcast %mul3A_62 : f32 to vector<10240xf32>
    %mul3A_64 = arith.mulf %mul3A_63, %sub3A : vector<10240xf32>
    %sub3A_65 = arith.constant 1.000000e+00 : f32
    %sub3A_66 = vector.broadcast %sub3A_65 : f32 to vector<10240xf32>
    %sub3A_67 = arith.subf %mul3A_64, %sub3A_66 : vector<10240xf32>
    %broadcast_in_dim3A_68 = vector.shape_cast %sub3A_67 : vector<10240xf32> to vector<1x10240xf32>
    %mul3A_69 = arith.constant 5.000000e-01 : f32
    %mul3A_70 = vector.broadcast %mul3A_69 : f32 to vector<10240xf32>
    %mul3A_71 = arith.mulf %floor3A, %mul3A_70 : vector<10240xf32>
    %floor3A_72 = math.floor %mul3A_71 : vector<10240xf32>
    %mul3A_73 = arith.constant 2.000000e+00 : f32
    %mul3A_74 = vector.broadcast %mul3A_73 : f32 to vector<10240xf32>
    %mul3A_75 = arith.mulf %mul3A_74, %floor3A_72 : vector<10240xf32>
    %sub3A_76 = arith.subf %floor3A, %mul3A_75 : vector<10240xf32>
    %mul3A_77 = arith.constant 2.000000e+00 : f32
    %mul3A_78 = vector.broadcast %mul3A_77 : f32 to vector<10240xf32>
    %mul3A_79 = arith.mulf %mul3A_78, %sub3A_76 : vector<10240xf32>
    %sub3A_80 = arith.constant 1.000000e+00 : f32
    %sub3A_81 = vector.broadcast %sub3A_80 : f32 to vector<10240xf32>
    %sub3A_82 = arith.subf %mul3A_79, %sub3A_81 : vector<10240xf32>
    %broadcast_in_dim3A_83 = vector.shape_cast %sub3A_82 : vector<10240xf32> to vector<1x10240xf32>
    %mul3A_84 = arith.constant 5.000000e-01 : f32
    %mul3A_85 = vector.broadcast %mul3A_84 : f32 to vector<10240xf32>
    %mul3A_86 = arith.mulf %floor3A_72, %mul3A_85 : vector<10240xf32>
    %floor3A_87 = math.floor %mul3A_86 : vector<10240xf32>
    %mul3A_88 = arith.constant 2.000000e+00 : f32
    %mul3A_89 = vector.broadcast %mul3A_88 : f32 to vector<10240xf32>
    %mul3A_90 = arith.mulf %mul3A_89, %floor3A_87 : vector<10240xf32>
    %sub3A_91 = arith.subf %floor3A_72, %mul3A_90 : vector<10240xf32>
    %mul3A_92 = arith.constant 2.000000e+00 : f32
    %mul3A_93 = vector.broadcast %mul3A_92 : f32 to vector<10240xf32>
    %mul3A_94 = arith.mulf %mul3A_93, %sub3A_91 : vector<10240xf32>
    %sub3A_95 = arith.constant 1.000000e+00 : f32
    %sub3A_96 = vector.broadcast %sub3A_95 : f32 to vector<10240xf32>
    %sub3A_97 = arith.subf %mul3A_94, %sub3A_96 : vector<10240xf32>
    %broadcast_in_dim3A_98 = vector.shape_cast %sub3A_97 : vector<10240xf32> to vector<1x10240xf32>
    %mul3A_99 = arith.constant 5.000000e-01 : f32
    %mul3A_100 = vector.broadcast %mul3A_99 : f32 to vector<10240xf32>
    %mul3A_101 = arith.mulf %floor3A_87, %mul3A_100 : vector<10240xf32>
    %floor3A_102 = math.floor %mul3A_101 : vector<10240xf32>
    %mul3A_103 = arith.constant 2.000000e+00 : f32
    %mul3A_104 = vector.broadcast %mul3A_103 : f32 to vector<10240xf32>
    %mul3A_105 = arith.mulf %mul3A_104, %floor3A_102 : vector<10240xf32>
    %sub3A_106 = arith.subf %floor3A_87, %mul3A_105 : vector<10240xf32>
    %mul3A_107 = arith.constant 2.000000e+00 : f32
    %mul3A_108 = vector.broadcast %mul3A_107 : f32 to vector<10240xf32>
    %mul3A_109 = arith.mulf %mul3A_108, %sub3A_106 : vector<10240xf32>
    %sub3A_110 = arith.constant 1.000000e+00 : f32
    %sub3A_111 = vector.broadcast %sub3A_110 : f32 to vector<10240xf32>
    %sub3A_112 = arith.subf %mul3A_109, %sub3A_111 : vector<10240xf32>
    %broadcast_in_dim3A_113 = vector.shape_cast %sub3A_112 : vector<10240xf32> to vector<1x10240xf32>
    %mul3A_114 = arith.constant 5.000000e-01 : f32
    %mul3A_115 = vector.broadcast %mul3A_114 : f32 to vector<10240xf32>
    %mul3A_116 = arith.mulf %floor3A_102, %mul3A_115 : vector<10240xf32>
    %floor3A_117 = math.floor %mul3A_116 : vector<10240xf32>
    %mul3A_118 = arith.constant 2.000000e+00 : f32
    %mul3A_119 = vector.broadcast %mul3A_118 : f32 to vector<10240xf32>
    %mul3A_120 = arith.mulf %mul3A_119, %floor3A_117 : vector<10240xf32>
    %sub3A_121 = arith.subf %floor3A_102, %mul3A_120 : vector<10240xf32>
    %mul3A_122 = arith.constant 2.000000e+00 : f32
    %mul3A_123 = vector.broadcast %mul3A_122 : f32 to vector<10240xf32>
    %mul3A_124 = arith.mulf %mul3A_123, %sub3A_121 : vector<10240xf32>
    %sub3A_125 = arith.constant 1.000000e+00 : f32
    %sub3A_126 = vector.broadcast %sub3A_125 : f32 to vector<10240xf32>
    %sub3A_127 = arith.subf %mul3A_124, %sub3A_126 : vector<10240xf32>
    %broadcast_in_dim3A_128 = vector.shape_cast %sub3A_127 : vector<10240xf32> to vector<1x10240xf32>
    %mul3A_129 = arith.constant 5.000000e-01 : f32
    %mul3A_130 = vector.broadcast %mul3A_129 : f32 to vector<10240xf32>
    %mul3A_131 = arith.mulf %floor3A_117, %mul3A_130 : vector<10240xf32>
    %floor3A_132 = math.floor %mul3A_131 : vector<10240xf32>
    %mul3A_133 = arith.constant 2.000000e+00 : f32
    %mul3A_134 = vector.broadcast %mul3A_133 : f32 to vector<10240xf32>
    %mul3A_135 = arith.mulf %mul3A_134, %floor3A_132 : vector<10240xf32>
    %sub3A_136 = arith.subf %floor3A_117, %mul3A_135 : vector<10240xf32>
    %mul3A_137 = arith.constant 2.000000e+00 : f32
    %mul3A_138 = vector.broadcast %mul3A_137 : f32 to vector<10240xf32>
    %mul3A_139 = arith.mulf %mul3A_138, %sub3A_136 : vector<10240xf32>
    %sub3A_140 = arith.constant 1.000000e+00 : f32
    %sub3A_141 = vector.broadcast %sub3A_140 : f32 to vector<10240xf32>
    %sub3A_142 = arith.subf %mul3A_139, %sub3A_141 : vector<10240xf32>
    %broadcast_in_dim3A_143 = vector.shape_cast %sub3A_142 : vector<10240xf32> to vector<1x10240xf32>
    %broadcast_in_dim3A_144 = arith.constant 0.000000e+00 : f32
    %broadcast_in_dim3A_145 = vector.broadcast %broadcast_in_dim3A_144 : f32 to vector<10x10240xf32>
    %concatenate3A = tpu.concatenate %select_n3A, %broadcast_in_dim3A_68, %broadcast_in_dim3A_83, %broadcast_in_dim3A_98, %broadcast_in_dim3A_113, %broadcast_in_dim3A_128, %broadcast_in_dim3A_143, %broadcast_in_dim3A_145 in 0 : vector<32x10240xf32>, vector<1x10240xf32>, vector<1x10240xf32>, vector<1x10240xf32>, vector<1x10240xf32>, vector<1x10240xf32>, vector<1x10240xf32>, vector<10x10240xf32> -> vector<48x10240xf32>
    %convert_element_type3A = arith.truncf %concatenate3A : vector<48x10240xf32> to vector<48x10240xbf16>
    %swap3A = arith.constant 0 : index
    %swap3A_146 = arith.constant 0 : index
    %swap3A_147 = vector.load %arg13[%swap3A, %swap3A_146] : memref<48x10240xbf16, #tpu.memory_space<vmem>>, vector<48x10240xbf16>
    tpu.vector_store %arg13[%swap3A, %swap3A_146], %convert_element_type3A {strides = array<i32>} : memref<48x10240xbf16, #tpu.memory_space<vmem>>, vector<48x10240xbf16>,
    %get3A_148 = arith.constant 1 : index
    %get3A_149 = arith.constant 0 : index
    %get3A_150 = vector.load %arg6[%get3A_148, %get3A_149] : memref<4x128xf32, #tpu.memory_space<vmem>>, vector<1x32xf32>
    %get3A_151 = vector.shape_cast %get3A_150 : vector<1x32xf32> to vector<32xf32>
    %broadcast_in_dim3A_152 = vector.shape_cast %get3A_151 : vector<32xf32> to vector<32x1xf32>
    %mul3A_153 = vector.broadcast %broadcast_in_dim3A_152 : vector<32x1xf32> to vector<32x10240xf32>
    %mul3A_154 = arith.mulf %add3A_46, %mul3A_153 : vector<32x10240xf32>
    %reduce_sum3A_155 = arith.constant dense<0.000000e+00> : vector<10240xf32>
    %reduce_sum3A_156 = vector.multi_reduction <add>, %mul3A_154, %reduce_sum3A_155 [0] : vector<32x10240xf32> to vector<10240xf32>
    %get3A_157 = arith.constant 3 : index
    %get3A_158 = arith.constant 0 : index
    %get3A_159 = vector.load %arg6[%get3A_157, %get3A_158] : memref<4x128xf32, #tpu.memory_space<vmem>>, vector<1x1xf32>
    %get3A_160 = vector.extract %get3A_159[0, 0] : f32 from vector<1x1xf32>
    %add3A_161 = vector.broadcast %get3A_160 : f32 to vector<10240xf32>
    %add3A_162 = arith.addf %reduce_sum3A_156, %add3A_161 : vector<10240xf32>
    %iota3A = tpu.iota {dimensions = array<i32: 0>} : vector<256x256xi32>
    %iota3A_163 = tpu.iota {dimensions = array<i32: 1>} : vector<256x256xi32>
    %lt3A = arith.cmpi slt, %iota3A_163, %iota3A : vector<256x256xi32>
    %jit3A_164 = arith.constant 0.000000e+00 : f32
    %jit3A_165 = arith.constant -4.096000e+03 : f32
    %broadcast_in_dim3A_166 = vector.broadcast %jit3A_164 : f32 to vector<256x256xf32>
    %broadcast_in_dim3A_167 = vector.broadcast %jit3A_165 : f32 to vector<256x256xf32>
    %select_n3A_168 = arith.select %lt3A, %broadcast_in_dim3A_166, %broadcast_in_dim3A_167 : vector<256x256xi1>, vector<256x256xf32>
    %get3A_169 = arith.constant 0 : index
    %get3A_170 = arith.constant 0 : index
    %get3A_171 = vector.load %arg13[%get3A_169, %get3A_170] : memref<48x10240xbf16, #tpu.memory_space<vmem>>, vector<48x256xbf16>
    %dot_general3A = arith.constant dense<0.000000e+00> : vector<256x256xf32>
    %dot_general3A_172 = tpu.matmul %get3A_171, %get3A_171, %dot_general3A {dimension_numbers = #tpu.dot_dimension_numbers<[0], [0], [1], [1], [0, 1, 1, 1], [], []>, transpose_lhs_hint = false} : vector<48x256xbf16>, vector<48x256xbf16>, vector<256x256xf32> -> vector<256x256xf32>
    %add3A_173 = arith.addf %dot_general3A_172, %select_n3A_168 : vector<256x256xf32>
    %reduce_max3A = arith.constant dense<0xFF800000> : vector<256xf32>
    %reduce_max3A_174 = vector.multi_reduction <maximumf>, %add3A_173, %reduce_max3A [1] : vector<256x256xf32> to vector<256xf32>
    %gt3A_175 = arith.constant 3.700000e+01 : f32
    %gt3A_176 = vector.broadcast %gt3A_175 : f32 to vector<256xf32>
    %gt3A_177 = arith.cmpf ogt, %reduce_max3A_174, %gt3A_176 : vector<256xf32>
    %jit3A_178 = arith.constant 1.000000e+00 : f32
    %jit3A_179 = arith.constant 0.000000e+00 : f32
    %broadcast_in_dim3A_180 = vector.broadcast %jit3A_178 : f32 to vector<256xf32>
    %broadcast_in_dim3A_181 = vector.broadcast %jit3A_179 : f32 to vector<256xf32>
    %select_n3A_182 = arith.select %gt3A_177, %broadcast_in_dim3A_180, %broadcast_in_dim3A_181 : vector<256xi1>, vector<256xf32>
    %get3A_183 = arith.constant 0 : index
    %get3A_184 = memref.load %arg0[%get3A_183] : memref<40xi32, #tpu.memory_space<smem>>
    %while3A = arith.constant 0 : i32
    %while3A_185 = arith.subi %while3A, %get3A_184 : i32
    %while3A_186 = arith.addi %get3A_184, %while3A_185 : i32
    %while3A_187 = arith.constant 1 : i32
    %while3A_188 = arith.divsi %while3A_185, %while3A_187 : i32
    %while3A_189 = arith.muli %while3A_188, %while3A_187 : i32
    %while3A_190 = arith.addi %get3A_184, %while3A_189 : i32
    %while3A_191 = arith.constant 1 : i32
    %while3A_192 = scf.for %while3A_1453 = %get3A_184 to %while3A_190 step %while3A_191 iter_args(%while3A_1454 = %select_n3A_182) -> (vector<256xf32>)  : i32 {
      %mul3A_1455 = arith.constant 256 : i32
      %mul3A_1456 = arith.muli %while3A_1453, %mul3A_1455 : i32
      %get3A_1457 = arith.constant 0 : index
      %get3A_1458 = arith.index_cast %mul3A_1456 : i32 to index
      %get3A_1459 = vector.load %arg13[%get3A_1457, %get3A_1458] : memref<48x10240xbf16, #tpu.memory_space<vmem>>, vector<48x256xbf16>
      %dot_general3A_1460 = arith.constant dense<0.000000e+00> : vector<256x256xf32>
      %dot_general3A_1461 = tpu.matmul %get3A_171, %get3A_1459, %dot_general3A_1460 {dimension_numbers = #tpu.dot_dimension_numbers<[0], [0], [1], [1], [0, 1, 1, 1], [], []>, transpose_lhs_hint = false} : vector<48x256xbf16>, vector<48x256xbf16>, vector<256x256xf32> -> vector<256x256xf32>
      %reduce_max3A_1462 = arith.constant dense<0xFF800000> : vector<256xf32>
      %reduce_max3A_1463 = vector.multi_reduction <maximumf>, %dot_general3A_1461, %reduce_max3A_1462 [1] : vector<256x256xf32> to vector<256xf32>
      %gt3A_1464 = arith.constant 3.700000e+01 : f32
      %gt3A_1465 = vector.broadcast %gt3A_1464 : f32 to vector<256xf32>
      %gt3A_1466 = arith.cmpf ogt, %reduce_max3A_1463, %gt3A_1465 : vector<256xf32>
      %jit3A_1467 = arith.constant 1.000000e+00 : f32
      %jit3A_1468 = arith.constant 0.000000e+00 : f32
      %broadcast_in_dim3A_1469 = vector.broadcast %jit3A_1467 : f32 to vector<256xf32>
      %broadcast_in_dim3A_1470 = vector.broadcast %jit3A_1468 : f32 to vector<256xf32>
      %select_n3A_1471 = arith.select %gt3A_1466, %broadcast_in_dim3A_1469, %broadcast_in_dim3A_1470 : vector<256xi1>, vector<256xf32>
      %max3A = arith.maximumf %while3A_1454, %select_n3A_1471 : vector<256xf32>
      scf.yield %max3A : vector<256xf32>
    }
    %while3A_193 = arith.constant 1 : i32
    %while3A_194 = scf.for %while3A_1453 = %while3A_190 to %while3A_186 step %while3A_193 iter_args(%while3A_1454 = %while3A_192) -> (vector<256xf32>)  : i32 {
      %mul3A_1455 = arith.constant 256 : i32
      %mul3A_1456 = arith.muli %while3A_1453, %mul3A_1455 : i32
      %get3A_1457 = arith.constant 0 : index
      %get3A_1458 = arith.index_cast %mul3A_1456 : i32 to index
      %get3A_1459 = vector.load %arg13[%get3A_1457, %get3A_1458] : memref<48x10240xbf16, #tpu.memory_space<vmem>>, vector<48x256xbf16>
      %dot_general3A_1460 = arith.constant dense<0.000000e+00> : vector<256x256xf32>
      %dot_general3A_1461 = tpu.matmul %get3A_171, %get3A_1459, %dot_general3A_1460 {dimension_numbers = #tpu.dot_dimension_numbers<[0], [0], [1], [1], [0, 1, 1, 1], [], []>, transpose_lhs_hint = false} : vector<48x256xbf16>, vector<48x256xbf16>, vector<256x256xf32> -> vector<256x256xf32>
      %reduce_max3A_1462 = arith.constant dense<0xFF800000> : vector<256xf32>
      %reduce_max3A_1463 = vector.multi_reduction <maximumf>, %dot_general3A_1461, %reduce_max3A_1462 [1] : vector<256x256xf32> to vector<256xf32>
      %gt3A_1464 = arith.constant 3.700000e+01 : f32
      %gt3A_1465 = vector.broadcast %gt3A_1464 : f32 to vector<256xf32>
      %gt3A_1466 = arith.cmpf ogt, %reduce_max3A_1463, %gt3A_1465 : vector<256xf32>
      %jit3A_1467 = arith.constant 1.000000e+00 : f32
      %jit3A_1468 = arith.constant 0.000000e+00 : f32
      %broadcast_in_dim3A_1469 = vector.broadcast %jit3A_1467 : f32 to vector<256xf32>
      %broadcast_in_dim3A_1470 = vector.broadcast %jit3A_1468 : f32 to vector<256xf32>
      %select_n3A_1471 = arith.select %gt3A_1466, %broadcast_in_dim3A_1469, %broadcast_in_dim3A_1470 : vector<256xi1>, vector<256xf32>
      %max3A = arith.maximumf %while3A_1454, %select_n3A_1471 : vector<256xf32>
      scf.yield %max3A : vector<256xf32>
    }
    %swap3A_195 = arith.constant 0 : index
    %swap3A_196 = vector.load %arg14[%swap3A_195] : memref<10240xf32, #tpu.memory_space<vmem>>, vector<256xf32>
    tpu.vector_store %arg14[%swap3A_195], %while3A_194 {strides = array<i32>} : memref<10240xf32, #tpu.memory_space<vmem>>, vector<256xf32>,
    %get3A_197 = arith.constant 0 : index
    %get3A_198 = arith.constant 256 : index
    %get3A_199 = vector.load %arg13[%get3A_197, %get3A_198] : memref<48x10240xbf16, #tpu.memory_space<vmem>>, vector<48x256xbf16>
    %dot_general3A_200 = arith.constant dense<0.000000e+00> : vector<256x256xf32>
    %dot_general3A_201 = tpu.matmul %get3A_199, %get3A_199, %dot_general3A_200 {dimension_numbers = #tpu.dot_dimension_numbers<[0], [0], [1], [1], [0, 1, 1, 1], [], []>, transpose_lhs_hint = false} : vector<48x256xbf16>, vector<48x256xbf16>, vector<256x256xf32> -> vector<256x256xf32>
    %add3A_202 = arith.addf %dot_general3A_201, %select_n3A_168 : vector<256x256xf32>
    %reduce_max3A_203 = arith.constant dense<0xFF800000> : vector<256xf32>
    %reduce_max3A_204 = vector.multi_reduction <maximumf>, %add3A_202, %reduce_max3A_203 [1] : vector<256x256xf32> to vector<256xf32>
    %gt3A_205 = arith.constant 3.700000e+01 : f32
    %gt3A_206 = vector.broadcast %gt3A_205 : f32 to vector<256xf32>
    %gt3A_207 = arith.cmpf ogt, %reduce_max3A_204, %gt3A_206 : vector<256xf32>
    %jit3A_208 = arith.constant 1.000000e+00 : f32
    %jit3A_209 = arith.constant 0.000000e+00 : f32
    %broadcast_in_dim3A_210 = vector.broadcast %jit3A_208 : f32 to vector<256xf32>
    %broadcast_in_dim3A_211 = vector.broadcast %jit3A_209 : f32 to vector<256xf32>
    %select_n3A_212 = arith.select %gt3A_207, %broadcast_in_dim3A_210, %broadcast_in_dim3A_211 : vector<256xi1>, vector<256xf32>
    %get3A_213 = arith.constant 1 : index
    %get3A_214 = memref.load %arg0[%get3A_213] : memref<40xi32, #tpu.memory_space<smem>>
    %while3A_215 = arith.constant 1 : i32
    %while3A_216 = arith.subi %while3A_215, %get3A_214 : i32
    %while3A_217 = arith.addi %get3A_214, %while3A_216 : i32
    %while3A_218 = arith.constant 1 : i32
    %while3A_219 = arith.divsi %while3A_216, %while3A_218 : i32
    %while3A_220 = arith.muli %while3A_219, %while3A_218 : i32
    %while3A_221 = arith.addi %get3A_214, %while3A_220 : i32
    %while3A_222 = arith.constant 1 : i32
    %while3A_223 = scf.for %while3A_1453 = %get3A_214 to %while3A_221 step %while3A_222 iter_args(%while3A_1454 = %select_n3A_212) -> (vector<256xf32>)  : i32 {
      %mul3A_1455 = arith.constant 256 : i32
      %mul3A_1456 = arith.muli %while3A_1453, %mul3A_1455 : i32
      %get3A_1457 = arith.constant 0 : index
      %get3A_1458 = arith.index_cast %mul3A_1456 : i32 to index
      %get3A_1459 = vector.load %arg13[%get3A_1457, %get3A_1458] : memref<48x10240xbf16, #tpu.memory_space<vmem>>, vector<48x256xbf16>
      %dot_general3A_1460 = arith.constant dense<0.000000e+00> : vector<256x256xf32>
      %dot_general3A_1461 = tpu.matmul %get3A_199, %get3A_1459, %dot_general3A_1460 {dimension_numbers = #tpu.dot_dimension_numbers<[0], [0], [1], [1], [0, 1, 1, 1], [], []>, transpose_lhs_hint = false} : vector<48x256xbf16>, vector<48x256xbf16>, vector<256x256xf32> -> vector<256x256xf32>
      %reduce_max3A_1462 = arith.constant dense<0xFF800000> : vector<256xf32>
      %reduce_max3A_1463 = vector.multi_reduction <maximumf>, %dot_general3A_1461, %reduce_max3A_1462 [1] : vector<256x256xf32> to vector<256xf32>
      %gt3A_1464 = arith.constant 3.700000e+01 : f32
      %gt3A_1465 = vector.broadcast %gt3A_1464 : f32 to vector<256xf32>
      %gt3A_1466 = arith.cmpf ogt, %reduce_max3A_1463, %gt3A_1465 : vector<256xf32>
      %jit3A_1467 = arith.constant 1.000000e+00 : f32
      %jit3A_1468 = arith.constant 0.000000e+00 : f32
      %broadcast_in_dim3A_1469 = vector.broadcast %jit3A_1467 : f32 to vector<256xf32>
      %broadcast_in_dim3A_1470 = vector.broadcast %jit3A_1468 : f32 to vector<256xf32>
      %select_n3A_1471 = arith.select %gt3A_1466, %broadcast_in_dim3A_1469, %broadcast_in_dim3A_1470 : vector<256xi1>, vector<256xf32>
      %max3A = arith.maximumf %while3A_1454, %select_n3A_1471 : vector<256xf32>
      scf.yield %max3A : vector<256xf32>
    }
    %while3A_224 = arith.constant 1 : i32
    %while3A_225 = scf.for %while3A_1453 = %while3A_221 to %while3A_217 step %while3A_224 iter_args(%while3A_1454 = %while3A_223) -> (vector<256xf32>)  : i32 {
      %mul3A_1455 = arith.constant 256 : i32
      %mul3A_1456 = arith.muli %while3A_1453, %mul3A_1455 : i32
      %get3A_1457 = arith.constant 0 : index
      %get3A_1458 = arith.index_cast %mul3A_1456 : i32 to index
      %get3A_1459 = vector.load %arg13[%get3A_1457, %get3A_1458] : memref<48x10240xbf16, #tpu.memory_space<vmem>>, vector<48x256xbf16>
      %dot_general3A_1460 = arith.constant dense<0.000000e+00> : vector<256x256xf32>
      %dot_general3A_1461 = tpu.matmul %get3A_199, %get3A_1459, %dot_general3A_1460 {dimension_numbers = #tpu.dot_dimension_numbers<[0], [0], [1], [1], [0, 1, 1, 1], [], []>, transpose_lhs_hint = false} : vector<48x256xbf16>, vector<48x256xbf16>, vector<256x256xf32> -> vector<256x256xf32>
      %reduce_max3A_1462 = arith.constant dense<0xFF800000> : vector<256xf32>
      %reduce_max3A_1463 = vector.multi_reduction <maximumf>, %dot_general3A_1461, %reduce_max3A_1462 [1] : vector<256x256xf32> to vector<256xf32>
      %gt3A_1464 = arith.constant 3.700000e+01 : f32
      %gt3A_1465 = vector.broadcast %gt3A_1464 : f32 to vector<256xf32>
      %gt3A_1466 = arith.cmpf ogt, %reduce_max3A_1463, %gt3A_1465 : vector<256xf32>
      %jit3A_1467 = arith.constant 1.000000e+00 : f32
      %jit3A_1468 = arith.constant 0.000000e+00 : f32
      %broadcast_in_dim3A_1469 = vector.broadcast %jit3A_1467 : f32 to vector<256xf32>
      %broadcast_in_dim3A_1470 = vector.broadcast %jit3A_1468 : f32 to vector<256xf32>
      %select_n3A_1471 = arith.select %gt3A_1466, %broadcast_in_dim3A_1469, %broadcast_in_dim3A_1470 : vector<256xi1>, vector<256xf32>
      %max3A = arith.maximumf %while3A_1454, %select_n3A_1471 : vector<256xf32>
      scf.yield %max3A : vector<256xf32>
    }
    %swap3A_226 = arith.constant 256 : index
    %swap3A_227 = vector.load %arg14[%swap3A_226] : memref<10240xf32, #tpu.memory_space<vmem>>, vector<256xf32>
    tpu.vector_store %arg14[%swap3A_226], %while3A_225 {strides = array<i32>} : memref<10240xf32, #tpu.memory_space<vmem>>, vector<256xf32>,
    %get3A_228 = arith.constant 0 : index
    %get3A_229 = arith.constant 512 : index
    %get3A_230 = vector.load %arg13[%get3A_228, %get3A_229] : memref<48x10240xbf16, #tpu.memory_space<vmem>>, vector<48x256xbf16>
    %dot_general3A_231 = arith.constant dense<0.000000e+00> : vector<256x256xf32>
    %dot_general3A_232 = tpu.matmul %get3A_230, %get3A_230, %dot_general3A_231 {dimension_numbers = #tpu.dot_dimension_numbers<[0], [0], [1], [1], [0, 1, 1, 1], [], []>, transpose_lhs_hint = false} : vector<48x256xbf16>, vector<48x256xbf16>, vector<256x256xf32> -> vector<256x256xf32>
    %add3A_233 = arith.addf %dot_general3A_232, %select_n3A_168 : vector<256x256xf32>
    %reduce_max3A_234 = arith.constant dense<0xFF800000> : vector<256xf32>
    %reduce_max3A_235 = vector.multi_reduction <maximumf>, %add3A_233, %reduce_max3A_234 [1] : vector<256x256xf32> to vector<256xf32>
    %gt3A_236 = arith.constant 3.700000e+01 : f32
    %gt3A_237 = vector.broadcast %gt3A_236 : f32 to vector<256xf32>
    %gt3A_238 = arith.cmpf ogt, %reduce_max3A_235, %gt3A_237 : vector<256xf32>
    %jit3A_239 = arith.constant 1.000000e+00 : f32
    %jit3A_240 = arith.constant 0.000000e+00 : f32
    %broadcast_in_dim3A_241 = vector.broadcast %jit3A_239 : f32 to vector<256xf32>
    %broadcast_in_dim3A_242 = vector.broadcast %jit3A_240 : f32 to vector<256xf32>
    %select_n3A_243 = arith.select %gt3A_238, %broadcast_in_dim3A_241, %broadcast_in_dim3A_242 : vector<256xi1>, vector<256xf32>
    %get3A_244 = arith.constant 2 : index
    %get3A_245 = memref.load %arg0[%get3A_244] : memref<40xi32, #tpu.memory_space<smem>>
    %while3A_246 = arith.constant 2 : i32
    %while3A_247 = arith.subi %while3A_246, %get3A_245 : i32
    %while3A_248 = arith.addi %get3A_245, %while3A_247 : i32
    %while3A_249 = arith.constant 1 : i32
    %while3A_250 = arith.divsi %while3A_247, %while3A_249 : i32
    %while3A_251 = arith.muli %while3A_250, %while3A_249 : i32
    %while3A_252 = arith.addi %get3A_245, %while3A_251 : i32
    %while3A_253 = arith.constant 1 : i32
    %while3A_254 = scf.for %while3A_1453 = %get3A_245 to %while3A_252 step %while3A_253 iter_args(%while3A_1454 = %select_n3A_243) -> (vector<256xf32>)  : i32 {
      %mul3A_1455 = arith.constant 256 : i32
      %mul3A_1456 = arith.muli %while3A_1453, %mul3A_1455 : i32
      %get3A_1457 = arith.constant 0 : index
      %get3A_1458 = arith.index_cast %mul3A_1456 : i32 to index
      %get3A_1459 = vector.load %arg13[%get3A_1457, %get3A_1458] : memref<48x10240xbf16, #tpu.memory_space<vmem>>, vector<48x256xbf16>
      %dot_general3A_1460 = arith.constant dense<0.000000e+00> : vector<256x256xf32>
      %dot_general3A_1461 = tpu.matmul %get3A_230, %get3A_1459, %dot_general3A_1460 {dimension_numbers = #tpu.dot_dimension_numbers<[0], [0], [1], [1], [0, 1, 1, 1], [], []>, transpose_lhs_hint = false} : vector<48x256xbf16>, vector<48x256xbf16>, vector<256x256xf32> -> vector<256x256xf32>
      %reduce_max3A_1462 = arith.constant dense<0xFF800000> : vector<256xf32>
      %reduce_max3A_1463 = vector.multi_reduction <maximumf>, %dot_general3A_1461, %reduce_max3A_1462 [1] : vector<256x256xf32> to vector<256xf32>
      %gt3A_1464 = arith.constant 3.700000e+01 : f32
      %gt3A_1465 = vector.broadcast %gt3A_1464 : f32 to vector<256xf32>
      %gt3A_1466 = arith.cmpf ogt, %reduce_max3A_1463, %gt3A_1465 : vector<256xf32>
      %jit3A_1467 = arith.constant 1.000000e+00 : f32
      %jit3A_1468 = arith.constant 0.000000e+00 : f32
      %broadcast_in_dim3A_1469 = vector.broadcast %jit3A_1467 : f32 to vector<256xf32>
      %broadcast_in_dim3A_1470 = vector.broadcast %jit3A_1468 : f32 to vector<256xf32>
      %select_n3A_1471 = arith.select %gt3A_1466, %broadcast_in_dim3A_1469, %broadcast_in_dim3A_1470 : vector<256xi1>, vector<256xf32>
      %max3A = arith.maximumf %while3A_1454, %select_n3A_1471 : vector<256xf32>
      scf.yield %max3A : vector<256xf32>
    }
    %while3A_255 = arith.constant 1 : i32
    %while3A_256 = scf.for %while3A_1453 = %while3A_252 to %while3A_248 step %while3A_255 iter_args(%while3A_1454 = %while3A_254) -> (vector<256xf32>)  : i32 {
      %mul3A_1455 = arith.constant 256 : i32
      %mul3A_1456 = arith.muli %while3A_1453, %mul3A_1455 : i32
      %get3A_1457 = arith.constant 0 : index
      %get3A_1458 = arith.index_cast %mul3A_1456 : i32 to index
      %get3A_1459 = vector.load %arg13[%get3A_1457, %get3A_1458] : memref<48x10240xbf16, #tpu.memory_space<vmem>>, vector<48x256xbf16>
      %dot_general3A_1460 = arith.constant dense<0.000000e+00> : vector<256x256xf32>
      %dot_general3A_1461 = tpu.matmul %get3A_230, %get3A_1459, %dot_general3A_1460 {dimension_numbers = #tpu.dot_dimension_numbers<[0], [0], [1], [1], [0, 1, 1, 1], [], []>, transpose_lhs_hint = false} : vector<48x256xbf16>, vector<48x256xbf16>, vector<256x256xf32> -> vector<256x256xf32>
      %reduce_max3A_1462 = arith.constant dense<0xFF800000> : vector<256xf32>
      %reduce_max3A_1463 = vector.multi_reduction <maximumf>, %dot_general3A_1461, %reduce_max3A_1462 [1] : vector<256x256xf32> to vector<256xf32>
      %gt3A_1464 = arith.constant 3.700000e+01 : f32
      %gt3A_1465 = vector.broadcast %gt3A_1464 : f32 to vector<256xf32>
      %gt3A_1466 = arith.cmpf ogt, %reduce_max3A_1463, %gt3A_1465 : vector<256xf32>
      %jit3A_1467 = arith.constant 1.000000e+00 : f32
      %jit3A_1468 = arith.constant 0.000000e+00 : f32
      %broadcast_in_dim3A_1469 = vector.broadcast %jit3A_1467 : f32 to vector<256xf32>
      %broadcast_in_dim3A_1470 = vector.broadcast %jit3A_1468 : f32 to vector<256xf32>
      %select_n3A_1471 = arith.select %gt3A_1466, %broadcast_in_dim3A_1469, %broadcast_in_dim3A_1470 : vector<256xi1>, vector<256xf32>
      %max3A = arith.maximumf %while3A_1454, %select_n3A_1471 : vector<256xf32>
      scf.yield %max3A : vector<256xf32>
    }
    %swap3A_257 = arith.constant 512 : index
    %swap3A_258 = vector.load %arg14[%swap3A_257] : memref<10240xf32, #tpu.memory_space<vmem>>, vector<256xf32>
    tpu.vector_store %arg14[%swap3A_257], %while3A_256 {strides = array<i32>} : memref<10240xf32, #tpu.memory_space<vmem>>, vector<256xf32>,
    %get3A_259 = arith.constant 0 : index
    %get3A_260 = arith.constant 768 : index
    %get3A_261 = vector.load %arg13[%get3A_259, %get3A_260] : memref<48x10240xbf16, #tpu.memory_space<vmem>>, vector<48x256xbf16>
    %dot_general3A_262 = arith.constant dense<0.000000e+00> : vector<256x256xf32>
    %dot_general3A_263 = tpu.matmul %get3A_261, %get3A_261, %dot_general3A_262 {dimension_numbers = #tpu.dot_dimension_numbers<[0], [0], [1], [1], [0, 1, 1, 1], [], []>, transpose_lhs_hint = false} : vector<48x256xbf16>, vector<48x256xbf16>, vector<256x256xf32> -> vector<256x256xf32>
    %add3A_264 = arith.addf %dot_general3A_263, %select_n3A_168 : vector<256x256xf32>
    %reduce_max3A_265 = arith.constant dense<0xFF800000> : vector<256xf32>
    %reduce_max3A_266 = vector.multi_reduction <maximumf>, %add3A_264, %reduce_max3A_265 [1] : vector<256x256xf32> to vector<256xf32>
    %gt3A_267 = arith.constant 3.700000e+01 : f32
    %gt3A_268 = vector.broadcast %gt3A_267 : f32 to vector<256xf32>
    %gt3A_269 = arith.cmpf ogt, %reduce_max3A_266, %gt3A_268 : vector<256xf32>
    %jit3A_270 = arith.constant 1.000000e+00 : f32
    %jit3A_271 = arith.constant 0.000000e+00 : f32
    %broadcast_in_dim3A_272 = vector.broadcast %jit3A_270 : f32 to vector<256xf32>
    %broadcast_in_dim3A_273 = vector.broadcast %jit3A_271 : f32 to vector<256xf32>
    %select_n3A_274 = arith.select %gt3A_269, %broadcast_in_dim3A_272, %broadcast_in_dim3A_273 : vector<256xi1>, vector<256xf32>
    %get3A_275 = arith.constant 3 : index
    %get3A_276 = memref.load %arg0[%get3A_275] : memref<40xi32, #tpu.memory_space<smem>>
    %while3A_277 = arith.constant 3 : i32
    %while3A_278 = arith.subi %while3A_277, %get3A_276 : i32
    %while3A_279 = arith.addi %get3A_276, %while3A_278 : i32
    %while3A_280 = arith.constant 1 : i32
    %while3A_281 = arith.divsi %while3A_278, %while3A_280 : i32
    %while3A_282 = arith.muli %while3A_281, %while3A_280 : i32
    %while3A_283 = arith.addi %get3A_276, %while3A_282 : i32
    %while3A_284 = arith.constant 1 : i32
    %while3A_285 = scf.for %while3A_1453 = %get3A_276 to %while3A_283 step %while3A_284 iter_args(%while3A_1454 = %select_n3A_274) -> (vector<256xf32>)  : i32 {
      %mul3A_1455 = arith.constant 256 : i32
      %mul3A_1456 = arith.muli %while3A_1453, %mul3A_1455 : i32
      %get3A_1457 = arith.constant 0 : index
      %get3A_1458 = arith.index_cast %mul3A_1456 : i32 to index
      %get3A_1459 = vector.load %arg13[%get3A_1457, %get3A_1458] : memref<48x10240xbf16, #tpu.memory_space<vmem>>, vector<48x256xbf16>
      %dot_general3A_1460 = arith.constant dense<0.000000e+00> : vector<256x256xf32>
      %dot_general3A_1461 = tpu.matmul %get3A_261, %get3A_1459, %dot_general3A_1460 {dimension_numbers = #tpu.dot_dimension_numbers<[0], [0], [1], [1], [0, 1, 1, 1], [], []>, transpose_lhs_hint = false} : vector<48x256xbf16>, vector<48x256xbf16>, vector<256x256xf32> -> vector<256x256xf32>
      %reduce_max3A_1462 = arith.constant dense<0xFF800000> : vector<256xf32>
      %reduce_max3A_1463 = vector.multi_reduction <maximumf>, %dot_general3A_1461, %reduce_max3A_1462 [1] : vector<256x256xf32> to vector<256xf32>
      %gt3A_1464 = arith.constant 3.700000e+01 : f32
      %gt3A_1465 = vector.broadcast %gt3A_1464 : f32 to vector<256xf32>
      %gt3A_1466 = arith.cmpf ogt, %reduce_max3A_1463, %gt3A_1465 : vector<256xf32>
      %jit3A_1467 = arith.constant 1.000000e+00 : f32
      %jit3A_1468 = arith.constant 0.000000e+00 : f32
      %broadcast_in_dim3A_1469 = vector.broadcast %jit3A_1467 : f32 to vector<256xf32>
      %broadcast_in_dim3A_1470 = vector.broadcast %jit3A_1468 : f32 to vector<256xf32>
      %select_n3A_1471 = arith.select %gt3A_1466, %broadcast_in_dim3A_1469, %broadcast_in_dim3A_1470 : vector<256xi1>, vector<256xf32>
      %max3A = arith.maximumf %while3A_1454, %select_n3A_1471 : vector<256xf32>
      scf.yield %max3A : vector<256xf32>
    }
    %while3A_286 = arith.constant 1 : i32
    %while3A_287 = scf.for %while3A_1453 = %while3A_283 to %while3A_279 step %while3A_286 iter_args(%while3A_1454 = %while3A_285) -> (vector<256xf32>)  : i32 {
      %mul3A_1455 = arith.constant 256 : i32
      %mul3A_1456 = arith.muli %while3A_1453, %mul3A_1455 : i32
      %get3A_1457 = arith.constant 0 : index
      %get3A_1458 = arith.index_cast %mul3A_1456 : i32 to index
      %get3A_1459 = vector.load %arg13[%get3A_1457, %get3A_1458] : memref<48x10240xbf16, #tpu.memory_space<vmem>>, vector<48x256xbf16>
      %dot_general3A_1460 = arith.constant dense<0.000000e+00> : vector<256x256xf32>
      %dot_general3A_1461 = tpu.matmul %get3A_261, %get3A_1459, %dot_general3A_1460 {dimension_numbers = #tpu.dot_dimension_numbers<[0], [0], [1], [1], [0, 1, 1, 1], [], []>, transpose_lhs_hint = false} : vector<48x256xbf16>, vector<48x256xbf16>, vector<256x256xf32> -> vector<256x256xf32>
      %reduce_max3A_1462 = arith.constant dense<0xFF800000> : vector<256xf32>
      %reduce_max3A_1463 = vector.multi_reduction <maximumf>, %dot_general3A_1461, %reduce_max3A_1462 [1] : vector<256x256xf32> to vector<256xf32>
      %gt3A_1464 = arith.constant 3.700000e+01 : f32
      %gt3A_1465 = vector.broadcast %gt3A_1464 : f32 to vector<256xf32>
      %gt3A_1466 = arith.cmpf ogt, %reduce_max3A_1463, %gt3A_1465 : vector<256xf32>
      %jit3A_1467 = arith.constant 1.000000e+00 : f32
      %jit3A_1468 = arith.constant 0.000000e+00 : f32
      %broadcast_in_dim3A_1469 = vector.broadcast %jit3A_1467 : f32 to vector<256xf32>
      %broadcast_in_dim3A_1470 = vector.broadcast %jit3A_1468 : f32 to vector<256xf32>
      %select_n3A_1471 = arith.select %gt3A_1466, %broadcast_in_dim3A_1469, %broadcast_in_dim3A_1470 : vector<256xi1>, vector<256xf32>
      %max3A = arith.maximumf %while3A_1454, %select_n3A_1471 : vector<256xf32>
      scf.yield %max3A : vector<256xf32>
    }
    %swap3A_288 = arith.constant 768 : index
    %swap3A_289 = vector.load %arg14[%swap3A_288] : memref<10240xf32, #tpu.memory_space<vmem>>, vector<256xf32>
    tpu.vector_store %arg14[%swap3A_288], %while3A_287 {strides = array<i32>} : memref<10240xf32, #tpu.memory_space<vmem>>, vector<256xf32>,
    %get3A_290 = arith.constant 0 : index
    %get3A_291 = arith.constant 1024 : index
    %get3A_292 = vector.load %arg13[%get3A_290, %get3A_291] : memref<48x10240xbf16, #tpu.memory_space<vmem>>, vector<48x256xbf16>
    %dot_general3A_293 = arith.constant dense<0.000000e+00> : vector<256x256xf32>
    %dot_general3A_294 = tpu.matmul %get3A_292, %get3A_292, %dot_general3A_293 {dimension_numbers = #tpu.dot_dimension_numbers<[0], [0], [1], [1], [0, 1, 1, 1], [], []>, transpose_lhs_hint = false} : vector<48x256xbf16>, vector<48x256xbf16>, vector<256x256xf32> -> vector<256x256xf32>
    %add3A_295 = arith.addf %dot_general3A_294, %select_n3A_168 : vector<256x256xf32>
    %reduce_max3A_296 = arith.constant dense<0xFF800000> : vector<256xf32>
    %reduce_max3A_297 = vector.multi_reduction <maximumf>, %add3A_295, %reduce_max3A_296 [1] : vector<256x256xf32> to vector<256xf32>
    %gt3A_298 = arith.constant 3.700000e+01 : f32
    %gt3A_299 = vector.broadcast %gt3A_298 : f32 to vector<256xf32>
    %gt3A_300 = arith.cmpf ogt, %reduce_max3A_297, %gt3A_299 : vector<256xf32>
    %jit3A_301 = arith.constant 1.000000e+00 : f32
    %jit3A_302 = arith.constant 0.000000e+00 : f32
    %broadcast_in_dim3A_303 = vector.broadcast %jit3A_301 : f32 to vector<256xf32>
    %broadcast_in_dim3A_304 = vector.broadcast %jit3A_302 : f32 to vector<256xf32>
    %select_n3A_305 = arith.select %gt3A_300, %broadcast_in_dim3A_303, %broadcast_in_dim3A_304 : vector<256xi1>, vector<256xf32>
    %get3A_306 = arith.constant 4 : index
    %get3A_307 = memref.load %arg0[%get3A_306] : memref<40xi32, #tpu.memory_space<smem>>
    %while3A_308 = arith.constant 4 : i32
    %while3A_309 = arith.subi %while3A_308, %get3A_307 : i32
    %while3A_310 = arith.addi %get3A_307, %while3A_309 : i32
    %while3A_311 = arith.constant 1 : i32
    %while3A_312 = arith.divsi %while3A_309, %while3A_311 : i32
    %while3A_313 = arith.muli %while3A_312, %while3A_311 : i32
    %while3A_314 = arith.addi %get3A_307, %while3A_313 : i32
    %while3A_315 = arith.constant 1 : i32
    %while3A_316 = scf.for %while3A_1453 = %get3A_307 to %while3A_314 step %while3A_315 iter_args(%while3A_1454 = %select_n3A_305) -> (vector<256xf32>)  : i32 {
      %mul3A_1455 = arith.constant 256 : i32
      %mul3A_1456 = arith.muli %while3A_1453, %mul3A_1455 : i32
      %get3A_1457 = arith.constant 0 : index
      %get3A_1458 = arith.index_cast %mul3A_1456 : i32 to index
      %get3A_1459 = vector.load %arg13[%get3A_1457, %get3A_1458] : memref<48x10240xbf16, #tpu.memory_space<vmem>>, vector<48x256xbf16>
      %dot_general3A_1460 = arith.constant dense<0.000000e+00> : vector<256x256xf32>
      %dot_general3A_1461 = tpu.matmul %get3A_292, %get3A_1459, %dot_general3A_1460 {dimension_numbers = #tpu.dot_dimension_numbers<[0], [0], [1], [1], [0, 1, 1, 1], [], []>, transpose_lhs_hint = false} : vector<48x256xbf16>, vector<48x256xbf16>, vector<256x256xf32> -> vector<256x256xf32>
      %reduce_max3A_1462 = arith.constant dense<0xFF800000> : vector<256xf32>
      %reduce_max3A_1463 = vector.multi_reduction <maximumf>, %dot_general3A_1461, %reduce_max3A_1462 [1] : vector<256x256xf32> to vector<256xf32>
      %gt3A_1464 = arith.constant 3.700000e+01 : f32
      %gt3A_1465 = vector.broadcast %gt3A_1464 : f32 to vector<256xf32>
      %gt3A_1466 = arith.cmpf ogt, %reduce_max3A_1463, %gt3A_1465 : vector<256xf32>
      %jit3A_1467 = arith.constant 1.000000e+00 : f32
      %jit3A_1468 = arith.constant 0.000000e+00 : f32
      %broadcast_in_dim3A_1469 = vector.broadcast %jit3A_1467 : f32 to vector<256xf32>
      %broadcast_in_dim3A_1470 = vector.broadcast %jit3A_1468 : f32 to vector<256xf32>
      %select_n3A_1471 = arith.select %gt3A_1466, %broadcast_in_dim3A_1469, %broadcast_in_dim3A_1470 : vector<256xi1>, vector<256xf32>
      %max3A = arith.maximumf %while3A_1454, %select_n3A_1471 : vector<256xf32>
      scf.yield %max3A : vector<256xf32>
    }
    %while3A_317 = arith.constant 1 : i32
    %while3A_318 = scf.for %while3A_1453 = %while3A_314 to %while3A_310 step %while3A_317 iter_args(%while3A_1454 = %while3A_316) -> (vector<256xf32>)  : i32 {
      %mul3A_1455 = arith.constant 256 : i32
      %mul3A_1456 = arith.muli %while3A_1453, %mul3A_1455 : i32
      %get3A_1457 = arith.constant 0 : index
      %get3A_1458 = arith.index_cast %mul3A_1456 : i32 to index
      %get3A_1459 = vector.load %arg13[%get3A_1457, %get3A_1458] : memref<48x10240xbf16, #tpu.memory_space<vmem>>, vector<48x256xbf16>
      %dot_general3A_1460 = arith.constant dense<0.000000e+00> : vector<256x256xf32>
      %dot_general3A_1461 = tpu.matmul %get3A_292, %get3A_1459, %dot_general3A_1460 {dimension_numbers = #tpu.dot_dimension_numbers<[0], [0], [1], [1], [0, 1, 1, 1], [], []>, transpose_lhs_hint = false} : vector<48x256xbf16>, vector<48x256xbf16>, vector<256x256xf32> -> vector<256x256xf32>
      %reduce_max3A_1462 = arith.constant dense<0xFF800000> : vector<256xf32>
      %reduce_max3A_1463 = vector.multi_reduction <maximumf>, %dot_general3A_1461, %reduce_max3A_1462 [1] : vector<256x256xf32> to vector<256xf32>
      %gt3A_1464 = arith.constant 3.700000e+01 : f32
      %gt3A_1465 = vector.broadcast %gt3A_1464 : f32 to vector<256xf32>
      %gt3A_1466 = arith.cmpf ogt, %reduce_max3A_1463, %gt3A_1465 : vector<256xf32>
      %jit3A_1467 = arith.constant 1.000000e+00 : f32
      %jit3A_1468 = arith.constant 0.000000e+00 : f32
      %broadcast_in_dim3A_1469 = vector.broadcast %jit3A_1467 : f32 to vector<256xf32>
      %broadcast_in_dim3A_1470 = vector.broadcast %jit3A_1468 : f32 to vector<256xf32>
      %select_n3A_1471 = arith.select %gt3A_1466, %broadcast_in_dim3A_1469, %broadcast_in_dim3A_1470 : vector<256xi1>, vector<256xf32>
      %max3A = arith.maximumf %while3A_1454, %select_n3A_1471 : vector<256xf32>
      scf.yield %max3A : vector<256xf32>
    }
    %swap3A_319 = arith.constant 1024 : index
    %swap3A_320 = vector.load %arg14[%swap3A_319] : memref<10240xf32, #tpu.memory_space<vmem>>, vector<256xf32>
    tpu.vector_store %arg14[%swap3A_319], %while3A_318 {strides = array<i32>} : memref<10240xf32, #tpu.memory_space<vmem>>, vector<256xf32>,
    %get3A_321 = arith.constant 0 : index
    %get3A_322 = arith.constant 1280 : index
    %get3A_323 = vector.load %arg13[%get3A_321, %get3A_322] : memref<48x10240xbf16, #tpu.memory_space<vmem>>, vector<48x256xbf16>
    %dot_general3A_324 = arith.constant dense<0.000000e+00> : vector<256x256xf32>
    %dot_general3A_325 = tpu.matmul %get3A_323, %get3A_323, %dot_general3A_324 {dimension_numbers = #tpu.dot_dimension_numbers<[0], [0], [1], [1], [0, 1, 1, 1], [], []>, transpose_lhs_hint = false} : vector<48x256xbf16>, vector<48x256xbf16>, vector<256x256xf32> -> vector<256x256xf32>
    %add3A_326 = arith.addf %dot_general3A_325, %select_n3A_168 : vector<256x256xf32>
    %reduce_max3A_327 = arith.constant dense<0xFF800000> : vector<256xf32>
    %reduce_max3A_328 = vector.multi_reduction <maximumf>, %add3A_326, %reduce_max3A_327 [1] : vector<256x256xf32> to vector<256xf32>
    %gt3A_329 = arith.constant 3.700000e+01 : f32
    %gt3A_330 = vector.broadcast %gt3A_329 : f32 to vector<256xf32>
    %gt3A_331 = arith.cmpf ogt, %reduce_max3A_328, %gt3A_330 : vector<256xf32>
    %jit3A_332 = arith.constant 1.000000e+00 : f32
    %jit3A_333 = arith.constant 0.000000e+00 : f32
    %broadcast_in_dim3A_334 = vector.broadcast %jit3A_332 : f32 to vector<256xf32>
    %broadcast_in_dim3A_335 = vector.broadcast %jit3A_333 : f32 to vector<256xf32>
    %select_n3A_336 = arith.select %gt3A_331, %broadcast_in_dim3A_334, %broadcast_in_dim3A_335 : vector<256xi1>, vector<256xf32>
    %get3A_337 = arith.constant 5 : index
    %get3A_338 = memref.load %arg0[%get3A_337] : memref<40xi32, #tpu.memory_space<smem>>
    %while3A_339 = arith.constant 5 : i32
    %while3A_340 = arith.subi %while3A_339, %get3A_338 : i32
    %while3A_341 = arith.addi %get3A_338, %while3A_340 : i32
    %while3A_342 = arith.constant 1 : i32
    %while3A_343 = arith.divsi %while3A_340, %while3A_342 : i32
    %while3A_344 = arith.muli %while3A_343, %while3A_342 : i32
    %while3A_345 = arith.addi %get3A_338, %while3A_344 : i32
    %while3A_346 = arith.constant 1 : i32
    %while3A_347 = scf.for %while3A_1453 = %get3A_338 to %while3A_345 step %while3A_346 iter_args(%while3A_1454 = %select_n3A_336) -> (vector<256xf32>)  : i32 {
      %mul3A_1455 = arith.constant 256 : i32
      %mul3A_1456 = arith.muli %while3A_1453, %mul3A_1455 : i32
      %get3A_1457 = arith.constant 0 : index
      %get3A_1458 = arith.index_cast %mul3A_1456 : i32 to index
      %get3A_1459 = vector.load %arg13[%get3A_1457, %get3A_1458] : memref<48x10240xbf16, #tpu.memory_space<vmem>>, vector<48x256xbf16>
      %dot_general3A_1460 = arith.constant dense<0.000000e+00> : vector<256x256xf32>
      %dot_general3A_1461 = tpu.matmul %get3A_323, %get3A_1459, %dot_general3A_1460 {dimension_numbers = #tpu.dot_dimension_numbers<[0], [0], [1], [1], [0, 1, 1, 1], [], []>, transpose_lhs_hint = false} : vector<48x256xbf16>, vector<48x256xbf16>, vector<256x256xf32> -> vector<256x256xf32>
      %reduce_max3A_1462 = arith.constant dense<0xFF800000> : vector<256xf32>
      %reduce_max3A_1463 = vector.multi_reduction <maximumf>, %dot_general3A_1461, %reduce_max3A_1462 [1] : vector<256x256xf32> to vector<256xf32>
      %gt3A_1464 = arith.constant 3.700000e+01 : f32
      %gt3A_1465 = vector.broadcast %gt3A_1464 : f32 to vector<256xf32>
      %gt3A_1466 = arith.cmpf ogt, %reduce_max3A_1463, %gt3A_1465 : vector<256xf32>
      %jit3A_1467 = arith.constant 1.000000e+00 : f32
      %jit3A_1468 = arith.constant 0.000000e+00 : f32
      %broadcast_in_dim3A_1469 = vector.broadcast %jit3A_1467 : f32 to vector<256xf32>
      %broadcast_in_dim3A_1470 = vector.broadcast %jit3A_1468 : f32 to vector<256xf32>
      %select_n3A_1471 = arith.select %gt3A_1466, %broadcast_in_dim3A_1469, %broadcast_in_dim3A_1470 : vector<256xi1>, vector<256xf32>
      %max3A = arith.maximumf %while3A_1454, %select_n3A_1471 : vector<256xf32>
      scf.yield %max3A : vector<256xf32>
    }
    %while3A_348 = arith.constant 1 : i32
    %while3A_349 = scf.for %while3A_1453 = %while3A_345 to %while3A_341 step %while3A_348 iter_args(%while3A_1454 = %while3A_347) -> (vector<256xf32>)  : i32 {
      %mul3A_1455 = arith.constant 256 : i32
      %mul3A_1456 = arith.muli %while3A_1453, %mul3A_1455 : i32
      %get3A_1457 = arith.constant 0 : index
      %get3A_1458 = arith.index_cast %mul3A_1456 : i32 to index
      %get3A_1459 = vector.load %arg13[%get3A_1457, %get3A_1458] : memref<48x10240xbf16, #tpu.memory_space<vmem>>, vector<48x256xbf16>
      %dot_general3A_1460 = arith.constant dense<0.000000e+00> : vector<256x256xf32>
      %dot_general3A_1461 = tpu.matmul %get3A_323, %get3A_1459, %dot_general3A_1460 {dimension_numbers = #tpu.dot_dimension_numbers<[0], [0], [1], [1], [0, 1, 1, 1], [], []>, transpose_lhs_hint = false} : vector<48x256xbf16>, vector<48x256xbf16>, vector<256x256xf32> -> vector<256x256xf32>
      %reduce_max3A_1462 = arith.constant dense<0xFF800000> : vector<256xf32>
      %reduce_max3A_1463 = vector.multi_reduction <maximumf>, %dot_general3A_1461, %reduce_max3A_1462 [1] : vector<256x256xf32> to vector<256xf32>
      %gt3A_1464 = arith.constant 3.700000e+01 : f32
      %gt3A_1465 = vector.broadcast %gt3A_1464 : f32 to vector<256xf32>
      %gt3A_1466 = arith.cmpf ogt, %reduce_max3A_1463, %gt3A_1465 : vector<256xf32>
      %jit3A_1467 = arith.constant 1.000000e+00 : f32
      %jit3A_1468 = arith.constant 0.000000e+00 : f32
      %broadcast_in_dim3A_1469 = vector.broadcast %jit3A_1467 : f32 to vector<256xf32>
      %broadcast_in_dim3A_1470 = vector.broadcast %jit3A_1468 : f32 to vector<256xf32>
      %select_n3A_1471 = arith.select %gt3A_1466, %broadcast_in_dim3A_1469, %broadcast_in_dim3A_1470 : vector<256xi1>, vector<256xf32>
      %max3A = arith.maximumf %while3A_1454, %select_n3A_1471 : vector<256xf32>
      scf.yield %max3A : vector<256xf32>
    }
    %swap3A_350 = arith.constant 1280 : index
    %swap3A_351 = vector.load %arg14[%swap3A_350] : memref<10240xf32, #tpu.memory_space<vmem>>, vector<256xf32>
    tpu.vector_store %arg14[%swap3A_350], %while3A_349 {strides = array<i32>} : memref<10240xf32, #tpu.memory_space<vmem>>, vector<256xf32>,
    %get3A_352 = arith.constant 0 : index
    %get3A_353 = arith.constant 1536 : index
    %get3A_354 = vector.load %arg13[%get3A_352, %get3A_353] : memref<48x10240xbf16, #tpu.memory_space<vmem>>, vector<48x256xbf16>
    %dot_general3A_355 = arith.constant dense<0.000000e+00> : vector<256x256xf32>
    %dot_general3A_356 = tpu.matmul %get3A_354, %get3A_354, %dot_general3A_355 {dimension_numbers = #tpu.dot_dimension_numbers<[0], [0], [1], [1], [0, 1, 1, 1], [], []>, transpose_lhs_hint = false} : vector<48x256xbf16>, vector<48x256xbf16>, vector<256x256xf32> -> vector<256x256xf32>
    %add3A_357 = arith.addf %dot_general3A_356, %select_n3A_168 : vector<256x256xf32>
    %reduce_max3A_358 = arith.constant dense<0xFF800000> : vector<256xf32>
    %reduce_max3A_359 = vector.multi_reduction <maximumf>, %add3A_357, %reduce_max3A_358 [1] : vector<256x256xf32> to vector<256xf32>
    %gt3A_360 = arith.constant 3.700000e+01 : f32
    %gt3A_361 = vector.broadcast %gt3A_360 : f32 to vector<256xf32>
    %gt3A_362 = arith.cmpf ogt, %reduce_max3A_359, %gt3A_361 : vector<256xf32>
    %jit3A_363 = arith.constant 1.000000e+00 : f32
    %jit3A_364 = arith.constant 0.000000e+00 : f32
    %broadcast_in_dim3A_365 = vector.broadcast %jit3A_363 : f32 to vector<256xf32>
    %broadcast_in_dim3A_366 = vector.broadcast %jit3A_364 : f32 to vector<256xf32>
    %select_n3A_367 = arith.select %gt3A_362, %broadcast_in_dim3A_365, %broadcast_in_dim3A_366 : vector<256xi1>, vector<256xf32>
    %get3A_368 = arith.constant 6 : index
    %get3A_369 = memref.load %arg0[%get3A_368] : memref<40xi32, #tpu.memory_space<smem>>
    %while3A_370 = arith.constant 6 : i32
    %while3A_371 = arith.subi %while3A_370, %get3A_369 : i32
    %while3A_372 = arith.addi %get3A_369, %while3A_371 : i32
    %while3A_373 = arith.constant 1 : i32
    %while3A_374 = arith.divsi %while3A_371, %while3A_373 : i32
    %while3A_375 = arith.muli %while3A_374, %while3A_373 : i32
    %while3A_376 = arith.addi %get3A_369, %while3A_375 : i32
    %while3A_377 = arith.constant 1 : i32
    %while3A_378 = scf.for %while3A_1453 = %get3A_369 to %while3A_376 step %while3A_377 iter_args(%while3A_1454 = %select_n3A_367) -> (vector<256xf32>)  : i32 {
      %mul3A_1455 = arith.constant 256 : i32
      %mul3A_1456 = arith.muli %while3A_1453, %mul3A_1455 : i32
      %get3A_1457 = arith.constant 0 : index
      %get3A_1458 = arith.index_cast %mul3A_1456 : i32 to index
      %get3A_1459 = vector.load %arg13[%get3A_1457, %get3A_1458] : memref<48x10240xbf16, #tpu.memory_space<vmem>>, vector<48x256xbf16>
      %dot_general3A_1460 = arith.constant dense<0.000000e+00> : vector<256x256xf32>
      %dot_general3A_1461 = tpu.matmul %get3A_354, %get3A_1459, %dot_general3A_1460 {dimension_numbers = #tpu.dot_dimension_numbers<[0], [0], [1], [1], [0, 1, 1, 1], [], []>, transpose_lhs_hint = false} : vector<48x256xbf16>, vector<48x256xbf16>, vector<256x256xf32> -> vector<256x256xf32>
      %reduce_max3A_1462 = arith.constant dense<0xFF800000> : vector<256xf32>
      %reduce_max3A_1463 = vector.multi_reduction <maximumf>, %dot_general3A_1461, %reduce_max3A_1462 [1] : vector<256x256xf32> to vector<256xf32>
      %gt3A_1464 = arith.constant 3.700000e+01 : f32
      %gt3A_1465 = vector.broadcast %gt3A_1464 : f32 to vector<256xf32>
      %gt3A_1466 = arith.cmpf ogt, %reduce_max3A_1463, %gt3A_1465 : vector<256xf32>
      %jit3A_1467 = arith.constant 1.000000e+00 : f32
      %jit3A_1468 = arith.constant 0.000000e+00 : f32
      %broadcast_in_dim3A_1469 = vector.broadcast %jit3A_1467 : f32 to vector<256xf32>
      %broadcast_in_dim3A_1470 = vector.broadcast %jit3A_1468 : f32 to vector<256xf32>
      %select_n3A_1471 = arith.select %gt3A_1466, %broadcast_in_dim3A_1469, %broadcast_in_dim3A_1470 : vector<256xi1>, vector<256xf32>
      %max3A = arith.maximumf %while3A_1454, %select_n3A_1471 : vector<256xf32>
      scf.yield %max3A : vector<256xf32>
    }
    %while3A_379 = arith.constant 1 : i32
    %while3A_380 = scf.for %while3A_1453 = %while3A_376 to %while3A_372 step %while3A_379 iter_args(%while3A_1454 = %while3A_378) -> (vector<256xf32>)  : i32 {
      %mul3A_1455 = arith.constant 256 : i32
      %mul3A_1456 = arith.muli %while3A_1453, %mul3A_1455 : i32
      %get3A_1457 = arith.constant 0 : index
      %get3A_1458 = arith.index_cast %mul3A_1456 : i32 to index
      %get3A_1459 = vector.load %arg13[%get3A_1457, %get3A_1458] : memref<48x10240xbf16, #tpu.memory_space<vmem>>, vector<48x256xbf16>
      %dot_general3A_1460 = arith.constant dense<0.000000e+00> : vector<256x256xf32>
      %dot_general3A_1461 = tpu.matmul %get3A_354, %get3A_1459, %dot_general3A_1460 {dimension_numbers = #tpu.dot_dimension_numbers<[0], [0], [1], [1], [0, 1, 1, 1], [], []>, transpose_lhs_hint = false} : vector<48x256xbf16>, vector<48x256xbf16>, vector<256x256xf32> -> vector<256x256xf32>
      %reduce_max3A_1462 = arith.constant dense<0xFF800000> : vector<256xf32>
      %reduce_max3A_1463 = vector.multi_reduction <maximumf>, %dot_general3A_1461, %reduce_max3A_1462 [1] : vector<256x256xf32> to vector<256xf32>
      %gt3A_1464 = arith.constant 3.700000e+01 : f32
      %gt3A_1465 = vector.broadcast %gt3A_1464 : f32 to vector<256xf32>
      %gt3A_1466 = arith.cmpf ogt, %reduce_max3A_1463, %gt3A_1465 : vector<256xf32>
      %jit3A_1467 = arith.constant 1.000000e+00 : f32
      %jit3A_1468 = arith.constant 0.000000e+00 : f32
      %broadcast_in_dim3A_1469 = vector.broadcast %jit3A_1467 : f32 to vector<256xf32>
      %broadcast_in_dim3A_1470 = vector.broadcast %jit3A_1468 : f32 to vector<256xf32>
      %select_n3A_1471 = arith.select %gt3A_1466, %broadcast_in_dim3A_1469, %broadcast_in_dim3A_1470 : vector<256xi1>, vector<256xf32>
      %max3A = arith.maximumf %while3A_1454, %select_n3A_1471 : vector<256xf32>
      scf.yield %max3A : vector<256xf32>
    }
    %swap3A_381 = arith.constant 1536 : index
    %swap3A_382 = vector.load %arg14[%swap3A_381] : memref<10240xf32, #tpu.memory_space<vmem>>, vector<256xf32>
    tpu.vector_store %arg14[%swap3A_381], %while3A_380 {strides = array<i32>} : memref<10240xf32, #tpu.memory_space<vmem>>, vector<256xf32>,
    %get3A_383 = arith.constant 0 : index
    %get3A_384 = arith.constant 1792 : index
    %get3A_385 = vector.load %arg13[%get3A_383, %get3A_384] : memref<48x10240xbf16, #tpu.memory_space<vmem>>, vector<48x256xbf16>
    %dot_general3A_386 = arith.constant dense<0.000000e+00> : vector<256x256xf32>
    %dot_general3A_387 = tpu.matmul %get3A_385, %get3A_385, %dot_general3A_386 {dimension_numbers = #tpu.dot_dimension_numbers<[0], [0], [1], [1], [0, 1, 1, 1], [], []>, transpose_lhs_hint = false} : vector<48x256xbf16>, vector<48x256xbf16>, vector<256x256xf32> -> vector<256x256xf32>
    %add3A_388 = arith.addf %dot_general3A_387, %select_n3A_168 : vector<256x256xf32>
    %reduce_max3A_389 = arith.constant dense<0xFF800000> : vector<256xf32>
    %reduce_max3A_390 = vector.multi_reduction <maximumf>, %add3A_388, %reduce_max3A_389 [1] : vector<256x256xf32> to vector<256xf32>
    %gt3A_391 = arith.constant 3.700000e+01 : f32
    %gt3A_392 = vector.broadcast %gt3A_391 : f32 to vector<256xf32>
    %gt3A_393 = arith.cmpf ogt, %reduce_max3A_390, %gt3A_392 : vector<256xf32>
    %jit3A_394 = arith.constant 1.000000e+00 : f32
    %jit3A_395 = arith.constant 0.000000e+00 : f32
    %broadcast_in_dim3A_396 = vector.broadcast %jit3A_394 : f32 to vector<256xf32>
    %broadcast_in_dim3A_397 = vector.broadcast %jit3A_395 : f32 to vector<256xf32>
    %select_n3A_398 = arith.select %gt3A_393, %broadcast_in_dim3A_396, %broadcast_in_dim3A_397 : vector<256xi1>, vector<256xf32>
    %get3A_399 = arith.constant 7 : index
    %get3A_400 = memref.load %arg0[%get3A_399] : memref<40xi32, #tpu.memory_space<smem>>
    %while3A_401 = arith.constant 7 : i32
    %while3A_402 = arith.subi %while3A_401, %get3A_400 : i32
    %while3A_403 = arith.addi %get3A_400, %while3A_402 : i32
    %while3A_404 = arith.constant 1 : i32
    %while3A_405 = arith.divsi %while3A_402, %while3A_404 : i32
    %while3A_406 = arith.muli %while3A_405, %while3A_404 : i32
    %while3A_407 = arith.addi %get3A_400, %while3A_406 : i32
    %while3A_408 = arith.constant 1 : i32
    %while3A_409 = scf.for %while3A_1453 = %get3A_400 to %while3A_407 step %while3A_408 iter_args(%while3A_1454 = %select_n3A_398) -> (vector<256xf32>)  : i32 {
      %mul3A_1455 = arith.constant 256 : i32
      %mul3A_1456 = arith.muli %while3A_1453, %mul3A_1455 : i32
      %get3A_1457 = arith.constant 0 : index
      %get3A_1458 = arith.index_cast %mul3A_1456 : i32 to index
      %get3A_1459 = vector.load %arg13[%get3A_1457, %get3A_1458] : memref<48x10240xbf16, #tpu.memory_space<vmem>>, vector<48x256xbf16>
      %dot_general3A_1460 = arith.constant dense<0.000000e+00> : vector<256x256xf32>
      %dot_general3A_1461 = tpu.matmul %get3A_385, %get3A_1459, %dot_general3A_1460 {dimension_numbers = #tpu.dot_dimension_numbers<[0], [0], [1], [1], [0, 1, 1, 1], [], []>, transpose_lhs_hint = false} : vector<48x256xbf16>, vector<48x256xbf16>, vector<256x256xf32> -> vector<256x256xf32>
      %reduce_max3A_1462 = arith.constant dense<0xFF800000> : vector<256xf32>
      %reduce_max3A_1463 = vector.multi_reduction <maximumf>, %dot_general3A_1461, %reduce_max3A_1462 [1] : vector<256x256xf32> to vector<256xf32>
      %gt3A_1464 = arith.constant 3.700000e+01 : f32
      %gt3A_1465 = vector.broadcast %gt3A_1464 : f32 to vector<256xf32>
      %gt3A_1466 = arith.cmpf ogt, %reduce_max3A_1463, %gt3A_1465 : vector<256xf32>
      %jit3A_1467 = arith.constant 1.000000e+00 : f32
      %jit3A_1468 = arith.constant 0.000000e+00 : f32
      %broadcast_in_dim3A_1469 = vector.broadcast %jit3A_1467 : f32 to vector<256xf32>
      %broadcast_in_dim3A_1470 = vector.broadcast %jit3A_1468 : f32 to vector<256xf32>
      %select_n3A_1471 = arith.select %gt3A_1466, %broadcast_in_dim3A_1469, %broadcast_in_dim3A_1470 : vector<256xi1>, vector<256xf32>
      %max3A = arith.maximumf %while3A_1454, %select_n3A_1471 : vector<256xf32>
      scf.yield %max3A : vector<256xf32>
    }
    %while3A_410 = arith.constant 1 : i32
    %while3A_411 = scf.for %while3A_1453 = %while3A_407 to %while3A_403 step %while3A_410 iter_args(%while3A_1454 = %while3A_409) -> (vector<256xf32>)  : i32 {
      %mul3A_1455 = arith.constant 256 : i32
      %mul3A_1456 = arith.muli %while3A_1453, %mul3A_1455 : i32
      %get3A_1457 = arith.constant 0 : index
      %get3A_1458 = arith.index_cast %mul3A_1456 : i32 to index
      %get3A_1459 = vector.load %arg13[%get3A_1457, %get3A_1458] : memref<48x10240xbf16, #tpu.memory_space<vmem>>, vector<48x256xbf16>
      %dot_general3A_1460 = arith.constant dense<0.000000e+00> : vector<256x256xf32>
      %dot_general3A_1461 = tpu.matmul %get3A_385, %get3A_1459, %dot_general3A_1460 {dimension_numbers = #tpu.dot_dimension_numbers<[0], [0], [1], [1], [0, 1, 1, 1], [], []>, transpose_lhs_hint = false} : vector<48x256xbf16>, vector<48x256xbf16>, vector<256x256xf32> -> vector<256x256xf32>
      %reduce_max3A_1462 = arith.constant dense<0xFF800000> : vector<256xf32>
      %reduce_max3A_1463 = vector.multi_reduction <maximumf>, %dot_general3A_1461, %reduce_max3A_1462 [1] : vector<256x256xf32> to vector<256xf32>
      %gt3A_1464 = arith.constant 3.700000e+01 : f32
      %gt3A_1465 = vector.broadcast %gt3A_1464 : f32 to vector<256xf32>
      %gt3A_1466 = arith.cmpf ogt, %reduce_max3A_1463, %gt3A_1465 : vector<256xf32>
      %jit3A_1467 = arith.constant 1.000000e+00 : f32
      %jit3A_1468 = arith.constant 0.000000e+00 : f32
      %broadcast_in_dim3A_1469 = vector.broadcast %jit3A_1467 : f32 to vector<256xf32>
      %broadcast_in_dim3A_1470 = vector.broadcast %jit3A_1468 : f32 to vector<256xf32>
      %select_n3A_1471 = arith.select %gt3A_1466, %broadcast_in_dim3A_1469, %broadcast_in_dim3A_1470 : vector<256xi1>, vector<256xf32>
      %max3A = arith.maximumf %while3A_1454, %select_n3A_1471 : vector<256xf32>
      scf.yield %max3A : vector<256xf32>
    }
    %swap3A_412 = arith.constant 1792 : index
    %swap3A_413 = vector.load %arg14[%swap3A_412] : memref<10240xf32, #tpu.memory_space<vmem>>, vector<256xf32>
    tpu.vector_store %arg14[%swap3A_412], %while3A_411 {strides = array<i32>} : memref<10240xf32, #tpu.memory_space<vmem>>, vector<256xf32>,
    %get3A_414 = arith.constant 0 : index
    %get3A_415 = arith.constant 2048 : index
    %get3A_416 = vector.load %arg13[%get3A_414, %get3A_415] : memref<48x10240xbf16, #tpu.memory_space<vmem>>, vector<48x256xbf16>
    %dot_general3A_417 = arith.constant dense<0.000000e+00> : vector<256x256xf32>
    %dot_general3A_418 = tpu.matmul %get3A_416, %get3A_416, %dot_general3A_417 {dimension_numbers = #tpu.dot_dimension_numbers<[0], [0], [1], [1], [0, 1, 1, 1], [], []>, transpose_lhs_hint = false} : vector<48x256xbf16>, vector<48x256xbf16>, vector<256x256xf32> -> vector<256x256xf32>
    %add3A_419 = arith.addf %dot_general3A_418, %select_n3A_168 : vector<256x256xf32>
    %reduce_max3A_420 = arith.constant dense<0xFF800000> : vector<256xf32>
    %reduce_max3A_421 = vector.multi_reduction <maximumf>, %add3A_419, %reduce_max3A_420 [1] : vector<256x256xf32> to vector<256xf32>
    %gt3A_422 = arith.constant 3.700000e+01 : f32
    %gt3A_423 = vector.broadcast %gt3A_422 : f32 to vector<256xf32>
    %gt3A_424 = arith.cmpf ogt, %reduce_max3A_421, %gt3A_423 : vector<256xf32>
    %jit3A_425 = arith.constant 1.000000e+00 : f32
    %jit3A_426 = arith.constant 0.000000e+00 : f32
    %broadcast_in_dim3A_427 = vector.broadcast %jit3A_425 : f32 to vector<256xf32>
    %broadcast_in_dim3A_428 = vector.broadcast %jit3A_426 : f32 to vector<256xf32>
    %select_n3A_429 = arith.select %gt3A_424, %broadcast_in_dim3A_427, %broadcast_in_dim3A_428 : vector<256xi1>, vector<256xf32>
    %get3A_430 = arith.constant 8 : index
    %get3A_431 = memref.load %arg0[%get3A_430] : memref<40xi32, #tpu.memory_space<smem>>
    %while3A_432 = arith.constant 8 : i32
    %while3A_433 = arith.subi %while3A_432, %get3A_431 : i32
    %while3A_434 = arith.addi %get3A_431, %while3A_433 : i32
    %while3A_435 = arith.constant 1 : i32
    %while3A_436 = arith.divsi %while3A_433, %while3A_435 : i32
    %while3A_437 = arith.muli %while3A_436, %while3A_435 : i32
    %while3A_438 = arith.addi %get3A_431, %while3A_437 : i32
    %while3A_439 = arith.constant 1 : i32
    %while3A_440 = scf.for %while3A_1453 = %get3A_431 to %while3A_438 step %while3A_439 iter_args(%while3A_1454 = %select_n3A_429) -> (vector<256xf32>)  : i32 {
      %mul3A_1455 = arith.constant 256 : i32
      %mul3A_1456 = arith.muli %while3A_1453, %mul3A_1455 : i32
      %get3A_1457 = arith.constant 0 : index
      %get3A_1458 = arith.index_cast %mul3A_1456 : i32 to index
      %get3A_1459 = vector.load %arg13[%get3A_1457, %get3A_1458] : memref<48x10240xbf16, #tpu.memory_space<vmem>>, vector<48x256xbf16>
      %dot_general3A_1460 = arith.constant dense<0.000000e+00> : vector<256x256xf32>
      %dot_general3A_1461 = tpu.matmul %get3A_416, %get3A_1459, %dot_general3A_1460 {dimension_numbers = #tpu.dot_dimension_numbers<[0], [0], [1], [1], [0, 1, 1, 1], [], []>, transpose_lhs_hint = false} : vector<48x256xbf16>, vector<48x256xbf16>, vector<256x256xf32> -> vector<256x256xf32>
      %reduce_max3A_1462 = arith.constant dense<0xFF800000> : vector<256xf32>
      %reduce_max3A_1463 = vector.multi_reduction <maximumf>, %dot_general3A_1461, %reduce_max3A_1462 [1] : vector<256x256xf32> to vector<256xf32>
      %gt3A_1464 = arith.constant 3.700000e+01 : f32
      %gt3A_1465 = vector.broadcast %gt3A_1464 : f32 to vector<256xf32>
      %gt3A_1466 = arith.cmpf ogt, %reduce_max3A_1463, %gt3A_1465 : vector<256xf32>
      %jit3A_1467 = arith.constant 1.000000e+00 : f32
      %jit3A_1468 = arith.constant 0.000000e+00 : f32
      %broadcast_in_dim3A_1469 = vector.broadcast %jit3A_1467 : f32 to vector<256xf32>
      %broadcast_in_dim3A_1470 = vector.broadcast %jit3A_1468 : f32 to vector<256xf32>
      %select_n3A_1471 = arith.select %gt3A_1466, %broadcast_in_dim3A_1469, %broadcast_in_dim3A_1470 : vector<256xi1>, vector<256xf32>
      %max3A = arith.maximumf %while3A_1454, %select_n3A_1471 : vector<256xf32>
      scf.yield %max3A : vector<256xf32>
    }
    %while3A_441 = arith.constant 1 : i32
    %while3A_442 = scf.for %while3A_1453 = %while3A_438 to %while3A_434 step %while3A_441 iter_args(%while3A_1454 = %while3A_440) -> (vector<256xf32>)  : i32 {
      %mul3A_1455 = arith.constant 256 : i32
      %mul3A_1456 = arith.muli %while3A_1453, %mul3A_1455 : i32
      %get3A_1457 = arith.constant 0 : index
      %get3A_1458 = arith.index_cast %mul3A_1456 : i32 to index
      %get3A_1459 = vector.load %arg13[%get3A_1457, %get3A_1458] : memref<48x10240xbf16, #tpu.memory_space<vmem>>, vector<48x256xbf16>
      %dot_general3A_1460 = arith.constant dense<0.000000e+00> : vector<256x256xf32>
      %dot_general3A_1461 = tpu.matmul %get3A_416, %get3A_1459, %dot_general3A_1460 {dimension_numbers = #tpu.dot_dimension_numbers<[0], [0], [1], [1], [0, 1, 1, 1], [], []>, transpose_lhs_hint = false} : vector<48x256xbf16>, vector<48x256xbf16>, vector<256x256xf32> -> vector<256x256xf32>
      %reduce_max3A_1462 = arith.constant dense<0xFF800000> : vector<256xf32>
      %reduce_max3A_1463 = vector.multi_reduction <maximumf>, %dot_general3A_1461, %reduce_max3A_1462 [1] : vector<256x256xf32> to vector<256xf32>
      %gt3A_1464 = arith.constant 3.700000e+01 : f32
      %gt3A_1465 = vector.broadcast %gt3A_1464 : f32 to vector<256xf32>
      %gt3A_1466 = arith.cmpf ogt, %reduce_max3A_1463, %gt3A_1465 : vector<256xf32>
      %jit3A_1467 = arith.constant 1.000000e+00 : f32
      %jit3A_1468 = arith.constant 0.000000e+00 : f32
      %broadcast_in_dim3A_1469 = vector.broadcast %jit3A_1467 : f32 to vector<256xf32>
      %broadcast_in_dim3A_1470 = vector.broadcast %jit3A_1468 : f32 to vector<256xf32>
      %select_n3A_1471 = arith.select %gt3A_1466, %broadcast_in_dim3A_1469, %broadcast_in_dim3A_1470 : vector<256xi1>, vector<256xf32>
      %max3A = arith.maximumf %while3A_1454, %select_n3A_1471 : vector<256xf32>
      scf.yield %max3A : vector<256xf32>
    }
    %swap3A_443 = arith.constant 2048 : index
    %swap3A_444 = vector.load %arg14[%swap3A_443] : memref<10240xf32, #tpu.memory_space<vmem>>, vector<256xf32>
    tpu.vector_store %arg14[%swap3A_443], %while3A_442 {strides = array<i32>} : memref<10240xf32, #tpu.memory_space<vmem>>, vector<256xf32>,
    %get3A_445 = arith.constant 0 : index
    %get3A_446 = arith.constant 2304 : index
    %get3A_447 = vector.load %arg13[%get3A_445, %get3A_446] : memref<48x10240xbf16, #tpu.memory_space<vmem>>, vector<48x256xbf16>
    %dot_general3A_448 = arith.constant dense<0.000000e+00> : vector<256x256xf32>
    %dot_general3A_449 = tpu.matmul %get3A_447, %get3A_447, %dot_general3A_448 {dimension_numbers = #tpu.dot_dimension_numbers<[0], [0], [1], [1], [0, 1, 1, 1], [], []>, transpose_lhs_hint = false} : vector<48x256xbf16>, vector<48x256xbf16>, vector<256x256xf32> -> vector<256x256xf32>
    %add3A_450 = arith.addf %dot_general3A_449, %select_n3A_168 : vector<256x256xf32>
    %reduce_max3A_451 = arith.constant dense<0xFF800000> : vector<256xf32>
    %reduce_max3A_452 = vector.multi_reduction <maximumf>, %add3A_450, %reduce_max3A_451 [1] : vector<256x256xf32> to vector<256xf32>
    %gt3A_453 = arith.constant 3.700000e+01 : f32
    %gt3A_454 = vector.broadcast %gt3A_453 : f32 to vector<256xf32>
    %gt3A_455 = arith.cmpf ogt, %reduce_max3A_452, %gt3A_454 : vector<256xf32>
    %jit3A_456 = arith.constant 1.000000e+00 : f32
    %jit3A_457 = arith.constant 0.000000e+00 : f32
    %broadcast_in_dim3A_458 = vector.broadcast %jit3A_456 : f32 to vector<256xf32>
    %broadcast_in_dim3A_459 = vector.broadcast %jit3A_457 : f32 to vector<256xf32>
    %select_n3A_460 = arith.select %gt3A_455, %broadcast_in_dim3A_458, %broadcast_in_dim3A_459 : vector<256xi1>, vector<256xf32>
    %get3A_461 = arith.constant 9 : index
    %get3A_462 = memref.load %arg0[%get3A_461] : memref<40xi32, #tpu.memory_space<smem>>
    %while3A_463 = arith.constant 9 : i32
    %while3A_464 = arith.subi %while3A_463, %get3A_462 : i32
    %while3A_465 = arith.addi %get3A_462, %while3A_464 : i32
    %while3A_466 = arith.constant 1 : i32
    %while3A_467 = arith.divsi %while3A_464, %while3A_466 : i32
    %while3A_468 = arith.muli %while3A_467, %while3A_466 : i32
    %while3A_469 = arith.addi %get3A_462, %while3A_468 : i32
    %while3A_470 = arith.constant 1 : i32
    %while3A_471 = scf.for %while3A_1453 = %get3A_462 to %while3A_469 step %while3A_470 iter_args(%while3A_1454 = %select_n3A_460) -> (vector<256xf32>)  : i32 {
      %mul3A_1455 = arith.constant 256 : i32
      %mul3A_1456 = arith.muli %while3A_1453, %mul3A_1455 : i32
      %get3A_1457 = arith.constant 0 : index
      %get3A_1458 = arith.index_cast %mul3A_1456 : i32 to index
      %get3A_1459 = vector.load %arg13[%get3A_1457, %get3A_1458] : memref<48x10240xbf16, #tpu.memory_space<vmem>>, vector<48x256xbf16>
      %dot_general3A_1460 = arith.constant dense<0.000000e+00> : vector<256x256xf32>
      %dot_general3A_1461 = tpu.matmul %get3A_447, %get3A_1459, %dot_general3A_1460 {dimension_numbers = #tpu.dot_dimension_numbers<[0], [0], [1], [1], [0, 1, 1, 1], [], []>, transpose_lhs_hint = false} : vector<48x256xbf16>, vector<48x256xbf16>, vector<256x256xf32> -> vector<256x256xf32>
      %reduce_max3A_1462 = arith.constant dense<0xFF800000> : vector<256xf32>
      %reduce_max3A_1463 = vector.multi_reduction <maximumf>, %dot_general3A_1461, %reduce_max3A_1462 [1] : vector<256x256xf32> to vector<256xf32>
      %gt3A_1464 = arith.constant 3.700000e+01 : f32
      %gt3A_1465 = vector.broadcast %gt3A_1464 : f32 to vector<256xf32>
      %gt3A_1466 = arith.cmpf ogt, %reduce_max3A_1463, %gt3A_1465 : vector<256xf32>
      %jit3A_1467 = arith.constant 1.000000e+00 : f32
      %jit3A_1468 = arith.constant 0.000000e+00 : f32
      %broadcast_in_dim3A_1469 = vector.broadcast %jit3A_1467 : f32 to vector<256xf32>
      %broadcast_in_dim3A_1470 = vector.broadcast %jit3A_1468 : f32 to vector<256xf32>
      %select_n3A_1471 = arith.select %gt3A_1466, %broadcast_in_dim3A_1469, %broadcast_in_dim3A_1470 : vector<256xi1>, vector<256xf32>
      %max3A = arith.maximumf %while3A_1454, %select_n3A_1471 : vector<256xf32>
      scf.yield %max3A : vector<256xf32>
    }
    %while3A_472 = arith.constant 1 : i32
    %while3A_473 = scf.for %while3A_1453 = %while3A_469 to %while3A_465 step %while3A_472 iter_args(%while3A_1454 = %while3A_471) -> (vector<256xf32>)  : i32 {
      %mul3A_1455 = arith.constant 256 : i32
      %mul3A_1456 = arith.muli %while3A_1453, %mul3A_1455 : i32
      %get3A_1457 = arith.constant 0 : index
      %get3A_1458 = arith.index_cast %mul3A_1456 : i32 to index
      %get3A_1459 = vector.load %arg13[%get3A_1457, %get3A_1458] : memref<48x10240xbf16, #tpu.memory_space<vmem>>, vector<48x256xbf16>
      %dot_general3A_1460 = arith.constant dense<0.000000e+00> : vector<256x256xf32>
      %dot_general3A_1461 = tpu.matmul %get3A_447, %get3A_1459, %dot_general3A_1460 {dimension_numbers = #tpu.dot_dimension_numbers<[0], [0], [1], [1], [0, 1, 1, 1], [], []>, transpose_lhs_hint = false} : vector<48x256xbf16>, vector<48x256xbf16>, vector<256x256xf32> -> vector<256x256xf32>
      %reduce_max3A_1462 = arith.constant dense<0xFF800000> : vector<256xf32>
      %reduce_max3A_1463 = vector.multi_reduction <maximumf>, %dot_general3A_1461, %reduce_max3A_1462 [1] : vector<256x256xf32> to vector<256xf32>
      %gt3A_1464 = arith.constant 3.700000e+01 : f32
      %gt3A_1465 = vector.broadcast %gt3A_1464 : f32 to vector<256xf32>
      %gt3A_1466 = arith.cmpf ogt, %reduce_max3A_1463, %gt3A_1465 : vector<256xf32>
      %jit3A_1467 = arith.constant 1.000000e+00 : f32
      %jit3A_1468 = arith.constant 0.000000e+00 : f32
      %broadcast_in_dim3A_1469 = vector.broadcast %jit3A_1467 : f32 to vector<256xf32>
      %broadcast_in_dim3A_1470 = vector.broadcast %jit3A_1468 : f32 to vector<256xf32>
      %select_n3A_1471 = arith.select %gt3A_1466, %broadcast_in_dim3A_1469, %broadcast_in_dim3A_1470 : vector<256xi1>, vector<256xf32>
      %max3A = arith.maximumf %while3A_1454, %select_n3A_1471 : vector<256xf32>
      scf.yield %max3A : vector<256xf32>
    }
    %swap3A_474 = arith.constant 2304 : index
    %swap3A_475 = vector.load %arg14[%swap3A_474] : memref<10240xf32, #tpu.memory_space<vmem>>, vector<256xf32>
    tpu.vector_store %arg14[%swap3A_474], %while3A_473 {strides = array<i32>} : memref<10240xf32, #tpu.memory_space<vmem>>, vector<256xf32>,
    %get3A_476 = arith.constant 0 : index
    %get3A_477 = arith.constant 2560 : index
    %get3A_478 = vector.load %arg13[%get3A_476, %get3A_477] : memref<48x10240xbf16, #tpu.memory_space<vmem>>, vector<48x256xbf16>
    %dot_general3A_479 = arith.constant dense<0.000000e+00> : vector<256x256xf32>
    %dot_general3A_480 = tpu.matmul %get3A_478, %get3A_478, %dot_general3A_479 {dimension_numbers = #tpu.dot_dimension_numbers<[0], [0], [1], [1], [0, 1, 1, 1], [], []>, transpose_lhs_hint = false} : vector<48x256xbf16>, vector<48x256xbf16>, vector<256x256xf32> -> vector<256x256xf32>
    %add3A_481 = arith.addf %dot_general3A_480, %select_n3A_168 : vector<256x256xf32>
    %reduce_max3A_482 = arith.constant dense<0xFF800000> : vector<256xf32>
    %reduce_max3A_483 = vector.multi_reduction <maximumf>, %add3A_481, %reduce_max3A_482 [1] : vector<256x256xf32> to vector<256xf32>
    %gt3A_484 = arith.constant 3.700000e+01 : f32
    %gt3A_485 = vector.broadcast %gt3A_484 : f32 to vector<256xf32>
    %gt3A_486 = arith.cmpf ogt, %reduce_max3A_483, %gt3A_485 : vector<256xf32>
    %jit3A_487 = arith.constant 1.000000e+00 : f32
    %jit3A_488 = arith.constant 0.000000e+00 : f32
    %broadcast_in_dim3A_489 = vector.broadcast %jit3A_487 : f32 to vector<256xf32>
    %broadcast_in_dim3A_490 = vector.broadcast %jit3A_488 : f32 to vector<256xf32>
    %select_n3A_491 = arith.select %gt3A_486, %broadcast_in_dim3A_489, %broadcast_in_dim3A_490 : vector<256xi1>, vector<256xf32>
    %get3A_492 = arith.constant 10 : index
    %get3A_493 = memref.load %arg0[%get3A_492] : memref<40xi32, #tpu.memory_space<smem>>
    %while3A_494 = arith.constant 10 : i32
    %while3A_495 = arith.subi %while3A_494, %get3A_493 : i32
    %while3A_496 = arith.addi %get3A_493, %while3A_495 : i32
    %while3A_497 = arith.constant 1 : i32
    %while3A_498 = arith.divsi %while3A_495, %while3A_497 : i32
    %while3A_499 = arith.muli %while3A_498, %while3A_497 : i32
    %while3A_500 = arith.addi %get3A_493, %while3A_499 : i32
    %while3A_501 = arith.constant 1 : i32
    %while3A_502 = scf.for %while3A_1453 = %get3A_493 to %while3A_500 step %while3A_501 iter_args(%while3A_1454 = %select_n3A_491) -> (vector<256xf32>)  : i32 {
      %mul3A_1455 = arith.constant 256 : i32
      %mul3A_1456 = arith.muli %while3A_1453, %mul3A_1455 : i32
      %get3A_1457 = arith.constant 0 : index
      %get3A_1458 = arith.index_cast %mul3A_1456 : i32 to index
      %get3A_1459 = vector.load %arg13[%get3A_1457, %get3A_1458] : memref<48x10240xbf16, #tpu.memory_space<vmem>>, vector<48x256xbf16>
      %dot_general3A_1460 = arith.constant dense<0.000000e+00> : vector<256x256xf32>
      %dot_general3A_1461 = tpu.matmul %get3A_478, %get3A_1459, %dot_general3A_1460 {dimension_numbers = #tpu.dot_dimension_numbers<[0], [0], [1], [1], [0, 1, 1, 1], [], []>, transpose_lhs_hint = false} : vector<48x256xbf16>, vector<48x256xbf16>, vector<256x256xf32> -> vector<256x256xf32>
      %reduce_max3A_1462 = arith.constant dense<0xFF800000> : vector<256xf32>
      %reduce_max3A_1463 = vector.multi_reduction <maximumf>, %dot_general3A_1461, %reduce_max3A_1462 [1] : vector<256x256xf32> to vector<256xf32>
      %gt3A_1464 = arith.constant 3.700000e+01 : f32
      %gt3A_1465 = vector.broadcast %gt3A_1464 : f32 to vector<256xf32>
      %gt3A_1466 = arith.cmpf ogt, %reduce_max3A_1463, %gt3A_1465 : vector<256xf32>
      %jit3A_1467 = arith.constant 1.000000e+00 : f32
      %jit3A_1468 = arith.constant 0.000000e+00 : f32
      %broadcast_in_dim3A_1469 = vector.broadcast %jit3A_1467 : f32 to vector<256xf32>
      %broadcast_in_dim3A_1470 = vector.broadcast %jit3A_1468 : f32 to vector<256xf32>
      %select_n3A_1471 = arith.select %gt3A_1466, %broadcast_in_dim3A_1469, %broadcast_in_dim3A_1470 : vector<256xi1>, vector<256xf32>
      %max3A = arith.maximumf %while3A_1454, %select_n3A_1471 : vector<256xf32>
      scf.yield %max3A : vector<256xf32>
    }
    %while3A_503 = arith.constant 1 : i32
    %while3A_504 = scf.for %while3A_1453 = %while3A_500 to %while3A_496 step %while3A_503 iter_args(%while3A_1454 = %while3A_502) -> (vector<256xf32>)  : i32 {
      %mul3A_1455 = arith.constant 256 : i32
      %mul3A_1456 = arith.muli %while3A_1453, %mul3A_1455 : i32
      %get3A_1457 = arith.constant 0 : index
      %get3A_1458 = arith.index_cast %mul3A_1456 : i32 to index
      %get3A_1459 = vector.load %arg13[%get3A_1457, %get3A_1458] : memref<48x10240xbf16, #tpu.memory_space<vmem>>, vector<48x256xbf16>
      %dot_general3A_1460 = arith.constant dense<0.000000e+00> : vector<256x256xf32>
      %dot_general3A_1461 = tpu.matmul %get3A_478, %get3A_1459, %dot_general3A_1460 {dimension_numbers = #tpu.dot_dimension_numbers<[0], [0], [1], [1], [0, 1, 1, 1], [], []>, transpose_lhs_hint = false} : vector<48x256xbf16>, vector<48x256xbf16>, vector<256x256xf32> -> vector<256x256xf32>
      %reduce_max3A_1462 = arith.constant dense<0xFF800000> : vector<256xf32>
      %reduce_max3A_1463 = vector.multi_reduction <maximumf>, %dot_general3A_1461, %reduce_max3A_1462 [1] : vector<256x256xf32> to vector<256xf32>
      %gt3A_1464 = arith.constant 3.700000e+01 : f32
      %gt3A_1465 = vector.broadcast %gt3A_1464 : f32 to vector<256xf32>
      %gt3A_1466 = arith.cmpf ogt, %reduce_max3A_1463, %gt3A_1465 : vector<256xf32>
      %jit3A_1467 = arith.constant 1.000000e+00 : f32
      %jit3A_1468 = arith.constant 0.000000e+00 : f32
      %broadcast_in_dim3A_1469 = vector.broadcast %jit3A_1467 : f32 to vector<256xf32>
      %broadcast_in_dim3A_1470 = vector.broadcast %jit3A_1468 : f32 to vector<256xf32>
      %select_n3A_1471 = arith.select %gt3A_1466, %broadcast_in_dim3A_1469, %broadcast_in_dim3A_1470 : vector<256xi1>, vector<256xf32>
      %max3A = arith.maximumf %while3A_1454, %select_n3A_1471 : vector<256xf32>
      scf.yield %max3A : vector<256xf32>
    }
    %swap3A_505 = arith.constant 2560 : index
    %swap3A_506 = vector.load %arg14[%swap3A_505] : memref<10240xf32, #tpu.memory_space<vmem>>, vector<256xf32>
    tpu.vector_store %arg14[%swap3A_505], %while3A_504 {strides = array<i32>} : memref<10240xf32, #tpu.memory_space<vmem>>, vector<256xf32>,
    %get3A_507 = arith.constant 0 : index
    %get3A_508 = arith.constant 2816 : index
    %get3A_509 = vector.load %arg13[%get3A_507, %get3A_508] : memref<48x10240xbf16, #tpu.memory_space<vmem>>, vector<48x256xbf16>
    %dot_general3A_510 = arith.constant dense<0.000000e+00> : vector<256x256xf32>
    %dot_general3A_511 = tpu.matmul %get3A_509, %get3A_509, %dot_general3A_510 {dimension_numbers = #tpu.dot_dimension_numbers<[0], [0], [1], [1], [0, 1, 1, 1], [], []>, transpose_lhs_hint = false} : vector<48x256xbf16>, vector<48x256xbf16>, vector<256x256xf32> -> vector<256x256xf32>
    %add3A_512 = arith.addf %dot_general3A_511, %select_n3A_168 : vector<256x256xf32>
    %reduce_max3A_513 = arith.constant dense<0xFF800000> : vector<256xf32>
    %reduce_max3A_514 = vector.multi_reduction <maximumf>, %add3A_512, %reduce_max3A_513 [1] : vector<256x256xf32> to vector<256xf32>
    %gt3A_515 = arith.constant 3.700000e+01 : f32
    %gt3A_516 = vector.broadcast %gt3A_515 : f32 to vector<256xf32>
    %gt3A_517 = arith.cmpf ogt, %reduce_max3A_514, %gt3A_516 : vector<256xf32>
    %jit3A_518 = arith.constant 1.000000e+00 : f32
    %jit3A_519 = arith.constant 0.000000e+00 : f32
    %broadcast_in_dim3A_520 = vector.broadcast %jit3A_518 : f32 to vector<256xf32>
    %broadcast_in_dim3A_521 = vector.broadcast %jit3A_519 : f32 to vector<256xf32>
    %select_n3A_522 = arith.select %gt3A_517, %broadcast_in_dim3A_520, %broadcast_in_dim3A_521 : vector<256xi1>, vector<256xf32>
    %get3A_523 = arith.constant 11 : index
    %get3A_524 = memref.load %arg0[%get3A_523] : memref<40xi32, #tpu.memory_space<smem>>
    %while3A_525 = arith.constant 11 : i32
    %while3A_526 = arith.subi %while3A_525, %get3A_524 : i32
    %while3A_527 = arith.addi %get3A_524, %while3A_526 : i32
    %while3A_528 = arith.constant 1 : i32
    %while3A_529 = arith.divsi %while3A_526, %while3A_528 : i32
    %while3A_530 = arith.muli %while3A_529, %while3A_528 : i32
    %while3A_531 = arith.addi %get3A_524, %while3A_530 : i32
    %while3A_532 = arith.constant 1 : i32
    %while3A_533 = scf.for %while3A_1453 = %get3A_524 to %while3A_531 step %while3A_532 iter_args(%while3A_1454 = %select_n3A_522) -> (vector<256xf32>)  : i32 {
      %mul3A_1455 = arith.constant 256 : i32
      %mul3A_1456 = arith.muli %while3A_1453, %mul3A_1455 : i32
      %get3A_1457 = arith.constant 0 : index
      %get3A_1458 = arith.index_cast %mul3A_1456 : i32 to index
      %get3A_1459 = vector.load %arg13[%get3A_1457, %get3A_1458] : memref<48x10240xbf16, #tpu.memory_space<vmem>>, vector<48x256xbf16>
      %dot_general3A_1460 = arith.constant dense<0.000000e+00> : vector<256x256xf32>
      %dot_general3A_1461 = tpu.matmul %get3A_509, %get3A_1459, %dot_general3A_1460 {dimension_numbers = #tpu.dot_dimension_numbers<[0], [0], [1], [1], [0, 1, 1, 1], [], []>, transpose_lhs_hint = false} : vector<48x256xbf16>, vector<48x256xbf16>, vector<256x256xf32> -> vector<256x256xf32>
      %reduce_max3A_1462 = arith.constant dense<0xFF800000> : vector<256xf32>
      %reduce_max3A_1463 = vector.multi_reduction <maximumf>, %dot_general3A_1461, %reduce_max3A_1462 [1] : vector<256x256xf32> to vector<256xf32>
      %gt3A_1464 = arith.constant 3.700000e+01 : f32
      %gt3A_1465 = vector.broadcast %gt3A_1464 : f32 to vector<256xf32>
      %gt3A_1466 = arith.cmpf ogt, %reduce_max3A_1463, %gt3A_1465 : vector<256xf32>
      %jit3A_1467 = arith.constant 1.000000e+00 : f32
      %jit3A_1468 = arith.constant 0.000000e+00 : f32
      %broadcast_in_dim3A_1469 = vector.broadcast %jit3A_1467 : f32 to vector<256xf32>
      %broadcast_in_dim3A_1470 = vector.broadcast %jit3A_1468 : f32 to vector<256xf32>
      %select_n3A_1471 = arith.select %gt3A_1466, %broadcast_in_dim3A_1469, %broadcast_in_dim3A_1470 : vector<256xi1>, vector<256xf32>
      %max3A = arith.maximumf %while3A_1454, %select_n3A_1471 : vector<256xf32>
      scf.yield %max3A : vector<256xf32>
    }
    %while3A_534 = arith.constant 1 : i32
    %while3A_535 = scf.for %while3A_1453 = %while3A_531 to %while3A_527 step %while3A_534 iter_args(%while3A_1454 = %while3A_533) -> (vector<256xf32>)  : i32 {
      %mul3A_1455 = arith.constant 256 : i32
      %mul3A_1456 = arith.muli %while3A_1453, %mul3A_1455 : i32
      %get3A_1457 = arith.constant 0 : index
      %get3A_1458 = arith.index_cast %mul3A_1456 : i32 to index
      %get3A_1459 = vector.load %arg13[%get3A_1457, %get3A_1458] : memref<48x10240xbf16, #tpu.memory_space<vmem>>, vector<48x256xbf16>
      %dot_general3A_1460 = arith.constant dense<0.000000e+00> : vector<256x256xf32>
      %dot_general3A_1461 = tpu.matmul %get3A_509, %get3A_1459, %dot_general3A_1460 {dimension_numbers = #tpu.dot_dimension_numbers<[0], [0], [1], [1], [0, 1, 1, 1], [], []>, transpose_lhs_hint = false} : vector<48x256xbf16>, vector<48x256xbf16>, vector<256x256xf32> -> vector<256x256xf32>
      %reduce_max3A_1462 = arith.constant dense<0xFF800000> : vector<256xf32>
      %reduce_max3A_1463 = vector.multi_reduction <maximumf>, %dot_general3A_1461, %reduce_max3A_1462 [1] : vector<256x256xf32> to vector<256xf32>
      %gt3A_1464 = arith.constant 3.700000e+01 : f32
      %gt3A_1465 = vector.broadcast %gt3A_1464 : f32 to vector<256xf32>
      %gt3A_1466 = arith.cmpf ogt, %reduce_max3A_1463, %gt3A_1465 : vector<256xf32>
      %jit3A_1467 = arith.constant 1.000000e+00 : f32
      %jit3A_1468 = arith.constant 0.000000e+00 : f32
      %broadcast_in_dim3A_1469 = vector.broadcast %jit3A_1467 : f32 to vector<256xf32>
      %broadcast_in_dim3A_1470 = vector.broadcast %jit3A_1468 : f32 to vector<256xf32>
      %select_n3A_1471 = arith.select %gt3A_1466, %broadcast_in_dim3A_1469, %broadcast_in_dim3A_1470 : vector<256xi1>, vector<256xf32>
      %max3A = arith.maximumf %while3A_1454, %select_n3A_1471 : vector<256xf32>
      scf.yield %max3A : vector<256xf32>
    }
    %swap3A_536 = arith.constant 2816 : index
    %swap3A_537 = vector.load %arg14[%swap3A_536] : memref<10240xf32, #tpu.memory_space<vmem>>, vector<256xf32>
    tpu.vector_store %arg14[%swap3A_536], %while3A_535 {strides = array<i32>} : memref<10240xf32, #tpu.memory_space<vmem>>, vector<256xf32>,
    %get3A_538 = arith.constant 0 : index
    %get3A_539 = arith.constant 3072 : index
    %get3A_540 = vector.load %arg13[%get3A_538, %get3A_539] : memref<48x10240xbf16, #tpu.memory_space<vmem>>, vector<48x256xbf16>
    %dot_general3A_541 = arith.constant dense<0.000000e+00> : vector<256x256xf32>
    %dot_general3A_542 = tpu.matmul %get3A_540, %get3A_540, %dot_general3A_541 {dimension_numbers = #tpu.dot_dimension_numbers<[0], [0], [1], [1], [0, 1, 1, 1], [], []>, transpose_lhs_hint = false} : vector<48x256xbf16>, vector<48x256xbf16>, vector<256x256xf32> -> vector<256x256xf32>
    %add3A_543 = arith.addf %dot_general3A_542, %select_n3A_168 : vector<256x256xf32>
    %reduce_max3A_544 = arith.constant dense<0xFF800000> : vector<256xf32>
    %reduce_max3A_545 = vector.multi_reduction <maximumf>, %add3A_543, %reduce_max3A_544 [1] : vector<256x256xf32> to vector<256xf32>
    %gt3A_546 = arith.constant 3.700000e+01 : f32
    %gt3A_547 = vector.broadcast %gt3A_546 : f32 to vector<256xf32>
    %gt3A_548 = arith.cmpf ogt, %reduce_max3A_545, %gt3A_547 : vector<256xf32>
    %jit3A_549 = arith.constant 1.000000e+00 : f32
    %jit3A_550 = arith.constant 0.000000e+00 : f32
    %broadcast_in_dim3A_551 = vector.broadcast %jit3A_549 : f32 to vector<256xf32>
    %broadcast_in_dim3A_552 = vector.broadcast %jit3A_550 : f32 to vector<256xf32>
    %select_n3A_553 = arith.select %gt3A_548, %broadcast_in_dim3A_551, %broadcast_in_dim3A_552 : vector<256xi1>, vector<256xf32>
    %get3A_554 = arith.constant 12 : index
    %get3A_555 = memref.load %arg0[%get3A_554] : memref<40xi32, #tpu.memory_space<smem>>
    %while3A_556 = arith.constant 12 : i32
    %while3A_557 = arith.subi %while3A_556, %get3A_555 : i32
    %while3A_558 = arith.addi %get3A_555, %while3A_557 : i32
    %while3A_559 = arith.constant 1 : i32
    %while3A_560 = arith.divsi %while3A_557, %while3A_559 : i32
    %while3A_561 = arith.muli %while3A_560, %while3A_559 : i32
    %while3A_562 = arith.addi %get3A_555, %while3A_561 : i32
    %while3A_563 = arith.constant 1 : i32
    %while3A_564 = scf.for %while3A_1453 = %get3A_555 to %while3A_562 step %while3A_563 iter_args(%while3A_1454 = %select_n3A_553) -> (vector<256xf32>)  : i32 {
      %mul3A_1455 = arith.constant 256 : i32
      %mul3A_1456 = arith.muli %while3A_1453, %mul3A_1455 : i32
      %get3A_1457 = arith.constant 0 : index
      %get3A_1458 = arith.index_cast %mul3A_1456 : i32 to index
      %get3A_1459 = vector.load %arg13[%get3A_1457, %get3A_1458] : memref<48x10240xbf16, #tpu.memory_space<vmem>>, vector<48x256xbf16>
      %dot_general3A_1460 = arith.constant dense<0.000000e+00> : vector<256x256xf32>
      %dot_general3A_1461 = tpu.matmul %get3A_540, %get3A_1459, %dot_general3A_1460 {dimension_numbers = #tpu.dot_dimension_numbers<[0], [0], [1], [1], [0, 1, 1, 1], [], []>, transpose_lhs_hint = false} : vector<48x256xbf16>, vector<48x256xbf16>, vector<256x256xf32> -> vector<256x256xf32>
      %reduce_max3A_1462 = arith.constant dense<0xFF800000> : vector<256xf32>
      %reduce_max3A_1463 = vector.multi_reduction <maximumf>, %dot_general3A_1461, %reduce_max3A_1462 [1] : vector<256x256xf32> to vector<256xf32>
      %gt3A_1464 = arith.constant 3.700000e+01 : f32
      %gt3A_1465 = vector.broadcast %gt3A_1464 : f32 to vector<256xf32>
      %gt3A_1466 = arith.cmpf ogt, %reduce_max3A_1463, %gt3A_1465 : vector<256xf32>
      %jit3A_1467 = arith.constant 1.000000e+00 : f32
      %jit3A_1468 = arith.constant 0.000000e+00 : f32
      %broadcast_in_dim3A_1469 = vector.broadcast %jit3A_1467 : f32 to vector<256xf32>
      %broadcast_in_dim3A_1470 = vector.broadcast %jit3A_1468 : f32 to vector<256xf32>
      %select_n3A_1471 = arith.select %gt3A_1466, %broadcast_in_dim3A_1469, %broadcast_in_dim3A_1470 : vector<256xi1>, vector<256xf32>
      %max3A = arith.maximumf %while3A_1454, %select_n3A_1471 : vector<256xf32>
      scf.yield %max3A : vector<256xf32>
    }
    %while3A_565 = arith.constant 1 : i32
    %while3A_566 = scf.for %while3A_1453 = %while3A_562 to %while3A_558 step %while3A_565 iter_args(%while3A_1454 = %while3A_564) -> (vector<256xf32>)  : i32 {
      %mul3A_1455 = arith.constant 256 : i32
      %mul3A_1456 = arith.muli %while3A_1453, %mul3A_1455 : i32
      %get3A_1457 = arith.constant 0 : index
      %get3A_1458 = arith.index_cast %mul3A_1456 : i32 to index
      %get3A_1459 = vector.load %arg13[%get3A_1457, %get3A_1458] : memref<48x10240xbf16, #tpu.memory_space<vmem>>, vector<48x256xbf16>
      %dot_general3A_1460 = arith.constant dense<0.000000e+00> : vector<256x256xf32>
      %dot_general3A_1461 = tpu.matmul %get3A_540, %get3A_1459, %dot_general3A_1460 {dimension_numbers = #tpu.dot_dimension_numbers<[0], [0], [1], [1], [0, 1, 1, 1], [], []>, transpose_lhs_hint = false} : vector<48x256xbf16>, vector<48x256xbf16>, vector<256x256xf32> -> vector<256x256xf32>
      %reduce_max3A_1462 = arith.constant dense<0xFF800000> : vector<256xf32>
      %reduce_max3A_1463 = vector.multi_reduction <maximumf>, %dot_general3A_1461, %reduce_max3A_1462 [1] : vector<256x256xf32> to vector<256xf32>
      %gt3A_1464 = arith.constant 3.700000e+01 : f32
      %gt3A_1465 = vector.broadcast %gt3A_1464 : f32 to vector<256xf32>
      %gt3A_1466 = arith.cmpf ogt, %reduce_max3A_1463, %gt3A_1465 : vector<256xf32>
      %jit3A_1467 = arith.constant 1.000000e+00 : f32
      %jit3A_1468 = arith.constant 0.000000e+00 : f32
      %broadcast_in_dim3A_1469 = vector.broadcast %jit3A_1467 : f32 to vector<256xf32>
      %broadcast_in_dim3A_1470 = vector.broadcast %jit3A_1468 : f32 to vector<256xf32>
      %select_n3A_1471 = arith.select %gt3A_1466, %broadcast_in_dim3A_1469, %broadcast_in_dim3A_1470 : vector<256xi1>, vector<256xf32>
      %max3A = arith.maximumf %while3A_1454, %select_n3A_1471 : vector<256xf32>
      scf.yield %max3A : vector<256xf32>
    }
    %swap3A_567 = arith.constant 3072 : index
    %swap3A_568 = vector.load %arg14[%swap3A_567] : memref<10240xf32, #tpu.memory_space<vmem>>, vector<256xf32>
    tpu.vector_store %arg14[%swap3A_567], %while3A_566 {strides = array<i32>} : memref<10240xf32, #tpu.memory_space<vmem>>, vector<256xf32>,
    %get3A_569 = arith.constant 0 : index
    %get3A_570 = arith.constant 3328 : index
    %get3A_571 = vector.load %arg13[%get3A_569, %get3A_570] : memref<48x10240xbf16, #tpu.memory_space<vmem>>, vector<48x256xbf16>
    %dot_general3A_572 = arith.constant dense<0.000000e+00> : vector<256x256xf32>
    %dot_general3A_573 = tpu.matmul %get3A_571, %get3A_571, %dot_general3A_572 {dimension_numbers = #tpu.dot_dimension_numbers<[0], [0], [1], [1], [0, 1, 1, 1], [], []>, transpose_lhs_hint = false} : vector<48x256xbf16>, vector<48x256xbf16>, vector<256x256xf32> -> vector<256x256xf32>
    %add3A_574 = arith.addf %dot_general3A_573, %select_n3A_168 : vector<256x256xf32>
    %reduce_max3A_575 = arith.constant dense<0xFF800000> : vector<256xf32>
    %reduce_max3A_576 = vector.multi_reduction <maximumf>, %add3A_574, %reduce_max3A_575 [1] : vector<256x256xf32> to vector<256xf32>
    %gt3A_577 = arith.constant 3.700000e+01 : f32
    %gt3A_578 = vector.broadcast %gt3A_577 : f32 to vector<256xf32>
    %gt3A_579 = arith.cmpf ogt, %reduce_max3A_576, %gt3A_578 : vector<256xf32>
    %jit3A_580 = arith.constant 1.000000e+00 : f32
    %jit3A_581 = arith.constant 0.000000e+00 : f32
    %broadcast_in_dim3A_582 = vector.broadcast %jit3A_580 : f32 to vector<256xf32>
    %broadcast_in_dim3A_583 = vector.broadcast %jit3A_581 : f32 to vector<256xf32>
    %select_n3A_584 = arith.select %gt3A_579, %broadcast_in_dim3A_582, %broadcast_in_dim3A_583 : vector<256xi1>, vector<256xf32>
    %get3A_585 = arith.constant 13 : index
    %get3A_586 = memref.load %arg0[%get3A_585] : memref<40xi32, #tpu.memory_space<smem>>
    %while3A_587 = arith.constant 13 : i32
    %while3A_588 = arith.subi %while3A_587, %get3A_586 : i32
    %while3A_589 = arith.addi %get3A_586, %while3A_588 : i32
    %while3A_590 = arith.constant 1 : i32
    %while3A_591 = arith.divsi %while3A_588, %while3A_590 : i32
    %while3A_592 = arith.muli %while3A_591, %while3A_590 : i32
    %while3A_593 = arith.addi %get3A_586, %while3A_592 : i32
    %while3A_594 = arith.constant 1 : i32
    %while3A_595 = scf.for %while3A_1453 = %get3A_586 to %while3A_593 step %while3A_594 iter_args(%while3A_1454 = %select_n3A_584) -> (vector<256xf32>)  : i32 {
      %mul3A_1455 = arith.constant 256 : i32
      %mul3A_1456 = arith.muli %while3A_1453, %mul3A_1455 : i32
      %get3A_1457 = arith.constant 0 : index
      %get3A_1458 = arith.index_cast %mul3A_1456 : i32 to index
      %get3A_1459 = vector.load %arg13[%get3A_1457, %get3A_1458] : memref<48x10240xbf16, #tpu.memory_space<vmem>>, vector<48x256xbf16>
      %dot_general3A_1460 = arith.constant dense<0.000000e+00> : vector<256x256xf32>
      %dot_general3A_1461 = tpu.matmul %get3A_571, %get3A_1459, %dot_general3A_1460 {dimension_numbers = #tpu.dot_dimension_numbers<[0], [0], [1], [1], [0, 1, 1, 1], [], []>, transpose_lhs_hint = false} : vector<48x256xbf16>, vector<48x256xbf16>, vector<256x256xf32> -> vector<256x256xf32>
      %reduce_max3A_1462 = arith.constant dense<0xFF800000> : vector<256xf32>
      %reduce_max3A_1463 = vector.multi_reduction <maximumf>, %dot_general3A_1461, %reduce_max3A_1462 [1] : vector<256x256xf32> to vector<256xf32>
      %gt3A_1464 = arith.constant 3.700000e+01 : f32
      %gt3A_1465 = vector.broadcast %gt3A_1464 : f32 to vector<256xf32>
      %gt3A_1466 = arith.cmpf ogt, %reduce_max3A_1463, %gt3A_1465 : vector<256xf32>
      %jit3A_1467 = arith.constant 1.000000e+00 : f32
      %jit3A_1468 = arith.constant 0.000000e+00 : f32
      %broadcast_in_dim3A_1469 = vector.broadcast %jit3A_1467 : f32 to vector<256xf32>
      %broadcast_in_dim3A_1470 = vector.broadcast %jit3A_1468 : f32 to vector<256xf32>
      %select_n3A_1471 = arith.select %gt3A_1466, %broadcast_in_dim3A_1469, %broadcast_in_dim3A_1470 : vector<256xi1>, vector<256xf32>
      %max3A = arith.maximumf %while3A_1454, %select_n3A_1471 : vector<256xf32>
      scf.yield %max3A : vector<256xf32>
    }
    %while3A_596 = arith.constant 1 : i32
    %while3A_597 = scf.for %while3A_1453 = %while3A_593 to %while3A_589 step %while3A_596 iter_args(%while3A_1454 = %while3A_595) -> (vector<256xf32>)  : i32 {
      %mul3A_1455 = arith.constant 256 : i32
      %mul3A_1456 = arith.muli %while3A_1453, %mul3A_1455 : i32
      %get3A_1457 = arith.constant 0 : index
      %get3A_1458 = arith.index_cast %mul3A_1456 : i32 to index
      %get3A_1459 = vector.load %arg13[%get3A_1457, %get3A_1458] : memref<48x10240xbf16, #tpu.memory_space<vmem>>, vector<48x256xbf16>
      %dot_general3A_1460 = arith.constant dense<0.000000e+00> : vector<256x256xf32>
      %dot_general3A_1461 = tpu.matmul %get3A_571, %get3A_1459, %dot_general3A_1460 {dimension_numbers = #tpu.dot_dimension_numbers<[0], [0], [1], [1], [0, 1, 1, 1], [], []>, transpose_lhs_hint = false} : vector<48x256xbf16>, vector<48x256xbf16>, vector<256x256xf32> -> vector<256x256xf32>
      %reduce_max3A_1462 = arith.constant dense<0xFF800000> : vector<256xf32>
      %reduce_max3A_1463 = vector.multi_reduction <maximumf>, %dot_general3A_1461, %reduce_max3A_1462 [1] : vector<256x256xf32> to vector<256xf32>
      %gt3A_1464 = arith.constant 3.700000e+01 : f32
      %gt3A_1465 = vector.broadcast %gt3A_1464 : f32 to vector<256xf32>
      %gt3A_1466 = arith.cmpf ogt, %reduce_max3A_1463, %gt3A_1465 : vector<256xf32>
      %jit3A_1467 = arith.constant 1.000000e+00 : f32
      %jit3A_1468 = arith.constant 0.000000e+00 : f32
      %broadcast_in_dim3A_1469 = vector.broadcast %jit3A_1467 : f32 to vector<256xf32>
      %broadcast_in_dim3A_1470 = vector.broadcast %jit3A_1468 : f32 to vector<256xf32>
      %select_n3A_1471 = arith.select %gt3A_1466, %broadcast_in_dim3A_1469, %broadcast_in_dim3A_1470 : vector<256xi1>, vector<256xf32>
      %max3A = arith.maximumf %while3A_1454, %select_n3A_1471 : vector<256xf32>
      scf.yield %max3A : vector<256xf32>
    }
    %swap3A_598 = arith.constant 3328 : index
    %swap3A_599 = vector.load %arg14[%swap3A_598] : memref<10240xf32, #tpu.memory_space<vmem>>, vector<256xf32>
    tpu.vector_store %arg14[%swap3A_598], %while3A_597 {strides = array<i32>} : memref<10240xf32, #tpu.memory_space<vmem>>, vector<256xf32>,
    %get3A_600 = arith.constant 0 : index
    %get3A_601 = arith.constant 3584 : index
    %get3A_602 = vector.load %arg13[%get3A_600, %get3A_601] : memref<48x10240xbf16, #tpu.memory_space<vmem>>, vector<48x256xbf16>
    %dot_general3A_603 = arith.constant dense<0.000000e+00> : vector<256x256xf32>
    %dot_general3A_604 = tpu.matmul %get3A_602, %get3A_602, %dot_general3A_603 {dimension_numbers = #tpu.dot_dimension_numbers<[0], [0], [1], [1], [0, 1, 1, 1], [], []>, transpose_lhs_hint = false} : vector<48x256xbf16>, vector<48x256xbf16>, vector<256x256xf32> -> vector<256x256xf32>
    %add3A_605 = arith.addf %dot_general3A_604, %select_n3A_168 : vector<256x256xf32>
    %reduce_max3A_606 = arith.constant dense<0xFF800000> : vector<256xf32>
    %reduce_max3A_607 = vector.multi_reduction <maximumf>, %add3A_605, %reduce_max3A_606 [1] : vector<256x256xf32> to vector<256xf32>
    %gt3A_608 = arith.constant 3.700000e+01 : f32
    %gt3A_609 = vector.broadcast %gt3A_608 : f32 to vector<256xf32>
    %gt3A_610 = arith.cmpf ogt, %reduce_max3A_607, %gt3A_609 : vector<256xf32>
    %jit3A_611 = arith.constant 1.000000e+00 : f32
    %jit3A_612 = arith.constant 0.000000e+00 : f32
    %broadcast_in_dim3A_613 = vector.broadcast %jit3A_611 : f32 to vector<256xf32>
    %broadcast_in_dim3A_614 = vector.broadcast %jit3A_612 : f32 to vector<256xf32>
    %select_n3A_615 = arith.select %gt3A_610, %broadcast_in_dim3A_613, %broadcast_in_dim3A_614 : vector<256xi1>, vector<256xf32>
    %get3A_616 = arith.constant 14 : index
    %get3A_617 = memref.load %arg0[%get3A_616] : memref<40xi32, #tpu.memory_space<smem>>
    %while3A_618 = arith.constant 14 : i32
    %while3A_619 = arith.subi %while3A_618, %get3A_617 : i32
    %while3A_620 = arith.addi %get3A_617, %while3A_619 : i32
    %while3A_621 = arith.constant 1 : i32
    %while3A_622 = arith.divsi %while3A_619, %while3A_621 : i32
    %while3A_623 = arith.muli %while3A_622, %while3A_621 : i32
    %while3A_624 = arith.addi %get3A_617, %while3A_623 : i32
    %while3A_625 = arith.constant 1 : i32
    %while3A_626 = scf.for %while3A_1453 = %get3A_617 to %while3A_624 step %while3A_625 iter_args(%while3A_1454 = %select_n3A_615) -> (vector<256xf32>)  : i32 {
      %mul3A_1455 = arith.constant 256 : i32
      %mul3A_1456 = arith.muli %while3A_1453, %mul3A_1455 : i32
      %get3A_1457 = arith.constant 0 : index
      %get3A_1458 = arith.index_cast %mul3A_1456 : i32 to index
      %get3A_1459 = vector.load %arg13[%get3A_1457, %get3A_1458] : memref<48x10240xbf16, #tpu.memory_space<vmem>>, vector<48x256xbf16>
      %dot_general3A_1460 = arith.constant dense<0.000000e+00> : vector<256x256xf32>
      %dot_general3A_1461 = tpu.matmul %get3A_602, %get3A_1459, %dot_general3A_1460 {dimension_numbers = #tpu.dot_dimension_numbers<[0], [0], [1], [1], [0, 1, 1, 1], [], []>, transpose_lhs_hint = false} : vector<48x256xbf16>, vector<48x256xbf16>, vector<256x256xf32> -> vector<256x256xf32>
      %reduce_max3A_1462 = arith.constant dense<0xFF800000> : vector<256xf32>
      %reduce_max3A_1463 = vector.multi_reduction <maximumf>, %dot_general3A_1461, %reduce_max3A_1462 [1] : vector<256x256xf32> to vector<256xf32>
      %gt3A_1464 = arith.constant 3.700000e+01 : f32
      %gt3A_1465 = vector.broadcast %gt3A_1464 : f32 to vector<256xf32>
      %gt3A_1466 = arith.cmpf ogt, %reduce_max3A_1463, %gt3A_1465 : vector<256xf32>
      %jit3A_1467 = arith.constant 1.000000e+00 : f32
      %jit3A_1468 = arith.constant 0.000000e+00 : f32
      %broadcast_in_dim3A_1469 = vector.broadcast %jit3A_1467 : f32 to vector<256xf32>
      %broadcast_in_dim3A_1470 = vector.broadcast %jit3A_1468 : f32 to vector<256xf32>
      %select_n3A_1471 = arith.select %gt3A_1466, %broadcast_in_dim3A_1469, %broadcast_in_dim3A_1470 : vector<256xi1>, vector<256xf32>
      %max3A = arith.maximumf %while3A_1454, %select_n3A_1471 : vector<256xf32>
      scf.yield %max3A : vector<256xf32>
    }
    %while3A_627 = arith.constant 1 : i32
    %while3A_628 = scf.for %while3A_1453 = %while3A_624 to %while3A_620 step %while3A_627 iter_args(%while3A_1454 = %while3A_626) -> (vector<256xf32>)  : i32 {
      %mul3A_1455 = arith.constant 256 : i32
      %mul3A_1456 = arith.muli %while3A_1453, %mul3A_1455 : i32
      %get3A_1457 = arith.constant 0 : index
      %get3A_1458 = arith.index_cast %mul3A_1456 : i32 to index
      %get3A_1459 = vector.load %arg13[%get3A_1457, %get3A_1458] : memref<48x10240xbf16, #tpu.memory_space<vmem>>, vector<48x256xbf16>
      %dot_general3A_1460 = arith.constant dense<0.000000e+00> : vector<256x256xf32>
      %dot_general3A_1461 = tpu.matmul %get3A_602, %get3A_1459, %dot_general3A_1460 {dimension_numbers = #tpu.dot_dimension_numbers<[0], [0], [1], [1], [0, 1, 1, 1], [], []>, transpose_lhs_hint = false} : vector<48x256xbf16>, vector<48x256xbf16>, vector<256x256xf32> -> vector<256x256xf32>
      %reduce_max3A_1462 = arith.constant dense<0xFF800000> : vector<256xf32>
      %reduce_max3A_1463 = vector.multi_reduction <maximumf>, %dot_general3A_1461, %reduce_max3A_1462 [1] : vector<256x256xf32> to vector<256xf32>
      %gt3A_1464 = arith.constant 3.700000e+01 : f32
      %gt3A_1465 = vector.broadcast %gt3A_1464 : f32 to vector<256xf32>
      %gt3A_1466 = arith.cmpf ogt, %reduce_max3A_1463, %gt3A_1465 : vector<256xf32>
      %jit3A_1467 = arith.constant 1.000000e+00 : f32
      %jit3A_1468 = arith.constant 0.000000e+00 : f32
      %broadcast_in_dim3A_1469 = vector.broadcast %jit3A_1467 : f32 to vector<256xf32>
      %broadcast_in_dim3A_1470 = vector.broadcast %jit3A_1468 : f32 to vector<256xf32>
      %select_n3A_1471 = arith.select %gt3A_1466, %broadcast_in_dim3A_1469, %broadcast_in_dim3A_1470 : vector<256xi1>, vector<256xf32>
      %max3A = arith.maximumf %while3A_1454, %select_n3A_1471 : vector<256xf32>
      scf.yield %max3A : vector<256xf32>
    }
    %swap3A_629 = arith.constant 3584 : index
    %swap3A_630 = vector.load %arg14[%swap3A_629] : memref<10240xf32, #tpu.memory_space<vmem>>, vector<256xf32>
    tpu.vector_store %arg14[%swap3A_629], %while3A_628 {strides = array<i32>} : memref<10240xf32, #tpu.memory_space<vmem>>, vector<256xf32>,
    %get3A_631 = arith.constant 0 : index
    %get3A_632 = arith.constant 3840 : index
    %get3A_633 = vector.load %arg13[%get3A_631, %get3A_632] : memref<48x10240xbf16, #tpu.memory_space<vmem>>, vector<48x256xbf16>
    %dot_general3A_634 = arith.constant dense<0.000000e+00> : vector<256x256xf32>
    %dot_general3A_635 = tpu.matmul %get3A_633, %get3A_633, %dot_general3A_634 {dimension_numbers = #tpu.dot_dimension_numbers<[0], [0], [1], [1], [0, 1, 1, 1], [], []>, transpose_lhs_hint = false} : vector<48x256xbf16>, vector<48x256xbf16>, vector<256x256xf32> -> vector<256x256xf32>
    %add3A_636 = arith.addf %dot_general3A_635, %select_n3A_168 : vector<256x256xf32>
    %reduce_max3A_637 = arith.constant dense<0xFF800000> : vector<256xf32>
    %reduce_max3A_638 = vector.multi_reduction <maximumf>, %add3A_636, %reduce_max3A_637 [1] : vector<256x256xf32> to vector<256xf32>
    %gt3A_639 = arith.constant 3.700000e+01 : f32
    %gt3A_640 = vector.broadcast %gt3A_639 : f32 to vector<256xf32>
    %gt3A_641 = arith.cmpf ogt, %reduce_max3A_638, %gt3A_640 : vector<256xf32>
    %jit3A_642 = arith.constant 1.000000e+00 : f32
    %jit3A_643 = arith.constant 0.000000e+00 : f32
    %broadcast_in_dim3A_644 = vector.broadcast %jit3A_642 : f32 to vector<256xf32>
    %broadcast_in_dim3A_645 = vector.broadcast %jit3A_643 : f32 to vector<256xf32>
    %select_n3A_646 = arith.select %gt3A_641, %broadcast_in_dim3A_644, %broadcast_in_dim3A_645 : vector<256xi1>, vector<256xf32>
    %get3A_647 = arith.constant 15 : index
    %get3A_648 = memref.load %arg0[%get3A_647] : memref<40xi32, #tpu.memory_space<smem>>
    %while3A_649 = arith.constant 15 : i32
    %while3A_650 = arith.subi %while3A_649, %get3A_648 : i32
    %while3A_651 = arith.addi %get3A_648, %while3A_650 : i32
    %while3A_652 = arith.constant 1 : i32
    %while3A_653 = arith.divsi %while3A_650, %while3A_652 : i32
    %while3A_654 = arith.muli %while3A_653, %while3A_652 : i32
    %while3A_655 = arith.addi %get3A_648, %while3A_654 : i32
    %while3A_656 = arith.constant 1 : i32
    %while3A_657 = scf.for %while3A_1453 = %get3A_648 to %while3A_655 step %while3A_656 iter_args(%while3A_1454 = %select_n3A_646) -> (vector<256xf32>)  : i32 {
      %mul3A_1455 = arith.constant 256 : i32
      %mul3A_1456 = arith.muli %while3A_1453, %mul3A_1455 : i32
      %get3A_1457 = arith.constant 0 : index
      %get3A_1458 = arith.index_cast %mul3A_1456 : i32 to index
      %get3A_1459 = vector.load %arg13[%get3A_1457, %get3A_1458] : memref<48x10240xbf16, #tpu.memory_space<vmem>>, vector<48x256xbf16>
      %dot_general3A_1460 = arith.constant dense<0.000000e+00> : vector<256x256xf32>
      %dot_general3A_1461 = tpu.matmul %get3A_633, %get3A_1459, %dot_general3A_1460 {dimension_numbers = #tpu.dot_dimension_numbers<[0], [0], [1], [1], [0, 1, 1, 1], [], []>, transpose_lhs_hint = false} : vector<48x256xbf16>, vector<48x256xbf16>, vector<256x256xf32> -> vector<256x256xf32>
      %reduce_max3A_1462 = arith.constant dense<0xFF800000> : vector<256xf32>
      %reduce_max3A_1463 = vector.multi_reduction <maximumf>, %dot_general3A_1461, %reduce_max3A_1462 [1] : vector<256x256xf32> to vector<256xf32>
      %gt3A_1464 = arith.constant 3.700000e+01 : f32
      %gt3A_1465 = vector.broadcast %gt3A_1464 : f32 to vector<256xf32>
      %gt3A_1466 = arith.cmpf ogt, %reduce_max3A_1463, %gt3A_1465 : vector<256xf32>
      %jit3A_1467 = arith.constant 1.000000e+00 : f32
      %jit3A_1468 = arith.constant 0.000000e+00 : f32
      %broadcast_in_dim3A_1469 = vector.broadcast %jit3A_1467 : f32 to vector<256xf32>
      %broadcast_in_dim3A_1470 = vector.broadcast %jit3A_1468 : f32 to vector<256xf32>
      %select_n3A_1471 = arith.select %gt3A_1466, %broadcast_in_dim3A_1469, %broadcast_in_dim3A_1470 : vector<256xi1>, vector<256xf32>
      %max3A = arith.maximumf %while3A_1454, %select_n3A_1471 : vector<256xf32>
      scf.yield %max3A : vector<256xf32>
    }
    %while3A_658 = arith.constant 1 : i32
    %while3A_659 = scf.for %while3A_1453 = %while3A_655 to %while3A_651 step %while3A_658 iter_args(%while3A_1454 = %while3A_657) -> (vector<256xf32>)  : i32 {
      %mul3A_1455 = arith.constant 256 : i32
      %mul3A_1456 = arith.muli %while3A_1453, %mul3A_1455 : i32
      %get3A_1457 = arith.constant 0 : index
      %get3A_1458 = arith.index_cast %mul3A_1456 : i32 to index
      %get3A_1459 = vector.load %arg13[%get3A_1457, %get3A_1458] : memref<48x10240xbf16, #tpu.memory_space<vmem>>, vector<48x256xbf16>
      %dot_general3A_1460 = arith.constant dense<0.000000e+00> : vector<256x256xf32>
      %dot_general3A_1461 = tpu.matmul %get3A_633, %get3A_1459, %dot_general3A_1460 {dimension_numbers = #tpu.dot_dimension_numbers<[0], [0], [1], [1], [0, 1, 1, 1], [], []>, transpose_lhs_hint = false} : vector<48x256xbf16>, vector<48x256xbf16>, vector<256x256xf32> -> vector<256x256xf32>
      %reduce_max3A_1462 = arith.constant dense<0xFF800000> : vector<256xf32>
      %reduce_max3A_1463 = vector.multi_reduction <maximumf>, %dot_general3A_1461, %reduce_max3A_1462 [1] : vector<256x256xf32> to vector<256xf32>
      %gt3A_1464 = arith.constant 3.700000e+01 : f32
      %gt3A_1465 = vector.broadcast %gt3A_1464 : f32 to vector<256xf32>
      %gt3A_1466 = arith.cmpf ogt, %reduce_max3A_1463, %gt3A_1465 : vector<256xf32>
      %jit3A_1467 = arith.constant 1.000000e+00 : f32
      %jit3A_1468 = arith.constant 0.000000e+00 : f32
      %broadcast_in_dim3A_1469 = vector.broadcast %jit3A_1467 : f32 to vector<256xf32>
      %broadcast_in_dim3A_1470 = vector.broadcast %jit3A_1468 : f32 to vector<256xf32>
      %select_n3A_1471 = arith.select %gt3A_1466, %broadcast_in_dim3A_1469, %broadcast_in_dim3A_1470 : vector<256xi1>, vector<256xf32>
      %max3A = arith.maximumf %while3A_1454, %select_n3A_1471 : vector<256xf32>
      scf.yield %max3A : vector<256xf32>
    }
    %swap3A_660 = arith.constant 3840 : index
    %swap3A_661 = vector.load %arg14[%swap3A_660] : memref<10240xf32, #tpu.memory_space<vmem>>, vector<256xf32>
    tpu.vector_store %arg14[%swap3A_660], %while3A_659 {strides = array<i32>} : memref<10240xf32, #tpu.memory_space<vmem>>, vector<256xf32>,
    %get3A_662 = arith.constant 0 : index
    %get3A_663 = arith.constant 4096 : index
    %get3A_664 = vector.load %arg13[%get3A_662, %get3A_663] : memref<48x10240xbf16, #tpu.memory_space<vmem>>, vector<48x256xbf16>
    %dot_general3A_665 = arith.constant dense<0.000000e+00> : vector<256x256xf32>
    %dot_general3A_666 = tpu.matmul %get3A_664, %get3A_664, %dot_general3A_665 {dimension_numbers = #tpu.dot_dimension_numbers<[0], [0], [1], [1], [0, 1, 1, 1], [], []>, transpose_lhs_hint = false} : vector<48x256xbf16>, vector<48x256xbf16>, vector<256x256xf32> -> vector<256x256xf32>
    %add3A_667 = arith.addf %dot_general3A_666, %select_n3A_168 : vector<256x256xf32>
    %reduce_max3A_668 = arith.constant dense<0xFF800000> : vector<256xf32>
    %reduce_max3A_669 = vector.multi_reduction <maximumf>, %add3A_667, %reduce_max3A_668 [1] : vector<256x256xf32> to vector<256xf32>
    %gt3A_670 = arith.constant 3.700000e+01 : f32
    %gt3A_671 = vector.broadcast %gt3A_670 : f32 to vector<256xf32>
    %gt3A_672 = arith.cmpf ogt, %reduce_max3A_669, %gt3A_671 : vector<256xf32>
    %jit3A_673 = arith.constant 1.000000e+00 : f32
    %jit3A_674 = arith.constant 0.000000e+00 : f32
    %broadcast_in_dim3A_675 = vector.broadcast %jit3A_673 : f32 to vector<256xf32>
    %broadcast_in_dim3A_676 = vector.broadcast %jit3A_674 : f32 to vector<256xf32>
    %select_n3A_677 = arith.select %gt3A_672, %broadcast_in_dim3A_675, %broadcast_in_dim3A_676 : vector<256xi1>, vector<256xf32>
    %get3A_678 = arith.constant 16 : index
    %get3A_679 = memref.load %arg0[%get3A_678] : memref<40xi32, #tpu.memory_space<smem>>
    %while3A_680 = arith.constant 16 : i32
    %while3A_681 = arith.subi %while3A_680, %get3A_679 : i32
    %while3A_682 = arith.addi %get3A_679, %while3A_681 : i32
    %while3A_683 = arith.constant 1 : i32
    %while3A_684 = arith.divsi %while3A_681, %while3A_683 : i32
    %while3A_685 = arith.muli %while3A_684, %while3A_683 : i32
    %while3A_686 = arith.addi %get3A_679, %while3A_685 : i32
    %while3A_687 = arith.constant 1 : i32
    %while3A_688 = scf.for %while3A_1453 = %get3A_679 to %while3A_686 step %while3A_687 iter_args(%while3A_1454 = %select_n3A_677) -> (vector<256xf32>)  : i32 {
      %mul3A_1455 = arith.constant 256 : i32
      %mul3A_1456 = arith.muli %while3A_1453, %mul3A_1455 : i32
      %get3A_1457 = arith.constant 0 : index
      %get3A_1458 = arith.index_cast %mul3A_1456 : i32 to index
      %get3A_1459 = vector.load %arg13[%get3A_1457, %get3A_1458] : memref<48x10240xbf16, #tpu.memory_space<vmem>>, vector<48x256xbf16>
      %dot_general3A_1460 = arith.constant dense<0.000000e+00> : vector<256x256xf32>
      %dot_general3A_1461 = tpu.matmul %get3A_664, %get3A_1459, %dot_general3A_1460 {dimension_numbers = #tpu.dot_dimension_numbers<[0], [0], [1], [1], [0, 1, 1, 1], [], []>, transpose_lhs_hint = false} : vector<48x256xbf16>, vector<48x256xbf16>, vector<256x256xf32> -> vector<256x256xf32>
      %reduce_max3A_1462 = arith.constant dense<0xFF800000> : vector<256xf32>
      %reduce_max3A_1463 = vector.multi_reduction <maximumf>, %dot_general3A_1461, %reduce_max3A_1462 [1] : vector<256x256xf32> to vector<256xf32>
      %gt3A_1464 = arith.constant 3.700000e+01 : f32
      %gt3A_1465 = vector.broadcast %gt3A_1464 : f32 to vector<256xf32>
      %gt3A_1466 = arith.cmpf ogt, %reduce_max3A_1463, %gt3A_1465 : vector<256xf32>
      %jit3A_1467 = arith.constant 1.000000e+00 : f32
      %jit3A_1468 = arith.constant 0.000000e+00 : f32
      %broadcast_in_dim3A_1469 = vector.broadcast %jit3A_1467 : f32 to vector<256xf32>
      %broadcast_in_dim3A_1470 = vector.broadcast %jit3A_1468 : f32 to vector<256xf32>
      %select_n3A_1471 = arith.select %gt3A_1466, %broadcast_in_dim3A_1469, %broadcast_in_dim3A_1470 : vector<256xi1>, vector<256xf32>
      %max3A = arith.maximumf %while3A_1454, %select_n3A_1471 : vector<256xf32>
      scf.yield %max3A : vector<256xf32>
    }
    %while3A_689 = arith.constant 1 : i32
    %while3A_690 = scf.for %while3A_1453 = %while3A_686 to %while3A_682 step %while3A_689 iter_args(%while3A_1454 = %while3A_688) -> (vector<256xf32>)  : i32 {
      %mul3A_1455 = arith.constant 256 : i32
      %mul3A_1456 = arith.muli %while3A_1453, %mul3A_1455 : i32
      %get3A_1457 = arith.constant 0 : index
      %get3A_1458 = arith.index_cast %mul3A_1456 : i32 to index
      %get3A_1459 = vector.load %arg13[%get3A_1457, %get3A_1458] : memref<48x10240xbf16, #tpu.memory_space<vmem>>, vector<48x256xbf16>
      %dot_general3A_1460 = arith.constant dense<0.000000e+00> : vector<256x256xf32>
      %dot_general3A_1461 = tpu.matmul %get3A_664, %get3A_1459, %dot_general3A_1460 {dimension_numbers = #tpu.dot_dimension_numbers<[0], [0], [1], [1], [0, 1, 1, 1], [], []>, transpose_lhs_hint = false} : vector<48x256xbf16>, vector<48x256xbf16>, vector<256x256xf32> -> vector<256x256xf32>
      %reduce_max3A_1462 = arith.constant dense<0xFF800000> : vector<256xf32>
      %reduce_max3A_1463 = vector.multi_reduction <maximumf>, %dot_general3A_1461, %reduce_max3A_1462 [1] : vector<256x256xf32> to vector<256xf32>
      %gt3A_1464 = arith.constant 3.700000e+01 : f32
      %gt3A_1465 = vector.broadcast %gt3A_1464 : f32 to vector<256xf32>
      %gt3A_1466 = arith.cmpf ogt, %reduce_max3A_1463, %gt3A_1465 : vector<256xf32>
      %jit3A_1467 = arith.constant 1.000000e+00 : f32
      %jit3A_1468 = arith.constant 0.000000e+00 : f32
      %broadcast_in_dim3A_1469 = vector.broadcast %jit3A_1467 : f32 to vector<256xf32>
      %broadcast_in_dim3A_1470 = vector.broadcast %jit3A_1468 : f32 to vector<256xf32>
      %select_n3A_1471 = arith.select %gt3A_1466, %broadcast_in_dim3A_1469, %broadcast_in_dim3A_1470 : vector<256xi1>, vector<256xf32>
      %max3A = arith.maximumf %while3A_1454, %select_n3A_1471 : vector<256xf32>
      scf.yield %max3A : vector<256xf32>
    }
    %swap3A_691 = arith.constant 4096 : index
    %swap3A_692 = vector.load %arg14[%swap3A_691] : memref<10240xf32, #tpu.memory_space<vmem>>, vector<256xf32>
    tpu.vector_store %arg14[%swap3A_691], %while3A_690 {strides = array<i32>} : memref<10240xf32, #tpu.memory_space<vmem>>, vector<256xf32>,
    %get3A_693 = arith.constant 0 : index
    %get3A_694 = arith.constant 4352 : index
    %get3A_695 = vector.load %arg13[%get3A_693, %get3A_694] : memref<48x10240xbf16, #tpu.memory_space<vmem>>, vector<48x256xbf16>
    %dot_general3A_696 = arith.constant dense<0.000000e+00> : vector<256x256xf32>
    %dot_general3A_697 = tpu.matmul %get3A_695, %get3A_695, %dot_general3A_696 {dimension_numbers = #tpu.dot_dimension_numbers<[0], [0], [1], [1], [0, 1, 1, 1], [], []>, transpose_lhs_hint = false} : vector<48x256xbf16>, vector<48x256xbf16>, vector<256x256xf32> -> vector<256x256xf32>
    %add3A_698 = arith.addf %dot_general3A_697, %select_n3A_168 : vector<256x256xf32>
    %reduce_max3A_699 = arith.constant dense<0xFF800000> : vector<256xf32>
    %reduce_max3A_700 = vector.multi_reduction <maximumf>, %add3A_698, %reduce_max3A_699 [1] : vector<256x256xf32> to vector<256xf32>
    %gt3A_701 = arith.constant 3.700000e+01 : f32
    %gt3A_702 = vector.broadcast %gt3A_701 : f32 to vector<256xf32>
    %gt3A_703 = arith.cmpf ogt, %reduce_max3A_700, %gt3A_702 : vector<256xf32>
    %jit3A_704 = arith.constant 1.000000e+00 : f32
    %jit3A_705 = arith.constant 0.000000e+00 : f32
    %broadcast_in_dim3A_706 = vector.broadcast %jit3A_704 : f32 to vector<256xf32>
    %broadcast_in_dim3A_707 = vector.broadcast %jit3A_705 : f32 to vector<256xf32>
    %select_n3A_708 = arith.select %gt3A_703, %broadcast_in_dim3A_706, %broadcast_in_dim3A_707 : vector<256xi1>, vector<256xf32>
    %get3A_709 = arith.constant 17 : index
    %get3A_710 = memref.load %arg0[%get3A_709] : memref<40xi32, #tpu.memory_space<smem>>
    %while3A_711 = arith.constant 17 : i32
    %while3A_712 = arith.subi %while3A_711, %get3A_710 : i32
    %while3A_713 = arith.addi %get3A_710, %while3A_712 : i32
    %while3A_714 = arith.constant 1 : i32
    %while3A_715 = arith.divsi %while3A_712, %while3A_714 : i32
    %while3A_716 = arith.muli %while3A_715, %while3A_714 : i32
    %while3A_717 = arith.addi %get3A_710, %while3A_716 : i32
    %while3A_718 = arith.constant 1 : i32
    %while3A_719 = scf.for %while3A_1453 = %get3A_710 to %while3A_717 step %while3A_718 iter_args(%while3A_1454 = %select_n3A_708) -> (vector<256xf32>)  : i32 {
      %mul3A_1455 = arith.constant 256 : i32
      %mul3A_1456 = arith.muli %while3A_1453, %mul3A_1455 : i32
      %get3A_1457 = arith.constant 0 : index
      %get3A_1458 = arith.index_cast %mul3A_1456 : i32 to index
      %get3A_1459 = vector.load %arg13[%get3A_1457, %get3A_1458] : memref<48x10240xbf16, #tpu.memory_space<vmem>>, vector<48x256xbf16>
      %dot_general3A_1460 = arith.constant dense<0.000000e+00> : vector<256x256xf32>
      %dot_general3A_1461 = tpu.matmul %get3A_695, %get3A_1459, %dot_general3A_1460 {dimension_numbers = #tpu.dot_dimension_numbers<[0], [0], [1], [1], [0, 1, 1, 1], [], []>, transpose_lhs_hint = false} : vector<48x256xbf16>, vector<48x256xbf16>, vector<256x256xf32> -> vector<256x256xf32>
      %reduce_max3A_1462 = arith.constant dense<0xFF800000> : vector<256xf32>
      %reduce_max3A_1463 = vector.multi_reduction <maximumf>, %dot_general3A_1461, %reduce_max3A_1462 [1] : vector<256x256xf32> to vector<256xf32>
      %gt3A_1464 = arith.constant 3.700000e+01 : f32
      %gt3A_1465 = vector.broadcast %gt3A_1464 : f32 to vector<256xf32>
      %gt3A_1466 = arith.cmpf ogt, %reduce_max3A_1463, %gt3A_1465 : vector<256xf32>
      %jit3A_1467 = arith.constant 1.000000e+00 : f32
      %jit3A_1468 = arith.constant 0.000000e+00 : f32
      %broadcast_in_dim3A_1469 = vector.broadcast %jit3A_1467 : f32 to vector<256xf32>
      %broadcast_in_dim3A_1470 = vector.broadcast %jit3A_1468 : f32 to vector<256xf32>
      %select_n3A_1471 = arith.select %gt3A_1466, %broadcast_in_dim3A_1469, %broadcast_in_dim3A_1470 : vector<256xi1>, vector<256xf32>
      %max3A = arith.maximumf %while3A_1454, %select_n3A_1471 : vector<256xf32>
      scf.yield %max3A : vector<256xf32>
    }
    %while3A_720 = arith.constant 1 : i32
    %while3A_721 = scf.for %while3A_1453 = %while3A_717 to %while3A_713 step %while3A_720 iter_args(%while3A_1454 = %while3A_719) -> (vector<256xf32>)  : i32 {
      %mul3A_1455 = arith.constant 256 : i32
      %mul3A_1456 = arith.muli %while3A_1453, %mul3A_1455 : i32
      %get3A_1457 = arith.constant 0 : index
      %get3A_1458 = arith.index_cast %mul3A_1456 : i32 to index
      %get3A_1459 = vector.load %arg13[%get3A_1457, %get3A_1458] : memref<48x10240xbf16, #tpu.memory_space<vmem>>, vector<48x256xbf16>
      %dot_general3A_1460 = arith.constant dense<0.000000e+00> : vector<256x256xf32>
      %dot_general3A_1461 = tpu.matmul %get3A_695, %get3A_1459, %dot_general3A_1460 {dimension_numbers = #tpu.dot_dimension_numbers<[0], [0], [1], [1], [0, 1, 1, 1], [], []>, transpose_lhs_hint = false} : vector<48x256xbf16>, vector<48x256xbf16>, vector<256x256xf32> -> vector<256x256xf32>
      %reduce_max3A_1462 = arith.constant dense<0xFF800000> : vector<256xf32>
      %reduce_max3A_1463 = vector.multi_reduction <maximumf>, %dot_general3A_1461, %reduce_max3A_1462 [1] : vector<256x256xf32> to vector<256xf32>
      %gt3A_1464 = arith.constant 3.700000e+01 : f32
      %gt3A_1465 = vector.broadcast %gt3A_1464 : f32 to vector<256xf32>
      %gt3A_1466 = arith.cmpf ogt, %reduce_max3A_1463, %gt3A_1465 : vector<256xf32>
      %jit3A_1467 = arith.constant 1.000000e+00 : f32
      %jit3A_1468 = arith.constant 0.000000e+00 : f32
      %broadcast_in_dim3A_1469 = vector.broadcast %jit3A_1467 : f32 to vector<256xf32>
      %broadcast_in_dim3A_1470 = vector.broadcast %jit3A_1468 : f32 to vector<256xf32>
      %select_n3A_1471 = arith.select %gt3A_1466, %broadcast_in_dim3A_1469, %broadcast_in_dim3A_1470 : vector<256xi1>, vector<256xf32>
      %max3A = arith.maximumf %while3A_1454, %select_n3A_1471 : vector<256xf32>
      scf.yield %max3A : vector<256xf32>
    }
    %swap3A_722 = arith.constant 4352 : index
    %swap3A_723 = vector.load %arg14[%swap3A_722] : memref<10240xf32, #tpu.memory_space<vmem>>, vector<256xf32>
    tpu.vector_store %arg14[%swap3A_722], %while3A_721 {strides = array<i32>} : memref<10240xf32, #tpu.memory_space<vmem>>, vector<256xf32>,
    %get3A_724 = arith.constant 0 : index
    %get3A_725 = arith.constant 4608 : index
    %get3A_726 = vector.load %arg13[%get3A_724, %get3A_725] : memref<48x10240xbf16, #tpu.memory_space<vmem>>, vector<48x256xbf16>
    %dot_general3A_727 = arith.constant dense<0.000000e+00> : vector<256x256xf32>
    %dot_general3A_728 = tpu.matmul %get3A_726, %get3A_726, %dot_general3A_727 {dimension_numbers = #tpu.dot_dimension_numbers<[0], [0], [1], [1], [0, 1, 1, 1], [], []>, transpose_lhs_hint = false} : vector<48x256xbf16>, vector<48x256xbf16>, vector<256x256xf32> -> vector<256x256xf32>
    %add3A_729 = arith.addf %dot_general3A_728, %select_n3A_168 : vector<256x256xf32>
    %reduce_max3A_730 = arith.constant dense<0xFF800000> : vector<256xf32>
    %reduce_max3A_731 = vector.multi_reduction <maximumf>, %add3A_729, %reduce_max3A_730 [1] : vector<256x256xf32> to vector<256xf32>
    %gt3A_732 = arith.constant 3.700000e+01 : f32
    %gt3A_733 = vector.broadcast %gt3A_732 : f32 to vector<256xf32>
    %gt3A_734 = arith.cmpf ogt, %reduce_max3A_731, %gt3A_733 : vector<256xf32>
    %jit3A_735 = arith.constant 1.000000e+00 : f32
    %jit3A_736 = arith.constant 0.000000e+00 : f32
    %broadcast_in_dim3A_737 = vector.broadcast %jit3A_735 : f32 to vector<256xf32>
    %broadcast_in_dim3A_738 = vector.broadcast %jit3A_736 : f32 to vector<256xf32>
    %select_n3A_739 = arith.select %gt3A_734, %broadcast_in_dim3A_737, %broadcast_in_dim3A_738 : vector<256xi1>, vector<256xf32>
    %get3A_740 = arith.constant 18 : index
    %get3A_741 = memref.load %arg0[%get3A_740] : memref<40xi32, #tpu.memory_space<smem>>
    %while3A_742 = arith.constant 18 : i32
    %while3A_743 = arith.subi %while3A_742, %get3A_741 : i32
    %while3A_744 = arith.addi %get3A_741, %while3A_743 : i32
    %while3A_745 = arith.constant 1 : i32
    %while3A_746 = arith.divsi %while3A_743, %while3A_745 : i32
    %while3A_747 = arith.muli %while3A_746, %while3A_745 : i32
    %while3A_748 = arith.addi %get3A_741, %while3A_747 : i32
    %while3A_749 = arith.constant 1 : i32
    %while3A_750 = scf.for %while3A_1453 = %get3A_741 to %while3A_748 step %while3A_749 iter_args(%while3A_1454 = %select_n3A_739) -> (vector<256xf32>)  : i32 {
      %mul3A_1455 = arith.constant 256 : i32
      %mul3A_1456 = arith.muli %while3A_1453, %mul3A_1455 : i32
      %get3A_1457 = arith.constant 0 : index
      %get3A_1458 = arith.index_cast %mul3A_1456 : i32 to index
      %get3A_1459 = vector.load %arg13[%get3A_1457, %get3A_1458] : memref<48x10240xbf16, #tpu.memory_space<vmem>>, vector<48x256xbf16>
      %dot_general3A_1460 = arith.constant dense<0.000000e+00> : vector<256x256xf32>
      %dot_general3A_1461 = tpu.matmul %get3A_726, %get3A_1459, %dot_general3A_1460 {dimension_numbers = #tpu.dot_dimension_numbers<[0], [0], [1], [1], [0, 1, 1, 1], [], []>, transpose_lhs_hint = false} : vector<48x256xbf16>, vector<48x256xbf16>, vector<256x256xf32> -> vector<256x256xf32>
      %reduce_max3A_1462 = arith.constant dense<0xFF800000> : vector<256xf32>
      %reduce_max3A_1463 = vector.multi_reduction <maximumf>, %dot_general3A_1461, %reduce_max3A_1462 [1] : vector<256x256xf32> to vector<256xf32>
      %gt3A_1464 = arith.constant 3.700000e+01 : f32
      %gt3A_1465 = vector.broadcast %gt3A_1464 : f32 to vector<256xf32>
      %gt3A_1466 = arith.cmpf ogt, %reduce_max3A_1463, %gt3A_1465 : vector<256xf32>
      %jit3A_1467 = arith.constant 1.000000e+00 : f32
      %jit3A_1468 = arith.constant 0.000000e+00 : f32
      %broadcast_in_dim3A_1469 = vector.broadcast %jit3A_1467 : f32 to vector<256xf32>
      %broadcast_in_dim3A_1470 = vector.broadcast %jit3A_1468 : f32 to vector<256xf32>
      %select_n3A_1471 = arith.select %gt3A_1466, %broadcast_in_dim3A_1469, %broadcast_in_dim3A_1470 : vector<256xi1>, vector<256xf32>
      %max3A = arith.maximumf %while3A_1454, %select_n3A_1471 : vector<256xf32>
      scf.yield %max3A : vector<256xf32>
    }
    %while3A_751 = arith.constant 1 : i32
    %while3A_752 = scf.for %while3A_1453 = %while3A_748 to %while3A_744 step %while3A_751 iter_args(%while3A_1454 = %while3A_750) -> (vector<256xf32>)  : i32 {
      %mul3A_1455 = arith.constant 256 : i32
      %mul3A_1456 = arith.muli %while3A_1453, %mul3A_1455 : i32
      %get3A_1457 = arith.constant 0 : index
      %get3A_1458 = arith.index_cast %mul3A_1456 : i32 to index
      %get3A_1459 = vector.load %arg13[%get3A_1457, %get3A_1458] : memref<48x10240xbf16, #tpu.memory_space<vmem>>, vector<48x256xbf16>
      %dot_general3A_1460 = arith.constant dense<0.000000e+00> : vector<256x256xf32>
      %dot_general3A_1461 = tpu.matmul %get3A_726, %get3A_1459, %dot_general3A_1460 {dimension_numbers = #tpu.dot_dimension_numbers<[0], [0], [1], [1], [0, 1, 1, 1], [], []>, transpose_lhs_hint = false} : vector<48x256xbf16>, vector<48x256xbf16>, vector<256x256xf32> -> vector<256x256xf32>
      %reduce_max3A_1462 = arith.constant dense<0xFF800000> : vector<256xf32>
      %reduce_max3A_1463 = vector.multi_reduction <maximumf>, %dot_general3A_1461, %reduce_max3A_1462 [1] : vector<256x256xf32> to vector<256xf32>
      %gt3A_1464 = arith.constant 3.700000e+01 : f32
      %gt3A_1465 = vector.broadcast %gt3A_1464 : f32 to vector<256xf32>
      %gt3A_1466 = arith.cmpf ogt, %reduce_max3A_1463, %gt3A_1465 : vector<256xf32>
      %jit3A_1467 = arith.constant 1.000000e+00 : f32
      %jit3A_1468 = arith.constant 0.000000e+00 : f32
      %broadcast_in_dim3A_1469 = vector.broadcast %jit3A_1467 : f32 to vector<256xf32>
      %broadcast_in_dim3A_1470 = vector.broadcast %jit3A_1468 : f32 to vector<256xf32>
      %select_n3A_1471 = arith.select %gt3A_1466, %broadcast_in_dim3A_1469, %broadcast_in_dim3A_1470 : vector<256xi1>, vector<256xf32>
      %max3A = arith.maximumf %while3A_1454, %select_n3A_1471 : vector<256xf32>
      scf.yield %max3A : vector<256xf32>
    }
    %swap3A_753 = arith.constant 4608 : index
    %swap3A_754 = vector.load %arg14[%swap3A_753] : memref<10240xf32, #tpu.memory_space<vmem>>, vector<256xf32>
    tpu.vector_store %arg14[%swap3A_753], %while3A_752 {strides = array<i32>} : memref<10240xf32, #tpu.memory_space<vmem>>, vector<256xf32>,
    %get3A_755 = arith.constant 0 : index
    %get3A_756 = arith.constant 4864 : index
    %get3A_757 = vector.load %arg13[%get3A_755, %get3A_756] : memref<48x10240xbf16, #tpu.memory_space<vmem>>, vector<48x256xbf16>
    %dot_general3A_758 = arith.constant dense<0.000000e+00> : vector<256x256xf32>
    %dot_general3A_759 = tpu.matmul %get3A_757, %get3A_757, %dot_general3A_758 {dimension_numbers = #tpu.dot_dimension_numbers<[0], [0], [1], [1], [0, 1, 1, 1], [], []>, transpose_lhs_hint = false} : vector<48x256xbf16>, vector<48x256xbf16>, vector<256x256xf32> -> vector<256x256xf32>
    %add3A_760 = arith.addf %dot_general3A_759, %select_n3A_168 : vector<256x256xf32>
    %reduce_max3A_761 = arith.constant dense<0xFF800000> : vector<256xf32>
    %reduce_max3A_762 = vector.multi_reduction <maximumf>, %add3A_760, %reduce_max3A_761 [1] : vector<256x256xf32> to vector<256xf32>
    %gt3A_763 = arith.constant 3.700000e+01 : f32
    %gt3A_764 = vector.broadcast %gt3A_763 : f32 to vector<256xf32>
    %gt3A_765 = arith.cmpf ogt, %reduce_max3A_762, %gt3A_764 : vector<256xf32>
    %jit3A_766 = arith.constant 1.000000e+00 : f32
    %jit3A_767 = arith.constant 0.000000e+00 : f32
    %broadcast_in_dim3A_768 = vector.broadcast %jit3A_766 : f32 to vector<256xf32>
    %broadcast_in_dim3A_769 = vector.broadcast %jit3A_767 : f32 to vector<256xf32>
    %select_n3A_770 = arith.select %gt3A_765, %broadcast_in_dim3A_768, %broadcast_in_dim3A_769 : vector<256xi1>, vector<256xf32>
    %get3A_771 = arith.constant 19 : index
    %get3A_772 = memref.load %arg0[%get3A_771] : memref<40xi32, #tpu.memory_space<smem>>
    %while3A_773 = arith.constant 19 : i32
    %while3A_774 = arith.subi %while3A_773, %get3A_772 : i32
    %while3A_775 = arith.addi %get3A_772, %while3A_774 : i32
    %while3A_776 = arith.constant 1 : i32
    %while3A_777 = arith.divsi %while3A_774, %while3A_776 : i32
    %while3A_778 = arith.muli %while3A_777, %while3A_776 : i32
    %while3A_779 = arith.addi %get3A_772, %while3A_778 : i32
    %while3A_780 = arith.constant 1 : i32
    %while3A_781 = scf.for %while3A_1453 = %get3A_772 to %while3A_779 step %while3A_780 iter_args(%while3A_1454 = %select_n3A_770) -> (vector<256xf32>)  : i32 {
      %mul3A_1455 = arith.constant 256 : i32
      %mul3A_1456 = arith.muli %while3A_1453, %mul3A_1455 : i32
      %get3A_1457 = arith.constant 0 : index
      %get3A_1458 = arith.index_cast %mul3A_1456 : i32 to index
      %get3A_1459 = vector.load %arg13[%get3A_1457, %get3A_1458] : memref<48x10240xbf16, #tpu.memory_space<vmem>>, vector<48x256xbf16>
      %dot_general3A_1460 = arith.constant dense<0.000000e+00> : vector<256x256xf32>
      %dot_general3A_1461 = tpu.matmul %get3A_757, %get3A_1459, %dot_general3A_1460 {dimension_numbers = #tpu.dot_dimension_numbers<[0], [0], [1], [1], [0, 1, 1, 1], [], []>, transpose_lhs_hint = false} : vector<48x256xbf16>, vector<48x256xbf16>, vector<256x256xf32> -> vector<256x256xf32>
      %reduce_max3A_1462 = arith.constant dense<0xFF800000> : vector<256xf32>
      %reduce_max3A_1463 = vector.multi_reduction <maximumf>, %dot_general3A_1461, %reduce_max3A_1462 [1] : vector<256x256xf32> to vector<256xf32>
      %gt3A_1464 = arith.constant 3.700000e+01 : f32
      %gt3A_1465 = vector.broadcast %gt3A_1464 : f32 to vector<256xf32>
      %gt3A_1466 = arith.cmpf ogt, %reduce_max3A_1463, %gt3A_1465 : vector<256xf32>
      %jit3A_1467 = arith.constant 1.000000e+00 : f32
      %jit3A_1468 = arith.constant 0.000000e+00 : f32
      %broadcast_in_dim3A_1469 = vector.broadcast %jit3A_1467 : f32 to vector<256xf32>
      %broadcast_in_dim3A_1470 = vector.broadcast %jit3A_1468 : f32 to vector<256xf32>
      %select_n3A_1471 = arith.select %gt3A_1466, %broadcast_in_dim3A_1469, %broadcast_in_dim3A_1470 : vector<256xi1>, vector<256xf32>
      %max3A = arith.maximumf %while3A_1454, %select_n3A_1471 : vector<256xf32>
      scf.yield %max3A : vector<256xf32>
    }
    %while3A_782 = arith.constant 1 : i32
    %while3A_783 = scf.for %while3A_1453 = %while3A_779 to %while3A_775 step %while3A_782 iter_args(%while3A_1454 = %while3A_781) -> (vector<256xf32>)  : i32 {
      %mul3A_1455 = arith.constant 256 : i32
      %mul3A_1456 = arith.muli %while3A_1453, %mul3A_1455 : i32
      %get3A_1457 = arith.constant 0 : index
      %get3A_1458 = arith.index_cast %mul3A_1456 : i32 to index
      %get3A_1459 = vector.load %arg13[%get3A_1457, %get3A_1458] : memref<48x10240xbf16, #tpu.memory_space<vmem>>, vector<48x256xbf16>
      %dot_general3A_1460 = arith.constant dense<0.000000e+00> : vector<256x256xf32>
      %dot_general3A_1461 = tpu.matmul %get3A_757, %get3A_1459, %dot_general3A_1460 {dimension_numbers = #tpu.dot_dimension_numbers<[0], [0], [1], [1], [0, 1, 1, 1], [], []>, transpose_lhs_hint = false} : vector<48x256xbf16>, vector<48x256xbf16>, vector<256x256xf32> -> vector<256x256xf32>
      %reduce_max3A_1462 = arith.constant dense<0xFF800000> : vector<256xf32>
      %reduce_max3A_1463 = vector.multi_reduction <maximumf>, %dot_general3A_1461, %reduce_max3A_1462 [1] : vector<256x256xf32> to vector<256xf32>
      %gt3A_1464 = arith.constant 3.700000e+01 : f32
      %gt3A_1465 = vector.broadcast %gt3A_1464 : f32 to vector<256xf32>
      %gt3A_1466 = arith.cmpf ogt, %reduce_max3A_1463, %gt3A_1465 : vector<256xf32>
      %jit3A_1467 = arith.constant 1.000000e+00 : f32
      %jit3A_1468 = arith.constant 0.000000e+00 : f32
      %broadcast_in_dim3A_1469 = vector.broadcast %jit3A_1467 : f32 to vector<256xf32>
      %broadcast_in_dim3A_1470 = vector.broadcast %jit3A_1468 : f32 to vector<256xf32>
      %select_n3A_1471 = arith.select %gt3A_1466, %broadcast_in_dim3A_1469, %broadcast_in_dim3A_1470 : vector<256xi1>, vector<256xf32>
      %max3A = arith.maximumf %while3A_1454, %select_n3A_1471 : vector<256xf32>
      scf.yield %max3A : vector<256xf32>
    }
    %swap3A_784 = arith.constant 4864 : index
    %swap3A_785 = vector.load %arg14[%swap3A_784] : memref<10240xf32, #tpu.memory_space<vmem>>, vector<256xf32>
    tpu.vector_store %arg14[%swap3A_784], %while3A_783 {strides = array<i32>} : memref<10240xf32, #tpu.memory_space<vmem>>, vector<256xf32>,
    %get3A_786 = arith.constant 0 : index
    %get3A_787 = arith.constant 5120 : index
    %get3A_788 = vector.load %arg13[%get3A_786, %get3A_787] : memref<48x10240xbf16, #tpu.memory_space<vmem>>, vector<48x256xbf16>
    %dot_general3A_789 = arith.constant dense<0.000000e+00> : vector<256x256xf32>
    %dot_general3A_790 = tpu.matmul %get3A_788, %get3A_788, %dot_general3A_789 {dimension_numbers = #tpu.dot_dimension_numbers<[0], [0], [1], [1], [0, 1, 1, 1], [], []>, transpose_lhs_hint = false} : vector<48x256xbf16>, vector<48x256xbf16>, vector<256x256xf32> -> vector<256x256xf32>
    %add3A_791 = arith.addf %dot_general3A_790, %select_n3A_168 : vector<256x256xf32>
    %reduce_max3A_792 = arith.constant dense<0xFF800000> : vector<256xf32>
    %reduce_max3A_793 = vector.multi_reduction <maximumf>, %add3A_791, %reduce_max3A_792 [1] : vector<256x256xf32> to vector<256xf32>
    %gt3A_794 = arith.constant 3.700000e+01 : f32
    %gt3A_795 = vector.broadcast %gt3A_794 : f32 to vector<256xf32>
    %gt3A_796 = arith.cmpf ogt, %reduce_max3A_793, %gt3A_795 : vector<256xf32>
    %jit3A_797 = arith.constant 1.000000e+00 : f32
    %jit3A_798 = arith.constant 0.000000e+00 : f32
    %broadcast_in_dim3A_799 = vector.broadcast %jit3A_797 : f32 to vector<256xf32>
    %broadcast_in_dim3A_800 = vector.broadcast %jit3A_798 : f32 to vector<256xf32>
    %select_n3A_801 = arith.select %gt3A_796, %broadcast_in_dim3A_799, %broadcast_in_dim3A_800 : vector<256xi1>, vector<256xf32>
    %get3A_802 = arith.constant 20 : index
    %get3A_803 = memref.load %arg0[%get3A_802] : memref<40xi32, #tpu.memory_space<smem>>
    %while3A_804 = arith.constant 20 : i32
    %while3A_805 = arith.subi %while3A_804, %get3A_803 : i32
    %while3A_806 = arith.addi %get3A_803, %while3A_805 : i32
    %while3A_807 = arith.constant 1 : i32
    %while3A_808 = arith.divsi %while3A_805, %while3A_807 : i32
    %while3A_809 = arith.muli %while3A_808, %while3A_807 : i32
    %while3A_810 = arith.addi %get3A_803, %while3A_809 : i32
    %while3A_811 = arith.constant 1 : i32
    %while3A_812 = scf.for %while3A_1453 = %get3A_803 to %while3A_810 step %while3A_811 iter_args(%while3A_1454 = %select_n3A_801) -> (vector<256xf32>)  : i32 {
      %mul3A_1455 = arith.constant 256 : i32
      %mul3A_1456 = arith.muli %while3A_1453, %mul3A_1455 : i32
      %get3A_1457 = arith.constant 0 : index
      %get3A_1458 = arith.index_cast %mul3A_1456 : i32 to index
      %get3A_1459 = vector.load %arg13[%get3A_1457, %get3A_1458] : memref<48x10240xbf16, #tpu.memory_space<vmem>>, vector<48x256xbf16>
      %dot_general3A_1460 = arith.constant dense<0.000000e+00> : vector<256x256xf32>
      %dot_general3A_1461 = tpu.matmul %get3A_788, %get3A_1459, %dot_general3A_1460 {dimension_numbers = #tpu.dot_dimension_numbers<[0], [0], [1], [1], [0, 1, 1, 1], [], []>, transpose_lhs_hint = false} : vector<48x256xbf16>, vector<48x256xbf16>, vector<256x256xf32> -> vector<256x256xf32>
      %reduce_max3A_1462 = arith.constant dense<0xFF800000> : vector<256xf32>
      %reduce_max3A_1463 = vector.multi_reduction <maximumf>, %dot_general3A_1461, %reduce_max3A_1462 [1] : vector<256x256xf32> to vector<256xf32>
      %gt3A_1464 = arith.constant 3.700000e+01 : f32
      %gt3A_1465 = vector.broadcast %gt3A_1464 : f32 to vector<256xf32>
      %gt3A_1466 = arith.cmpf ogt, %reduce_max3A_1463, %gt3A_1465 : vector<256xf32>
      %jit3A_1467 = arith.constant 1.000000e+00 : f32
      %jit3A_1468 = arith.constant 0.000000e+00 : f32
      %broadcast_in_dim3A_1469 = vector.broadcast %jit3A_1467 : f32 to vector<256xf32>
      %broadcast_in_dim3A_1470 = vector.broadcast %jit3A_1468 : f32 to vector<256xf32>
      %select_n3A_1471 = arith.select %gt3A_1466, %broadcast_in_dim3A_1469, %broadcast_in_dim3A_1470 : vector<256xi1>, vector<256xf32>
      %max3A = arith.maximumf %while3A_1454, %select_n3A_1471 : vector<256xf32>
      scf.yield %max3A : vector<256xf32>
    }
    %while3A_813 = arith.constant 1 : i32
    %while3A_814 = scf.for %while3A_1453 = %while3A_810 to %while3A_806 step %while3A_813 iter_args(%while3A_1454 = %while3A_812) -> (vector<256xf32>)  : i32 {
      %mul3A_1455 = arith.constant 256 : i32
      %mul3A_1456 = arith.muli %while3A_1453, %mul3A_1455 : i32
      %get3A_1457 = arith.constant 0 : index
      %get3A_1458 = arith.index_cast %mul3A_1456 : i32 to index
      %get3A_1459 = vector.load %arg13[%get3A_1457, %get3A_1458] : memref<48x10240xbf16, #tpu.memory_space<vmem>>, vector<48x256xbf16>
      %dot_general3A_1460 = arith.constant dense<0.000000e+00> : vector<256x256xf32>
      %dot_general3A_1461 = tpu.matmul %get3A_788, %get3A_1459, %dot_general3A_1460 {dimension_numbers = #tpu.dot_dimension_numbers<[0], [0], [1], [1], [0, 1, 1, 1], [], []>, transpose_lhs_hint = false} : vector<48x256xbf16>, vector<48x256xbf16>, vector<256x256xf32> -> vector<256x256xf32>
      %reduce_max3A_1462 = arith.constant dense<0xFF800000> : vector<256xf32>
      %reduce_max3A_1463 = vector.multi_reduction <maximumf>, %dot_general3A_1461, %reduce_max3A_1462 [1] : vector<256x256xf32> to vector<256xf32>
      %gt3A_1464 = arith.constant 3.700000e+01 : f32
      %gt3A_1465 = vector.broadcast %gt3A_1464 : f32 to vector<256xf32>
      %gt3A_1466 = arith.cmpf ogt, %reduce_max3A_1463, %gt3A_1465 : vector<256xf32>
      %jit3A_1467 = arith.constant 1.000000e+00 : f32
      %jit3A_1468 = arith.constant 0.000000e+00 : f32
      %broadcast_in_dim3A_1469 = vector.broadcast %jit3A_1467 : f32 to vector<256xf32>
      %broadcast_in_dim3A_1470 = vector.broadcast %jit3A_1468 : f32 to vector<256xf32>
      %select_n3A_1471 = arith.select %gt3A_1466, %broadcast_in_dim3A_1469, %broadcast_in_dim3A_1470 : vector<256xi1>, vector<256xf32>
      %max3A = arith.maximumf %while3A_1454, %select_n3A_1471 : vector<256xf32>
      scf.yield %max3A : vector<256xf32>
    }
    %swap3A_815 = arith.constant 5120 : index
    %swap3A_816 = vector.load %arg14[%swap3A_815] : memref<10240xf32, #tpu.memory_space<vmem>>, vector<256xf32>
    tpu.vector_store %arg14[%swap3A_815], %while3A_814 {strides = array<i32>} : memref<10240xf32, #tpu.memory_space<vmem>>, vector<256xf32>,
    %get3A_817 = arith.constant 0 : index
    %get3A_818 = arith.constant 5376 : index
    %get3A_819 = vector.load %arg13[%get3A_817, %get3A_818] : memref<48x10240xbf16, #tpu.memory_space<vmem>>, vector<48x256xbf16>
    %dot_general3A_820 = arith.constant dense<0.000000e+00> : vector<256x256xf32>
    %dot_general3A_821 = tpu.matmul %get3A_819, %get3A_819, %dot_general3A_820 {dimension_numbers = #tpu.dot_dimension_numbers<[0], [0], [1], [1], [0, 1, 1, 1], [], []>, transpose_lhs_hint = false} : vector<48x256xbf16>, vector<48x256xbf16>, vector<256x256xf32> -> vector<256x256xf32>
    %add3A_822 = arith.addf %dot_general3A_821, %select_n3A_168 : vector<256x256xf32>
    %reduce_max3A_823 = arith.constant dense<0xFF800000> : vector<256xf32>
    %reduce_max3A_824 = vector.multi_reduction <maximumf>, %add3A_822, %reduce_max3A_823 [1] : vector<256x256xf32> to vector<256xf32>
    %gt3A_825 = arith.constant 3.700000e+01 : f32
    %gt3A_826 = vector.broadcast %gt3A_825 : f32 to vector<256xf32>
    %gt3A_827 = arith.cmpf ogt, %reduce_max3A_824, %gt3A_826 : vector<256xf32>
    %jit3A_828 = arith.constant 1.000000e+00 : f32
    %jit3A_829 = arith.constant 0.000000e+00 : f32
    %broadcast_in_dim3A_830 = vector.broadcast %jit3A_828 : f32 to vector<256xf32>
    %broadcast_in_dim3A_831 = vector.broadcast %jit3A_829 : f32 to vector<256xf32>
    %select_n3A_832 = arith.select %gt3A_827, %broadcast_in_dim3A_830, %broadcast_in_dim3A_831 : vector<256xi1>, vector<256xf32>
    %get3A_833 = arith.constant 21 : index
    %get3A_834 = memref.load %arg0[%get3A_833] : memref<40xi32, #tpu.memory_space<smem>>
    %while3A_835 = arith.constant 21 : i32
    %while3A_836 = arith.subi %while3A_835, %get3A_834 : i32
    %while3A_837 = arith.addi %get3A_834, %while3A_836 : i32
    %while3A_838 = arith.constant 1 : i32
    %while3A_839 = arith.divsi %while3A_836, %while3A_838 : i32
    %while3A_840 = arith.muli %while3A_839, %while3A_838 : i32
    %while3A_841 = arith.addi %get3A_834, %while3A_840 : i32
    %while3A_842 = arith.constant 1 : i32
    %while3A_843 = scf.for %while3A_1453 = %get3A_834 to %while3A_841 step %while3A_842 iter_args(%while3A_1454 = %select_n3A_832) -> (vector<256xf32>)  : i32 {
      %mul3A_1455 = arith.constant 256 : i32
      %mul3A_1456 = arith.muli %while3A_1453, %mul3A_1455 : i32
      %get3A_1457 = arith.constant 0 : index
      %get3A_1458 = arith.index_cast %mul3A_1456 : i32 to index
      %get3A_1459 = vector.load %arg13[%get3A_1457, %get3A_1458] : memref<48x10240xbf16, #tpu.memory_space<vmem>>, vector<48x256xbf16>
      %dot_general3A_1460 = arith.constant dense<0.000000e+00> : vector<256x256xf32>
      %dot_general3A_1461 = tpu.matmul %get3A_819, %get3A_1459, %dot_general3A_1460 {dimension_numbers = #tpu.dot_dimension_numbers<[0], [0], [1], [1], [0, 1, 1, 1], [], []>, transpose_lhs_hint = false} : vector<48x256xbf16>, vector<48x256xbf16>, vector<256x256xf32> -> vector<256x256xf32>
      %reduce_max3A_1462 = arith.constant dense<0xFF800000> : vector<256xf32>
      %reduce_max3A_1463 = vector.multi_reduction <maximumf>, %dot_general3A_1461, %reduce_max3A_1462 [1] : vector<256x256xf32> to vector<256xf32>
      %gt3A_1464 = arith.constant 3.700000e+01 : f32
      %gt3A_1465 = vector.broadcast %gt3A_1464 : f32 to vector<256xf32>
      %gt3A_1466 = arith.cmpf ogt, %reduce_max3A_1463, %gt3A_1465 : vector<256xf32>
      %jit3A_1467 = arith.constant 1.000000e+00 : f32
      %jit3A_1468 = arith.constant 0.000000e+00 : f32
      %broadcast_in_dim3A_1469 = vector.broadcast %jit3A_1467 : f32 to vector<256xf32>
      %broadcast_in_dim3A_1470 = vector.broadcast %jit3A_1468 : f32 to vector<256xf32>
      %select_n3A_1471 = arith.select %gt3A_1466, %broadcast_in_dim3A_1469, %broadcast_in_dim3A_1470 : vector<256xi1>, vector<256xf32>
      %max3A = arith.maximumf %while3A_1454, %select_n3A_1471 : vector<256xf32>
      scf.yield %max3A : vector<256xf32>
    }
    %while3A_844 = arith.constant 1 : i32
    %while3A_845 = scf.for %while3A_1453 = %while3A_841 to %while3A_837 step %while3A_844 iter_args(%while3A_1454 = %while3A_843) -> (vector<256xf32>)  : i32 {
      %mul3A_1455 = arith.constant 256 : i32
      %mul3A_1456 = arith.muli %while3A_1453, %mul3A_1455 : i32
      %get3A_1457 = arith.constant 0 : index
      %get3A_1458 = arith.index_cast %mul3A_1456 : i32 to index
      %get3A_1459 = vector.load %arg13[%get3A_1457, %get3A_1458] : memref<48x10240xbf16, #tpu.memory_space<vmem>>, vector<48x256xbf16>
      %dot_general3A_1460 = arith.constant dense<0.000000e+00> : vector<256x256xf32>
      %dot_general3A_1461 = tpu.matmul %get3A_819, %get3A_1459, %dot_general3A_1460 {dimension_numbers = #tpu.dot_dimension_numbers<[0], [0], [1], [1], [0, 1, 1, 1], [], []>, transpose_lhs_hint = false} : vector<48x256xbf16>, vector<48x256xbf16>, vector<256x256xf32> -> vector<256x256xf32>
      %reduce_max3A_1462 = arith.constant dense<0xFF800000> : vector<256xf32>
      %reduce_max3A_1463 = vector.multi_reduction <maximumf>, %dot_general3A_1461, %reduce_max3A_1462 [1] : vector<256x256xf32> to vector<256xf32>
      %gt3A_1464 = arith.constant 3.700000e+01 : f32
      %gt3A_1465 = vector.broadcast %gt3A_1464 : f32 to vector<256xf32>
      %gt3A_1466 = arith.cmpf ogt, %reduce_max3A_1463, %gt3A_1465 : vector<256xf32>
      %jit3A_1467 = arith.constant 1.000000e+00 : f32
      %jit3A_1468 = arith.constant 0.000000e+00 : f32
      %broadcast_in_dim3A_1469 = vector.broadcast %jit3A_1467 : f32 to vector<256xf32>
      %broadcast_in_dim3A_1470 = vector.broadcast %jit3A_1468 : f32 to vector<256xf32>
      %select_n3A_1471 = arith.select %gt3A_1466, %broadcast_in_dim3A_1469, %broadcast_in_dim3A_1470 : vector<256xi1>, vector<256xf32>
      %max3A = arith.maximumf %while3A_1454, %select_n3A_1471 : vector<256xf32>
      scf.yield %max3A : vector<256xf32>
    }
    %swap3A_846 = arith.constant 5376 : index
    %swap3A_847 = vector.load %arg14[%swap3A_846] : memref<10240xf32, #tpu.memory_space<vmem>>, vector<256xf32>
    tpu.vector_store %arg14[%swap3A_846], %while3A_845 {strides = array<i32>} : memref<10240xf32, #tpu.memory_space<vmem>>, vector<256xf32>,
    %get3A_848 = arith.constant 0 : index
    %get3A_849 = arith.constant 5632 : index
    %get3A_850 = vector.load %arg13[%get3A_848, %get3A_849] : memref<48x10240xbf16, #tpu.memory_space<vmem>>, vector<48x256xbf16>
    %dot_general3A_851 = arith.constant dense<0.000000e+00> : vector<256x256xf32>
    %dot_general3A_852 = tpu.matmul %get3A_850, %get3A_850, %dot_general3A_851 {dimension_numbers = #tpu.dot_dimension_numbers<[0], [0], [1], [1], [0, 1, 1, 1], [], []>, transpose_lhs_hint = false} : vector<48x256xbf16>, vector<48x256xbf16>, vector<256x256xf32> -> vector<256x256xf32>
    %add3A_853 = arith.addf %dot_general3A_852, %select_n3A_168 : vector<256x256xf32>
    %reduce_max3A_854 = arith.constant dense<0xFF800000> : vector<256xf32>
    %reduce_max3A_855 = vector.multi_reduction <maximumf>, %add3A_853, %reduce_max3A_854 [1] : vector<256x256xf32> to vector<256xf32>
    %gt3A_856 = arith.constant 3.700000e+01 : f32
    %gt3A_857 = vector.broadcast %gt3A_856 : f32 to vector<256xf32>
    %gt3A_858 = arith.cmpf ogt, %reduce_max3A_855, %gt3A_857 : vector<256xf32>
    %jit3A_859 = arith.constant 1.000000e+00 : f32
    %jit3A_860 = arith.constant 0.000000e+00 : f32
    %broadcast_in_dim3A_861 = vector.broadcast %jit3A_859 : f32 to vector<256xf32>
    %broadcast_in_dim3A_862 = vector.broadcast %jit3A_860 : f32 to vector<256xf32>
    %select_n3A_863 = arith.select %gt3A_858, %broadcast_in_dim3A_861, %broadcast_in_dim3A_862 : vector<256xi1>, vector<256xf32>
    %get3A_864 = arith.constant 22 : index
    %get3A_865 = memref.load %arg0[%get3A_864] : memref<40xi32, #tpu.memory_space<smem>>
    %while3A_866 = arith.constant 22 : i32
    %while3A_867 = arith.subi %while3A_866, %get3A_865 : i32
    %while3A_868 = arith.addi %get3A_865, %while3A_867 : i32
    %while3A_869 = arith.constant 1 : i32
    %while3A_870 = arith.divsi %while3A_867, %while3A_869 : i32
    %while3A_871 = arith.muli %while3A_870, %while3A_869 : i32
    %while3A_872 = arith.addi %get3A_865, %while3A_871 : i32
    %while3A_873 = arith.constant 1 : i32
    %while3A_874 = scf.for %while3A_1453 = %get3A_865 to %while3A_872 step %while3A_873 iter_args(%while3A_1454 = %select_n3A_863) -> (vector<256xf32>)  : i32 {
      %mul3A_1455 = arith.constant 256 : i32
      %mul3A_1456 = arith.muli %while3A_1453, %mul3A_1455 : i32
      %get3A_1457 = arith.constant 0 : index
      %get3A_1458 = arith.index_cast %mul3A_1456 : i32 to index
      %get3A_1459 = vector.load %arg13[%get3A_1457, %get3A_1458] : memref<48x10240xbf16, #tpu.memory_space<vmem>>, vector<48x256xbf16>
      %dot_general3A_1460 = arith.constant dense<0.000000e+00> : vector<256x256xf32>
      %dot_general3A_1461 = tpu.matmul %get3A_850, %get3A_1459, %dot_general3A_1460 {dimension_numbers = #tpu.dot_dimension_numbers<[0], [0], [1], [1], [0, 1, 1, 1], [], []>, transpose_lhs_hint = false} : vector<48x256xbf16>, vector<48x256xbf16>, vector<256x256xf32> -> vector<256x256xf32>
      %reduce_max3A_1462 = arith.constant dense<0xFF800000> : vector<256xf32>
      %reduce_max3A_1463 = vector.multi_reduction <maximumf>, %dot_general3A_1461, %reduce_max3A_1462 [1] : vector<256x256xf32> to vector<256xf32>
      %gt3A_1464 = arith.constant 3.700000e+01 : f32
      %gt3A_1465 = vector.broadcast %gt3A_1464 : f32 to vector<256xf32>
      %gt3A_1466 = arith.cmpf ogt, %reduce_max3A_1463, %gt3A_1465 : vector<256xf32>
      %jit3A_1467 = arith.constant 1.000000e+00 : f32
      %jit3A_1468 = arith.constant 0.000000e+00 : f32
      %broadcast_in_dim3A_1469 = vector.broadcast %jit3A_1467 : f32 to vector<256xf32>
      %broadcast_in_dim3A_1470 = vector.broadcast %jit3A_1468 : f32 to vector<256xf32>
      %select_n3A_1471 = arith.select %gt3A_1466, %broadcast_in_dim3A_1469, %broadcast_in_dim3A_1470 : vector<256xi1>, vector<256xf32>
      %max3A = arith.maximumf %while3A_1454, %select_n3A_1471 : vector<256xf32>
      scf.yield %max3A : vector<256xf32>
    }
    %while3A_875 = arith.constant 1 : i32
    %while3A_876 = scf.for %while3A_1453 = %while3A_872 to %while3A_868 step %while3A_875 iter_args(%while3A_1454 = %while3A_874) -> (vector<256xf32>)  : i32 {
      %mul3A_1455 = arith.constant 256 : i32
      %mul3A_1456 = arith.muli %while3A_1453, %mul3A_1455 : i32
      %get3A_1457 = arith.constant 0 : index
      %get3A_1458 = arith.index_cast %mul3A_1456 : i32 to index
      %get3A_1459 = vector.load %arg13[%get3A_1457, %get3A_1458] : memref<48x10240xbf16, #tpu.memory_space<vmem>>, vector<48x256xbf16>
      %dot_general3A_1460 = arith.constant dense<0.000000e+00> : vector<256x256xf32>
      %dot_general3A_1461 = tpu.matmul %get3A_850, %get3A_1459, %dot_general3A_1460 {dimension_numbers = #tpu.dot_dimension_numbers<[0], [0], [1], [1], [0, 1, 1, 1], [], []>, transpose_lhs_hint = false} : vector<48x256xbf16>, vector<48x256xbf16>, vector<256x256xf32> -> vector<256x256xf32>
      %reduce_max3A_1462 = arith.constant dense<0xFF800000> : vector<256xf32>
      %reduce_max3A_1463 = vector.multi_reduction <maximumf>, %dot_general3A_1461, %reduce_max3A_1462 [1] : vector<256x256xf32> to vector<256xf32>
      %gt3A_1464 = arith.constant 3.700000e+01 : f32
      %gt3A_1465 = vector.broadcast %gt3A_1464 : f32 to vector<256xf32>
      %gt3A_1466 = arith.cmpf ogt, %reduce_max3A_1463, %gt3A_1465 : vector<256xf32>
      %jit3A_1467 = arith.constant 1.000000e+00 : f32
      %jit3A_1468 = arith.constant 0.000000e+00 : f32
      %broadcast_in_dim3A_1469 = vector.broadcast %jit3A_1467 : f32 to vector<256xf32>
      %broadcast_in_dim3A_1470 = vector.broadcast %jit3A_1468 : f32 to vector<256xf32>
      %select_n3A_1471 = arith.select %gt3A_1466, %broadcast_in_dim3A_1469, %broadcast_in_dim3A_1470 : vector<256xi1>, vector<256xf32>
      %max3A = arith.maximumf %while3A_1454, %select_n3A_1471 : vector<256xf32>
      scf.yield %max3A : vector<256xf32>
    }
    %swap3A_877 = arith.constant 5632 : index
    %swap3A_878 = vector.load %arg14[%swap3A_877] : memref<10240xf32, #tpu.memory_space<vmem>>, vector<256xf32>
    tpu.vector_store %arg14[%swap3A_877], %while3A_876 {strides = array<i32>} : memref<10240xf32, #tpu.memory_space<vmem>>, vector<256xf32>,
    %get3A_879 = arith.constant 0 : index
    %get3A_880 = arith.constant 5888 : index
    %get3A_881 = vector.load %arg13[%get3A_879, %get3A_880] : memref<48x10240xbf16, #tpu.memory_space<vmem>>, vector<48x256xbf16>
    %dot_general3A_882 = arith.constant dense<0.000000e+00> : vector<256x256xf32>
    %dot_general3A_883 = tpu.matmul %get3A_881, %get3A_881, %dot_general3A_882 {dimension_numbers = #tpu.dot_dimension_numbers<[0], [0], [1], [1], [0, 1, 1, 1], [], []>, transpose_lhs_hint = false} : vector<48x256xbf16>, vector<48x256xbf16>, vector<256x256xf32> -> vector<256x256xf32>
    %add3A_884 = arith.addf %dot_general3A_883, %select_n3A_168 : vector<256x256xf32>
    %reduce_max3A_885 = arith.constant dense<0xFF800000> : vector<256xf32>
    %reduce_max3A_886 = vector.multi_reduction <maximumf>, %add3A_884, %reduce_max3A_885 [1] : vector<256x256xf32> to vector<256xf32>
    %gt3A_887 = arith.constant 3.700000e+01 : f32
    %gt3A_888 = vector.broadcast %gt3A_887 : f32 to vector<256xf32>
    %gt3A_889 = arith.cmpf ogt, %reduce_max3A_886, %gt3A_888 : vector<256xf32>
    %jit3A_890 = arith.constant 1.000000e+00 : f32
    %jit3A_891 = arith.constant 0.000000e+00 : f32
    %broadcast_in_dim3A_892 = vector.broadcast %jit3A_890 : f32 to vector<256xf32>
    %broadcast_in_dim3A_893 = vector.broadcast %jit3A_891 : f32 to vector<256xf32>
    %select_n3A_894 = arith.select %gt3A_889, %broadcast_in_dim3A_892, %broadcast_in_dim3A_893 : vector<256xi1>, vector<256xf32>
    %get3A_895 = arith.constant 23 : index
    %get3A_896 = memref.load %arg0[%get3A_895] : memref<40xi32, #tpu.memory_space<smem>>
    %while3A_897 = arith.constant 23 : i32
    %while3A_898 = arith.subi %while3A_897, %get3A_896 : i32
    %while3A_899 = arith.addi %get3A_896, %while3A_898 : i32
    %while3A_900 = arith.constant 1 : i32
    %while3A_901 = arith.divsi %while3A_898, %while3A_900 : i32
    %while3A_902 = arith.muli %while3A_901, %while3A_900 : i32
    %while3A_903 = arith.addi %get3A_896, %while3A_902 : i32
    %while3A_904 = arith.constant 1 : i32
    %while3A_905 = scf.for %while3A_1453 = %get3A_896 to %while3A_903 step %while3A_904 iter_args(%while3A_1454 = %select_n3A_894) -> (vector<256xf32>)  : i32 {
      %mul3A_1455 = arith.constant 256 : i32
      %mul3A_1456 = arith.muli %while3A_1453, %mul3A_1455 : i32
      %get3A_1457 = arith.constant 0 : index
      %get3A_1458 = arith.index_cast %mul3A_1456 : i32 to index
      %get3A_1459 = vector.load %arg13[%get3A_1457, %get3A_1458] : memref<48x10240xbf16, #tpu.memory_space<vmem>>, vector<48x256xbf16>
      %dot_general3A_1460 = arith.constant dense<0.000000e+00> : vector<256x256xf32>
      %dot_general3A_1461 = tpu.matmul %get3A_881, %get3A_1459, %dot_general3A_1460 {dimension_numbers = #tpu.dot_dimension_numbers<[0], [0], [1], [1], [0, 1, 1, 1], [], []>, transpose_lhs_hint = false} : vector<48x256xbf16>, vector<48x256xbf16>, vector<256x256xf32> -> vector<256x256xf32>
      %reduce_max3A_1462 = arith.constant dense<0xFF800000> : vector<256xf32>
      %reduce_max3A_1463 = vector.multi_reduction <maximumf>, %dot_general3A_1461, %reduce_max3A_1462 [1] : vector<256x256xf32> to vector<256xf32>
      %gt3A_1464 = arith.constant 3.700000e+01 : f32
      %gt3A_1465 = vector.broadcast %gt3A_1464 : f32 to vector<256xf32>
      %gt3A_1466 = arith.cmpf ogt, %reduce_max3A_1463, %gt3A_1465 : vector<256xf32>
      %jit3A_1467 = arith.constant 1.000000e+00 : f32
      %jit3A_1468 = arith.constant 0.000000e+00 : f32
      %broadcast_in_dim3A_1469 = vector.broadcast %jit3A_1467 : f32 to vector<256xf32>
      %broadcast_in_dim3A_1470 = vector.broadcast %jit3A_1468 : f32 to vector<256xf32>
      %select_n3A_1471 = arith.select %gt3A_1466, %broadcast_in_dim3A_1469, %broadcast_in_dim3A_1470 : vector<256xi1>, vector<256xf32>
      %max3A = arith.maximumf %while3A_1454, %select_n3A_1471 : vector<256xf32>
      scf.yield %max3A : vector<256xf32>
    }
    %while3A_906 = arith.constant 1 : i32
    %while3A_907 = scf.for %while3A_1453 = %while3A_903 to %while3A_899 step %while3A_906 iter_args(%while3A_1454 = %while3A_905) -> (vector<256xf32>)  : i32 {
      %mul3A_1455 = arith.constant 256 : i32
      %mul3A_1456 = arith.muli %while3A_1453, %mul3A_1455 : i32
      %get3A_1457 = arith.constant 0 : index
      %get3A_1458 = arith.index_cast %mul3A_1456 : i32 to index
      %get3A_1459 = vector.load %arg13[%get3A_1457, %get3A_1458] : memref<48x10240xbf16, #tpu.memory_space<vmem>>, vector<48x256xbf16>
      %dot_general3A_1460 = arith.constant dense<0.000000e+00> : vector<256x256xf32>
      %dot_general3A_1461 = tpu.matmul %get3A_881, %get3A_1459, %dot_general3A_1460 {dimension_numbers = #tpu.dot_dimension_numbers<[0], [0], [1], [1], [0, 1, 1, 1], [], []>, transpose_lhs_hint = false} : vector<48x256xbf16>, vector<48x256xbf16>, vector<256x256xf32> -> vector<256x256xf32>
      %reduce_max3A_1462 = arith.constant dense<0xFF800000> : vector<256xf32>
      %reduce_max3A_1463 = vector.multi_reduction <maximumf>, %dot_general3A_1461, %reduce_max3A_1462 [1] : vector<256x256xf32> to vector<256xf32>
      %gt3A_1464 = arith.constant 3.700000e+01 : f32
      %gt3A_1465 = vector.broadcast %gt3A_1464 : f32 to vector<256xf32>
      %gt3A_1466 = arith.cmpf ogt, %reduce_max3A_1463, %gt3A_1465 : vector<256xf32>
      %jit3A_1467 = arith.constant 1.000000e+00 : f32
      %jit3A_1468 = arith.constant 0.000000e+00 : f32
      %broadcast_in_dim3A_1469 = vector.broadcast %jit3A_1467 : f32 to vector<256xf32>
      %broadcast_in_dim3A_1470 = vector.broadcast %jit3A_1468 : f32 to vector<256xf32>
      %select_n3A_1471 = arith.select %gt3A_1466, %broadcast_in_dim3A_1469, %broadcast_in_dim3A_1470 : vector<256xi1>, vector<256xf32>
      %max3A = arith.maximumf %while3A_1454, %select_n3A_1471 : vector<256xf32>
      scf.yield %max3A : vector<256xf32>
    }
    %swap3A_908 = arith.constant 5888 : index
    %swap3A_909 = vector.load %arg14[%swap3A_908] : memref<10240xf32, #tpu.memory_space<vmem>>, vector<256xf32>
    tpu.vector_store %arg14[%swap3A_908], %while3A_907 {strides = array<i32>} : memref<10240xf32, #tpu.memory_space<vmem>>, vector<256xf32>,
    %get3A_910 = arith.constant 0 : index
    %get3A_911 = arith.constant 6144 : index
    %get3A_912 = vector.load %arg13[%get3A_910, %get3A_911] : memref<48x10240xbf16, #tpu.memory_space<vmem>>, vector<48x256xbf16>
    %dot_general3A_913 = arith.constant dense<0.000000e+00> : vector<256x256xf32>
    %dot_general3A_914 = tpu.matmul %get3A_912, %get3A_912, %dot_general3A_913 {dimension_numbers = #tpu.dot_dimension_numbers<[0], [0], [1], [1], [0, 1, 1, 1], [], []>, transpose_lhs_hint = false} : vector<48x256xbf16>, vector<48x256xbf16>, vector<256x256xf32> -> vector<256x256xf32>
    %add3A_915 = arith.addf %dot_general3A_914, %select_n3A_168 : vector<256x256xf32>
    %reduce_max3A_916 = arith.constant dense<0xFF800000> : vector<256xf32>
    %reduce_max3A_917 = vector.multi_reduction <maximumf>, %add3A_915, %reduce_max3A_916 [1] : vector<256x256xf32> to vector<256xf32>
    %gt3A_918 = arith.constant 3.700000e+01 : f32
    %gt3A_919 = vector.broadcast %gt3A_918 : f32 to vector<256xf32>
    %gt3A_920 = arith.cmpf ogt, %reduce_max3A_917, %gt3A_919 : vector<256xf32>
    %jit3A_921 = arith.constant 1.000000e+00 : f32
    %jit3A_922 = arith.constant 0.000000e+00 : f32
    %broadcast_in_dim3A_923 = vector.broadcast %jit3A_921 : f32 to vector<256xf32>
    %broadcast_in_dim3A_924 = vector.broadcast %jit3A_922 : f32 to vector<256xf32>
    %select_n3A_925 = arith.select %gt3A_920, %broadcast_in_dim3A_923, %broadcast_in_dim3A_924 : vector<256xi1>, vector<256xf32>
    %get3A_926 = arith.constant 24 : index
    %get3A_927 = memref.load %arg0[%get3A_926] : memref<40xi32, #tpu.memory_space<smem>>
    %while3A_928 = arith.constant 24 : i32
    %while3A_929 = arith.subi %while3A_928, %get3A_927 : i32
    %while3A_930 = arith.addi %get3A_927, %while3A_929 : i32
    %while3A_931 = arith.constant 1 : i32
    %while3A_932 = arith.divsi %while3A_929, %while3A_931 : i32
    %while3A_933 = arith.muli %while3A_932, %while3A_931 : i32
    %while3A_934 = arith.addi %get3A_927, %while3A_933 : i32
    %while3A_935 = arith.constant 1 : i32
    %while3A_936 = scf.for %while3A_1453 = %get3A_927 to %while3A_934 step %while3A_935 iter_args(%while3A_1454 = %select_n3A_925) -> (vector<256xf32>)  : i32 {
      %mul3A_1455 = arith.constant 256 : i32
      %mul3A_1456 = arith.muli %while3A_1453, %mul3A_1455 : i32
      %get3A_1457 = arith.constant 0 : index
      %get3A_1458 = arith.index_cast %mul3A_1456 : i32 to index
      %get3A_1459 = vector.load %arg13[%get3A_1457, %get3A_1458] : memref<48x10240xbf16, #tpu.memory_space<vmem>>, vector<48x256xbf16>
      %dot_general3A_1460 = arith.constant dense<0.000000e+00> : vector<256x256xf32>
      %dot_general3A_1461 = tpu.matmul %get3A_912, %get3A_1459, %dot_general3A_1460 {dimension_numbers = #tpu.dot_dimension_numbers<[0], [0], [1], [1], [0, 1, 1, 1], [], []>, transpose_lhs_hint = false} : vector<48x256xbf16>, vector<48x256xbf16>, vector<256x256xf32> -> vector<256x256xf32>
      %reduce_max3A_1462 = arith.constant dense<0xFF800000> : vector<256xf32>
      %reduce_max3A_1463 = vector.multi_reduction <maximumf>, %dot_general3A_1461, %reduce_max3A_1462 [1] : vector<256x256xf32> to vector<256xf32>
      %gt3A_1464 = arith.constant 3.700000e+01 : f32
      %gt3A_1465 = vector.broadcast %gt3A_1464 : f32 to vector<256xf32>
      %gt3A_1466 = arith.cmpf ogt, %reduce_max3A_1463, %gt3A_1465 : vector<256xf32>
      %jit3A_1467 = arith.constant 1.000000e+00 : f32
      %jit3A_1468 = arith.constant 0.000000e+00 : f32
      %broadcast_in_dim3A_1469 = vector.broadcast %jit3A_1467 : f32 to vector<256xf32>
      %broadcast_in_dim3A_1470 = vector.broadcast %jit3A_1468 : f32 to vector<256xf32>
      %select_n3A_1471 = arith.select %gt3A_1466, %broadcast_in_dim3A_1469, %broadcast_in_dim3A_1470 : vector<256xi1>, vector<256xf32>
      %max3A = arith.maximumf %while3A_1454, %select_n3A_1471 : vector<256xf32>
      scf.yield %max3A : vector<256xf32>
    }
    %while3A_937 = arith.constant 1 : i32
    %while3A_938 = scf.for %while3A_1453 = %while3A_934 to %while3A_930 step %while3A_937 iter_args(%while3A_1454 = %while3A_936) -> (vector<256xf32>)  : i32 {
      %mul3A_1455 = arith.constant 256 : i32
      %mul3A_1456 = arith.muli %while3A_1453, %mul3A_1455 : i32
      %get3A_1457 = arith.constant 0 : index
      %get3A_1458 = arith.index_cast %mul3A_1456 : i32 to index
      %get3A_1459 = vector.load %arg13[%get3A_1457, %get3A_1458] : memref<48x10240xbf16, #tpu.memory_space<vmem>>, vector<48x256xbf16>
      %dot_general3A_1460 = arith.constant dense<0.000000e+00> : vector<256x256xf32>
      %dot_general3A_1461 = tpu.matmul %get3A_912, %get3A_1459, %dot_general3A_1460 {dimension_numbers = #tpu.dot_dimension_numbers<[0], [0], [1], [1], [0, 1, 1, 1], [], []>, transpose_lhs_hint = false} : vector<48x256xbf16>, vector<48x256xbf16>, vector<256x256xf32> -> vector<256x256xf32>
      %reduce_max3A_1462 = arith.constant dense<0xFF800000> : vector<256xf32>
      %reduce_max3A_1463 = vector.multi_reduction <maximumf>, %dot_general3A_1461, %reduce_max3A_1462 [1] : vector<256x256xf32> to vector<256xf32>
      %gt3A_1464 = arith.constant 3.700000e+01 : f32
      %gt3A_1465 = vector.broadcast %gt3A_1464 : f32 to vector<256xf32>
      %gt3A_1466 = arith.cmpf ogt, %reduce_max3A_1463, %gt3A_1465 : vector<256xf32>
      %jit3A_1467 = arith.constant 1.000000e+00 : f32
      %jit3A_1468 = arith.constant 0.000000e+00 : f32
      %broadcast_in_dim3A_1469 = vector.broadcast %jit3A_1467 : f32 to vector<256xf32>
      %broadcast_in_dim3A_1470 = vector.broadcast %jit3A_1468 : f32 to vector<256xf32>
      %select_n3A_1471 = arith.select %gt3A_1466, %broadcast_in_dim3A_1469, %broadcast_in_dim3A_1470 : vector<256xi1>, vector<256xf32>
      %max3A = arith.maximumf %while3A_1454, %select_n3A_1471 : vector<256xf32>
      scf.yield %max3A : vector<256xf32>
    }
    %swap3A_939 = arith.constant 6144 : index
    %swap3A_940 = vector.load %arg14[%swap3A_939] : memref<10240xf32, #tpu.memory_space<vmem>>, vector<256xf32>
    tpu.vector_store %arg14[%swap3A_939], %while3A_938 {strides = array<i32>} : memref<10240xf32, #tpu.memory_space<vmem>>, vector<256xf32>,
    %get3A_941 = arith.constant 0 : index
    %get3A_942 = arith.constant 6400 : index
    %get3A_943 = vector.load %arg13[%get3A_941, %get3A_942] : memref<48x10240xbf16, #tpu.memory_space<vmem>>, vector<48x256xbf16>
    %dot_general3A_944 = arith.constant dense<0.000000e+00> : vector<256x256xf32>
    %dot_general3A_945 = tpu.matmul %get3A_943, %get3A_943, %dot_general3A_944 {dimension_numbers = #tpu.dot_dimension_numbers<[0], [0], [1], [1], [0, 1, 1, 1], [], []>, transpose_lhs_hint = false} : vector<48x256xbf16>, vector<48x256xbf16>, vector<256x256xf32> -> vector<256x256xf32>
    %add3A_946 = arith.addf %dot_general3A_945, %select_n3A_168 : vector<256x256xf32>
    %reduce_max3A_947 = arith.constant dense<0xFF800000> : vector<256xf32>
    %reduce_max3A_948 = vector.multi_reduction <maximumf>, %add3A_946, %reduce_max3A_947 [1] : vector<256x256xf32> to vector<256xf32>
    %gt3A_949 = arith.constant 3.700000e+01 : f32
    %gt3A_950 = vector.broadcast %gt3A_949 : f32 to vector<256xf32>
    %gt3A_951 = arith.cmpf ogt, %reduce_max3A_948, %gt3A_950 : vector<256xf32>
    %jit3A_952 = arith.constant 1.000000e+00 : f32
    %jit3A_953 = arith.constant 0.000000e+00 : f32
    %broadcast_in_dim3A_954 = vector.broadcast %jit3A_952 : f32 to vector<256xf32>
    %broadcast_in_dim3A_955 = vector.broadcast %jit3A_953 : f32 to vector<256xf32>
    %select_n3A_956 = arith.select %gt3A_951, %broadcast_in_dim3A_954, %broadcast_in_dim3A_955 : vector<256xi1>, vector<256xf32>
    %get3A_957 = arith.constant 25 : index
    %get3A_958 = memref.load %arg0[%get3A_957] : memref<40xi32, #tpu.memory_space<smem>>
    %while3A_959 = arith.constant 25 : i32
    %while3A_960 = arith.subi %while3A_959, %get3A_958 : i32
    %while3A_961 = arith.addi %get3A_958, %while3A_960 : i32
    %while3A_962 = arith.constant 1 : i32
    %while3A_963 = arith.divsi %while3A_960, %while3A_962 : i32
    %while3A_964 = arith.muli %while3A_963, %while3A_962 : i32
    %while3A_965 = arith.addi %get3A_958, %while3A_964 : i32
    %while3A_966 = arith.constant 1 : i32
    %while3A_967 = scf.for %while3A_1453 = %get3A_958 to %while3A_965 step %while3A_966 iter_args(%while3A_1454 = %select_n3A_956) -> (vector<256xf32>)  : i32 {
      %mul3A_1455 = arith.constant 256 : i32
      %mul3A_1456 = arith.muli %while3A_1453, %mul3A_1455 : i32
      %get3A_1457 = arith.constant 0 : index
      %get3A_1458 = arith.index_cast %mul3A_1456 : i32 to index
      %get3A_1459 = vector.load %arg13[%get3A_1457, %get3A_1458] : memref<48x10240xbf16, #tpu.memory_space<vmem>>, vector<48x256xbf16>
      %dot_general3A_1460 = arith.constant dense<0.000000e+00> : vector<256x256xf32>
      %dot_general3A_1461 = tpu.matmul %get3A_943, %get3A_1459, %dot_general3A_1460 {dimension_numbers = #tpu.dot_dimension_numbers<[0], [0], [1], [1], [0, 1, 1, 1], [], []>, transpose_lhs_hint = false} : vector<48x256xbf16>, vector<48x256xbf16>, vector<256x256xf32> -> vector<256x256xf32>
      %reduce_max3A_1462 = arith.constant dense<0xFF800000> : vector<256xf32>
      %reduce_max3A_1463 = vector.multi_reduction <maximumf>, %dot_general3A_1461, %reduce_max3A_1462 [1] : vector<256x256xf32> to vector<256xf32>
      %gt3A_1464 = arith.constant 3.700000e+01 : f32
      %gt3A_1465 = vector.broadcast %gt3A_1464 : f32 to vector<256xf32>
      %gt3A_1466 = arith.cmpf ogt, %reduce_max3A_1463, %gt3A_1465 : vector<256xf32>
      %jit3A_1467 = arith.constant 1.000000e+00 : f32
      %jit3A_1468 = arith.constant 0.000000e+00 : f32
      %broadcast_in_dim3A_1469 = vector.broadcast %jit3A_1467 : f32 to vector<256xf32>
      %broadcast_in_dim3A_1470 = vector.broadcast %jit3A_1468 : f32 to vector<256xf32>
      %select_n3A_1471 = arith.select %gt3A_1466, %broadcast_in_dim3A_1469, %broadcast_in_dim3A_1470 : vector<256xi1>, vector<256xf32>
      %max3A = arith.maximumf %while3A_1454, %select_n3A_1471 : vector<256xf32>
      scf.yield %max3A : vector<256xf32>
    }
    %while3A_968 = arith.constant 1 : i32
    %while3A_969 = scf.for %while3A_1453 = %while3A_965 to %while3A_961 step %while3A_968 iter_args(%while3A_1454 = %while3A_967) -> (vector<256xf32>)  : i32 {
      %mul3A_1455 = arith.constant 256 : i32
      %mul3A_1456 = arith.muli %while3A_1453, %mul3A_1455 : i32
      %get3A_1457 = arith.constant 0 : index
      %get3A_1458 = arith.index_cast %mul3A_1456 : i32 to index
      %get3A_1459 = vector.load %arg13[%get3A_1457, %get3A_1458] : memref<48x10240xbf16, #tpu.memory_space<vmem>>, vector<48x256xbf16>
      %dot_general3A_1460 = arith.constant dense<0.000000e+00> : vector<256x256xf32>
      %dot_general3A_1461 = tpu.matmul %get3A_943, %get3A_1459, %dot_general3A_1460 {dimension_numbers = #tpu.dot_dimension_numbers<[0], [0], [1], [1], [0, 1, 1, 1], [], []>, transpose_lhs_hint = false} : vector<48x256xbf16>, vector<48x256xbf16>, vector<256x256xf32> -> vector<256x256xf32>
      %reduce_max3A_1462 = arith.constant dense<0xFF800000> : vector<256xf32>
      %reduce_max3A_1463 = vector.multi_reduction <maximumf>, %dot_general3A_1461, %reduce_max3A_1462 [1] : vector<256x256xf32> to vector<256xf32>
      %gt3A_1464 = arith.constant 3.700000e+01 : f32
      %gt3A_1465 = vector.broadcast %gt3A_1464 : f32 to vector<256xf32>
      %gt3A_1466 = arith.cmpf ogt, %reduce_max3A_1463, %gt3A_1465 : vector<256xf32>
      %jit3A_1467 = arith.constant 1.000000e+00 : f32
      %jit3A_1468 = arith.constant 0.000000e+00 : f32
      %broadcast_in_dim3A_1469 = vector.broadcast %jit3A_1467 : f32 to vector<256xf32>
      %broadcast_in_dim3A_1470 = vector.broadcast %jit3A_1468 : f32 to vector<256xf32>
      %select_n3A_1471 = arith.select %gt3A_1466, %broadcast_in_dim3A_1469, %broadcast_in_dim3A_1470 : vector<256xi1>, vector<256xf32>
      %max3A = arith.maximumf %while3A_1454, %select_n3A_1471 : vector<256xf32>
      scf.yield %max3A : vector<256xf32>
    }
    %swap3A_970 = arith.constant 6400 : index
    %swap3A_971 = vector.load %arg14[%swap3A_970] : memref<10240xf32, #tpu.memory_space<vmem>>, vector<256xf32>
    tpu.vector_store %arg14[%swap3A_970], %while3A_969 {strides = array<i32>} : memref<10240xf32, #tpu.memory_space<vmem>>, vector<256xf32>,
    %get3A_972 = arith.constant 0 : index
    %get3A_973 = arith.constant 6656 : index
    %get3A_974 = vector.load %arg13[%get3A_972, %get3A_973] : memref<48x10240xbf16, #tpu.memory_space<vmem>>, vector<48x256xbf16>
    %dot_general3A_975 = arith.constant dense<0.000000e+00> : vector<256x256xf32>
    %dot_general3A_976 = tpu.matmul %get3A_974, %get3A_974, %dot_general3A_975 {dimension_numbers = #tpu.dot_dimension_numbers<[0], [0], [1], [1], [0, 1, 1, 1], [], []>, transpose_lhs_hint = false} : vector<48x256xbf16>, vector<48x256xbf16>, vector<256x256xf32> -> vector<256x256xf32>
    %add3A_977 = arith.addf %dot_general3A_976, %select_n3A_168 : vector<256x256xf32>
    %reduce_max3A_978 = arith.constant dense<0xFF800000> : vector<256xf32>
    %reduce_max3A_979 = vector.multi_reduction <maximumf>, %add3A_977, %reduce_max3A_978 [1] : vector<256x256xf32> to vector<256xf32>
    %gt3A_980 = arith.constant 3.700000e+01 : f32
    %gt3A_981 = vector.broadcast %gt3A_980 : f32 to vector<256xf32>
    %gt3A_982 = arith.cmpf ogt, %reduce_max3A_979, %gt3A_981 : vector<256xf32>
    %jit3A_983 = arith.constant 1.000000e+00 : f32
    %jit3A_984 = arith.constant 0.000000e+00 : f32
    %broadcast_in_dim3A_985 = vector.broadcast %jit3A_983 : f32 to vector<256xf32>
    %broadcast_in_dim3A_986 = vector.broadcast %jit3A_984 : f32 to vector<256xf32>
    %select_n3A_987 = arith.select %gt3A_982, %broadcast_in_dim3A_985, %broadcast_in_dim3A_986 : vector<256xi1>, vector<256xf32>
    %get3A_988 = arith.constant 26 : index
    %get3A_989 = memref.load %arg0[%get3A_988] : memref<40xi32, #tpu.memory_space<smem>>
    %while3A_990 = arith.constant 26 : i32
    %while3A_991 = arith.subi %while3A_990, %get3A_989 : i32
    %while3A_992 = arith.addi %get3A_989, %while3A_991 : i32
    %while3A_993 = arith.constant 1 : i32
    %while3A_994 = arith.divsi %while3A_991, %while3A_993 : i32
    %while3A_995 = arith.muli %while3A_994, %while3A_993 : i32
    %while3A_996 = arith.addi %get3A_989, %while3A_995 : i32
    %while3A_997 = arith.constant 1 : i32
    %while3A_998 = scf.for %while3A_1453 = %get3A_989 to %while3A_996 step %while3A_997 iter_args(%while3A_1454 = %select_n3A_987) -> (vector<256xf32>)  : i32 {
      %mul3A_1455 = arith.constant 256 : i32
      %mul3A_1456 = arith.muli %while3A_1453, %mul3A_1455 : i32
      %get3A_1457 = arith.constant 0 : index
      %get3A_1458 = arith.index_cast %mul3A_1456 : i32 to index
      %get3A_1459 = vector.load %arg13[%get3A_1457, %get3A_1458] : memref<48x10240xbf16, #tpu.memory_space<vmem>>, vector<48x256xbf16>
      %dot_general3A_1460 = arith.constant dense<0.000000e+00> : vector<256x256xf32>
      %dot_general3A_1461 = tpu.matmul %get3A_974, %get3A_1459, %dot_general3A_1460 {dimension_numbers = #tpu.dot_dimension_numbers<[0], [0], [1], [1], [0, 1, 1, 1], [], []>, transpose_lhs_hint = false} : vector<48x256xbf16>, vector<48x256xbf16>, vector<256x256xf32> -> vector<256x256xf32>
      %reduce_max3A_1462 = arith.constant dense<0xFF800000> : vector<256xf32>
      %reduce_max3A_1463 = vector.multi_reduction <maximumf>, %dot_general3A_1461, %reduce_max3A_1462 [1] : vector<256x256xf32> to vector<256xf32>
      %gt3A_1464 = arith.constant 3.700000e+01 : f32
      %gt3A_1465 = vector.broadcast %gt3A_1464 : f32 to vector<256xf32>
      %gt3A_1466 = arith.cmpf ogt, %reduce_max3A_1463, %gt3A_1465 : vector<256xf32>
      %jit3A_1467 = arith.constant 1.000000e+00 : f32
      %jit3A_1468 = arith.constant 0.000000e+00 : f32
      %broadcast_in_dim3A_1469 = vector.broadcast %jit3A_1467 : f32 to vector<256xf32>
      %broadcast_in_dim3A_1470 = vector.broadcast %jit3A_1468 : f32 to vector<256xf32>
      %select_n3A_1471 = arith.select %gt3A_1466, %broadcast_in_dim3A_1469, %broadcast_in_dim3A_1470 : vector<256xi1>, vector<256xf32>
      %max3A = arith.maximumf %while3A_1454, %select_n3A_1471 : vector<256xf32>
      scf.yield %max3A : vector<256xf32>
    }
    %while3A_999 = arith.constant 1 : i32
    %while3A_1000 = scf.for %while3A_1453 = %while3A_996 to %while3A_992 step %while3A_999 iter_args(%while3A_1454 = %while3A_998) -> (vector<256xf32>)  : i32 {
      %mul3A_1455 = arith.constant 256 : i32
      %mul3A_1456 = arith.muli %while3A_1453, %mul3A_1455 : i32
      %get3A_1457 = arith.constant 0 : index
      %get3A_1458 = arith.index_cast %mul3A_1456 : i32 to index
      %get3A_1459 = vector.load %arg13[%get3A_1457, %get3A_1458] : memref<48x10240xbf16, #tpu.memory_space<vmem>>, vector<48x256xbf16>
      %dot_general3A_1460 = arith.constant dense<0.000000e+00> : vector<256x256xf32>
      %dot_general3A_1461 = tpu.matmul %get3A_974, %get3A_1459, %dot_general3A_1460 {dimension_numbers = #tpu.dot_dimension_numbers<[0], [0], [1], [1], [0, 1, 1, 1], [], []>, transpose_lhs_hint = false} : vector<48x256xbf16>, vector<48x256xbf16>, vector<256x256xf32> -> vector<256x256xf32>
      %reduce_max3A_1462 = arith.constant dense<0xFF800000> : vector<256xf32>
      %reduce_max3A_1463 = vector.multi_reduction <maximumf>, %dot_general3A_1461, %reduce_max3A_1462 [1] : vector<256x256xf32> to vector<256xf32>
      %gt3A_1464 = arith.constant 3.700000e+01 : f32
      %gt3A_1465 = vector.broadcast %gt3A_1464 : f32 to vector<256xf32>
      %gt3A_1466 = arith.cmpf ogt, %reduce_max3A_1463, %gt3A_1465 : vector<256xf32>
      %jit3A_1467 = arith.constant 1.000000e+00 : f32
      %jit3A_1468 = arith.constant 0.000000e+00 : f32
      %broadcast_in_dim3A_1469 = vector.broadcast %jit3A_1467 : f32 to vector<256xf32>
      %broadcast_in_dim3A_1470 = vector.broadcast %jit3A_1468 : f32 to vector<256xf32>
      %select_n3A_1471 = arith.select %gt3A_1466, %broadcast_in_dim3A_1469, %broadcast_in_dim3A_1470 : vector<256xi1>, vector<256xf32>
      %max3A = arith.maximumf %while3A_1454, %select_n3A_1471 : vector<256xf32>
      scf.yield %max3A : vector<256xf32>
    }
    %swap3A_1001 = arith.constant 6656 : index
    %swap3A_1002 = vector.load %arg14[%swap3A_1001] : memref<10240xf32, #tpu.memory_space<vmem>>, vector<256xf32>
    tpu.vector_store %arg14[%swap3A_1001], %while3A_1000 {strides = array<i32>} : memref<10240xf32, #tpu.memory_space<vmem>>, vector<256xf32>,
    %get3A_1003 = arith.constant 0 : index
    %get3A_1004 = arith.constant 6912 : index
    %get3A_1005 = vector.load %arg13[%get3A_1003, %get3A_1004] : memref<48x10240xbf16, #tpu.memory_space<vmem>>, vector<48x256xbf16>
    %dot_general3A_1006 = arith.constant dense<0.000000e+00> : vector<256x256xf32>
    %dot_general3A_1007 = tpu.matmul %get3A_1005, %get3A_1005, %dot_general3A_1006 {dimension_numbers = #tpu.dot_dimension_numbers<[0], [0], [1], [1], [0, 1, 1, 1], [], []>, transpose_lhs_hint = false} : vector<48x256xbf16>, vector<48x256xbf16>, vector<256x256xf32> -> vector<256x256xf32>
    %add3A_1008 = arith.addf %dot_general3A_1007, %select_n3A_168 : vector<256x256xf32>
    %reduce_max3A_1009 = arith.constant dense<0xFF800000> : vector<256xf32>
    %reduce_max3A_1010 = vector.multi_reduction <maximumf>, %add3A_1008, %reduce_max3A_1009 [1] : vector<256x256xf32> to vector<256xf32>
    %gt3A_1011 = arith.constant 3.700000e+01 : f32
    %gt3A_1012 = vector.broadcast %gt3A_1011 : f32 to vector<256xf32>
    %gt3A_1013 = arith.cmpf ogt, %reduce_max3A_1010, %gt3A_1012 : vector<256xf32>
    %jit3A_1014 = arith.constant 1.000000e+00 : f32
    %jit3A_1015 = arith.constant 0.000000e+00 : f32
    %broadcast_in_dim3A_1016 = vector.broadcast %jit3A_1014 : f32 to vector<256xf32>
    %broadcast_in_dim3A_1017 = vector.broadcast %jit3A_1015 : f32 to vector<256xf32>
    %select_n3A_1018 = arith.select %gt3A_1013, %broadcast_in_dim3A_1016, %broadcast_in_dim3A_1017 : vector<256xi1>, vector<256xf32>
    %get3A_1019 = arith.constant 27 : index
    %get3A_1020 = memref.load %arg0[%get3A_1019] : memref<40xi32, #tpu.memory_space<smem>>
    %while3A_1021 = arith.constant 27 : i32
    %while3A_1022 = arith.subi %while3A_1021, %get3A_1020 : i32
    %while3A_1023 = arith.addi %get3A_1020, %while3A_1022 : i32
    %while3A_1024 = arith.constant 1 : i32
    %while3A_1025 = arith.divsi %while3A_1022, %while3A_1024 : i32
    %while3A_1026 = arith.muli %while3A_1025, %while3A_1024 : i32
    %while3A_1027 = arith.addi %get3A_1020, %while3A_1026 : i32
    %while3A_1028 = arith.constant 1 : i32
    %while3A_1029 = scf.for %while3A_1453 = %get3A_1020 to %while3A_1027 step %while3A_1028 iter_args(%while3A_1454 = %select_n3A_1018) -> (vector<256xf32>)  : i32 {
      %mul3A_1455 = arith.constant 256 : i32
      %mul3A_1456 = arith.muli %while3A_1453, %mul3A_1455 : i32
      %get3A_1457 = arith.constant 0 : index
      %get3A_1458 = arith.index_cast %mul3A_1456 : i32 to index
      %get3A_1459 = vector.load %arg13[%get3A_1457, %get3A_1458] : memref<48x10240xbf16, #tpu.memory_space<vmem>>, vector<48x256xbf16>
      %dot_general3A_1460 = arith.constant dense<0.000000e+00> : vector<256x256xf32>
      %dot_general3A_1461 = tpu.matmul %get3A_1005, %get3A_1459, %dot_general3A_1460 {dimension_numbers = #tpu.dot_dimension_numbers<[0], [0], [1], [1], [0, 1, 1, 1], [], []>, transpose_lhs_hint = false} : vector<48x256xbf16>, vector<48x256xbf16>, vector<256x256xf32> -> vector<256x256xf32>
      %reduce_max3A_1462 = arith.constant dense<0xFF800000> : vector<256xf32>
      %reduce_max3A_1463 = vector.multi_reduction <maximumf>, %dot_general3A_1461, %reduce_max3A_1462 [1] : vector<256x256xf32> to vector<256xf32>
      %gt3A_1464 = arith.constant 3.700000e+01 : f32
      %gt3A_1465 = vector.broadcast %gt3A_1464 : f32 to vector<256xf32>
      %gt3A_1466 = arith.cmpf ogt, %reduce_max3A_1463, %gt3A_1465 : vector<256xf32>
      %jit3A_1467 = arith.constant 1.000000e+00 : f32
      %jit3A_1468 = arith.constant 0.000000e+00 : f32
      %broadcast_in_dim3A_1469 = vector.broadcast %jit3A_1467 : f32 to vector<256xf32>
      %broadcast_in_dim3A_1470 = vector.broadcast %jit3A_1468 : f32 to vector<256xf32>
      %select_n3A_1471 = arith.select %gt3A_1466, %broadcast_in_dim3A_1469, %broadcast_in_dim3A_1470 : vector<256xi1>, vector<256xf32>
      %max3A = arith.maximumf %while3A_1454, %select_n3A_1471 : vector<256xf32>
      scf.yield %max3A : vector<256xf32>
    }
    %while3A_1030 = arith.constant 1 : i32
    %while3A_1031 = scf.for %while3A_1453 = %while3A_1027 to %while3A_1023 step %while3A_1030 iter_args(%while3A_1454 = %while3A_1029) -> (vector<256xf32>)  : i32 {
      %mul3A_1455 = arith.constant 256 : i32
      %mul3A_1456 = arith.muli %while3A_1453, %mul3A_1455 : i32
      %get3A_1457 = arith.constant 0 : index
      %get3A_1458 = arith.index_cast %mul3A_1456 : i32 to index
      %get3A_1459 = vector.load %arg13[%get3A_1457, %get3A_1458] : memref<48x10240xbf16, #tpu.memory_space<vmem>>, vector<48x256xbf16>
      %dot_general3A_1460 = arith.constant dense<0.000000e+00> : vector<256x256xf32>
      %dot_general3A_1461 = tpu.matmul %get3A_1005, %get3A_1459, %dot_general3A_1460 {dimension_numbers = #tpu.dot_dimension_numbers<[0], [0], [1], [1], [0, 1, 1, 1], [], []>, transpose_lhs_hint = false} : vector<48x256xbf16>, vector<48x256xbf16>, vector<256x256xf32> -> vector<256x256xf32>
      %reduce_max3A_1462 = arith.constant dense<0xFF800000> : vector<256xf32>
      %reduce_max3A_1463 = vector.multi_reduction <maximumf>, %dot_general3A_1461, %reduce_max3A_1462 [1] : vector<256x256xf32> to vector<256xf32>
      %gt3A_1464 = arith.constant 3.700000e+01 : f32
      %gt3A_1465 = vector.broadcast %gt3A_1464 : f32 to vector<256xf32>
      %gt3A_1466 = arith.cmpf ogt, %reduce_max3A_1463, %gt3A_1465 : vector<256xf32>
      %jit3A_1467 = arith.constant 1.000000e+00 : f32
      %jit3A_1468 = arith.constant 0.000000e+00 : f32
      %broadcast_in_dim3A_1469 = vector.broadcast %jit3A_1467 : f32 to vector<256xf32>
      %broadcast_in_dim3A_1470 = vector.broadcast %jit3A_1468 : f32 to vector<256xf32>
      %select_n3A_1471 = arith.select %gt3A_1466, %broadcast_in_dim3A_1469, %broadcast_in_dim3A_1470 : vector<256xi1>, vector<256xf32>
      %max3A = arith.maximumf %while3A_1454, %select_n3A_1471 : vector<256xf32>
      scf.yield %max3A : vector<256xf32>
    }
    %swap3A_1032 = arith.constant 6912 : index
    %swap3A_1033 = vector.load %arg14[%swap3A_1032] : memref<10240xf32, #tpu.memory_space<vmem>>, vector<256xf32>
    tpu.vector_store %arg14[%swap3A_1032], %while3A_1031 {strides = array<i32>} : memref<10240xf32, #tpu.memory_space<vmem>>, vector<256xf32>,
    %get3A_1034 = arith.constant 0 : index
    %get3A_1035 = arith.constant 7168 : index
    %get3A_1036 = vector.load %arg13[%get3A_1034, %get3A_1035] : memref<48x10240xbf16, #tpu.memory_space<vmem>>, vector<48x256xbf16>
    %dot_general3A_1037 = arith.constant dense<0.000000e+00> : vector<256x256xf32>
    %dot_general3A_1038 = tpu.matmul %get3A_1036, %get3A_1036, %dot_general3A_1037 {dimension_numbers = #tpu.dot_dimension_numbers<[0], [0], [1], [1], [0, 1, 1, 1], [], []>, transpose_lhs_hint = false} : vector<48x256xbf16>, vector<48x256xbf16>, vector<256x256xf32> -> vector<256x256xf32>
    %add3A_1039 = arith.addf %dot_general3A_1038, %select_n3A_168 : vector<256x256xf32>
    %reduce_max3A_1040 = arith.constant dense<0xFF800000> : vector<256xf32>
    %reduce_max3A_1041 = vector.multi_reduction <maximumf>, %add3A_1039, %reduce_max3A_1040 [1] : vector<256x256xf32> to vector<256xf32>
    %gt3A_1042 = arith.constant 3.700000e+01 : f32
    %gt3A_1043 = vector.broadcast %gt3A_1042 : f32 to vector<256xf32>
    %gt3A_1044 = arith.cmpf ogt, %reduce_max3A_1041, %gt3A_1043 : vector<256xf32>
    %jit3A_1045 = arith.constant 1.000000e+00 : f32
    %jit3A_1046 = arith.constant 0.000000e+00 : f32
    %broadcast_in_dim3A_1047 = vector.broadcast %jit3A_1045 : f32 to vector<256xf32>
    %broadcast_in_dim3A_1048 = vector.broadcast %jit3A_1046 : f32 to vector<256xf32>
    %select_n3A_1049 = arith.select %gt3A_1044, %broadcast_in_dim3A_1047, %broadcast_in_dim3A_1048 : vector<256xi1>, vector<256xf32>
    %get3A_1050 = arith.constant 28 : index
    %get3A_1051 = memref.load %arg0[%get3A_1050] : memref<40xi32, #tpu.memory_space<smem>>
    %while3A_1052 = arith.constant 28 : i32
    %while3A_1053 = arith.subi %while3A_1052, %get3A_1051 : i32
    %while3A_1054 = arith.addi %get3A_1051, %while3A_1053 : i32
    %while3A_1055 = arith.constant 1 : i32
    %while3A_1056 = arith.divsi %while3A_1053, %while3A_1055 : i32
    %while3A_1057 = arith.muli %while3A_1056, %while3A_1055 : i32
    %while3A_1058 = arith.addi %get3A_1051, %while3A_1057 : i32
    %while3A_1059 = arith.constant 1 : i32
    %while3A_1060 = scf.for %while3A_1453 = %get3A_1051 to %while3A_1058 step %while3A_1059 iter_args(%while3A_1454 = %select_n3A_1049) -> (vector<256xf32>)  : i32 {
      %mul3A_1455 = arith.constant 256 : i32
      %mul3A_1456 = arith.muli %while3A_1453, %mul3A_1455 : i32
      %get3A_1457 = arith.constant 0 : index
      %get3A_1458 = arith.index_cast %mul3A_1456 : i32 to index
      %get3A_1459 = vector.load %arg13[%get3A_1457, %get3A_1458] : memref<48x10240xbf16, #tpu.memory_space<vmem>>, vector<48x256xbf16>
      %dot_general3A_1460 = arith.constant dense<0.000000e+00> : vector<256x256xf32>
      %dot_general3A_1461 = tpu.matmul %get3A_1036, %get3A_1459, %dot_general3A_1460 {dimension_numbers = #tpu.dot_dimension_numbers<[0], [0], [1], [1], [0, 1, 1, 1], [], []>, transpose_lhs_hint = false} : vector<48x256xbf16>, vector<48x256xbf16>, vector<256x256xf32> -> vector<256x256xf32>
      %reduce_max3A_1462 = arith.constant dense<0xFF800000> : vector<256xf32>
      %reduce_max3A_1463 = vector.multi_reduction <maximumf>, %dot_general3A_1461, %reduce_max3A_1462 [1] : vector<256x256xf32> to vector<256xf32>
      %gt3A_1464 = arith.constant 3.700000e+01 : f32
      %gt3A_1465 = vector.broadcast %gt3A_1464 : f32 to vector<256xf32>
      %gt3A_1466 = arith.cmpf ogt, %reduce_max3A_1463, %gt3A_1465 : vector<256xf32>
      %jit3A_1467 = arith.constant 1.000000e+00 : f32
      %jit3A_1468 = arith.constant 0.000000e+00 : f32
      %broadcast_in_dim3A_1469 = vector.broadcast %jit3A_1467 : f32 to vector<256xf32>
      %broadcast_in_dim3A_1470 = vector.broadcast %jit3A_1468 : f32 to vector<256xf32>
      %select_n3A_1471 = arith.select %gt3A_1466, %broadcast_in_dim3A_1469, %broadcast_in_dim3A_1470 : vector<256xi1>, vector<256xf32>
      %max3A = arith.maximumf %while3A_1454, %select_n3A_1471 : vector<256xf32>
      scf.yield %max3A : vector<256xf32>
    }
    %while3A_1061 = arith.constant 1 : i32
    %while3A_1062 = scf.for %while3A_1453 = %while3A_1058 to %while3A_1054 step %while3A_1061 iter_args(%while3A_1454 = %while3A_1060) -> (vector<256xf32>)  : i32 {
      %mul3A_1455 = arith.constant 256 : i32
      %mul3A_1456 = arith.muli %while3A_1453, %mul3A_1455 : i32
      %get3A_1457 = arith.constant 0 : index
      %get3A_1458 = arith.index_cast %mul3A_1456 : i32 to index
      %get3A_1459 = vector.load %arg13[%get3A_1457, %get3A_1458] : memref<48x10240xbf16, #tpu.memory_space<vmem>>, vector<48x256xbf16>
      %dot_general3A_1460 = arith.constant dense<0.000000e+00> : vector<256x256xf32>
      %dot_general3A_1461 = tpu.matmul %get3A_1036, %get3A_1459, %dot_general3A_1460 {dimension_numbers = #tpu.dot_dimension_numbers<[0], [0], [1], [1], [0, 1, 1, 1], [], []>, transpose_lhs_hint = false} : vector<48x256xbf16>, vector<48x256xbf16>, vector<256x256xf32> -> vector<256x256xf32>
      %reduce_max3A_1462 = arith.constant dense<0xFF800000> : vector<256xf32>
      %reduce_max3A_1463 = vector.multi_reduction <maximumf>, %dot_general3A_1461, %reduce_max3A_1462 [1] : vector<256x256xf32> to vector<256xf32>
      %gt3A_1464 = arith.constant 3.700000e+01 : f32
      %gt3A_1465 = vector.broadcast %gt3A_1464 : f32 to vector<256xf32>
      %gt3A_1466 = arith.cmpf ogt, %reduce_max3A_1463, %gt3A_1465 : vector<256xf32>
      %jit3A_1467 = arith.constant 1.000000e+00 : f32
      %jit3A_1468 = arith.constant 0.000000e+00 : f32
      %broadcast_in_dim3A_1469 = vector.broadcast %jit3A_1467 : f32 to vector<256xf32>
      %broadcast_in_dim3A_1470 = vector.broadcast %jit3A_1468 : f32 to vector<256xf32>
      %select_n3A_1471 = arith.select %gt3A_1466, %broadcast_in_dim3A_1469, %broadcast_in_dim3A_1470 : vector<256xi1>, vector<256xf32>
      %max3A = arith.maximumf %while3A_1454, %select_n3A_1471 : vector<256xf32>
      scf.yield %max3A : vector<256xf32>
    }
    %swap3A_1063 = arith.constant 7168 : index
    %swap3A_1064 = vector.load %arg14[%swap3A_1063] : memref<10240xf32, #tpu.memory_space<vmem>>, vector<256xf32>
    tpu.vector_store %arg14[%swap3A_1063], %while3A_1062 {strides = array<i32>} : memref<10240xf32, #tpu.memory_space<vmem>>, vector<256xf32>,
    %get3A_1065 = arith.constant 0 : index
    %get3A_1066 = arith.constant 7424 : index
    %get3A_1067 = vector.load %arg13[%get3A_1065, %get3A_1066] : memref<48x10240xbf16, #tpu.memory_space<vmem>>, vector<48x256xbf16>
    %dot_general3A_1068 = arith.constant dense<0.000000e+00> : vector<256x256xf32>
    %dot_general3A_1069 = tpu.matmul %get3A_1067, %get3A_1067, %dot_general3A_1068 {dimension_numbers = #tpu.dot_dimension_numbers<[0], [0], [1], [1], [0, 1, 1, 1], [], []>, transpose_lhs_hint = false} : vector<48x256xbf16>, vector<48x256xbf16>, vector<256x256xf32> -> vector<256x256xf32>
    %add3A_1070 = arith.addf %dot_general3A_1069, %select_n3A_168 : vector<256x256xf32>
    %reduce_max3A_1071 = arith.constant dense<0xFF800000> : vector<256xf32>
    %reduce_max3A_1072 = vector.multi_reduction <maximumf>, %add3A_1070, %reduce_max3A_1071 [1] : vector<256x256xf32> to vector<256xf32>
    %gt3A_1073 = arith.constant 3.700000e+01 : f32
    %gt3A_1074 = vector.broadcast %gt3A_1073 : f32 to vector<256xf32>
    %gt3A_1075 = arith.cmpf ogt, %reduce_max3A_1072, %gt3A_1074 : vector<256xf32>
    %jit3A_1076 = arith.constant 1.000000e+00 : f32
    %jit3A_1077 = arith.constant 0.000000e+00 : f32
    %broadcast_in_dim3A_1078 = vector.broadcast %jit3A_1076 : f32 to vector<256xf32>
    %broadcast_in_dim3A_1079 = vector.broadcast %jit3A_1077 : f32 to vector<256xf32>
    %select_n3A_1080 = arith.select %gt3A_1075, %broadcast_in_dim3A_1078, %broadcast_in_dim3A_1079 : vector<256xi1>, vector<256xf32>
    %get3A_1081 = arith.constant 29 : index
    %get3A_1082 = memref.load %arg0[%get3A_1081] : memref<40xi32, #tpu.memory_space<smem>>
    %while3A_1083 = arith.constant 29 : i32
    %while3A_1084 = arith.subi %while3A_1083, %get3A_1082 : i32
    %while3A_1085 = arith.addi %get3A_1082, %while3A_1084 : i32
    %while3A_1086 = arith.constant 1 : i32
    %while3A_1087 = arith.divsi %while3A_1084, %while3A_1086 : i32
    %while3A_1088 = arith.muli %while3A_1087, %while3A_1086 : i32
    %while3A_1089 = arith.addi %get3A_1082, %while3A_1088 : i32
    %while3A_1090 = arith.constant 1 : i32
    %while3A_1091 = scf.for %while3A_1453 = %get3A_1082 to %while3A_1089 step %while3A_1090 iter_args(%while3A_1454 = %select_n3A_1080) -> (vector<256xf32>)  : i32 {
      %mul3A_1455 = arith.constant 256 : i32
      %mul3A_1456 = arith.muli %while3A_1453, %mul3A_1455 : i32
      %get3A_1457 = arith.constant 0 : index
      %get3A_1458 = arith.index_cast %mul3A_1456 : i32 to index
      %get3A_1459 = vector.load %arg13[%get3A_1457, %get3A_1458] : memref<48x10240xbf16, #tpu.memory_space<vmem>>, vector<48x256xbf16>
      %dot_general3A_1460 = arith.constant dense<0.000000e+00> : vector<256x256xf32>
      %dot_general3A_1461 = tpu.matmul %get3A_1067, %get3A_1459, %dot_general3A_1460 {dimension_numbers = #tpu.dot_dimension_numbers<[0], [0], [1], [1], [0, 1, 1, 1], [], []>, transpose_lhs_hint = false} : vector<48x256xbf16>, vector<48x256xbf16>, vector<256x256xf32> -> vector<256x256xf32>
      %reduce_max3A_1462 = arith.constant dense<0xFF800000> : vector<256xf32>
      %reduce_max3A_1463 = vector.multi_reduction <maximumf>, %dot_general3A_1461, %reduce_max3A_1462 [1] : vector<256x256xf32> to vector<256xf32>
      %gt3A_1464 = arith.constant 3.700000e+01 : f32
      %gt3A_1465 = vector.broadcast %gt3A_1464 : f32 to vector<256xf32>
      %gt3A_1466 = arith.cmpf ogt, %reduce_max3A_1463, %gt3A_1465 : vector<256xf32>
      %jit3A_1467 = arith.constant 1.000000e+00 : f32
      %jit3A_1468 = arith.constant 0.000000e+00 : f32
      %broadcast_in_dim3A_1469 = vector.broadcast %jit3A_1467 : f32 to vector<256xf32>
      %broadcast_in_dim3A_1470 = vector.broadcast %jit3A_1468 : f32 to vector<256xf32>
      %select_n3A_1471 = arith.select %gt3A_1466, %broadcast_in_dim3A_1469, %broadcast_in_dim3A_1470 : vector<256xi1>, vector<256xf32>
      %max3A = arith.maximumf %while3A_1454, %select_n3A_1471 : vector<256xf32>
      scf.yield %max3A : vector<256xf32>
    }
    %while3A_1092 = arith.constant 1 : i32
    %while3A_1093 = scf.for %while3A_1453 = %while3A_1089 to %while3A_1085 step %while3A_1092 iter_args(%while3A_1454 = %while3A_1091) -> (vector<256xf32>)  : i32 {
      %mul3A_1455 = arith.constant 256 : i32
      %mul3A_1456 = arith.muli %while3A_1453, %mul3A_1455 : i32
      %get3A_1457 = arith.constant 0 : index
      %get3A_1458 = arith.index_cast %mul3A_1456 : i32 to index
      %get3A_1459 = vector.load %arg13[%get3A_1457, %get3A_1458] : memref<48x10240xbf16, #tpu.memory_space<vmem>>, vector<48x256xbf16>
      %dot_general3A_1460 = arith.constant dense<0.000000e+00> : vector<256x256xf32>
      %dot_general3A_1461 = tpu.matmul %get3A_1067, %get3A_1459, %dot_general3A_1460 {dimension_numbers = #tpu.dot_dimension_numbers<[0], [0], [1], [1], [0, 1, 1, 1], [], []>, transpose_lhs_hint = false} : vector<48x256xbf16>, vector<48x256xbf16>, vector<256x256xf32> -> vector<256x256xf32>
      %reduce_max3A_1462 = arith.constant dense<0xFF800000> : vector<256xf32>
      %reduce_max3A_1463 = vector.multi_reduction <maximumf>, %dot_general3A_1461, %reduce_max3A_1462 [1] : vector<256x256xf32> to vector<256xf32>
      %gt3A_1464 = arith.constant 3.700000e+01 : f32
      %gt3A_1465 = vector.broadcast %gt3A_1464 : f32 to vector<256xf32>
      %gt3A_1466 = arith.cmpf ogt, %reduce_max3A_1463, %gt3A_1465 : vector<256xf32>
      %jit3A_1467 = arith.constant 1.000000e+00 : f32
      %jit3A_1468 = arith.constant 0.000000e+00 : f32
      %broadcast_in_dim3A_1469 = vector.broadcast %jit3A_1467 : f32 to vector<256xf32>
      %broadcast_in_dim3A_1470 = vector.broadcast %jit3A_1468 : f32 to vector<256xf32>
      %select_n3A_1471 = arith.select %gt3A_1466, %broadcast_in_dim3A_1469, %broadcast_in_dim3A_1470 : vector<256xi1>, vector<256xf32>
      %max3A = arith.maximumf %while3A_1454, %select_n3A_1471 : vector<256xf32>
      scf.yield %max3A : vector<256xf32>
    }
    %swap3A_1094 = arith.constant 7424 : index
    %swap3A_1095 = vector.load %arg14[%swap3A_1094] : memref<10240xf32, #tpu.memory_space<vmem>>, vector<256xf32>
    tpu.vector_store %arg14[%swap3A_1094], %while3A_1093 {strides = array<i32>} : memref<10240xf32, #tpu.memory_space<vmem>>, vector<256xf32>,
    %get3A_1096 = arith.constant 0 : index
    %get3A_1097 = arith.constant 7680 : index
    %get3A_1098 = vector.load %arg13[%get3A_1096, %get3A_1097] : memref<48x10240xbf16, #tpu.memory_space<vmem>>, vector<48x256xbf16>
    %dot_general3A_1099 = arith.constant dense<0.000000e+00> : vector<256x256xf32>
    %dot_general3A_1100 = tpu.matmul %get3A_1098, %get3A_1098, %dot_general3A_1099 {dimension_numbers = #tpu.dot_dimension_numbers<[0], [0], [1], [1], [0, 1, 1, 1], [], []>, transpose_lhs_hint = false} : vector<48x256xbf16>, vector<48x256xbf16>, vector<256x256xf32> -> vector<256x256xf32>
    %add3A_1101 = arith.addf %dot_general3A_1100, %select_n3A_168 : vector<256x256xf32>
    %reduce_max3A_1102 = arith.constant dense<0xFF800000> : vector<256xf32>
    %reduce_max3A_1103 = vector.multi_reduction <maximumf>, %add3A_1101, %reduce_max3A_1102 [1] : vector<256x256xf32> to vector<256xf32>
    %gt3A_1104 = arith.constant 3.700000e+01 : f32
    %gt3A_1105 = vector.broadcast %gt3A_1104 : f32 to vector<256xf32>
    %gt3A_1106 = arith.cmpf ogt, %reduce_max3A_1103, %gt3A_1105 : vector<256xf32>
    %jit3A_1107 = arith.constant 1.000000e+00 : f32
    %jit3A_1108 = arith.constant 0.000000e+00 : f32
    %broadcast_in_dim3A_1109 = vector.broadcast %jit3A_1107 : f32 to vector<256xf32>
    %broadcast_in_dim3A_1110 = vector.broadcast %jit3A_1108 : f32 to vector<256xf32>
    %select_n3A_1111 = arith.select %gt3A_1106, %broadcast_in_dim3A_1109, %broadcast_in_dim3A_1110 : vector<256xi1>, vector<256xf32>
    %get3A_1112 = arith.constant 30 : index
    %get3A_1113 = memref.load %arg0[%get3A_1112] : memref<40xi32, #tpu.memory_space<smem>>
    %while3A_1114 = arith.constant 30 : i32
    %while3A_1115 = arith.subi %while3A_1114, %get3A_1113 : i32
    %while3A_1116 = arith.addi %get3A_1113, %while3A_1115 : i32
    %while3A_1117 = arith.constant 1 : i32
    %while3A_1118 = arith.divsi %while3A_1115, %while3A_1117 : i32
    %while3A_1119 = arith.muli %while3A_1118, %while3A_1117 : i32
    %while3A_1120 = arith.addi %get3A_1113, %while3A_1119 : i32
    %while3A_1121 = arith.constant 1 : i32
    %while3A_1122 = scf.for %while3A_1453 = %get3A_1113 to %while3A_1120 step %while3A_1121 iter_args(%while3A_1454 = %select_n3A_1111) -> (vector<256xf32>)  : i32 {
      %mul3A_1455 = arith.constant 256 : i32
      %mul3A_1456 = arith.muli %while3A_1453, %mul3A_1455 : i32
      %get3A_1457 = arith.constant 0 : index
      %get3A_1458 = arith.index_cast %mul3A_1456 : i32 to index
      %get3A_1459 = vector.load %arg13[%get3A_1457, %get3A_1458] : memref<48x10240xbf16, #tpu.memory_space<vmem>>, vector<48x256xbf16>
      %dot_general3A_1460 = arith.constant dense<0.000000e+00> : vector<256x256xf32>
      %dot_general3A_1461 = tpu.matmul %get3A_1098, %get3A_1459, %dot_general3A_1460 {dimension_numbers = #tpu.dot_dimension_numbers<[0], [0], [1], [1], [0, 1, 1, 1], [], []>, transpose_lhs_hint = false} : vector<48x256xbf16>, vector<48x256xbf16>, vector<256x256xf32> -> vector<256x256xf32>
      %reduce_max3A_1462 = arith.constant dense<0xFF800000> : vector<256xf32>
      %reduce_max3A_1463 = vector.multi_reduction <maximumf>, %dot_general3A_1461, %reduce_max3A_1462 [1] : vector<256x256xf32> to vector<256xf32>
      %gt3A_1464 = arith.constant 3.700000e+01 : f32
      %gt3A_1465 = vector.broadcast %gt3A_1464 : f32 to vector<256xf32>
      %gt3A_1466 = arith.cmpf ogt, %reduce_max3A_1463, %gt3A_1465 : vector<256xf32>
      %jit3A_1467 = arith.constant 1.000000e+00 : f32
      %jit3A_1468 = arith.constant 0.000000e+00 : f32
      %broadcast_in_dim3A_1469 = vector.broadcast %jit3A_1467 : f32 to vector<256xf32>
      %broadcast_in_dim3A_1470 = vector.broadcast %jit3A_1468 : f32 to vector<256xf32>
      %select_n3A_1471 = arith.select %gt3A_1466, %broadcast_in_dim3A_1469, %broadcast_in_dim3A_1470 : vector<256xi1>, vector<256xf32>
      %max3A = arith.maximumf %while3A_1454, %select_n3A_1471 : vector<256xf32>
      scf.yield %max3A : vector<256xf32>
    }
    %while3A_1123 = arith.constant 1 : i32
    %while3A_1124 = scf.for %while3A_1453 = %while3A_1120 to %while3A_1116 step %while3A_1123 iter_args(%while3A_1454 = %while3A_1122) -> (vector<256xf32>)  : i32 {
      %mul3A_1455 = arith.constant 256 : i32
      %mul3A_1456 = arith.muli %while3A_1453, %mul3A_1455 : i32
      %get3A_1457 = arith.constant 0 : index
      %get3A_1458 = arith.index_cast %mul3A_1456 : i32 to index
      %get3A_1459 = vector.load %arg13[%get3A_1457, %get3A_1458] : memref<48x10240xbf16, #tpu.memory_space<vmem>>, vector<48x256xbf16>
      %dot_general3A_1460 = arith.constant dense<0.000000e+00> : vector<256x256xf32>
      %dot_general3A_1461 = tpu.matmul %get3A_1098, %get3A_1459, %dot_general3A_1460 {dimension_numbers = #tpu.dot_dimension_numbers<[0], [0], [1], [1], [0, 1, 1, 1], [], []>, transpose_lhs_hint = false} : vector<48x256xbf16>, vector<48x256xbf16>, vector<256x256xf32> -> vector<256x256xf32>
      %reduce_max3A_1462 = arith.constant dense<0xFF800000> : vector<256xf32>
      %reduce_max3A_1463 = vector.multi_reduction <maximumf>, %dot_general3A_1461, %reduce_max3A_1462 [1] : vector<256x256xf32> to vector<256xf32>
      %gt3A_1464 = arith.constant 3.700000e+01 : f32
      %gt3A_1465 = vector.broadcast %gt3A_1464 : f32 to vector<256xf32>
      %gt3A_1466 = arith.cmpf ogt, %reduce_max3A_1463, %gt3A_1465 : vector<256xf32>
      %jit3A_1467 = arith.constant 1.000000e+00 : f32
      %jit3A_1468 = arith.constant 0.000000e+00 : f32
      %broadcast_in_dim3A_1469 = vector.broadcast %jit3A_1467 : f32 to vector<256xf32>
      %broadcast_in_dim3A_1470 = vector.broadcast %jit3A_1468 : f32 to vector<256xf32>
      %select_n3A_1471 = arith.select %gt3A_1466, %broadcast_in_dim3A_1469, %broadcast_in_dim3A_1470 : vector<256xi1>, vector<256xf32>
      %max3A = arith.maximumf %while3A_1454, %select_n3A_1471 : vector<256xf32>
      scf.yield %max3A : vector<256xf32>
    }
    %swap3A_1125 = arith.constant 7680 : index
    %swap3A_1126 = vector.load %arg14[%swap3A_1125] : memref<10240xf32, #tpu.memory_space<vmem>>, vector<256xf32>
    tpu.vector_store %arg14[%swap3A_1125], %while3A_1124 {strides = array<i32>} : memref<10240xf32, #tpu.memory_space<vmem>>, vector<256xf32>,
    %get3A_1127 = arith.constant 0 : index
    %get3A_1128 = arith.constant 7936 : index
    %get3A_1129 = vector.load %arg13[%get3A_1127, %get3A_1128] : memref<48x10240xbf16, #tpu.memory_space<vmem>>, vector<48x256xbf16>
    %dot_general3A_1130 = arith.constant dense<0.000000e+00> : vector<256x256xf32>
    %dot_general3A_1131 = tpu.matmul %get3A_1129, %get3A_1129, %dot_general3A_1130 {dimension_numbers = #tpu.dot_dimension_numbers<[0], [0], [1], [1], [0, 1, 1, 1], [], []>, transpose_lhs_hint = false} : vector<48x256xbf16>, vector<48x256xbf16>, vector<256x256xf32> -> vector<256x256xf32>
    %add3A_1132 = arith.addf %dot_general3A_1131, %select_n3A_168 : vector<256x256xf32>
    %reduce_max3A_1133 = arith.constant dense<0xFF800000> : vector<256xf32>
    %reduce_max3A_1134 = vector.multi_reduction <maximumf>, %add3A_1132, %reduce_max3A_1133 [1] : vector<256x256xf32> to vector<256xf32>
    %gt3A_1135 = arith.constant 3.700000e+01 : f32
    %gt3A_1136 = vector.broadcast %gt3A_1135 : f32 to vector<256xf32>
    %gt3A_1137 = arith.cmpf ogt, %reduce_max3A_1134, %gt3A_1136 : vector<256xf32>
    %jit3A_1138 = arith.constant 1.000000e+00 : f32
    %jit3A_1139 = arith.constant 0.000000e+00 : f32
    %broadcast_in_dim3A_1140 = vector.broadcast %jit3A_1138 : f32 to vector<256xf32>
    %broadcast_in_dim3A_1141 = vector.broadcast %jit3A_1139 : f32 to vector<256xf32>
    %select_n3A_1142 = arith.select %gt3A_1137, %broadcast_in_dim3A_1140, %broadcast_in_dim3A_1141 : vector<256xi1>, vector<256xf32>
    %get3A_1143 = arith.constant 31 : index
    %get3A_1144 = memref.load %arg0[%get3A_1143] : memref<40xi32, #tpu.memory_space<smem>>
    %while3A_1145 = arith.constant 31 : i32
    %while3A_1146 = arith.subi %while3A_1145, %get3A_1144 : i32
    %while3A_1147 = arith.addi %get3A_1144, %while3A_1146 : i32
    %while3A_1148 = arith.constant 1 : i32
    %while3A_1149 = arith.divsi %while3A_1146, %while3A_1148 : i32
    %while3A_1150 = arith.muli %while3A_1149, %while3A_1148 : i32
    %while3A_1151 = arith.addi %get3A_1144, %while3A_1150 : i32
    %while3A_1152 = arith.constant 1 : i32
    %while3A_1153 = scf.for %while3A_1453 = %get3A_1144 to %while3A_1151 step %while3A_1152 iter_args(%while3A_1454 = %select_n3A_1142) -> (vector<256xf32>)  : i32 {
      %mul3A_1455 = arith.constant 256 : i32
      %mul3A_1456 = arith.muli %while3A_1453, %mul3A_1455 : i32
      %get3A_1457 = arith.constant 0 : index
      %get3A_1458 = arith.index_cast %mul3A_1456 : i32 to index
      %get3A_1459 = vector.load %arg13[%get3A_1457, %get3A_1458] : memref<48x10240xbf16, #tpu.memory_space<vmem>>, vector<48x256xbf16>
      %dot_general3A_1460 = arith.constant dense<0.000000e+00> : vector<256x256xf32>
      %dot_general3A_1461 = tpu.matmul %get3A_1129, %get3A_1459, %dot_general3A_1460 {dimension_numbers = #tpu.dot_dimension_numbers<[0], [0], [1], [1], [0, 1, 1, 1], [], []>, transpose_lhs_hint = false} : vector<48x256xbf16>, vector<48x256xbf16>, vector<256x256xf32> -> vector<256x256xf32>
      %reduce_max3A_1462 = arith.constant dense<0xFF800000> : vector<256xf32>
      %reduce_max3A_1463 = vector.multi_reduction <maximumf>, %dot_general3A_1461, %reduce_max3A_1462 [1] : vector<256x256xf32> to vector<256xf32>
      %gt3A_1464 = arith.constant 3.700000e+01 : f32
      %gt3A_1465 = vector.broadcast %gt3A_1464 : f32 to vector<256xf32>
      %gt3A_1466 = arith.cmpf ogt, %reduce_max3A_1463, %gt3A_1465 : vector<256xf32>
      %jit3A_1467 = arith.constant 1.000000e+00 : f32
      %jit3A_1468 = arith.constant 0.000000e+00 : f32
      %broadcast_in_dim3A_1469 = vector.broadcast %jit3A_1467 : f32 to vector<256xf32>
      %broadcast_in_dim3A_1470 = vector.broadcast %jit3A_1468 : f32 to vector<256xf32>
      %select_n3A_1471 = arith.select %gt3A_1466, %broadcast_in_dim3A_1469, %broadcast_in_dim3A_1470 : vector<256xi1>, vector<256xf32>
      %max3A = arith.maximumf %while3A_1454, %select_n3A_1471 : vector<256xf32>
      scf.yield %max3A : vector<256xf32>
    }
    %while3A_1154 = arith.constant 1 : i32
    %while3A_1155 = scf.for %while3A_1453 = %while3A_1151 to %while3A_1147 step %while3A_1154 iter_args(%while3A_1454 = %while3A_1153) -> (vector<256xf32>)  : i32 {
      %mul3A_1455 = arith.constant 256 : i32
      %mul3A_1456 = arith.muli %while3A_1453, %mul3A_1455 : i32
      %get3A_1457 = arith.constant 0 : index
      %get3A_1458 = arith.index_cast %mul3A_1456 : i32 to index
      %get3A_1459 = vector.load %arg13[%get3A_1457, %get3A_1458] : memref<48x10240xbf16, #tpu.memory_space<vmem>>, vector<48x256xbf16>
      %dot_general3A_1460 = arith.constant dense<0.000000e+00> : vector<256x256xf32>
      %dot_general3A_1461 = tpu.matmul %get3A_1129, %get3A_1459, %dot_general3A_1460 {dimension_numbers = #tpu.dot_dimension_numbers<[0], [0], [1], [1], [0, 1, 1, 1], [], []>, transpose_lhs_hint = false} : vector<48x256xbf16>, vector<48x256xbf16>, vector<256x256xf32> -> vector<256x256xf32>
      %reduce_max3A_1462 = arith.constant dense<0xFF800000> : vector<256xf32>
      %reduce_max3A_1463 = vector.multi_reduction <maximumf>, %dot_general3A_1461, %reduce_max3A_1462 [1] : vector<256x256xf32> to vector<256xf32>
      %gt3A_1464 = arith.constant 3.700000e+01 : f32
      %gt3A_1465 = vector.broadcast %gt3A_1464 : f32 to vector<256xf32>
      %gt3A_1466 = arith.cmpf ogt, %reduce_max3A_1463, %gt3A_1465 : vector<256xf32>
      %jit3A_1467 = arith.constant 1.000000e+00 : f32
      %jit3A_1468 = arith.constant 0.000000e+00 : f32
      %broadcast_in_dim3A_1469 = vector.broadcast %jit3A_1467 : f32 to vector<256xf32>
      %broadcast_in_dim3A_1470 = vector.broadcast %jit3A_1468 : f32 to vector<256xf32>
      %select_n3A_1471 = arith.select %gt3A_1466, %broadcast_in_dim3A_1469, %broadcast_in_dim3A_1470 : vector<256xi1>, vector<256xf32>
      %max3A = arith.maximumf %while3A_1454, %select_n3A_1471 : vector<256xf32>
      scf.yield %max3A : vector<256xf32>
    }
    %swap3A_1156 = arith.constant 7936 : index
    %swap3A_1157 = vector.load %arg14[%swap3A_1156] : memref<10240xf32, #tpu.memory_space<vmem>>, vector<256xf32>
    tpu.vector_store %arg14[%swap3A_1156], %while3A_1155 {strides = array<i32>} : memref<10240xf32, #tpu.memory_space<vmem>>, vector<256xf32>,
    %get3A_1158 = arith.constant 0 : index
    %get3A_1159 = arith.constant 8192 : index
    %get3A_1160 = vector.load %arg13[%get3A_1158, %get3A_1159] : memref<48x10240xbf16, #tpu.memory_space<vmem>>, vector<48x256xbf16>
    %dot_general3A_1161 = arith.constant dense<0.000000e+00> : vector<256x256xf32>
    %dot_general3A_1162 = tpu.matmul %get3A_1160, %get3A_1160, %dot_general3A_1161 {dimension_numbers = #tpu.dot_dimension_numbers<[0], [0], [1], [1], [0, 1, 1, 1], [], []>, transpose_lhs_hint = false} : vector<48x256xbf16>, vector<48x256xbf16>, vector<256x256xf32> -> vector<256x256xf32>
    %add3A_1163 = arith.addf %dot_general3A_1162, %select_n3A_168 : vector<256x256xf32>
    %reduce_max3A_1164 = arith.constant dense<0xFF800000> : vector<256xf32>
    %reduce_max3A_1165 = vector.multi_reduction <maximumf>, %add3A_1163, %reduce_max3A_1164 [1] : vector<256x256xf32> to vector<256xf32>
    %gt3A_1166 = arith.constant 3.700000e+01 : f32
    %gt3A_1167 = vector.broadcast %gt3A_1166 : f32 to vector<256xf32>
    %gt3A_1168 = arith.cmpf ogt, %reduce_max3A_1165, %gt3A_1167 : vector<256xf32>
    %jit3A_1169 = arith.constant 1.000000e+00 : f32
    %jit3A_1170 = arith.constant 0.000000e+00 : f32
    %broadcast_in_dim3A_1171 = vector.broadcast %jit3A_1169 : f32 to vector<256xf32>
    %broadcast_in_dim3A_1172 = vector.broadcast %jit3A_1170 : f32 to vector<256xf32>
    %select_n3A_1173 = arith.select %gt3A_1168, %broadcast_in_dim3A_1171, %broadcast_in_dim3A_1172 : vector<256xi1>, vector<256xf32>
    %get3A_1174 = arith.constant 32 : index
    %get3A_1175 = memref.load %arg0[%get3A_1174] : memref<40xi32, #tpu.memory_space<smem>>
    %while3A_1176 = arith.constant 32 : i32
    %while3A_1177 = arith.subi %while3A_1176, %get3A_1175 : i32
    %while3A_1178 = arith.addi %get3A_1175, %while3A_1177 : i32
    %while3A_1179 = arith.constant 1 : i32
    %while3A_1180 = arith.divsi %while3A_1177, %while3A_1179 : i32
    %while3A_1181 = arith.muli %while3A_1180, %while3A_1179 : i32
    %while3A_1182 = arith.addi %get3A_1175, %while3A_1181 : i32
    %while3A_1183 = arith.constant 1 : i32
    %while3A_1184 = scf.for %while3A_1453 = %get3A_1175 to %while3A_1182 step %while3A_1183 iter_args(%while3A_1454 = %select_n3A_1173) -> (vector<256xf32>)  : i32 {
      %mul3A_1455 = arith.constant 256 : i32
      %mul3A_1456 = arith.muli %while3A_1453, %mul3A_1455 : i32
      %get3A_1457 = arith.constant 0 : index
      %get3A_1458 = arith.index_cast %mul3A_1456 : i32 to index
      %get3A_1459 = vector.load %arg13[%get3A_1457, %get3A_1458] : memref<48x10240xbf16, #tpu.memory_space<vmem>>, vector<48x256xbf16>
      %dot_general3A_1460 = arith.constant dense<0.000000e+00> : vector<256x256xf32>
      %dot_general3A_1461 = tpu.matmul %get3A_1160, %get3A_1459, %dot_general3A_1460 {dimension_numbers = #tpu.dot_dimension_numbers<[0], [0], [1], [1], [0, 1, 1, 1], [], []>, transpose_lhs_hint = false} : vector<48x256xbf16>, vector<48x256xbf16>, vector<256x256xf32> -> vector<256x256xf32>
      %reduce_max3A_1462 = arith.constant dense<0xFF800000> : vector<256xf32>
      %reduce_max3A_1463 = vector.multi_reduction <maximumf>, %dot_general3A_1461, %reduce_max3A_1462 [1] : vector<256x256xf32> to vector<256xf32>
      %gt3A_1464 = arith.constant 3.700000e+01 : f32
      %gt3A_1465 = vector.broadcast %gt3A_1464 : f32 to vector<256xf32>
      %gt3A_1466 = arith.cmpf ogt, %reduce_max3A_1463, %gt3A_1465 : vector<256xf32>
      %jit3A_1467 = arith.constant 1.000000e+00 : f32
      %jit3A_1468 = arith.constant 0.000000e+00 : f32
      %broadcast_in_dim3A_1469 = vector.broadcast %jit3A_1467 : f32 to vector<256xf32>
      %broadcast_in_dim3A_1470 = vector.broadcast %jit3A_1468 : f32 to vector<256xf32>
      %select_n3A_1471 = arith.select %gt3A_1466, %broadcast_in_dim3A_1469, %broadcast_in_dim3A_1470 : vector<256xi1>, vector<256xf32>
      %max3A = arith.maximumf %while3A_1454, %select_n3A_1471 : vector<256xf32>
      scf.yield %max3A : vector<256xf32>
    }
    %while3A_1185 = arith.constant 1 : i32
    %while3A_1186 = scf.for %while3A_1453 = %while3A_1182 to %while3A_1178 step %while3A_1185 iter_args(%while3A_1454 = %while3A_1184) -> (vector<256xf32>)  : i32 {
      %mul3A_1455 = arith.constant 256 : i32
      %mul3A_1456 = arith.muli %while3A_1453, %mul3A_1455 : i32
      %get3A_1457 = arith.constant 0 : index
      %get3A_1458 = arith.index_cast %mul3A_1456 : i32 to index
      %get3A_1459 = vector.load %arg13[%get3A_1457, %get3A_1458] : memref<48x10240xbf16, #tpu.memory_space<vmem>>, vector<48x256xbf16>
      %dot_general3A_1460 = arith.constant dense<0.000000e+00> : vector<256x256xf32>
      %dot_general3A_1461 = tpu.matmul %get3A_1160, %get3A_1459, %dot_general3A_1460 {dimension_numbers = #tpu.dot_dimension_numbers<[0], [0], [1], [1], [0, 1, 1, 1], [], []>, transpose_lhs_hint = false} : vector<48x256xbf16>, vector<48x256xbf16>, vector<256x256xf32> -> vector<256x256xf32>
      %reduce_max3A_1462 = arith.constant dense<0xFF800000> : vector<256xf32>
      %reduce_max3A_1463 = vector.multi_reduction <maximumf>, %dot_general3A_1461, %reduce_max3A_1462 [1] : vector<256x256xf32> to vector<256xf32>
      %gt3A_1464 = arith.constant 3.700000e+01 : f32
      %gt3A_1465 = vector.broadcast %gt3A_1464 : f32 to vector<256xf32>
      %gt3A_1466 = arith.cmpf ogt, %reduce_max3A_1463, %gt3A_1465 : vector<256xf32>
      %jit3A_1467 = arith.constant 1.000000e+00 : f32
      %jit3A_1468 = arith.constant 0.000000e+00 : f32
      %broadcast_in_dim3A_1469 = vector.broadcast %jit3A_1467 : f32 to vector<256xf32>
      %broadcast_in_dim3A_1470 = vector.broadcast %jit3A_1468 : f32 to vector<256xf32>
      %select_n3A_1471 = arith.select %gt3A_1466, %broadcast_in_dim3A_1469, %broadcast_in_dim3A_1470 : vector<256xi1>, vector<256xf32>
      %max3A = arith.maximumf %while3A_1454, %select_n3A_1471 : vector<256xf32>
      scf.yield %max3A : vector<256xf32>
    }
    %swap3A_1187 = arith.constant 8192 : index
    %swap3A_1188 = vector.load %arg14[%swap3A_1187] : memref<10240xf32, #tpu.memory_space<vmem>>, vector<256xf32>
    tpu.vector_store %arg14[%swap3A_1187], %while3A_1186 {strides = array<i32>} : memref<10240xf32, #tpu.memory_space<vmem>>, vector<256xf32>,
    %get3A_1189 = arith.constant 0 : index
    %get3A_1190 = arith.constant 8448 : index
    %get3A_1191 = vector.load %arg13[%get3A_1189, %get3A_1190] : memref<48x10240xbf16, #tpu.memory_space<vmem>>, vector<48x256xbf16>
    %dot_general3A_1192 = arith.constant dense<0.000000e+00> : vector<256x256xf32>
    %dot_general3A_1193 = tpu.matmul %get3A_1191, %get3A_1191, %dot_general3A_1192 {dimension_numbers = #tpu.dot_dimension_numbers<[0], [0], [1], [1], [0, 1, 1, 1], [], []>, transpose_lhs_hint = false} : vector<48x256xbf16>, vector<48x256xbf16>, vector<256x256xf32> -> vector<256x256xf32>
    %add3A_1194 = arith.addf %dot_general3A_1193, %select_n3A_168 : vector<256x256xf32>
    %reduce_max3A_1195 = arith.constant dense<0xFF800000> : vector<256xf32>
    %reduce_max3A_1196 = vector.multi_reduction <maximumf>, %add3A_1194, %reduce_max3A_1195 [1] : vector<256x256xf32> to vector<256xf32>
    %gt3A_1197 = arith.constant 3.700000e+01 : f32
    %gt3A_1198 = vector.broadcast %gt3A_1197 : f32 to vector<256xf32>
    %gt3A_1199 = arith.cmpf ogt, %reduce_max3A_1196, %gt3A_1198 : vector<256xf32>
    %jit3A_1200 = arith.constant 1.000000e+00 : f32
    %jit3A_1201 = arith.constant 0.000000e+00 : f32
    %broadcast_in_dim3A_1202 = vector.broadcast %jit3A_1200 : f32 to vector<256xf32>
    %broadcast_in_dim3A_1203 = vector.broadcast %jit3A_1201 : f32 to vector<256xf32>
    %select_n3A_1204 = arith.select %gt3A_1199, %broadcast_in_dim3A_1202, %broadcast_in_dim3A_1203 : vector<256xi1>, vector<256xf32>
    %get3A_1205 = arith.constant 33 : index
    %get3A_1206 = memref.load %arg0[%get3A_1205] : memref<40xi32, #tpu.memory_space<smem>>
    %while3A_1207 = arith.constant 33 : i32
    %while3A_1208 = arith.subi %while3A_1207, %get3A_1206 : i32
    %while3A_1209 = arith.addi %get3A_1206, %while3A_1208 : i32
    %while3A_1210 = arith.constant 1 : i32
    %while3A_1211 = arith.divsi %while3A_1208, %while3A_1210 : i32
    %while3A_1212 = arith.muli %while3A_1211, %while3A_1210 : i32
    %while3A_1213 = arith.addi %get3A_1206, %while3A_1212 : i32
    %while3A_1214 = arith.constant 1 : i32
    %while3A_1215 = scf.for %while3A_1453 = %get3A_1206 to %while3A_1213 step %while3A_1214 iter_args(%while3A_1454 = %select_n3A_1204) -> (vector<256xf32>)  : i32 {
      %mul3A_1455 = arith.constant 256 : i32
      %mul3A_1456 = arith.muli %while3A_1453, %mul3A_1455 : i32
      %get3A_1457 = arith.constant 0 : index
      %get3A_1458 = arith.index_cast %mul3A_1456 : i32 to index
      %get3A_1459 = vector.load %arg13[%get3A_1457, %get3A_1458] : memref<48x10240xbf16, #tpu.memory_space<vmem>>, vector<48x256xbf16>
      %dot_general3A_1460 = arith.constant dense<0.000000e+00> : vector<256x256xf32>
      %dot_general3A_1461 = tpu.matmul %get3A_1191, %get3A_1459, %dot_general3A_1460 {dimension_numbers = #tpu.dot_dimension_numbers<[0], [0], [1], [1], [0, 1, 1, 1], [], []>, transpose_lhs_hint = false} : vector<48x256xbf16>, vector<48x256xbf16>, vector<256x256xf32> -> vector<256x256xf32>
      %reduce_max3A_1462 = arith.constant dense<0xFF800000> : vector<256xf32>
      %reduce_max3A_1463 = vector.multi_reduction <maximumf>, %dot_general3A_1461, %reduce_max3A_1462 [1] : vector<256x256xf32> to vector<256xf32>
      %gt3A_1464 = arith.constant 3.700000e+01 : f32
      %gt3A_1465 = vector.broadcast %gt3A_1464 : f32 to vector<256xf32>
      %gt3A_1466 = arith.cmpf ogt, %reduce_max3A_1463, %gt3A_1465 : vector<256xf32>
      %jit3A_1467 = arith.constant 1.000000e+00 : f32
      %jit3A_1468 = arith.constant 0.000000e+00 : f32
      %broadcast_in_dim3A_1469 = vector.broadcast %jit3A_1467 : f32 to vector<256xf32>
      %broadcast_in_dim3A_1470 = vector.broadcast %jit3A_1468 : f32 to vector<256xf32>
      %select_n3A_1471 = arith.select %gt3A_1466, %broadcast_in_dim3A_1469, %broadcast_in_dim3A_1470 : vector<256xi1>, vector<256xf32>
      %max3A = arith.maximumf %while3A_1454, %select_n3A_1471 : vector<256xf32>
      scf.yield %max3A : vector<256xf32>
    }
    %while3A_1216 = arith.constant 1 : i32
    %while3A_1217 = scf.for %while3A_1453 = %while3A_1213 to %while3A_1209 step %while3A_1216 iter_args(%while3A_1454 = %while3A_1215) -> (vector<256xf32>)  : i32 {
      %mul3A_1455 = arith.constant 256 : i32
      %mul3A_1456 = arith.muli %while3A_1453, %mul3A_1455 : i32
      %get3A_1457 = arith.constant 0 : index
      %get3A_1458 = arith.index_cast %mul3A_1456 : i32 to index
      %get3A_1459 = vector.load %arg13[%get3A_1457, %get3A_1458] : memref<48x10240xbf16, #tpu.memory_space<vmem>>, vector<48x256xbf16>
      %dot_general3A_1460 = arith.constant dense<0.000000e+00> : vector<256x256xf32>
      %dot_general3A_1461 = tpu.matmul %get3A_1191, %get3A_1459, %dot_general3A_1460 {dimension_numbers = #tpu.dot_dimension_numbers<[0], [0], [1], [1], [0, 1, 1, 1], [], []>, transpose_lhs_hint = false} : vector<48x256xbf16>, vector<48x256xbf16>, vector<256x256xf32> -> vector<256x256xf32>
      %reduce_max3A_1462 = arith.constant dense<0xFF800000> : vector<256xf32>
      %reduce_max3A_1463 = vector.multi_reduction <maximumf>, %dot_general3A_1461, %reduce_max3A_1462 [1] : vector<256x256xf32> to vector<256xf32>
      %gt3A_1464 = arith.constant 3.700000e+01 : f32
      %gt3A_1465 = vector.broadcast %gt3A_1464 : f32 to vector<256xf32>
      %gt3A_1466 = arith.cmpf ogt, %reduce_max3A_1463, %gt3A_1465 : vector<256xf32>
      %jit3A_1467 = arith.constant 1.000000e+00 : f32
      %jit3A_1468 = arith.constant 0.000000e+00 : f32
      %broadcast_in_dim3A_1469 = vector.broadcast %jit3A_1467 : f32 to vector<256xf32>
      %broadcast_in_dim3A_1470 = vector.broadcast %jit3A_1468 : f32 to vector<256xf32>
      %select_n3A_1471 = arith.select %gt3A_1466, %broadcast_in_dim3A_1469, %broadcast_in_dim3A_1470 : vector<256xi1>, vector<256xf32>
      %max3A = arith.maximumf %while3A_1454, %select_n3A_1471 : vector<256xf32>
      scf.yield %max3A : vector<256xf32>
    }
    %swap3A_1218 = arith.constant 8448 : index
    %swap3A_1219 = vector.load %arg14[%swap3A_1218] : memref<10240xf32, #tpu.memory_space<vmem>>, vector<256xf32>
    tpu.vector_store %arg14[%swap3A_1218], %while3A_1217 {strides = array<i32>} : memref<10240xf32, #tpu.memory_space<vmem>>, vector<256xf32>,
    %get3A_1220 = arith.constant 0 : index
    %get3A_1221 = arith.constant 8704 : index
    %get3A_1222 = vector.load %arg13[%get3A_1220, %get3A_1221] : memref<48x10240xbf16, #tpu.memory_space<vmem>>, vector<48x256xbf16>
    %dot_general3A_1223 = arith.constant dense<0.000000e+00> : vector<256x256xf32>
    %dot_general3A_1224 = tpu.matmul %get3A_1222, %get3A_1222, %dot_general3A_1223 {dimension_numbers = #tpu.dot_dimension_numbers<[0], [0], [1], [1], [0, 1, 1, 1], [], []>, transpose_lhs_hint = false} : vector<48x256xbf16>, vector<48x256xbf16>, vector<256x256xf32> -> vector<256x256xf32>
    %add3A_1225 = arith.addf %dot_general3A_1224, %select_n3A_168 : vector<256x256xf32>
    %reduce_max3A_1226 = arith.constant dense<0xFF800000> : vector<256xf32>
    %reduce_max3A_1227 = vector.multi_reduction <maximumf>, %add3A_1225, %reduce_max3A_1226 [1] : vector<256x256xf32> to vector<256xf32>
    %gt3A_1228 = arith.constant 3.700000e+01 : f32
    %gt3A_1229 = vector.broadcast %gt3A_1228 : f32 to vector<256xf32>
    %gt3A_1230 = arith.cmpf ogt, %reduce_max3A_1227, %gt3A_1229 : vector<256xf32>
    %jit3A_1231 = arith.constant 1.000000e+00 : f32
    %jit3A_1232 = arith.constant 0.000000e+00 : f32
    %broadcast_in_dim3A_1233 = vector.broadcast %jit3A_1231 : f32 to vector<256xf32>
    %broadcast_in_dim3A_1234 = vector.broadcast %jit3A_1232 : f32 to vector<256xf32>
    %select_n3A_1235 = arith.select %gt3A_1230, %broadcast_in_dim3A_1233, %broadcast_in_dim3A_1234 : vector<256xi1>, vector<256xf32>
    %get3A_1236 = arith.constant 34 : index
    %get3A_1237 = memref.load %arg0[%get3A_1236] : memref<40xi32, #tpu.memory_space<smem>>
    %while3A_1238 = arith.constant 34 : i32
    %while3A_1239 = arith.subi %while3A_1238, %get3A_1237 : i32
    %while3A_1240 = arith.addi %get3A_1237, %while3A_1239 : i32
    %while3A_1241 = arith.constant 1 : i32
    %while3A_1242 = arith.divsi %while3A_1239, %while3A_1241 : i32
    %while3A_1243 = arith.muli %while3A_1242, %while3A_1241 : i32
    %while3A_1244 = arith.addi %get3A_1237, %while3A_1243 : i32
    %while3A_1245 = arith.constant 1 : i32
    %while3A_1246 = scf.for %while3A_1453 = %get3A_1237 to %while3A_1244 step %while3A_1245 iter_args(%while3A_1454 = %select_n3A_1235) -> (vector<256xf32>)  : i32 {
      %mul3A_1455 = arith.constant 256 : i32
      %mul3A_1456 = arith.muli %while3A_1453, %mul3A_1455 : i32
      %get3A_1457 = arith.constant 0 : index
      %get3A_1458 = arith.index_cast %mul3A_1456 : i32 to index
      %get3A_1459 = vector.load %arg13[%get3A_1457, %get3A_1458] : memref<48x10240xbf16, #tpu.memory_space<vmem>>, vector<48x256xbf16>
      %dot_general3A_1460 = arith.constant dense<0.000000e+00> : vector<256x256xf32>
      %dot_general3A_1461 = tpu.matmul %get3A_1222, %get3A_1459, %dot_general3A_1460 {dimension_numbers = #tpu.dot_dimension_numbers<[0], [0], [1], [1], [0, 1, 1, 1], [], []>, transpose_lhs_hint = false} : vector<48x256xbf16>, vector<48x256xbf16>, vector<256x256xf32> -> vector<256x256xf32>
      %reduce_max3A_1462 = arith.constant dense<0xFF800000> : vector<256xf32>
      %reduce_max3A_1463 = vector.multi_reduction <maximumf>, %dot_general3A_1461, %reduce_max3A_1462 [1] : vector<256x256xf32> to vector<256xf32>
      %gt3A_1464 = arith.constant 3.700000e+01 : f32
      %gt3A_1465 = vector.broadcast %gt3A_1464 : f32 to vector<256xf32>
      %gt3A_1466 = arith.cmpf ogt, %reduce_max3A_1463, %gt3A_1465 : vector<256xf32>
      %jit3A_1467 = arith.constant 1.000000e+00 : f32
      %jit3A_1468 = arith.constant 0.000000e+00 : f32
      %broadcast_in_dim3A_1469 = vector.broadcast %jit3A_1467 : f32 to vector<256xf32>
      %broadcast_in_dim3A_1470 = vector.broadcast %jit3A_1468 : f32 to vector<256xf32>
      %select_n3A_1471 = arith.select %gt3A_1466, %broadcast_in_dim3A_1469, %broadcast_in_dim3A_1470 : vector<256xi1>, vector<256xf32>
      %max3A = arith.maximumf %while3A_1454, %select_n3A_1471 : vector<256xf32>
      scf.yield %max3A : vector<256xf32>
    }
    %while3A_1247 = arith.constant 1 : i32
    %while3A_1248 = scf.for %while3A_1453 = %while3A_1244 to %while3A_1240 step %while3A_1247 iter_args(%while3A_1454 = %while3A_1246) -> (vector<256xf32>)  : i32 {
      %mul3A_1455 = arith.constant 256 : i32
      %mul3A_1456 = arith.muli %while3A_1453, %mul3A_1455 : i32
      %get3A_1457 = arith.constant 0 : index
      %get3A_1458 = arith.index_cast %mul3A_1456 : i32 to index
      %get3A_1459 = vector.load %arg13[%get3A_1457, %get3A_1458] : memref<48x10240xbf16, #tpu.memory_space<vmem>>, vector<48x256xbf16>
      %dot_general3A_1460 = arith.constant dense<0.000000e+00> : vector<256x256xf32>
      %dot_general3A_1461 = tpu.matmul %get3A_1222, %get3A_1459, %dot_general3A_1460 {dimension_numbers = #tpu.dot_dimension_numbers<[0], [0], [1], [1], [0, 1, 1, 1], [], []>, transpose_lhs_hint = false} : vector<48x256xbf16>, vector<48x256xbf16>, vector<256x256xf32> -> vector<256x256xf32>
      %reduce_max3A_1462 = arith.constant dense<0xFF800000> : vector<256xf32>
      %reduce_max3A_1463 = vector.multi_reduction <maximumf>, %dot_general3A_1461, %reduce_max3A_1462 [1] : vector<256x256xf32> to vector<256xf32>
      %gt3A_1464 = arith.constant 3.700000e+01 : f32
      %gt3A_1465 = vector.broadcast %gt3A_1464 : f32 to vector<256xf32>
      %gt3A_1466 = arith.cmpf ogt, %reduce_max3A_1463, %gt3A_1465 : vector<256xf32>
      %jit3A_1467 = arith.constant 1.000000e+00 : f32
      %jit3A_1468 = arith.constant 0.000000e+00 : f32
      %broadcast_in_dim3A_1469 = vector.broadcast %jit3A_1467 : f32 to vector<256xf32>
      %broadcast_in_dim3A_1470 = vector.broadcast %jit3A_1468 : f32 to vector<256xf32>
      %select_n3A_1471 = arith.select %gt3A_1466, %broadcast_in_dim3A_1469, %broadcast_in_dim3A_1470 : vector<256xi1>, vector<256xf32>
      %max3A = arith.maximumf %while3A_1454, %select_n3A_1471 : vector<256xf32>
      scf.yield %max3A : vector<256xf32>
    }
    %swap3A_1249 = arith.constant 8704 : index
    %swap3A_1250 = vector.load %arg14[%swap3A_1249] : memref<10240xf32, #tpu.memory_space<vmem>>, vector<256xf32>
    tpu.vector_store %arg14[%swap3A_1249], %while3A_1248 {strides = array<i32>} : memref<10240xf32, #tpu.memory_space<vmem>>, vector<256xf32>,
    %get3A_1251 = arith.constant 0 : index
    %get3A_1252 = arith.constant 8960 : index
    %get3A_1253 = vector.load %arg13[%get3A_1251, %get3A_1252] : memref<48x10240xbf16, #tpu.memory_space<vmem>>, vector<48x256xbf16>
    %dot_general3A_1254 = arith.constant dense<0.000000e+00> : vector<256x256xf32>
    %dot_general3A_1255 = tpu.matmul %get3A_1253, %get3A_1253, %dot_general3A_1254 {dimension_numbers = #tpu.dot_dimension_numbers<[0], [0], [1], [1], [0, 1, 1, 1], [], []>, transpose_lhs_hint = false} : vector<48x256xbf16>, vector<48x256xbf16>, vector<256x256xf32> -> vector<256x256xf32>
    %add3A_1256 = arith.addf %dot_general3A_1255, %select_n3A_168 : vector<256x256xf32>
    %reduce_max3A_1257 = arith.constant dense<0xFF800000> : vector<256xf32>
    %reduce_max3A_1258 = vector.multi_reduction <maximumf>, %add3A_1256, %reduce_max3A_1257 [1] : vector<256x256xf32> to vector<256xf32>
    %gt3A_1259 = arith.constant 3.700000e+01 : f32
    %gt3A_1260 = vector.broadcast %gt3A_1259 : f32 to vector<256xf32>
    %gt3A_1261 = arith.cmpf ogt, %reduce_max3A_1258, %gt3A_1260 : vector<256xf32>
    %jit3A_1262 = arith.constant 1.000000e+00 : f32
    %jit3A_1263 = arith.constant 0.000000e+00 : f32
    %broadcast_in_dim3A_1264 = vector.broadcast %jit3A_1262 : f32 to vector<256xf32>
    %broadcast_in_dim3A_1265 = vector.broadcast %jit3A_1263 : f32 to vector<256xf32>
    %select_n3A_1266 = arith.select %gt3A_1261, %broadcast_in_dim3A_1264, %broadcast_in_dim3A_1265 : vector<256xi1>, vector<256xf32>
    %get3A_1267 = arith.constant 35 : index
    %get3A_1268 = memref.load %arg0[%get3A_1267] : memref<40xi32, #tpu.memory_space<smem>>
    %while3A_1269 = arith.constant 35 : i32
    %while3A_1270 = arith.subi %while3A_1269, %get3A_1268 : i32
    %while3A_1271 = arith.addi %get3A_1268, %while3A_1270 : i32
    %while3A_1272 = arith.constant 1 : i32
    %while3A_1273 = arith.divsi %while3A_1270, %while3A_1272 : i32
    %while3A_1274 = arith.muli %while3A_1273, %while3A_1272 : i32
    %while3A_1275 = arith.addi %get3A_1268, %while3A_1274 : i32
    %while3A_1276 = arith.constant 1 : i32
    %while3A_1277 = scf.for %while3A_1453 = %get3A_1268 to %while3A_1275 step %while3A_1276 iter_args(%while3A_1454 = %select_n3A_1266) -> (vector<256xf32>)  : i32 {
      %mul3A_1455 = arith.constant 256 : i32
      %mul3A_1456 = arith.muli %while3A_1453, %mul3A_1455 : i32
      %get3A_1457 = arith.constant 0 : index
      %get3A_1458 = arith.index_cast %mul3A_1456 : i32 to index
      %get3A_1459 = vector.load %arg13[%get3A_1457, %get3A_1458] : memref<48x10240xbf16, #tpu.memory_space<vmem>>, vector<48x256xbf16>
      %dot_general3A_1460 = arith.constant dense<0.000000e+00> : vector<256x256xf32>
      %dot_general3A_1461 = tpu.matmul %get3A_1253, %get3A_1459, %dot_general3A_1460 {dimension_numbers = #tpu.dot_dimension_numbers<[0], [0], [1], [1], [0, 1, 1, 1], [], []>, transpose_lhs_hint = false} : vector<48x256xbf16>, vector<48x256xbf16>, vector<256x256xf32> -> vector<256x256xf32>
      %reduce_max3A_1462 = arith.constant dense<0xFF800000> : vector<256xf32>
      %reduce_max3A_1463 = vector.multi_reduction <maximumf>, %dot_general3A_1461, %reduce_max3A_1462 [1] : vector<256x256xf32> to vector<256xf32>
      %gt3A_1464 = arith.constant 3.700000e+01 : f32
      %gt3A_1465 = vector.broadcast %gt3A_1464 : f32 to vector<256xf32>
      %gt3A_1466 = arith.cmpf ogt, %reduce_max3A_1463, %gt3A_1465 : vector<256xf32>
      %jit3A_1467 = arith.constant 1.000000e+00 : f32
      %jit3A_1468 = arith.constant 0.000000e+00 : f32
      %broadcast_in_dim3A_1469 = vector.broadcast %jit3A_1467 : f32 to vector<256xf32>
      %broadcast_in_dim3A_1470 = vector.broadcast %jit3A_1468 : f32 to vector<256xf32>
      %select_n3A_1471 = arith.select %gt3A_1466, %broadcast_in_dim3A_1469, %broadcast_in_dim3A_1470 : vector<256xi1>, vector<256xf32>
      %max3A = arith.maximumf %while3A_1454, %select_n3A_1471 : vector<256xf32>
      scf.yield %max3A : vector<256xf32>
    }
    %while3A_1278 = arith.constant 1 : i32
    %while3A_1279 = scf.for %while3A_1453 = %while3A_1275 to %while3A_1271 step %while3A_1278 iter_args(%while3A_1454 = %while3A_1277) -> (vector<256xf32>)  : i32 {
      %mul3A_1455 = arith.constant 256 : i32
      %mul3A_1456 = arith.muli %while3A_1453, %mul3A_1455 : i32
      %get3A_1457 = arith.constant 0 : index
      %get3A_1458 = arith.index_cast %mul3A_1456 : i32 to index
      %get3A_1459 = vector.load %arg13[%get3A_1457, %get3A_1458] : memref<48x10240xbf16, #tpu.memory_space<vmem>>, vector<48x256xbf16>
      %dot_general3A_1460 = arith.constant dense<0.000000e+00> : vector<256x256xf32>
      %dot_general3A_1461 = tpu.matmul %get3A_1253, %get3A_1459, %dot_general3A_1460 {dimension_numbers = #tpu.dot_dimension_numbers<[0], [0], [1], [1], [0, 1, 1, 1], [], []>, transpose_lhs_hint = false} : vector<48x256xbf16>, vector<48x256xbf16>, vector<256x256xf32> -> vector<256x256xf32>
      %reduce_max3A_1462 = arith.constant dense<0xFF800000> : vector<256xf32>
      %reduce_max3A_1463 = vector.multi_reduction <maximumf>, %dot_general3A_1461, %reduce_max3A_1462 [1] : vector<256x256xf32> to vector<256xf32>
      %gt3A_1464 = arith.constant 3.700000e+01 : f32
      %gt3A_1465 = vector.broadcast %gt3A_1464 : f32 to vector<256xf32>
      %gt3A_1466 = arith.cmpf ogt, %reduce_max3A_1463, %gt3A_1465 : vector<256xf32>
      %jit3A_1467 = arith.constant 1.000000e+00 : f32
      %jit3A_1468 = arith.constant 0.000000e+00 : f32
      %broadcast_in_dim3A_1469 = vector.broadcast %jit3A_1467 : f32 to vector<256xf32>
      %broadcast_in_dim3A_1470 = vector.broadcast %jit3A_1468 : f32 to vector<256xf32>
      %select_n3A_1471 = arith.select %gt3A_1466, %broadcast_in_dim3A_1469, %broadcast_in_dim3A_1470 : vector<256xi1>, vector<256xf32>
      %max3A = arith.maximumf %while3A_1454, %select_n3A_1471 : vector<256xf32>
      scf.yield %max3A : vector<256xf32>
    }
    %swap3A_1280 = arith.constant 8960 : index
    %swap3A_1281 = vector.load %arg14[%swap3A_1280] : memref<10240xf32, #tpu.memory_space<vmem>>, vector<256xf32>
    tpu.vector_store %arg14[%swap3A_1280], %while3A_1279 {strides = array<i32>} : memref<10240xf32, #tpu.memory_space<vmem>>, vector<256xf32>,
    %get3A_1282 = arith.constant 0 : index
    %get3A_1283 = arith.constant 9216 : index
    %get3A_1284 = vector.load %arg13[%get3A_1282, %get3A_1283] : memref<48x10240xbf16, #tpu.memory_space<vmem>>, vector<48x256xbf16>
    %dot_general3A_1285 = arith.constant dense<0.000000e+00> : vector<256x256xf32>
    %dot_general3A_1286 = tpu.matmul %get3A_1284, %get3A_1284, %dot_general3A_1285 {dimension_numbers = #tpu.dot_dimension_numbers<[0], [0], [1], [1], [0, 1, 1, 1], [], []>, transpose_lhs_hint = false} : vector<48x256xbf16>, vector<48x256xbf16>, vector<256x256xf32> -> vector<256x256xf32>
    %add3A_1287 = arith.addf %dot_general3A_1286, %select_n3A_168 : vector<256x256xf32>
    %reduce_max3A_1288 = arith.constant dense<0xFF800000> : vector<256xf32>
    %reduce_max3A_1289 = vector.multi_reduction <maximumf>, %add3A_1287, %reduce_max3A_1288 [1] : vector<256x256xf32> to vector<256xf32>
    %gt3A_1290 = arith.constant 3.700000e+01 : f32
    %gt3A_1291 = vector.broadcast %gt3A_1290 : f32 to vector<256xf32>
    %gt3A_1292 = arith.cmpf ogt, %reduce_max3A_1289, %gt3A_1291 : vector<256xf32>
    %jit3A_1293 = arith.constant 1.000000e+00 : f32
    %jit3A_1294 = arith.constant 0.000000e+00 : f32
    %broadcast_in_dim3A_1295 = vector.broadcast %jit3A_1293 : f32 to vector<256xf32>
    %broadcast_in_dim3A_1296 = vector.broadcast %jit3A_1294 : f32 to vector<256xf32>
    %select_n3A_1297 = arith.select %gt3A_1292, %broadcast_in_dim3A_1295, %broadcast_in_dim3A_1296 : vector<256xi1>, vector<256xf32>
    %get3A_1298 = arith.constant 36 : index
    %get3A_1299 = memref.load %arg0[%get3A_1298] : memref<40xi32, #tpu.memory_space<smem>>
    %while3A_1300 = arith.constant 36 : i32
    %while3A_1301 = arith.subi %while3A_1300, %get3A_1299 : i32
    %while3A_1302 = arith.addi %get3A_1299, %while3A_1301 : i32
    %while3A_1303 = arith.constant 1 : i32
    %while3A_1304 = arith.divsi %while3A_1301, %while3A_1303 : i32
    %while3A_1305 = arith.muli %while3A_1304, %while3A_1303 : i32
    %while3A_1306 = arith.addi %get3A_1299, %while3A_1305 : i32
    %while3A_1307 = arith.constant 1 : i32
    %while3A_1308 = scf.for %while3A_1453 = %get3A_1299 to %while3A_1306 step %while3A_1307 iter_args(%while3A_1454 = %select_n3A_1297) -> (vector<256xf32>)  : i32 {
      %mul3A_1455 = arith.constant 256 : i32
      %mul3A_1456 = arith.muli %while3A_1453, %mul3A_1455 : i32
      %get3A_1457 = arith.constant 0 : index
      %get3A_1458 = arith.index_cast %mul3A_1456 : i32 to index
      %get3A_1459 = vector.load %arg13[%get3A_1457, %get3A_1458] : memref<48x10240xbf16, #tpu.memory_space<vmem>>, vector<48x256xbf16>
      %dot_general3A_1460 = arith.constant dense<0.000000e+00> : vector<256x256xf32>
      %dot_general3A_1461 = tpu.matmul %get3A_1284, %get3A_1459, %dot_general3A_1460 {dimension_numbers = #tpu.dot_dimension_numbers<[0], [0], [1], [1], [0, 1, 1, 1], [], []>, transpose_lhs_hint = false} : vector<48x256xbf16>, vector<48x256xbf16>, vector<256x256xf32> -> vector<256x256xf32>
      %reduce_max3A_1462 = arith.constant dense<0xFF800000> : vector<256xf32>
      %reduce_max3A_1463 = vector.multi_reduction <maximumf>, %dot_general3A_1461, %reduce_max3A_1462 [1] : vector<256x256xf32> to vector<256xf32>
      %gt3A_1464 = arith.constant 3.700000e+01 : f32
      %gt3A_1465 = vector.broadcast %gt3A_1464 : f32 to vector<256xf32>
      %gt3A_1466 = arith.cmpf ogt, %reduce_max3A_1463, %gt3A_1465 : vector<256xf32>
      %jit3A_1467 = arith.constant 1.000000e+00 : f32
      %jit3A_1468 = arith.constant 0.000000e+00 : f32
      %broadcast_in_dim3A_1469 = vector.broadcast %jit3A_1467 : f32 to vector<256xf32>
      %broadcast_in_dim3A_1470 = vector.broadcast %jit3A_1468 : f32 to vector<256xf32>
      %select_n3A_1471 = arith.select %gt3A_1466, %broadcast_in_dim3A_1469, %broadcast_in_dim3A_1470 : vector<256xi1>, vector<256xf32>
      %max3A = arith.maximumf %while3A_1454, %select_n3A_1471 : vector<256xf32>
      scf.yield %max3A : vector<256xf32>
    }
    %while3A_1309 = arith.constant 1 : i32
    %while3A_1310 = scf.for %while3A_1453 = %while3A_1306 to %while3A_1302 step %while3A_1309 iter_args(%while3A_1454 = %while3A_1308) -> (vector<256xf32>)  : i32 {
      %mul3A_1455 = arith.constant 256 : i32
      %mul3A_1456 = arith.muli %while3A_1453, %mul3A_1455 : i32
      %get3A_1457 = arith.constant 0 : index
      %get3A_1458 = arith.index_cast %mul3A_1456 : i32 to index
      %get3A_1459 = vector.load %arg13[%get3A_1457, %get3A_1458] : memref<48x10240xbf16, #tpu.memory_space<vmem>>, vector<48x256xbf16>
      %dot_general3A_1460 = arith.constant dense<0.000000e+00> : vector<256x256xf32>
      %dot_general3A_1461 = tpu.matmul %get3A_1284, %get3A_1459, %dot_general3A_1460 {dimension_numbers = #tpu.dot_dimension_numbers<[0], [0], [1], [1], [0, 1, 1, 1], [], []>, transpose_lhs_hint = false} : vector<48x256xbf16>, vector<48x256xbf16>, vector<256x256xf32> -> vector<256x256xf32>
      %reduce_max3A_1462 = arith.constant dense<0xFF800000> : vector<256xf32>
      %reduce_max3A_1463 = vector.multi_reduction <maximumf>, %dot_general3A_1461, %reduce_max3A_1462 [1] : vector<256x256xf32> to vector<256xf32>
      %gt3A_1464 = arith.constant 3.700000e+01 : f32
      %gt3A_1465 = vector.broadcast %gt3A_1464 : f32 to vector<256xf32>
      %gt3A_1466 = arith.cmpf ogt, %reduce_max3A_1463, %gt3A_1465 : vector<256xf32>
      %jit3A_1467 = arith.constant 1.000000e+00 : f32
      %jit3A_1468 = arith.constant 0.000000e+00 : f32
      %broadcast_in_dim3A_1469 = vector.broadcast %jit3A_1467 : f32 to vector<256xf32>
      %broadcast_in_dim3A_1470 = vector.broadcast %jit3A_1468 : f32 to vector<256xf32>
      %select_n3A_1471 = arith.select %gt3A_1466, %broadcast_in_dim3A_1469, %broadcast_in_dim3A_1470 : vector<256xi1>, vector<256xf32>
      %max3A = arith.maximumf %while3A_1454, %select_n3A_1471 : vector<256xf32>
      scf.yield %max3A : vector<256xf32>
    }
    %swap3A_1311 = arith.constant 9216 : index
    %swap3A_1312 = vector.load %arg14[%swap3A_1311] : memref<10240xf32, #tpu.memory_space<vmem>>, vector<256xf32>
    tpu.vector_store %arg14[%swap3A_1311], %while3A_1310 {strides = array<i32>} : memref<10240xf32, #tpu.memory_space<vmem>>, vector<256xf32>,
    %get3A_1313 = arith.constant 0 : index
    %get3A_1314 = arith.constant 9472 : index
    %get3A_1315 = vector.load %arg13[%get3A_1313, %get3A_1314] : memref<48x10240xbf16, #tpu.memory_space<vmem>>, vector<48x256xbf16>
    %dot_general3A_1316 = arith.constant dense<0.000000e+00> : vector<256x256xf32>
    %dot_general3A_1317 = tpu.matmul %get3A_1315, %get3A_1315, %dot_general3A_1316 {dimension_numbers = #tpu.dot_dimension_numbers<[0], [0], [1], [1], [0, 1, 1, 1], [], []>, transpose_lhs_hint = false} : vector<48x256xbf16>, vector<48x256xbf16>, vector<256x256xf32> -> vector<256x256xf32>
    %add3A_1318 = arith.addf %dot_general3A_1317, %select_n3A_168 : vector<256x256xf32>
    %reduce_max3A_1319 = arith.constant dense<0xFF800000> : vector<256xf32>
    %reduce_max3A_1320 = vector.multi_reduction <maximumf>, %add3A_1318, %reduce_max3A_1319 [1] : vector<256x256xf32> to vector<256xf32>
    %gt3A_1321 = arith.constant 3.700000e+01 : f32
    %gt3A_1322 = vector.broadcast %gt3A_1321 : f32 to vector<256xf32>
    %gt3A_1323 = arith.cmpf ogt, %reduce_max3A_1320, %gt3A_1322 : vector<256xf32>
    %jit3A_1324 = arith.constant 1.000000e+00 : f32
    %jit3A_1325 = arith.constant 0.000000e+00 : f32
    %broadcast_in_dim3A_1326 = vector.broadcast %jit3A_1324 : f32 to vector<256xf32>
    %broadcast_in_dim3A_1327 = vector.broadcast %jit3A_1325 : f32 to vector<256xf32>
    %select_n3A_1328 = arith.select %gt3A_1323, %broadcast_in_dim3A_1326, %broadcast_in_dim3A_1327 : vector<256xi1>, vector<256xf32>
    %get3A_1329 = arith.constant 37 : index
    %get3A_1330 = memref.load %arg0[%get3A_1329] : memref<40xi32, #tpu.memory_space<smem>>
    %while3A_1331 = arith.constant 37 : i32
    %while3A_1332 = arith.subi %while3A_1331, %get3A_1330 : i32
    %while3A_1333 = arith.addi %get3A_1330, %while3A_1332 : i32
    %while3A_1334 = arith.constant 1 : i32
    %while3A_1335 = arith.divsi %while3A_1332, %while3A_1334 : i32
    %while3A_1336 = arith.muli %while3A_1335, %while3A_1334 : i32
    %while3A_1337 = arith.addi %get3A_1330, %while3A_1336 : i32
    %while3A_1338 = arith.constant 1 : i32
    %while3A_1339 = scf.for %while3A_1453 = %get3A_1330 to %while3A_1337 step %while3A_1338 iter_args(%while3A_1454 = %select_n3A_1328) -> (vector<256xf32>)  : i32 {
      %mul3A_1455 = arith.constant 256 : i32
      %mul3A_1456 = arith.muli %while3A_1453, %mul3A_1455 : i32
      %get3A_1457 = arith.constant 0 : index
      %get3A_1458 = arith.index_cast %mul3A_1456 : i32 to index
      %get3A_1459 = vector.load %arg13[%get3A_1457, %get3A_1458] : memref<48x10240xbf16, #tpu.memory_space<vmem>>, vector<48x256xbf16>
      %dot_general3A_1460 = arith.constant dense<0.000000e+00> : vector<256x256xf32>
      %dot_general3A_1461 = tpu.matmul %get3A_1315, %get3A_1459, %dot_general3A_1460 {dimension_numbers = #tpu.dot_dimension_numbers<[0], [0], [1], [1], [0, 1, 1, 1], [], []>, transpose_lhs_hint = false} : vector<48x256xbf16>, vector<48x256xbf16>, vector<256x256xf32> -> vector<256x256xf32>
      %reduce_max3A_1462 = arith.constant dense<0xFF800000> : vector<256xf32>
      %reduce_max3A_1463 = vector.multi_reduction <maximumf>, %dot_general3A_1461, %reduce_max3A_1462 [1] : vector<256x256xf32> to vector<256xf32>
      %gt3A_1464 = arith.constant 3.700000e+01 : f32
      %gt3A_1465 = vector.broadcast %gt3A_1464 : f32 to vector<256xf32>
      %gt3A_1466 = arith.cmpf ogt, %reduce_max3A_1463, %gt3A_1465 : vector<256xf32>
      %jit3A_1467 = arith.constant 1.000000e+00 : f32
      %jit3A_1468 = arith.constant 0.000000e+00 : f32
      %broadcast_in_dim3A_1469 = vector.broadcast %jit3A_1467 : f32 to vector<256xf32>
      %broadcast_in_dim3A_1470 = vector.broadcast %jit3A_1468 : f32 to vector<256xf32>
      %select_n3A_1471 = arith.select %gt3A_1466, %broadcast_in_dim3A_1469, %broadcast_in_dim3A_1470 : vector<256xi1>, vector<256xf32>
      %max3A = arith.maximumf %while3A_1454, %select_n3A_1471 : vector<256xf32>
      scf.yield %max3A : vector<256xf32>
    }
    %while3A_1340 = arith.constant 1 : i32
    %while3A_1341 = scf.for %while3A_1453 = %while3A_1337 to %while3A_1333 step %while3A_1340 iter_args(%while3A_1454 = %while3A_1339) -> (vector<256xf32>)  : i32 {
      %mul3A_1455 = arith.constant 256 : i32
      %mul3A_1456 = arith.muli %while3A_1453, %mul3A_1455 : i32
      %get3A_1457 = arith.constant 0 : index
      %get3A_1458 = arith.index_cast %mul3A_1456 : i32 to index
      %get3A_1459 = vector.load %arg13[%get3A_1457, %get3A_1458] : memref<48x10240xbf16, #tpu.memory_space<vmem>>, vector<48x256xbf16>
      %dot_general3A_1460 = arith.constant dense<0.000000e+00> : vector<256x256xf32>
      %dot_general3A_1461 = tpu.matmul %get3A_1315, %get3A_1459, %dot_general3A_1460 {dimension_numbers = #tpu.dot_dimension_numbers<[0], [0], [1], [1], [0, 1, 1, 1], [], []>, transpose_lhs_hint = false} : vector<48x256xbf16>, vector<48x256xbf16>, vector<256x256xf32> -> vector<256x256xf32>
      %reduce_max3A_1462 = arith.constant dense<0xFF800000> : vector<256xf32>
      %reduce_max3A_1463 = vector.multi_reduction <maximumf>, %dot_general3A_1461, %reduce_max3A_1462 [1] : vector<256x256xf32> to vector<256xf32>
      %gt3A_1464 = arith.constant 3.700000e+01 : f32
      %gt3A_1465 = vector.broadcast %gt3A_1464 : f32 to vector<256xf32>
      %gt3A_1466 = arith.cmpf ogt, %reduce_max3A_1463, %gt3A_1465 : vector<256xf32>
      %jit3A_1467 = arith.constant 1.000000e+00 : f32
      %jit3A_1468 = arith.constant 0.000000e+00 : f32
      %broadcast_in_dim3A_1469 = vector.broadcast %jit3A_1467 : f32 to vector<256xf32>
      %broadcast_in_dim3A_1470 = vector.broadcast %jit3A_1468 : f32 to vector<256xf32>
      %select_n3A_1471 = arith.select %gt3A_1466, %broadcast_in_dim3A_1469, %broadcast_in_dim3A_1470 : vector<256xi1>, vector<256xf32>
      %max3A = arith.maximumf %while3A_1454, %select_n3A_1471 : vector<256xf32>
      scf.yield %max3A : vector<256xf32>
    }
    %swap3A_1342 = arith.constant 9472 : index
    %swap3A_1343 = vector.load %arg14[%swap3A_1342] : memref<10240xf32, #tpu.memory_space<vmem>>, vector<256xf32>
    tpu.vector_store %arg14[%swap3A_1342], %while3A_1341 {strides = array<i32>} : memref<10240xf32, #tpu.memory_space<vmem>>, vector<256xf32>,
    %get3A_1344 = arith.constant 0 : index
    %get3A_1345 = arith.constant 9728 : index
    %get3A_1346 = vector.load %arg13[%get3A_1344, %get3A_1345] : memref<48x10240xbf16, #tpu.memory_space<vmem>>, vector<48x256xbf16>
    %dot_general3A_1347 = arith.constant dense<0.000000e+00> : vector<256x256xf32>
    %dot_general3A_1348 = tpu.matmul %get3A_1346, %get3A_1346, %dot_general3A_1347 {dimension_numbers = #tpu.dot_dimension_numbers<[0], [0], [1], [1], [0, 1, 1, 1], [], []>, transpose_lhs_hint = false} : vector<48x256xbf16>, vector<48x256xbf16>, vector<256x256xf32> -> vector<256x256xf32>
    %add3A_1349 = arith.addf %dot_general3A_1348, %select_n3A_168 : vector<256x256xf32>
    %reduce_max3A_1350 = arith.constant dense<0xFF800000> : vector<256xf32>
    %reduce_max3A_1351 = vector.multi_reduction <maximumf>, %add3A_1349, %reduce_max3A_1350 [1] : vector<256x256xf32> to vector<256xf32>
    %gt3A_1352 = arith.constant 3.700000e+01 : f32
    %gt3A_1353 = vector.broadcast %gt3A_1352 : f32 to vector<256xf32>
    %gt3A_1354 = arith.cmpf ogt, %reduce_max3A_1351, %gt3A_1353 : vector<256xf32>
    %jit3A_1355 = arith.constant 1.000000e+00 : f32
    %jit3A_1356 = arith.constant 0.000000e+00 : f32
    %broadcast_in_dim3A_1357 = vector.broadcast %jit3A_1355 : f32 to vector<256xf32>
    %broadcast_in_dim3A_1358 = vector.broadcast %jit3A_1356 : f32 to vector<256xf32>
    %select_n3A_1359 = arith.select %gt3A_1354, %broadcast_in_dim3A_1357, %broadcast_in_dim3A_1358 : vector<256xi1>, vector<256xf32>
    %get3A_1360 = arith.constant 38 : index
    %get3A_1361 = memref.load %arg0[%get3A_1360] : memref<40xi32, #tpu.memory_space<smem>>
    %while3A_1362 = arith.constant 38 : i32
    %while3A_1363 = arith.subi %while3A_1362, %get3A_1361 : i32
    %while3A_1364 = arith.addi %get3A_1361, %while3A_1363 : i32
    %while3A_1365 = arith.constant 1 : i32
    %while3A_1366 = arith.divsi %while3A_1363, %while3A_1365 : i32
    %while3A_1367 = arith.muli %while3A_1366, %while3A_1365 : i32
    %while3A_1368 = arith.addi %get3A_1361, %while3A_1367 : i32
    %while3A_1369 = arith.constant 1 : i32
    %while3A_1370 = scf.for %while3A_1453 = %get3A_1361 to %while3A_1368 step %while3A_1369 iter_args(%while3A_1454 = %select_n3A_1359) -> (vector<256xf32>)  : i32 {
      %mul3A_1455 = arith.constant 256 : i32
      %mul3A_1456 = arith.muli %while3A_1453, %mul3A_1455 : i32
      %get3A_1457 = arith.constant 0 : index
      %get3A_1458 = arith.index_cast %mul3A_1456 : i32 to index
      %get3A_1459 = vector.load %arg13[%get3A_1457, %get3A_1458] : memref<48x10240xbf16, #tpu.memory_space<vmem>>, vector<48x256xbf16>
      %dot_general3A_1460 = arith.constant dense<0.000000e+00> : vector<256x256xf32>
      %dot_general3A_1461 = tpu.matmul %get3A_1346, %get3A_1459, %dot_general3A_1460 {dimension_numbers = #tpu.dot_dimension_numbers<[0], [0], [1], [1], [0, 1, 1, 1], [], []>, transpose_lhs_hint = false} : vector<48x256xbf16>, vector<48x256xbf16>, vector<256x256xf32> -> vector<256x256xf32>
      %reduce_max3A_1462 = arith.constant dense<0xFF800000> : vector<256xf32>
      %reduce_max3A_1463 = vector.multi_reduction <maximumf>, %dot_general3A_1461, %reduce_max3A_1462 [1] : vector<256x256xf32> to vector<256xf32>
      %gt3A_1464 = arith.constant 3.700000e+01 : f32
      %gt3A_1465 = vector.broadcast %gt3A_1464 : f32 to vector<256xf32>
      %gt3A_1466 = arith.cmpf ogt, %reduce_max3A_1463, %gt3A_1465 : vector<256xf32>
      %jit3A_1467 = arith.constant 1.000000e+00 : f32
      %jit3A_1468 = arith.constant 0.000000e+00 : f32
      %broadcast_in_dim3A_1469 = vector.broadcast %jit3A_1467 : f32 to vector<256xf32>
      %broadcast_in_dim3A_1470 = vector.broadcast %jit3A_1468 : f32 to vector<256xf32>
      %select_n3A_1471 = arith.select %gt3A_1466, %broadcast_in_dim3A_1469, %broadcast_in_dim3A_1470 : vector<256xi1>, vector<256xf32>
      %max3A = arith.maximumf %while3A_1454, %select_n3A_1471 : vector<256xf32>
      scf.yield %max3A : vector<256xf32>
    }
    %while3A_1371 = arith.constant 1 : i32
    %while3A_1372 = scf.for %while3A_1453 = %while3A_1368 to %while3A_1364 step %while3A_1371 iter_args(%while3A_1454 = %while3A_1370) -> (vector<256xf32>)  : i32 {
      %mul3A_1455 = arith.constant 256 : i32
      %mul3A_1456 = arith.muli %while3A_1453, %mul3A_1455 : i32
      %get3A_1457 = arith.constant 0 : index
      %get3A_1458 = arith.index_cast %mul3A_1456 : i32 to index
      %get3A_1459 = vector.load %arg13[%get3A_1457, %get3A_1458] : memref<48x10240xbf16, #tpu.memory_space<vmem>>, vector<48x256xbf16>
      %dot_general3A_1460 = arith.constant dense<0.000000e+00> : vector<256x256xf32>
      %dot_general3A_1461 = tpu.matmul %get3A_1346, %get3A_1459, %dot_general3A_1460 {dimension_numbers = #tpu.dot_dimension_numbers<[0], [0], [1], [1], [0, 1, 1, 1], [], []>, transpose_lhs_hint = false} : vector<48x256xbf16>, vector<48x256xbf16>, vector<256x256xf32> -> vector<256x256xf32>
      %reduce_max3A_1462 = arith.constant dense<0xFF800000> : vector<256xf32>
      %reduce_max3A_1463 = vector.multi_reduction <maximumf>, %dot_general3A_1461, %reduce_max3A_1462 [1] : vector<256x256xf32> to vector<256xf32>
      %gt3A_1464 = arith.constant 3.700000e+01 : f32
      %gt3A_1465 = vector.broadcast %gt3A_1464 : f32 to vector<256xf32>
      %gt3A_1466 = arith.cmpf ogt, %reduce_max3A_1463, %gt3A_1465 : vector<256xf32>
      %jit3A_1467 = arith.constant 1.000000e+00 : f32
      %jit3A_1468 = arith.constant 0.000000e+00 : f32
      %broadcast_in_dim3A_1469 = vector.broadcast %jit3A_1467 : f32 to vector<256xf32>
      %broadcast_in_dim3A_1470 = vector.broadcast %jit3A_1468 : f32 to vector<256xf32>
      %select_n3A_1471 = arith.select %gt3A_1466, %broadcast_in_dim3A_1469, %broadcast_in_dim3A_1470 : vector<256xi1>, vector<256xf32>
      %max3A = arith.maximumf %while3A_1454, %select_n3A_1471 : vector<256xf32>
      scf.yield %max3A : vector<256xf32>
    }
    %swap3A_1373 = arith.constant 9728 : index
    %swap3A_1374 = vector.load %arg14[%swap3A_1373] : memref<10240xf32, #tpu.memory_space<vmem>>, vector<256xf32>
    tpu.vector_store %arg14[%swap3A_1373], %while3A_1372 {strides = array<i32>} : memref<10240xf32, #tpu.memory_space<vmem>>, vector<256xf32>,
    %get3A_1375 = arith.constant 0 : index
    %get3A_1376 = arith.constant 9984 : index
    %get3A_1377 = vector.load %arg13[%get3A_1375, %get3A_1376] : memref<48x10240xbf16, #tpu.memory_space<vmem>>, vector<48x256xbf16>
    %dot_general3A_1378 = arith.constant dense<0.000000e+00> : vector<256x256xf32>
    %dot_general3A_1379 = tpu.matmul %get3A_1377, %get3A_1377, %dot_general3A_1378 {dimension_numbers = #tpu.dot_dimension_numbers<[0], [0], [1], [1], [0, 1, 1, 1], [], []>, transpose_lhs_hint = false} : vector<48x256xbf16>, vector<48x256xbf16>, vector<256x256xf32> -> vector<256x256xf32>
    %add3A_1380 = arith.addf %dot_general3A_1379, %select_n3A_168 : vector<256x256xf32>
    %reduce_max3A_1381 = arith.constant dense<0xFF800000> : vector<256xf32>
    %reduce_max3A_1382 = vector.multi_reduction <maximumf>, %add3A_1380, %reduce_max3A_1381 [1] : vector<256x256xf32> to vector<256xf32>
    %gt3A_1383 = arith.constant 3.700000e+01 : f32
    %gt3A_1384 = vector.broadcast %gt3A_1383 : f32 to vector<256xf32>
    %gt3A_1385 = arith.cmpf ogt, %reduce_max3A_1382, %gt3A_1384 : vector<256xf32>
    %jit3A_1386 = arith.constant 1.000000e+00 : f32
    %jit3A_1387 = arith.constant 0.000000e+00 : f32
    %broadcast_in_dim3A_1388 = vector.broadcast %jit3A_1386 : f32 to vector<256xf32>
    %broadcast_in_dim3A_1389 = vector.broadcast %jit3A_1387 : f32 to vector<256xf32>
    %select_n3A_1390 = arith.select %gt3A_1385, %broadcast_in_dim3A_1388, %broadcast_in_dim3A_1389 : vector<256xi1>, vector<256xf32>
    %get3A_1391 = arith.constant 39 : index
    %get3A_1392 = memref.load %arg0[%get3A_1391] : memref<40xi32, #tpu.memory_space<smem>>
    %while3A_1393 = arith.constant 39 : i32
    %while3A_1394 = arith.subi %while3A_1393, %get3A_1392 : i32
    %while3A_1395 = arith.addi %get3A_1392, %while3A_1394 : i32
    %while3A_1396 = arith.constant 1 : i32
    %while3A_1397 = arith.divsi %while3A_1394, %while3A_1396 : i32
    %while3A_1398 = arith.muli %while3A_1397, %while3A_1396 : i32
    %while3A_1399 = arith.addi %get3A_1392, %while3A_1398 : i32
    %while3A_1400 = arith.constant 1 : i32
    %while3A_1401 = scf.for %while3A_1453 = %get3A_1392 to %while3A_1399 step %while3A_1400 iter_args(%while3A_1454 = %select_n3A_1390) -> (vector<256xf32>)  : i32 {
      %mul3A_1455 = arith.constant 256 : i32
      %mul3A_1456 = arith.muli %while3A_1453, %mul3A_1455 : i32
      %get3A_1457 = arith.constant 0 : index
      %get3A_1458 = arith.index_cast %mul3A_1456 : i32 to index
      %get3A_1459 = vector.load %arg13[%get3A_1457, %get3A_1458] : memref<48x10240xbf16, #tpu.memory_space<vmem>>, vector<48x256xbf16>
      %dot_general3A_1460 = arith.constant dense<0.000000e+00> : vector<256x256xf32>
      %dot_general3A_1461 = tpu.matmul %get3A_1377, %get3A_1459, %dot_general3A_1460 {dimension_numbers = #tpu.dot_dimension_numbers<[0], [0], [1], [1], [0, 1, 1, 1], [], []>, transpose_lhs_hint = false} : vector<48x256xbf16>, vector<48x256xbf16>, vector<256x256xf32> -> vector<256x256xf32>
      %reduce_max3A_1462 = arith.constant dense<0xFF800000> : vector<256xf32>
      %reduce_max3A_1463 = vector.multi_reduction <maximumf>, %dot_general3A_1461, %reduce_max3A_1462 [1] : vector<256x256xf32> to vector<256xf32>
      %gt3A_1464 = arith.constant 3.700000e+01 : f32
      %gt3A_1465 = vector.broadcast %gt3A_1464 : f32 to vector<256xf32>
      %gt3A_1466 = arith.cmpf ogt, %reduce_max3A_1463, %gt3A_1465 : vector<256xf32>
      %jit3A_1467 = arith.constant 1.000000e+00 : f32
      %jit3A_1468 = arith.constant 0.000000e+00 : f32
      %broadcast_in_dim3A_1469 = vector.broadcast %jit3A_1467 : f32 to vector<256xf32>
      %broadcast_in_dim3A_1470 = vector.broadcast %jit3A_1468 : f32 to vector<256xf32>
      %select_n3A_1471 = arith.select %gt3A_1466, %broadcast_in_dim3A_1469, %broadcast_in_dim3A_1470 : vector<256xi1>, vector<256xf32>
      %max3A = arith.maximumf %while3A_1454, %select_n3A_1471 : vector<256xf32>
      scf.yield %max3A : vector<256xf32>
    }
    %while3A_1402 = arith.constant 1 : i32
    %while3A_1403 = scf.for %while3A_1453 = %while3A_1399 to %while3A_1395 step %while3A_1402 iter_args(%while3A_1454 = %while3A_1401) -> (vector<256xf32>)  : i32 {
      %mul3A_1455 = arith.constant 256 : i32
      %mul3A_1456 = arith.muli %while3A_1453, %mul3A_1455 : i32
      %get3A_1457 = arith.constant 0 : index
      %get3A_1458 = arith.index_cast %mul3A_1456 : i32 to index
      %get3A_1459 = vector.load %arg13[%get3A_1457, %get3A_1458] : memref<48x10240xbf16, #tpu.memory_space<vmem>>, vector<48x256xbf16>
      %dot_general3A_1460 = arith.constant dense<0.000000e+00> : vector<256x256xf32>
      %dot_general3A_1461 = tpu.matmul %get3A_1377, %get3A_1459, %dot_general3A_1460 {dimension_numbers = #tpu.dot_dimension_numbers<[0], [0], [1], [1], [0, 1, 1, 1], [], []>, transpose_lhs_hint = false} : vector<48x256xbf16>, vector<48x256xbf16>, vector<256x256xf32> -> vector<256x256xf32>
      %reduce_max3A_1462 = arith.constant dense<0xFF800000> : vector<256xf32>
      %reduce_max3A_1463 = vector.multi_reduction <maximumf>, %dot_general3A_1461, %reduce_max3A_1462 [1] : vector<256x256xf32> to vector<256xf32>
      %gt3A_1464 = arith.constant 3.700000e+01 : f32
      %gt3A_1465 = vector.broadcast %gt3A_1464 : f32 to vector<256xf32>
      %gt3A_1466 = arith.cmpf ogt, %reduce_max3A_1463, %gt3A_1465 : vector<256xf32>
      %jit3A_1467 = arith.constant 1.000000e+00 : f32
      %jit3A_1468 = arith.constant 0.000000e+00 : f32
      %broadcast_in_dim3A_1469 = vector.broadcast %jit3A_1467 : f32 to vector<256xf32>
      %broadcast_in_dim3A_1470 = vector.broadcast %jit3A_1468 : f32 to vector<256xf32>
      %select_n3A_1471 = arith.select %gt3A_1466, %broadcast_in_dim3A_1469, %broadcast_in_dim3A_1470 : vector<256xi1>, vector<256xf32>
      %max3A = arith.maximumf %while3A_1454, %select_n3A_1471 : vector<256xf32>
      scf.yield %max3A : vector<256xf32>
    }
    %swap3A_1404 = arith.constant 9984 : index
    %swap3A_1405 = vector.load %arg14[%swap3A_1404] : memref<10240xf32, #tpu.memory_space<vmem>>, vector<256xf32>
    tpu.vector_store %arg14[%swap3A_1404], %while3A_1403 {strides = array<i32>} : memref<10240xf32, #tpu.memory_space<vmem>>, vector<256xf32>,
    %get3A_1406 = arith.constant 0 : index
    %get3A_1407 = vector.load %arg14[%get3A_1406] : memref<10240xf32, #tpu.memory_space<vmem>>, vector<10240xf32>
    %lt3A_1408 = arith.constant 5.000000e-01 : f32
    %lt3A_1409 = vector.broadcast %lt3A_1408 : f32 to vector<10240xf32>
    %lt3A_1410 = arith.cmpf olt, %get3A_1407, %lt3A_1409 : vector<10240xf32>
    %exp3A = math.exp %add3A_162 : vector<10240xf32>
    %jit3A_1411 = arith.constant 0.000000e+00 : f32
    %broadcast_in_dim3A_1412 = vector.broadcast %jit3A_1411 : f32 to vector<10240xf32>
    %select_n3A_1413 = arith.select %lt3A_1410, %exp3A, %broadcast_in_dim3A_1412 : vector<10240xi1>, vector<10240xf32>
    %iota3A_1414 = tpu.iota {dimensions = array<i32: 0>} : vector<64x10240xi32>
    %convert_element_type3A_1415 = arith.sitofp %iota3A_1414 : vector<64x10240xi32> to vector<64x10240xf32>
    %broadcast_in_dim3A_1416 = vector.shape_cast %get3A_53 : vector<10240xf32> to vector<1x10240xf32>
    %eq3A = vector.broadcast %broadcast_in_dim3A_1416 : vector<1x10240xf32> to vector<64x10240xf32>
    %eq3A_1417 = arith.cmpf oeq, %convert_element_type3A_1415, %eq3A : vector<64x10240xf32>
    %broadcast_in_dim3A_1418 = vector.shape_cast %select_n3A_1413 : vector<10240xf32> to vector<1x10240xf32>
    %jit3A_1419 = arith.constant 0.000000e+00 : f32
    %broadcast_in_dim3A_1420 = vector.shape_cast %broadcast_in_dim3A_1418 : vector<1x10240xf32> to vector<1x10240xf32>
    %broadcast_in_dim3A_1421 = vector.broadcast %broadcast_in_dim3A_1420 : vector<1x10240xf32> to vector<64x10240xf32>
    %broadcast_in_dim3A_1422 = vector.broadcast %jit3A_1419 : f32 to vector<64x10240xf32>
    %select_n3A_1423 = arith.select %eq3A_1417, %broadcast_in_dim3A_1421, %broadcast_in_dim3A_1422 : vector<64x10240xi1>, vector<64x10240xf32>
    %slice3A = vector.extract_strided_slice %add3A_46 {offsets = [0, 0], sizes = [30, 10240], strides = [1, 1]} : vector<32x10240xf32> to vector<30x10240xf32>
    %broadcast_in_dim3A_1424 = arith.constant 1.000000e+00 : f32
    %broadcast_in_dim3A_1425 = vector.broadcast %broadcast_in_dim3A_1424 : f32 to vector<1x10240xf32>
    %slice3A_1426 = vector.extract_strided_slice %add3A_46 {offsets = [31, 0], sizes = [1, 10240], strides = [1, 1]} : vector<32x10240xf32> to vector<1x10240xf32>
    %concatenate3A_1427 = tpu.concatenate %slice3A, %broadcast_in_dim3A_1425, %slice3A_1426 in 0 : vector<30x10240xf32>, vector<1x10240xf32>, vector<1x10240xf32> -> vector<32x10240xf32>
    %dot_general3A_1428 = arith.constant dense<0.000000e+00> : vector<64x32xf32>
    %dot_general3A_1429 = tpu.matmul %select_n3A_1423, %concatenate3A_1427, %dot_general3A_1428 {dimension_numbers = #tpu.dot_dimension_numbers<[1], [1], [0], [0], [0, 0, 1, 0], [], []>, transpose_lhs_hint = false} : vector<64x10240xf32>, vector<32x10240xf32>, vector<64x32xf32> -> vector<64x32xf32>
    %get3A_1430 = arith.constant 0 : index
    %get3A_1431 = arith.constant 0 : index
    %get3A_1432 = vector.load %arg5[%get3A_1430, %get3A_1431] : memref<64x32xf32, #tpu.memory_space<vmem>>, vector<64x32xf32>
    %dot_general3A_1433 = arith.constant dense<0.000000e+00> : vector<64x64xf32>
    %dot_general3A_1434 = tpu.matmul %dot_general3A_1429, %get3A_1432, %dot_general3A_1433 {dimension_numbers = #tpu.dot_dimension_numbers<[1], [1], [0], [0], [0, 0, 1, 0], [], []>, transpose_lhs_hint = false} : vector<64x32xf32>, vector<64x32xf32>, vector<64x64xf32> -> vector<64x64xf32>
    %slice3A_1435 = vector.extract_strided_slice %dot_general3A_1429 {offsets = [0, 30], sizes = [64, 1], strides = [1, 1]} : vector<64x32xf32> to vector<64x1xf32>
    %get3A_1436 = arith.constant 2 : index
    %get3A_1437 = arith.constant 0 : index
    %get3A_1438 = vector.load %arg6[%get3A_1436, %get3A_1437] : memref<4x128xf32, #tpu.memory_space<vmem>>, vector<1x64xf32>
    %get3A_1439 = vector.shape_cast %get3A_1438 : vector<1x64xf32> to vector<64xf32>
    %broadcast_in_dim3A_1440 = vector.shape_cast %get3A_1439 : vector<64xf32> to vector<1x64xf32>
    %mul3A_1441 = vector.broadcast %slice3A_1435 : vector<64x1xf32> to vector<64x64xf32>
    %mul3A_1442 = vector.broadcast %broadcast_in_dim3A_1440 : vector<1x64xf32> to vector<64x64xf32>
    %mul3A_1443 = arith.mulf %mul3A_1441, %mul3A_1442 : vector<64x64xf32>
    %add3A_1444 = arith.addf %dot_general3A_1434, %mul3A_1443 : vector<64x64xf32>
    %add3A_1445 = arith.constant 1.000000e-16 : f32
    %add3A_1446 = vector.broadcast %add3A_1445 : f32 to vector<64x1xf32>
    %add3A_1447 = arith.addf %slice3A_1435, %add3A_1446 : vector<64x1xf32>
    %div3A_1448 = vector.broadcast %add3A_1447 : vector<64x1xf32> to vector<64x64xf32>
    %div3A_1449 = arith.divf %add3A_1444, %div3A_1448 : vector<64x64xf32>
    %swap3A_1450 = arith.constant 0 : index
    %swap3A_1451 = arith.constant 0 : index
    %swap3A_1452 = vector.load %arg8[%swap3A_1450, %swap3A_1451] : memref<64x64xf32, #tpu.memory_space<vmem>>, vector<64x64xf32>
    tpu.vector_store %arg8[%swap3A_1450, %swap3A_1451], %div3A_1449 {strides = array<i32>} : memref<64x64xf32, #tpu.memory_space<vmem>>, vector<64x64xf32>,
    return
  }
}

</mosaic_0001>

<sc_bundles>
// kernel: kernel.5.cloned.1.call-start
scs
__scs_entry_jumppad:
0x0: {  	(pc) =	sbr.rel $0x88, $3  }
0x1: {  	(tag) =	ssettag $0x0;
	lr =	simm.s32 $0x1  }
0x2: {  	[smem:$0x3F96] =	sst lr;
	_ =	strace $0xD0000000  }
0x3: {  	_ = 	snop  }
0x4: {  	_ = 	snop  }
0x5: {  	_ = 	snop  }
0x6: {  	_ = 	snop  }
0x7: {  	_ = 	snop  }
__scs_overlays_trampoline_lowered:
0x8: {  	[smem:$0x3FA5] =	sst s0  }
0x9: {  	[smem:$0x3FA6] =	sst s1  }
0xa: {  	[smem:$0x3FA7] =	sst s2  }
0xb: {  	[smem:$0x3FA8] =	sst s3  }
0xc: {  	[smem:$0x3FA9] =	sst s4  }
0xd: {  	[smem:$0x3FAA] =	sst s5  }
0xe: {  	[smem:$0x3FAB] =	sst s6  }
0xf: {  	[smem:$0x3FAC] =	sst s7  }
0x10: {  	[smem:$0x3FAD] =	sst s8  }
0x11: {  	[smem:$0x3FAE] =	sst s9;
	s0 =	simm.s32 @!p0 $0x0  }
0x12: {  	s1 =	sld [smem:$0x3F94];
	s0 =	simm.s32 @p0 $0x1  }
0x13: {  	[smem:$0x3FAF] =	sst s0;
	s0 =	simm.s32 @!p1 $0x0  }
0x14: {  	s2 =	sld [smem:$0x3F93];
	s0 =	simm.s32 @p1 $0x1  }
0x15: {  	[smem:$0x3FB0] =	sst s0;
	s0 =	simm.s32 @!p2 $0x0  }
0x16: {  	s3 =	sld [smem:$0x3FDB];
	s0 =	simm.s32 @p2 $0x1  }
0x17: {  	s4 =	simm.s32 $0x1BF5;
	[smem:$0x3FB2] =	sst s0  }
0x18: {  	s0 =	sld [smem:$0x3F95];
	_ =	swait.ge [sflag:s4], $0x0  }
0x19: {  	s7 =	sld [smem:$0x3F96]  }
0x1a: {  	s8 =	sadd.s32 $0xFFFFE003, lr  }
0x1b: {  	s9 =	sadd.s32 $0xFFFFFEF7, lr;
	s5 =	simm.s32 $0xFFFFFFFF;
	p2 =	slt.u32 s8, $0xFFFFF086  }
0x1c: {  	p1 =	slt.u32 s9, $0xF7A;
	s5 =	simm.s32 @!p2 $0x0  }
0x1d: {  	s5 =	simm.s32 @p1 $0x1;
	p0 =	seq.s32 s7, s2  }
0x1e: {  	s7 =	smul.u32 @!p0 $0xF7A, s2;
	p2 =	seq.s32 @!p0 s5, $0x0  }
0x1f: {  	s9 =	smul.u32 $0xF7A, s1;
	s8 =	simm.s32 @!p0 $0x1BF5;
	p2 =	por !p2, p0  }
0x20: {  	[sflag:s8] =	ssyncset.s32 @!p0 $0xFFFFF086;
	s6 =	sadd.s32 @!p0 s3, s7;
	s7 =	simm.s32 @!p0 $0x108  }
0x21: {  	s3 =	sadd.s32 s3, s9;
	s6 =	sadd.s32 @!p0 $0x88, s6;
	s7 =	simm.s32 @p2 $0x1082  }
0x22: {  	[simem:s7], [sflag:s8] =	dma.local @!p0 [hbm:s6], $0xF7A  }
0x23: {  	s9 =	sor.u32 $0xD0000000, s2;
	s6 =	simm.s32 $0x108;
	_ =	swait.ge @!p0 [sflag:s8], $0x0  }
0x24: {  	s3 =	sadd.s32 $0x88, s3;
	s6 =	simm.s32 @!p1 $0x1082;
	[sflag:s4] =	ssyncset.s32 $0xFFFFF086  }
0x25: {  	[simem:s6], [sflag:s4] =	dma.local [hbm:s3], $0xF7A  }
0x26: {  	[smem:$0x3F96] =	sst s1;
	(tag) =	ssettag s2;
	_ =	strace s9  }
0x27: {  	s1 =	sld [smem:$0x3FA6]  }
0x28: {  	s2 =	sld [smem:$0x3FA7]  }
0x29: {  	s4 =	sld [smem:$0x3FA9]  }
0x2a: {  	p0 =	seq.s32 s5, $0x0;
	s5 =	sld [smem:$0x3FAA]  }
0x2b: {  	s6 =	sld [smem:$0x3FAB]  }
0x2c: {  	s7 =	sld [smem:$0x3FAC]  }
0x2d: {  	s3 =	simm.s32 $0x108;
	s8 =	sld [smem:$0x3FAD]  }
0x2e: {  	s3 =	simm.s32 @!p0 $0x1082;
	s9 =	sld [smem:$0x3FAE]  }
0x2f: {  	lr =	sadd.s32 s0, s3;
	s0 =	sld [smem:$0x3FA5]  }
0x30: {  	s3 =	sld [smem:$0x3FA8]  }
0x31: {  	[smem:$0x3FB1] =	sst s10  }
0x32: {  	s10 =	sld [smem:$0x3FAF];
	_ =	sdelay $0x3  }
0x33: {  	p0 =	seq.s32 s10, $0x1;
	s10 =	sld [smem:$0x3FB1];
	_ =	sdelay $0x3  }
0x34: {  	[smem:$0x3FB1] =	sst s10  }
0x35: {  	s10 =	sld [smem:$0x3FB0];
	_ =	sdelay $0x3  }
0x36: {  	p1 =	seq.s32 s10, $0x1;
	s10 =	sld [smem:$0x3FB1];
	_ =	sdelay $0x3  }
0x37: {  	[smem:$0x3FB1] =	sst s10  }
0x38: {  	s10 =	sld [smem:$0x3FB2]  }
0x39: {  	_ = 	snop;
	(pc) =	sbr.ind lr, $3  }
0x3a: {  	_ = 	snop  }
0x3b: {  	_ = 	snop  }
0x3c: {  	p2 =	seq.s32 s10, $0x1;
	s10 =	sld [smem:$0x3FB1]  }
0x3d: {  	_ =	shalt  }
0x3e: {  	_ =	shalt  }
0x3f: {  	_ =	shalt  }
0x40: {  	_ =	shalt  }
0x41: {  	_ =	shalt  }
0x42: {  	_ =	shalt  }
0x43: {  	_ =	shalt  }
0x44: {  	_ =	shalt  }
0x45: {  	_ =	shalt  }
0x46: {  	_ =	shalt  }
0x47: {  	_ =	shalt  }
0x48: {  	_ =	shalt  }
0x49: {  	_ =	shalt  }
0x4a: {  	_ =	shalt  }
0x4b: {  	_ =	shalt  }
0x4c: {  	_ =	shalt  }
0x4d: {  	_ =	shalt  }
0x4e: {  	_ =	shalt  }
0x4f: {  	_ =	shalt  }
0x50: {  	_ =	shalt  }
0x51: {  	_ =	shalt  }
0x52: {  	_ =	shalt  }
0x53: {  	_ =	shalt  }
0x54: {  	_ =	shalt  }
0x55: {  	_ =	shalt  }
0x56: {  	_ =	shalt  }
0x57: {  	_ =	shalt  }
0x58: {  	_ =	shalt  }
0x59: {  	_ =	shalt  }
0x5a: {  	_ =	shalt  }
0x5b: {  	_ =	shalt  }
0x5c: {  	_ =	shalt  }
0x5d: {  	_ =	shalt  }
0x5e: {  	_ =	shalt  }
0x5f: {  	_ =	shalt  }
0x60: {  	_ =	shalt  }
0x61: {  	_ =	shalt  }
0x62: {  	_ =	shalt  }
0x63: {  	_ =	shalt  }
0x64: {  	_ =	shalt  }
0x65: {  	_ =	shalt  }
0x66: {  	_ =	shalt  }
0x67: {  	_ =	shalt  }
0x68: {  	_ =	shalt  }
0x69: {  	_ =	shalt  }
0x6a: {  	_ =	shalt  }
0x6b: {  	_ =	shalt  }
0x6c: {  	_ =	shalt  }
0x6d: {  	_ =	shalt  }
0x6e: {  	_ =	shalt  }
0x6f: {  	_ =	shalt  }
0x70: {  	_ =	shalt  }
0x71: {  	_ =	shalt  }
0x72: {  	_ =	shalt  }
0x73: {  	_ =	shalt  }
0x74: {  	_ =	shalt  }
0x75: {  	_ =	shalt  }
0x76: {  	_ =	shalt  }
0x77: {  	_ =	shalt  }
0x78: {  	_ =	shalt  }
0x79: {  	_ =	shalt  }
0x7a: {  	_ =	shalt  }
0x7b: {  	_ =	shalt  }
0x7c: {  	_ =	shalt  }
0x7d: {  	_ =	shalt  }
0x7e: {  	_ =	shalt  }
0x7f: {  	_ =	shalt  }
0x80: {  	_ =	shalt  }
0x81: {  	_ =	shalt  }
0x82: {  	_ =	shalt  }
0x83: {  	_ =	shalt  }
0x84: {  	_ =	shalt  }
0x85: {  	_ =	shalt  }
0x86: {  	_ =	shalt  }
0x87: {  	_ =	shalt  }
.Lfunc_end0:
.L_simem_size_0:
called_computation_lowered:
.L_overlay_start_0:
0x88: {  	s2 =	sld [smem:$0x3FD9]  }
0x89: {  	s3 =	sld [smem:$0x3FFE];
	_ =	sdelay $0x1  }
0x8a: {  	s1 =	srdreg.scid  }
0x8b: {  	s0 =	sand.u32 $0x1, s1  }
0x8c: {  	s16 =	sshll.u32 s0, $0xA;
	s2 =	sadd.s32 s3, s2  }
0x8d: {  	s2 =	sadd.s32 s2, s16  }
0x8e: {  	[smem:$0x3FBD] =	sst s2  }
0x8f: {  	_ = 	snop  }
0x90: {  	(tm) =	ssettm $0x1  }
0x91: {  	s17 =	sld [smem:$0x3FFB];
	_ =	sdelay $0x3  }
0x92: {  	_ =	strace s17  }
0x93: {  	s2 =	sld [smem:$0x3FFC];
	_ =	sdelay $0x3  }
0x94: {  	_ =	strace s2  }
0x95: {  	s2 =	sld [smem:$0x3FFD];
	_ =	sdelay $0x3  }
0x96: {  	_ =	strace s2  }
0x97: {  	_ =	strace $0x8FFFFFFF  }
0x98: {  	s18 =	sld [smem:$0x3FDB];
	_ =	sdelay $0x1  }
0x99: {  	s19 =	simm.s32 $_scs_section_size  }
0x9a: {  	s4 =	simm.s32 $_size__tile_overlayer_lowered;
	s5 =	simm.s32 $_tile_overlayer_lowered  }
0x9b: {  	s22 =	simm.s32 $0x1BFF;
	s21 =	sshll.u32 s5, $0x1;
	s2 =	sadd.s32 s19, s18  }
0x9c: {  	s6 =	simm.s32 $0x0;
	s20 =	sshll.u32 s4, $0x1;
	s4 =	sadd.s32 s21, s2  }
0x9d: {  	[timem:s6], [sflag:s22] =	dma.local [hbm:s4], s20  }
0x9e: {  	_ =	swait.ge [sflag:s22], s20  }
0x9f: {  	s3 =	ssub.s32 $0x0, s20;
	[sflag:s22] =	ssyncset.done $0x0  }
0xa0: {  	[sflag:s22] =	ssyncadd.s32 s3;
	_ =	sdelay $0x1  }
0xa1: {  	s23 =	simm.s32 $0x1B8B  }
0xa2: {  	_ =	swait.ge [sflag:s23], $0x1  }
0xa3: {  	[sflag:s23] =	ssyncset.done $0x0  }
0xa4: {  	s25 =	simm.s32 $0x1B8E;
	s24 =	sld [smem:$0x3FFE];
	[sflag:s23] =	ssyncadd.s32 $0xFFFFFFFF  }
0xa5: {  	s26 =	simm.s32 $execute0_lowered;
	[smem:$0x3FD2] =	sst s25  }
0xa6: {  	s4 =	sshll.u32 s26, $0x1;
	_ =	strace $0x80000046;
	[dreg:$0x1] =	wrdreg $0xFFFFFFFF  }
0xa7: {  	s28 =	simm.s32 $_size_execute0_lowered;
	s2 =	sadd.s32 s2, s4;
	[dreg:$0x0] =	wrdreg $0x0  }
0xa8: {  	s4 =	sshll.u32 s28, $0x1;
	[dreg:$0x2] =	wrdreg s2  }
0xa9: {  	[dreg:$0x3] =	wrdreg s4  }
0xaa: {  	[dreg:$0x4] =	wrdreg $0xC0  }
0xab: {  	_ =	task [dreg:s6], $0x5FFFF  }
0xac: {  	[dreg:$0x1] =	wrdreg $0xFFFFFFFF  }
0xad: {  	[dreg:$0x0] =	wrdreg $0x60  }
0xae: {  	[dreg:$0x2] =	wrdreg s24  }
0xaf: {  	[dreg:$0x3] =	wrdreg $0x9  }
0xb0: {  	_ =	task.clear_ibuf [dreg:s6], $0x4FFFF;
	_ =	strace $0x90000046  }
0xb1: {  	s29 =	simm.s32 $0x9;
	_ =	strace $0x80000048  }
0xb2: {  	_ =	swait.ge [sflag:s29], $0x1  }
0xb3: {  	[sflag:s29] =	ssyncadd.s32 $0xFFFFFFFF  }
0xb4: {  	_ =	strace $0x90000048  }
0xb5: {  	_ =	sfence  }
0xb6: {  	s30 =	sld [smem:$0x0];
	_ =	sdelay $0x2  }
0xb7: {  	s31 =	sshll.u32 s1, $0xD;
	s1 =	sshrl.u32 s1, $0x2  }
0xb8: {  	s3 =	sand.u32 $0x4000, s31;
	s1 =	sadd.s32 s1, s30  }
0xb9: {  	s0 =	sor.u32 s3, s0;
	s1 =	sshll.u32 s1, $0x11  }
0xba: {  	s0 =	sor.u32 s1, s0  }
0xbb: {  	s0 =	sadd.s32 $0x8F2B, s0  }
0xbc: {  	[sflag:s0] =	ssyncadd.remote.s32 $0x1  }
0xbd: {  	_ =	sfence.sel $0xFFFF  }
0xbe: {  	[dreg:$0x0] =	wrdreg $0xFFFFFFFF;
	(pc) =	sbr.abs _section_cstart, $3  }
0xbf: {  	[dreg:$0x1] =	wrdreg $0xFFFFFFFF  }
0xc0: {  	_ =	task.clear_ibuf [dreg:s6], $0x2FFFF;
	_ =	strace $0x9FFFFFFF  }
0xc1: {  	(tm) =	ssettm $0x7FFFFFFF  }
tec
execute0_lowered:
.L_overlay_start_1:
0x0: {  	(tag) =	ssettag $0x1  }
0x1: {  	s0 =	rddreg [dreg:$0x0];
	s1 =	srdreg.scid;
	s2 =	simm.s32 $0x0  }
0x2: {  	s14 =	stileid.u32;
	s8 =	simm.s32 $0x1;
	s28 =	simm.s32 $0x200  }
0x3: {  	s30 =	simm.s32 $0xC800;
	s29 =	simm.s32 $0x7800;
	s31 =	simm.s32 $0x18800  }
0x4: {  	s1 =	sand.u32 $0x1, s1;
	[smem:$0x7FF] =	sst s2;
	s4 =	sand.u32 $0x7, s14  }
0x5: {  	s7 =	sshll.u32 s14, $0x7;
	s9 =	sadd.s32 $0x11600, s0;
	s11 =	sadd.s32 $0x18E00, s0  }
0x6: {  	s24 =	sshll.u32 s14, $0x9;
	s3 =	sshll.u32 s1, $0x4;
	p1 =	sne.s32 s4, $0x0  }
0x7: {  	_ =	strace $0x80000047;
	s7 =	sand.u32 $0x380, s7;
	[dreg:$0x2] =	wrdreg s9  }
0x8: {  	s1 =	ssub.s32 $0x2, s1;
	s12 =	smul.u32 $0x5000, s4;
	s4 =	sshrl.u32 s4, $0x1  }
0x9: {  	s26 =	sand.u32 $0x200, s24;
	s3 =	sor.u32 s14, s3;
	s22 =	sshrl.u32 s1, $0x1  }
0xa: {  	s4 =	smul.u32 $0x14000, s4;
	s5 =	sshrl.u32 s3, $0x3;
	p0 =	seq.s32 s3, $0x0  }
0xb: {  	s15 =	sor.u32 $0x100, s26;
	s6 =	smul.u32 $0x14000, s5;
	p0 =	por !p1, !p0  }
0xc: {  	s3 =	sadd.s32 $0xC600, s0;
	s1 =	ssub.s32 s1, s22;
	p0 =	por !p0, !p0  }
0xd: {  	s16 =	sor.u32 s26, s4;
	s8 =	simm.s32 @!p0 $0x0;
	s6 =	sor.u32 s7, s6  }
0xe: {  	s7 =	ssub.s32 s5, s8;
	s8 =	sadd.s32 $0x2600, s0;
	s19 =	sshrl.u32 s6, $0x3  }
0xf: {  	s5 =	sadd.s32 $0x13E00, s0;
	s6 =	simm.s32 $0x1;
	s20 =	sshrl.u32 s7, $0x2  }
0x10: {  	s21 =	sadd.s32 s19, s0;
	s13 =	sshll.u32 s7, $0x7;
	s7 =	smul.u32 $0x50000, s7  }
0x11: {  	s0 =	sadd.s32 $0x11610, s0;
	s19 =	sor.u32 s15, s4;
	s10 =	smul.u32 $0x28000, s20  }
0x12: {  	s13 =	sand.u32 $0x180, s13;
	[dreg:$0x3] =	wrdreg s0;
	s9 =	sadd.s32 $0x40E00, s21  }
0x13: {  	s14 =	sshrl.u32 s19, $0x3;
	[dreg:$0x6] =	wrdreg s9;
	s9 =	sshrl.u32 s16, $0x3  }
0x14: {  	s16 =	sor.u32 $0x180, s26;
	s20 =	sadd.s32 s8, s14;
	s12 =	sadd.s32 s12, s10  }
0x15: {  	s9 =	sadd.s32 s8, s9;
	[dreg:$0x9] =	wrdreg s20;
	s21 =	sor.u32 s16, s4  }
0x16: {  	s10 =	sor.u32 s13, s10;
	s23 =	sor.u32 s13, s12;
	s12 =	sor.u32 $0x80, s26  }
0x17: {  	[dreg:$0x7] =	wrdreg s9;
	s0 =	sshrl.u32 s23, $0x3;
	s17 =	sor.u32 s12, s4  }
0x18: {  	s4 =	sadd.s32 s4, s7;
	s23 =	sshrl.u32 s10, $0x3;
	s25 =	sadd.s32 s3, s0  }
0x19: {  	s0 =	sadd.s32 s5, s0;
	s18 =	sshrl.u32 s17, $0x3;
	s24 =	sadd.s32 s3, s23  }
0x1a: {  	s7 =	sadd.s32 s5, s23;
	s17 =	sor.u32 $0x4000, s10;
	[dreg:$0x4] =	wrdreg s25  }
0x1b: {  	s23 =	smax.u32 s1, $0x1;
	s1 =	simm.s32 $0x5000;
	[dreg:$0x5] =	wrdreg s0  }
0x1c: {  	s9 =	sadd.s32 s8, s18;
	s0 =	sor.u32 s26, s4;
	[dreg:$0xb] =	wrdreg s24  }
0x1d: {  	[dreg:$0xc] =	wrdreg s7;
	s18 =	sadd.s32 $0x8000, s10;
	s25 =	sor.u32 s12, s4  }
0x1e: {  	s26 =	sor.u32 s15, s4;
	s4 =	sor.u32 s16, s4;
	s24 =	simm.s32 $0x80  }
0x1f: {  	s10 =	simm.s32 $0x14000;
	s12 =	simm.s32 $0x0;
	[dreg:$0x8] =	wrdreg s9  }
0x20: {  	s9 =	sshrl.u32 s21, $0x3;
	s0 =	sshrl.u32 s0, $0x3;
	s7 =	sshrl.u32 s26, $0x3  }
0x21: {  	s4 =	sshrl.u32 s4, $0x3;
	s26 =	simm.s32 $0x2800;
	s22 =	sadd.s32 s8, s9  }
0x22: {  	s0 =	sadd.s32 s11, s0;
	s21 =	sadd.s32 s11, s7;
	s7 =	simm.s32 $0x2  }
0x23: {  	s8 =	simm.s32 $0xF000;
	s9 =	simm.s32 $0x11800;
	[dreg:$0xa] =	wrdreg s22  }
0x24: {  	[dreg:$0xd] =	wrdreg s0;
	s0 =	sshrl.u32 s25, $0x3;
	s22 =	sadd.s32 s11, s4  }
0x25: {  	s25 =	simm.s32 $0x400;
	s4 =	simm.s32 $0x19800;
	s0 =	sadd.s32 s11, s0  }
0x26: {  	v0 =	vimm.f32 $0.0e+00;
	s11 =	simm.s32 $0x3;
	[dreg:$0xe] =	wrdreg s0;
	s0 =	simm.s32 $0x4  }
.LBB2_1:
0x27: {  	s13 =	rddreg [dreg:$0x2]  }
0x28: {  	[tilespmem:s2], [sflag:$0x1] =	stream.strided.gather [hbm4b:s13+s24], $0x2800, s25, s24, $0x38;
	[tilespmem:$0x1A800] =	vst v63  }
0x29: {  	s19 =	rddreg [dreg:$0x3]  }
0x2a: {  	[tilespmem:s26], [sflag:$0x1] =	stream.strided.gather [hbm4b:s19+s24], $0x2800, s25, s24, $0x38;
	[tilespmem:$0x1A800] =	vst v63  }
0x2b: {  	s20 =	rddreg [dreg:$0x4];
	s14 =	simm.s32 $0xA000  }
0x2c: {  	[tilespmem:s14], [sflag:$0x1] =	stream.strided.gather [hbm4b:s20+s24], $0x1400, s28, s24, $0x38;
	[tilespmem:$0x1A800] =	vst v63  }
0x2d: {  	s13 =	simm.s32 $0x0;
	s14 =	simm.s32 $0x100  }
.LBB2_2:
0x2e: {  	p0 =	sne.s32 s14, $0x9F00;
	[tilespmem:s13+$0xC830] =	vst v0;
	s15 =	smov.u32 s14;
	s14 =	sadd.s32 $0x100, s14  }
.Ltmp0:
0x2f: {  	[tilespmem:s13+$0xC820] =	vst v0;
	(pc) =	sbr.rel @p0 .LBB2_2-.Ltmp0, $3  }
0x30: {  	[tilespmem:s13+$0xC800] =	vst v0  }
0x31: {  	[tilespmem:s13+$0xC810] =	vst v0;
	_ =	sdelay $0x1  }
0x32: {  	s13 =	sshra.s32 s15, $0x2  }
0x33: {  	[tilespmem:s13+$0xC830] =	vst v0  }
0x34: {  	[tilespmem:s13+$0xC820] =	vst v0  }
0x35: {  	[tilespmem:s13+$0xC800] =	vst v0  }
0x36: {  	[tilespmem:s13+$0xC810] =	vst v0  }
0x37: {  	_ =	swait.ge [sflag:s6], $0x2800  }
0x38: {  	[sflag:s6] =	ssyncset.done $0x0  }
0x39: {  	[sflag:s6] =	ssyncadd.s32 $0xFFFFD800  }
0x3a: {  	_ =	swait.ge [sflag:s6], $0x2800  }
0x3b: {  	[sflag:s6] =	ssyncset.done $0x0  }
0x3c: {  	[sflag:s6] =	ssyncadd.s32 $0xFFFFD800  }
0x3d: {  	_ =	swait.ge [sflag:s6], $0x1400  }
0x3e: {  	[sflag:s6] =	ssyncset.done $0x0  }
0x3f: {  	s20 =	simm.s32 $0xA040;
	[sflag:s6] =	ssyncadd.s32 $0xFFFFEC00  }
0x40: {  	v1 =	vld [tilespmem:s20+$0x30];
	_ =	sdelay $0x1  }
0x41: {  	v3 =	vld [tilespmem:s20+$0xFFFFFFD0]  }
0x42: {  	v4 =	vld [tilespmem:s20+$0xFFFFFFE0]  }
0x43: {  	v5 =	vld [tilespmem:s20+$0xFFFFFFF0]  }
0x44: {  	v8 =	vld [tilespmem:s20+$0xFFFFFFC0];
	v2 =	vshrl.u32 v1, $0xE  }
0x45: {  	v11 =	vld [tilespmem:s20+$0x0];
	v1 =	vand.u32 $0x3FFF, v1  }
0x46: {  	s14 =	simm.s32 $0xA0C0;
	v13 =	vld [tilespmem:s20+$0x10];
	v6 =	vshrl.u32 v3, $0xE  }
0x47: {  	v21 =	vld [tilespmem:s14+$0xFFFFFFD0];
	v3 =	vand.u32 $0x3FFF, v3  }
0x48: {  	v45 =	vld [tilespmem:s14+$0x0]  }
0x49: {  	v12 =	vshrl.u32 v4, $0xE;
	v2 =	vld.idx.msk [tilespmem:v2+s2+$0x0], $0xffff  }
0x4a: {  	v9 =	vand.u32 $0x3FFF, v4;
	v7 =	vld.idx.msk [tilespmem:v1+s26+$0x0], $0xffff  }
0x4b: {  	v6 =	vld.idx.msk [tilespmem:v6+s2+$0x0], $0xffff  }
0x4c: {  	v4 =	vshrl.u32 v5, $0xE;
	v10 =	vand.u32 $0x3FFF, v5;
	v15 =	vshrl.u32 v8, $0xE;
	v5 =	vld.idx.msk [tilespmem:v3+s26+$0x0], $0xffff  }
0x4d: {  	v47 =	vld [tilespmem:s14+$0xFFFFFFC0];
	v14 =	vand.u32 $0x3FFF, v8  }
0x4e: {  	v8 =	vld.idx.msk [tilespmem:v12+s2+$0x0], $0xffff  }
0x4f: {  	v18 =	vld.idx.msk [tilespmem:v9+s26+$0x0], $0xffff  }
0x50: {  	v2 =	vadd.f32 v7, v2;
	v7 =	vld [tilespmem:s20+$0x20]  }
0x51: {  	v12 =	vand.u32 $0x3FFF, v13;
	v5 =	vadd.f32 v5, v6;
	v6 =	vld.idx.msk [tilespmem:v15+s2+$0x0], $0xffff  }
0x52: {  	v15 =	vld.idx.msk [tilespmem:v14+s26+$0x0], $0xffff;
	v16 =	vmul.f32 $2.000000030e-01, v2  }
0x53: {  	v17 =	vshrl.u32 v11, $0xE;
	v4 =	vld.idx.msk [tilespmem:v4+s2+$0x0], $0xffff;
	vm0 =	vge.f32 v2, $0.0e+00  }
0x54: {  	v11 =	vand.u32 $0x3FFF, v11;
	v19 =	vld.idx.msk [tilespmem:v10+s26+$0x0], $0xffff;
	v20 =	vmul.f32 $2.000000030e-01, v5;
	v2 =	vsel vm0, v2, v16  }
0x55: {  	v25 =	vld [tilespmem:s14+$0x20];
	v16 =	vshrl.u32 v13, $0xE;
	vm0 =	vge.f32 v5, $0.0e+00;
	v2 =	vmul.f32 $1.442695020e+00, v2  }
0x56: {  	v49 =	vshrl.u32 v47, $0xE;
	v44 =	vld.idx.msk [tilespmem:v12+s26+$0x0], $0xffff;
	v13 =	vand.u32 $0x3FFF, v7;
	v5 =	vsel vm0, v5, v20  }
0x57: {  	v6 =	vadd.f32 v15, v6;
	v15 =	vld [tilespmem:s14+$0x30];
	v5 =	vmul.f32 $1.442695020e+00, v5;
	(erf) = vpow2.f32 v2  }
0x58: {  	v8 =	vadd.f32 v18, v8;
	v2 =	vshrl.u32 v7, $0xE;
	v7 =	vld.idx.msk [tilespmem:v17+s2+$0x0], $0xffff  }
0x59: {  	v4 =	vadd.f32 v19, v4;
	v17 =	vld.idx.msk [tilespmem:v11+s26+$0x0], $0xffff;
	(erf) = vpow2.f32 v5  }
0x5a: {  	v18 =	vmul.f32 $2.000000030e-01, v8;
	v16 =	vld.idx.msk [tilespmem:v16+s2+$0x0], $0xffff  }
0x5b: {  	v27 =	vshrl.u32 v25, $0xE;
	v53 =	vld.idx.msk [tilespmem:v49+s2+$0x0], $0xffff;
	v19 =	vmul.f32 $2.000000030e-01, v4;
	vm0 =	vge.f32 v8, $0.0e+00  }
0x5c: {  	vm1 =	vge.f32 v4, $0.0e+00;
	v8 =	vsel vm0, v8, v18;
	v18 =	vmul.f32 $2.000000030e-01, v6;
	v5 =	vld.idx.msk [tilespmem:v13+s26+$0x0], $0xffff  }
0x5d: {  	v4 =	vsel vm1, v4, v19;
	vm0 =	vge.f32 v6, $0.0e+00;
	v2 =	vld.idx.msk [tilespmem:v2+s2+$0x0], $0xffff  }
0x5e: {  	v19 =	vld [tilespmem:s14+$0xFFFFFFF0];
	v6 =	vsel vm0, v6, v18;
	v18 =	vmul.f32 $1.442695020e+00, v4;
	v4 =	vand.u32 $0x3FFF, v15  }
0x5f: {  	v8 =	vmul.f32 $1.442695020e+00, v8;
	v7 =	vadd.f32 v17, v7;
	v17 =	vld [tilespmem:s14+$0xFFFFFFE0];
	v16 =	vadd.f32 v44, v16  }
0x60: {  	s13 =	simm.s32 $0xB440;
	v24 =	vshrl.u32 v21, $0xE;
	v27 =	vld.idx.msk [tilespmem:v27+s2+$0x0], $0xffff;
	v46 =	vshrl.u32 v15, $0xE;
	v6 =	vmul.f32 $1.442695020e+00, v6;
	v22 =	vpop (erf)  }
0x61: {  	vm1 =	vge.f32 v7, $0.0e+00;
	(erf) = vpow2.f32 v8;
	vm0 =	vge.f32 v16, $0.0e+00;
	v8 =	vld [tilespmem:s14+$0x10];
	[tilespmem:s13+$0x30] =	vst v22  }
0x62: {  	v15 =	vmul.f32 $2.000000030e-01, v16;
	v5 =	vadd.f32 v5, v2;
	v23 =	vpop (erf);
	v2 =	vand.u32 $0x3FFF, v21;
	[tilespmem:v1+s30+$0x0] =	vst.idx.add.f32.msk $0xffff, v22  }
0x63: {  	v48 =	vld.idx.msk [tilespmem:v4+s26+$0x0], $0xffff;
	(erf) = vpow2.f32 v18;
	v18 =	vshrl.u32 v19, $0xE;
	v1 =	vmul.f32 $2.000000030e-01, v7;
	[tilespmem:s13+$0xFFFFFFD0] =	vst v23  }
0x64: {  	v15 =	vsel vm0, v16, v15;
	v16 =	vshrl.u32 v17, $0xE;
	[tilespmem:v3+s30+$0x0] =	vst.idx.add.f32.msk $0xffff, v23;
	v3 =	vmul.f32 $2.000000030e-01, v5  }
0x65: {  	vm0 =	vge.f32 v5, $0.0e+00;
	v7 =	vsel vm1, v7, v1;
	v1 =	vand.u32 $0x3FFF, v17;
	v17 =	vld.idx.msk [tilespmem:v46+s2+$0x0], $0xffff  }
0x66: {  	v7 =	vmul.f32 $1.442695020e+00, v7;
	v5 =	vsel vm0, v5, v3;
	v3 =	vand.u32 $0x3FFF, v19;
	v19 =	vld.idx.msk [tilespmem:v24+s2+$0x0], $0xffff  }
0x67: {  	(erf) = vpow2.f32 v6;
	v15 =	vmul.f32 $1.442695020e+00, v15;
	v52 =	vshrl.u32 v8, $0xE;
	v50 =	vld.idx.msk [tilespmem:v2+s26+$0x0], $0xffff  }
0x68: {  	v6 =	vmul.f32 $1.442695020e+00, v5;
	v5 =	vand.u32 $0x3FFF, v47;
	v18 =	vld.idx.msk [tilespmem:v18+s2+$0x0], $0xffff;
	(erf) = vpow2.f32 v7  }
0x69: {  	(erf) = vpow2.f32 v15;
	v15 =	vld.idx.msk [tilespmem:v16+s2+$0x0], $0xffff  }
0x6a: {  	v7 =	vand.u32 $0x3FFF, v8;
	v51 =	vld.idx.msk [tilespmem:v1+s26+$0x0], $0xffff  }
0x6b: {  	v8 =	vand.u32 $0x3FFF, v25;
	v26 =	vld.idx.msk [tilespmem:v3+s26+$0x0], $0xffff  }
0x6c: {  	v16 =	vshrl.u32 v45, $0xE;
	v17 =	vadd.f32 v48, v17;
	v54 =	vpop (erf);
	v20 =	vld.idx.msk [tilespmem:v52+s2+$0x0], $0xffff  }
0x6d: {  	(erf) = vpow2.f32 v6;
	v6 =	vand.u32 $0x3FFF, v45;
	[tilespmem:s13+$0xFFFFFFE0] =	vst v54;
	v28 =	vld.idx.msk [tilespmem:v5+s26+$0x0], $0xffff  }
0x6e: {  	v55 =	vmul.f32 $2.000000030e-01, v17;
	[tilespmem:v9+s30+$0x0] =	vst.idx.add.f32.msk $0xffff, v54  }
0x6f: {  	v19 =	vadd.f32 v50, v19;
	vm0 =	vge.f32 v17, $0.0e+00;
	v58 =	vld.idx.msk [tilespmem:v7+s26+$0x0], $0xffff  }
0x70: {  	v29 =	vpop (erf);
	v60 =	vld.idx.msk [tilespmem:v8+s26+$0x0], $0xffff;
	v17 =	vsel vm0, v17, v55  }
0x71: {  	[tilespmem:s13+$0xFFFFFFF0] =	vst v29;
	v56 =	vpop (erf);
	v16 =	vld.idx.msk [tilespmem:v16+s2+$0x0], $0xffff;
	v32 =	vmul.f32 $2.000000030e-01, v19;
	v15 =	vadd.f32 v51, v15;
	v17 =	vmul.f32 $1.442695020e+00, v17  }
0x72: {  	[tilespmem:s13+$0xFFFFFFC0] =	vst v56;
	vm0 =	vge.f32 v19, $0.0e+00;
	v30 =	vld.idx.msk [tilespmem:v6+s26+$0x0], $0xffff;
	v18 =	vadd.f32 v26, v18  }
0x73: {  	[tilespmem:v10+s30+$0x0] =	vst.idx.add.f32.msk $0xffff, v29;
	v19 =	vsel vm0, v19, v32;
	vm1 =	vge.f32 v15, $0.0e+00;
	(erf) = vpow2.f32 v17  }
0x74: {  	[tilespmem:v14+s30+$0x0] =	vst.idx.add.f32.msk $0xffff, v56;
	v31 =	vpop (erf);
	v33 =	vmul.f32 $2.000000030e-01, v15;
	v17 =	vadd.f32 v28, v53;
	v19 =	vmul.f32 $1.442695020e+00, v19  }
0x75: {  	[tilespmem:s13+$0x0] =	vst v31;
	v57 =	vpop (erf);
	vm0 =	vge.f32 v18, $0.0e+00;
	v61 =	vmul.f32 $2.000000030e-01, v18;
	v9 =	vadd.f32 v58, v20  }
0x76: {  	[tilespmem:s13+$0x10] =	vst v57;
	v15 =	vsel vm1, v15, v33;
	v62 =	vmul.f32 $2.000000030e-01, v17;
	(erf) = vpow2.f32 v19  }
0x77: {  	[tilespmem:v11+s30+$0x0] =	vst.idx.add.f32.msk $0xffff, v31;
	v14 =	vadd.f32 v30, v16;
	v63 =	vmul.f32 $1.442695020e+00, v15;
	v18 =	vsel vm0, v18, v61  }
0x78: {  	v10 =	vadd.f32 v60, v27;
	v59 =	vpop (erf);
	[tilespmem:v12+s30+$0x0] =	vst.idx.add.f32.msk $0xffff, v57;
	v12 =	vmul.f32 $2.000000030e-01, v9;
	v11 =	vmul.f32 $1.442695020e+00, v18  }
0x79: {  	vm1 =	vge.f32 v17, $0.0e+00;
	[tilespmem:s13+$0x20] =	vst v59;
	v15 =	vmul.f32 $2.000000030e-01, v14;
	(erf) = vpow2.f32 v63  }
0x7a: {  	s15 =	simm.s32 $0xA140;
	s14 =	simm.s32 $0x8;
	v16 =	vsel vm1, v17, v62;
	vm1 =	vge.f32 v9, $0.0e+00;
	[tilespmem:v13+s30+$0x0] =	vst.idx.add.f32.msk $0xffff, v59;
	vm0 =	vge.f32 v14, $0.0e+00  }
.LBB2_4:
0x7b: {  	v13 =	vld [tilespmem:s15+$0x30];
	v16 =	vmul.f32 $1.442695020e+00, v16;
	v14 =	vsel vm0, v14, v15;
	(erf) = vpow2.f32 v11  }
0x7c: {  	s13 =	sadd.s32 $0x80, s13;
	v11 =	vld [tilespmem:s15+$0xFFFFFFD0];
	v9 =	vsel vm1, v9, v12;
	vm0 =	vge.f32 v10, $0.0e+00;
	v12 =	vmul.f32 $2.000000030e-01, v10;
	v15 =	vpop (erf)  }
0x7d: {  	s14 =	sadd.s32 $0x8, s14;
	v14 =	vmul.f32 $1.442695020e+00, v14;
	v17 =	vld [tilespmem:s15+$0xFFFFFFE0];
	v9 =	vmul.f32 $1.442695020e+00, v9;
	[tilespmem:s13+$0x30] =	vst v15  }
0x7e: {  	p0 =	slt.u32 s14, $0x138;
	v10 =	vsel vm0, v10, v12;
	[tilespmem:v4+s30+$0x0] =	vst.idx.add.f32.msk $0xffff, v15;
	(erf) = vpow2.f32 v16  }
0x7f: {  	v12 =	vld [tilespmem:s15+$0xFFFFFFF0];
	v10 =	vmul.f32 $1.442695020e+00, v10;
	(erf) = vpow2.f32 v14  }
0x80: {  	v14 =	vld [tilespmem:s15+$0x0];
	v15 =	vshrl.u32 v13, $0xE;
	v16 =	vpop (erf);
	(erf) = vpow2.f32 v9  }
0x81: {  	v4 =	vand.u32 $0x3FFF, v13;
	v9 =	vshrl.u32 v11, $0xE;
	v11 =	vand.u32 $0x3FFF, v11;
	v18 =	vld [tilespmem:s15+$0x10];
	[tilespmem:s13+$0xFFFFFFD0] =	vst v16  }
0x82: {  	v13 =	vshrl.u32 v17, $0xE;
	v17 =	vand.u32 $0x3FFF, v17;
	v19 =	vld [tilespmem:s15+$0x20];
	v20 =	vpop (erf);
	(erf) = vpow2.f32 v10  }
0x83: {  	v10 =	vld [tilespmem:s15+$0xFFFFFFC0];
	[tilespmem:s13+$0xFFFFFFE0] =	vst v20  }
0x84: {  	v21 =	vshrl.u32 v12, $0xE;
	v12 =	vand.u32 $0x3FFF, v12;
	[tilespmem:v2+s30+$0x0] =	vst.idx.add.f32.msk $0xffff, v16;
	v16 =	vpop (erf);
	v2 =	vmov v11  }
0x85: {  	v22 =	vshrl.u32 v14, $0xE;
	v23 =	vand.u32 $0x3FFF, v14;
	v14 =	vld.idx.msk [tilespmem:v15+s2+$0x0], $0xffff;
	[tilespmem:s13+$0xFFFFFFF0] =	vst v16  }
0x86: {  	v15 =	vshrl.u32 v18, $0xE;
	v18 =	vand.u32 $0x3FFF, v18;
	v24 =	vld.idx.msk [tilespmem:v4+s26+$0x0], $0xffff  }
0x87: {  	v9 =	vld.idx.msk [tilespmem:v9+s2+$0x0], $0xffff;
	v25 =	vshrl.u32 v19, $0xE;
	v19 =	vand.u32 $0x3FFF, v19;
	v26 =	vpop (erf)  }
0x88: {  	v27 =	vshrl.u32 v10, $0xE;
	v10 =	vand.u32 $0x3FFF, v10;
	v11 =	vld.idx.msk [tilespmem:v11+s26+$0x0], $0xffff;
	[tilespmem:s13+$0xFFFFFFC0] =	vst v26;
	v28 =	vpop (erf)  }
0x89: {  	v13 =	vld.idx.msk [tilespmem:v13+s2+$0x0], $0xffff;
	[tilespmem:s13+$0x0] =	vst v28;
	v29 =	vpop (erf)  }
0x8a: {  	v30 =	vld.idx.msk [tilespmem:v17+s26+$0x0], $0xffff;
	[tilespmem:s13+$0x10] =	vst v29  }
0x8b: {  	v21 =	vld.idx.msk [tilespmem:v21+s2+$0x0], $0xffff;
	v31 =	vpop (erf)  }
0x8c: {  	v14 =	vadd.f32 v24, v14;
	v32 =	vld.idx.msk [tilespmem:v12+s26+$0x0], $0xffff;
	[tilespmem:s13+$0x20] =	vst v31  }
0x8d: {  	v24 =	vld.idx.msk [tilespmem:v27+s2+$0x0], $0xffff  }
0x8e: {  	v9 =	vadd.f32 v11, v9;
	v11 =	vmul.f32 $2.000000030e-01, v14;
	v27 =	vld.idx.msk [tilespmem:v10+s26+$0x0], $0xffff  }
0x8f: {  	vm0 =	vge.f32 v14, $0.0e+00;
	v22 =	vld.idx.msk [tilespmem:v22+s2+$0x0], $0xffff  }
0x90: {  	v33 =	vmul.f32 $2.000000030e-01, v9;
	v13 =	vadd.f32 v30, v13;
	v11 =	vsel vm0, v14, v11;
	v30 =	vld.idx.msk [tilespmem:v23+s26+$0x0], $0xffff  }
0x91: {  	vm0 =	vge.f32 v9, $0.0e+00;
	v11 =	vmul.f32 $1.442695020e+00, v11;
	v34 =	vld.idx.msk [tilespmem:v15+s2+$0x0], $0xffff  }
0x92: {  	vm1 =	vge.f32 v13, $0.0e+00;
	v14 =	vmul.f32 $2.000000030e-01, v13;
	v15 =	vadd.f32 v32, v21;
	v21 =	vld.idx.msk [tilespmem:v18+s26+$0x0], $0xffff  }
0x93: {  	v9 =	vsel vm0, v9, v33;
	v25 =	vld.idx.msk [tilespmem:v25+s2+$0x0], $0xffff;
	(erf) = vpow2.f32 v11  }
0x94: {  	v11 =	vadd.f32 v27, v24;
	vm0 =	vge.f32 v15, $0.0e+00;
	v24 =	vmul.f32 $2.000000030e-01, v15;
	v27 =	vld.idx.msk [tilespmem:v19+s26+$0x0], $0xffff  }
0x95: {  	v9 =	vmul.f32 $1.442695020e+00, v9;
	v13 =	vsel vm1, v13, v14;
	[tilespmem:v5+s30+$0x0] =	vst.idx.add.f32.msk $0xffff, v26;
	v5 =	vmov v10  }
.Ltmp1:
0x96: {  	vm1 =	vge.f32 v11, $0.0e+00;
	v10 =	vmul.f32 $2.000000030e-01, v11;
	v14 =	vadd.f32 v30, v22;
	[tilespmem:v1+s30+$0x0] =	vst.idx.add.f32.msk $0xffff, v20;
	v1 =	vmovc v17;
	(pc) =	sbr.rel @p0 .LBB2_4-.Ltmp1, $4  }
0x97: {  	v13 =	vmul.f32 $1.442695020e+00, v13;
	v17 =	vsel vm0, v15, v24;
	(erf) = vpow2.f32 v9;
	[tilespmem:v3+s30+$0x0] =	vst.idx.add.f32.msk $0xffff, v16;
	v3 =	vmovc v12  }
0x98: {  	vm0 =	vge.f32 v14, $0.0e+00;
	v15 =	vmul.f32 $2.000000030e-01, v14;
	v9 =	vadd.f32 v21, v34;
	[tilespmem:v6+s30+$0x0] =	vst.idx.add.f32.msk $0xffff, v28;
	v6 =	vmovc v23  }
0x99: {  	v16 =	vsel vm1, v11, v10;
	v11 =	vmul.f32 $1.442695020e+00, v17;
	(erf) = vpow2.f32 v13;
	[tilespmem:v7+s30+$0x0] =	vst.idx.add.f32.msk $0xffff, v29;
	v7 =	vmovc v18  }
0x9a: {  	s15 =	sadd.s32 $0x80, s15;
	vm1 =	vge.f32 v9, $0.0e+00;
	v12 =	vmul.f32 $2.000000030e-01, v9;
	v10 =	vadd.f32 v27, v25;
	[tilespmem:v8+s30+$0x0] =	vst.idx.add.f32.msk $0xffff, v31;
	v8 =	vmovc v19  }
0x9b: {  	v13 =	vmul.f32 $1.442695020e+00, v16;
	v14 =	vsel vm0, v14, v15;
	(erf) = vpow2.f32 v11  }
0x9c: {  	v56 =	vmul.f32 $1.442695020e+00, v14  }
0x9d: {  	v55 =	vmul.f32 $2.000000030e-01, v10;
	v9 =	vsel vm1, v9, v12;
	(erf) = vpow2.f32 v13  }
0x9e: {  	s13 =	sadd.s32 $0x80, s13;
	v57 =	vpop (erf);
	v9 =	vmul.f32 $1.442695020e+00, v9;
	(erf) = vpow2.f32 v56  }
0x9f: {  	vm15 =	vge.f32 v10, $0.0e+00;
	[tilespmem:s13+$0x30] =	vst v57  }
0xa0: {  	v10 =	vsel vm15, v10, v55;
	[tilespmem:v4+s30+$0x0] =	vst.idx.add.f32.msk $0xffff, v57;
	(erf) = vpow2.f32 v9;
	v58 =	vpop (erf)  }
0xa1: {  	v10 =	vmul.f32 $1.442695020e+00, v10;
	[tilespmem:s13+$0xFFFFFFD0] =	vst v58  }
0xa2: {  	v59 =	vpop (erf);
	[tilespmem:v2+s30+$0x0] =	vst.idx.add.f32.msk $0xffff, v58  }
0xa3: {  	(erf) = vpow2.f32 v10;
	[tilespmem:s13+$0xFFFFFFE0] =	vst v59  }
0xa4: {  	v2 =	vpop (erf);
	[tilespmem:v1+s30+$0x0] =	vst.idx.add.f32.msk $0xffff, v59  }
0xa5: {  	[tilespmem:s13+$0xFFFFFFF0] =	vst v2  }
0xa6: {  	v60 =	vpop (erf);
	[tilespmem:v3+s30+$0x0] =	vst.idx.add.f32.msk $0xffff, v2  }
0xa7: {  	[tilespmem:s13+$0xFFFFFFC0] =	vst v60;
	v61 =	vpop (erf)  }
0xa8: {  	[tilespmem:s13+$0x0] =	vst v61  }
0xa9: {  	v62 =	vpop (erf);
	[tilespmem:v5+s30+$0x0] =	vst.idx.add.f32.msk $0xffff, v60  }
0xaa: {  	[tilespmem:s13+$0x10] =	vst v62  }
0xab: {  	[tilespmem:v6+s30+$0x0] =	vst.idx.add.f32.msk $0xffff, v61  }
0xac: {  	v63 =	vpop (erf);
	[tilespmem:v7+s30+$0x0] =	vst.idx.add.f32.msk $0xffff, v62  }
0xad: {  	[tilespmem:s13+$0x20] =	vst v63  }
0xae: {  	[tilespmem:v8+s30+$0x0] =	vst.idx.add.f32.msk $0xffff, v63  }
0xaf: {  	s14 =	simm.s32 $0xB400;
	s13 =	rddreg [dreg:$0x5]  }
0xb0: {  	[hbm4b:s13+s24] =	stream.strided.scatter [tilespmem:s14], [sflag:$0x4], $0x1400, s28, s24, $0x38;
	[tilespmem:$0x1A800] =	vst v63  }
0xb1: {  	_ =	swait.ge [sflag:s0], $0x1400  }
0xb2: {  	[sflag:s0] =	ssyncset.done $0x0  }
0xb3: {  	s20 =	rddreg [dreg:$0x6];
	[sflag:s0] =	ssyncadd.s32 $0xFFFFEC00  }
0xb4: {  	[hbm4b:s20+s24] =	stream.strided.scatter [tilespmem:s30], [sflag:$0x4], $0x2800, s25, s24, $0x38;
	[tilespmem:$0x1A800] =	vst v63  }
0xb5: {  	_ =	swait.ge [sflag:s0], $0x2800  }
0xb6: {  	[sflag:s0] =	ssyncset.done $0x0  }
0xb7: {  	[sflag:s0] =	ssyncadd.s32 $0xFFFFD800  }
0xb8: {  	[bflag:$0x0] =	sbarrier.arrive $0xFFFF  }
0xb9: {  	s14 =	simm.s32 $0x0;
	s15 =	rddreg [dreg:$0x7]  }
0xba: {  	[tilespmem:s14], [sflag:$0x1] =	stream.strided.gather [hbm4b:s15+s24], $0x2800, s25, s24, $0x38;
	[tilespmem:$0x1A800] =	vst v63  }
0xbb: {  	s16 =	rddreg [dreg:$0x8]  }
0xbc: {  	[tilespmem:s26], [sflag:$0x1] =	stream.strided.gather [hbm4b:s16+s24], $0x2800, s25, s24, $0x38;
	[tilespmem:$0x1A800] =	vst v63  }
0xbd: {  	s19 =	rddreg [dreg:$0x9]  }
0xbe: {  	[tilespmem:s1], [sflag:$0x1] =	stream.strided.gather [hbm4b:s19+s24], $0x2800, s25, s24, $0x38;
	[tilespmem:$0x1A800] =	vst v63  }
0xbf: {  	s13 =	simm.s32 $0x0;
	s20 =	rddreg [dreg:$0xa];
	s14 =	simm.s32 $0x80  }
0xc0: {  	[tilespmem:s29], [sflag:$0x1] =	stream.strided.gather [hbm4b:s20+s24], $0x2800, s25, s24, $0x38;
	[tilespmem:$0x1A800] =	vst v63  }
.LBB2_6:
0xc1: {  	p0 =	sne.s32 s14, $0x9F80;
	[tilespmem:s13+$0x14010] =	vst v0  }
0xc2: {  	[tilespmem:s13+$0xC800] =	vst v0  }
0xc3: {  	[tilespmem:s13+$0xF000] =	vst v0  }
.Ltmp2:
0xc4: {  	[tilespmem:s13+$0x11800] =	vst v0;
	(pc) =	sbr.rel @p0 .LBB2_6-.Ltmp2, $4  }
0xc5: {  	[tilespmem:s13+$0x14000] =	vst v0  }
0xc6: {  	[tilespmem:s13+$0xC810] =	vst v0  }
0xc7: {  	[tilespmem:s13+$0xF010] =	vst v0  }
0xc8: {  	[tilespmem:s13+$0x11810] =	vst v0;
	s13 =	sshra.s32 s14, $0x2;
	s14 =	sadd.s32 $0x80, s14  }
0xc9: {  	[tilespmem:s13+$0x14010] =	vst v0  }
0xca: {  	[tilespmem:s13+$0xC800] =	vst v0  }
0xcb: {  	[tilespmem:s13+$0xF000] =	vst v0  }
0xcc: {  	[tilespmem:s13+$0x11800] =	vst v0  }
0xcd: {  	[tilespmem:s13+$0x14000] =	vst v0  }
0xce: {  	[tilespmem:s13+$0xC810] =	vst v0  }
0xcf: {  	[tilespmem:s13+$0xF010] =	vst v0  }
0xd0: {  	[tilespmem:s13+$0x11810] =	vst v0  }
0xd1: {  	_ =	swait.ge [sflag:s6], $0x2800  }
0xd2: {  	[sflag:s6] =	ssyncset.done $0x0  }
0xd3: {  	[sflag:s6] =	ssyncadd.s32 $0xFFFFD800  }
0xd4: {  	_ =	swait.ge [sflag:s6], $0x2800  }
0xd5: {  	[sflag:s6] =	ssyncset.done $0x0  }
0xd6: {  	[sflag:s6] =	ssyncadd.s32 $0xFFFFD800  }
0xd7: {  	_ =	swait.ge [sflag:s6], $0x2800  }
0xd8: {  	[sflag:s6] =	ssyncset.done $0x0  }
0xd9: {  	[sflag:s6] =	ssyncadd.s32 $0xFFFFD800  }
0xda: {  	_ =	swait.ge [sflag:s6], $0x2800  }
0xdb: {  	[sflag:s6] =	ssyncset.done $0x0  }
0xdc: {  	s14 =	simm.s32 $0x16800;
	s16 =	rddreg [dreg:$0xb];
	[sflag:s6] =	ssyncadd.s32 $0xFFFFD800  }
0xdd: {  	[tilespmem:s14], [sflag:$0x2] =	stream.strided.gather [hbm4b:s16+s24], $0x1000, s28, s24, $0x38;
	[tilespmem:$0x1A800] =	vst v63  }
0xde: {  	s20 =	simm.s32 $0x17800;
	s13 =	simm.s32 $0x0;
	s19 =	rddreg [dreg:$0xc]  }
0xdf: {  	[tilespmem:s20], [sflag:$0x2] =	stream.strided.gather [hbm4b:s19+s24], $0x1000, s28, s24, $0x38;
	[tilespmem:$0x1A800] =	vst v63  }
.LBB2_8:
0xe0: {  	s14 =	sshll.u32 s13, $0xF  }
0xe1: {  	s15 =	sadd.s32 s14, s17  }
0xe2: {  	s15 =	sshrl.u32 s15, $0x3  }
0xe3: {  	s16 =	sadd.s32 s3, s15  }
0xe4: {  	[tilespmem:s31], [sflag:$0x3] =	stream.strided.gather [hbm4b:s16+s24], $0x1000, s28, s24, $0x38;
	[tilespmem:$0x1A800] =	vst v63  }
0xe5: {  	s15 =	sadd.s32 s5, s15  }
0xe6: {  	[tilespmem:s4], [sflag:$0x3] =	stream.strided.gather [hbm4b:s15+s24], $0x1000, s28, s24, $0x38;
	[tilespmem:$0x1A800] =	vst v63  }
0xe7: {  	_ =	swait.ge [sflag:s7], $0x1000  }
0xe8: {  	[sflag:s7] =	ssyncset.done $0x0  }
0xe9: {  	[sflag:s7] =	ssyncadd.s32 $0xFFFFF000  }
0xea: {  	_ =	swait.ge [sflag:s7], $0x1000  }
0xeb: {  	[sflag:s7] =	ssyncset.done $0x0  }
0xec: {  	s20 =	simm.s32 $0x16840;
	[sflag:s7] =	ssyncadd.s32 $0xFFFFF000  }
0xed: {  	v1 =	vld [tilespmem:s20+$0x30]  }
0xee: {  	v2 =	vld [tilespmem:s20+$0xFFFFFFD0]  }
0xef: {  	v3 =	vld [tilespmem:s20+$0xFFFFFFE0]  }
0xf0: {  	v4 =	vld [tilespmem:s20+$0xFFFFFFF0]  }
0xf1: {  	v5 =	vld [tilespmem:s20+$0x0]  }
0xf2: {  	v7 =	vld [tilespmem:s20+$0x10]  }
0xf3: {  	v9 =	vld [tilespmem:s20+$0xFFFFFFC0]  }
0xf4: {  	s15 =	simm.s32 $0x17840;
	v11 =	vld [tilespmem:s20+$0x20];
	v6 =	vshrl.u32 v1, $0xE  }
0xf5: {  	v16 =	vld [tilespmem:s15+$0x30]  }
0xf6: {  	v26 =	vld [tilespmem:s15+$0xFFFFFFC0]  }
0xf7: {  	v27 =	vld [tilespmem:s15+$0xFFFFFFD0]  }
0xf8: {  	v28 =	vld [tilespmem:s15+$0xFFFFFFE0]  }
0xf9: {  	v8 =	vshrl.u32 v2, $0xE;
	v14 =	vld.idx.msk [tilespmem:v6+s2+$0x0], $0xffff  }
0xfa: {  	v29 =	vld [tilespmem:s15+$0xFFFFFFF0];
	v10 =	vshrl.u32 v3, $0xE  }
0xfb: {  	v31 =	vld [tilespmem:s15+$0x0];
	v20 =	vand.u32 $0x3FFF, v1  }
0xfc: {  	v33 =	vld [tilespmem:s15+$0x10]  }
0xfd: {  	v12 =	vshrl.u32 v4, $0xE;
	v35 =	vand.u32 $0x3FFF, v4;
	v4 =	vld [tilespmem:s15+$0x20]  }
0xfe: {  	v15 =	vshrl.u32 v7, $0xE;
	v18 =	vld.idx.msk [tilespmem:v8+s2+$0x0], $0xffff;
	v1 =	vmul.f32 v14, v16  }
0xff: {  	v13 =	vshrl.u32 v5, $0xE;
	v19 =	vld.idx.msk [tilespmem:v10+s2+$0x0], $0xffff  }
0x100: {  	v22 =	vshrl.u32 v11, $0xE;
	[tilespmem:v20+s30+$0x0] =	vst.idx.add.f32.msk $0xffff, v1  }
0x101: {  	v17 =	vshrl.u32 v9, $0xE;
	v1 =	vld.idx.msk [tilespmem:v6+s26+$0x0], $0xffff  }
0x102: {  	v34 =	vand.u32 $0x3FFF, v3;
	v21 =	vld.idx.msk [tilespmem:v12+s2+$0x0], $0xffff  }
0x103: {  	v24 =	vld.idx.msk [tilespmem:v15+s2+$0x0], $0xffff  }
0x104: {  	v23 =	vld.idx.msk [tilespmem:v13+s2+$0x0], $0xffff  }
0x105: {  	v32 =	vand.u32 $0x3FFF, v2;
	v2 =	vand.u32 $0x3FFF, v7;
	v25 =	vld.idx.msk [tilespmem:v22+s2+$0x0], $0xffff;
	v7 =	vmul.f32 v19, v28  }
0x106: {  	v14 =	vld.idx.msk [tilespmem:v17+s2+$0x0], $0xffff;
	v1 =	vmul.f32 v1, v16  }
0x107: {  	[tilespmem:v34+s30+$0x0] =	vst.idx.add.f32.msk $0xffff, v7  }
0x108: {  	v30 =	vand.u32 $0x3FFF, v9;
	v7 =	vmul.f32 v24, v33;
	[tilespmem:v20+s8+$0x0] =	vst.idx.add.f32.msk $0xffff, v1  }
0x109: {  	v1 =	vand.u32 $0x3FFF, v5;
	v9 =	vld.idx.msk [tilespmem:v6+s1+$0x0], $0xffff  }
0x10a: {  	[tilespmem:v2+s30+$0x0] =	vst.idx.add.f32.msk $0xffff, v7;
	v5 =	vmul.f32 v18, v27  }
0x10b: {  	v3 =	vmul.f32 v14, v26;
	v62 =	vld.idx.msk [tilespmem:v15+s26+$0x0], $0xffff  }
0x10c: {  	[tilespmem:v32+s30+$0x0] =	vst.idx.add.f32.msk $0xffff, v5;
	v5 =	vmul.f32 v23, v31  }
0x10d: {  	v14 =	vmul.f32 v21, v29;
	[tilespmem:v30+s30+$0x0] =	vst.idx.add.f32.msk $0xffff, v3;
	v3 =	vand.u32 $0x3FFF, v11  }
0x10e: {  	[tilespmem:v1+s30+$0x0] =	vst.idx.add.f32.msk $0xffff, v5;
	v5 =	vmul.f32 v9, v16  }
0x10f: {  	[tilespmem:v35+s30+$0x0] =	vst.idx.add.f32.msk $0xffff, v14  }
0x110: {  	v7 =	vmul.f32 v25, v4;
	[tilespmem:v20+s9+$0x0] =	vst.idx.add.f32.msk $0xffff, v5  }
0x111: {  	v5 =	vld.idx.msk [tilespmem:v6+s29+$0x0], $0xffff  }
0x112: {  	[tilespmem:v3+s30+$0x0] =	vst.idx.add.f32.msk $0xffff, v7  }
0x113: {  	v6 =	vld.idx.msk [tilespmem:v17+s26+$0x0], $0xffff  }
0x114: {  	v7 =	vld.idx.msk [tilespmem:v8+s26+$0x0], $0xffff  }
0x115: {  	v9 =	vld.idx.msk [tilespmem:v10+s26+$0x0], $0xffff  }
0x116: {  	v11 =	vld.idx.msk [tilespmem:v12+s26+$0x0], $0xffff;
	v5 =	vmul.f32 v5, v16  }
0x117: {  	v14 =	vld.idx.msk [tilespmem:v13+s26+$0x0], $0xffff  }
0x118: {  	v6 =	vmul.f32 v6, v26;
	[tilespmem:v20+s10+$0x0] =	vst.idx.add.f32.msk $0xffff, v5  }
0x119: {  	v5 =	vmul.f32 v7, v27;
	v7 =	vld.idx.msk [tilespmem:v22+s26+$0x0], $0xffff  }
0x11a: {  	[tilespmem:v30+s8+$0x0] =	vst.idx.add.f32.msk $0xffff, v6;
	v6 =	vmul.f32 v9, v28  }
0x11b: {  	[tilespmem:v32+s8+$0x0] =	vst.idx.add.f32.msk $0xffff, v5;
	v5 =	vmul.f32 v11, v29  }
0x11c: {  	[tilespmem:v34+s8+$0x0] =	vst.idx.add.f32.msk $0xffff, v6;
	v6 =	vmul.f32 v14, v31  }
0x11d: {  	[tilespmem:v35+s8+$0x0] =	vst.idx.add.f32.msk $0xffff, v5  }
0x11e: {  	[tilespmem:v1+s8+$0x0] =	vst.idx.add.f32.msk $0xffff, v6  }
0x11f: {  	v5 =	vmul.f32 v62, v33;
	v6 =	vld.idx.msk [tilespmem:v17+s1+$0x0], $0xffff  }
0x120: {  	v9 =	vld.idx.msk [tilespmem:v12+s1+$0x0], $0xffff  }
0x121: {  	[tilespmem:v2+s8+$0x0] =	vst.idx.add.f32.msk $0xffff, v5;
	v5 =	vmul.f32 v7, v4  }
0x122: {  	v7 =	vld.idx.msk [tilespmem:v10+s1+$0x0], $0xffff  }
0x123: {  	[tilespmem:v3+s8+$0x0] =	vst.idx.add.f32.msk $0xffff, v5  }
0x124: {  	v5 =	vld.idx.msk [tilespmem:v8+s1+$0x0], $0xffff  }
0x125: {  	v11 =	vld.idx.msk [tilespmem:v13+s1+$0x0], $0xffff  }
0x126: {  	v14 =	vld.idx.msk [tilespmem:v15+s1+$0x0], $0xffff;
	v6 =	vmul.f32 v6, v26  }
0x127: {  	v63 =	vld.idx.msk [tilespmem:v22+s1+$0x0], $0xffff  }
0x128: {  	[tilespmem:v30+s9+$0x0] =	vst.idx.add.f32.msk $0xffff, v6;
	v7 =	vmul.f32 v7, v28  }
0x129: {  	v6 =	vld.idx.msk [tilespmem:v17+s29+$0x0], $0xffff;
	v5 =	vmul.f32 v5, v27  }
0x12a: {  	[tilespmem:v34+s9+$0x0] =	vst.idx.add.f32.msk $0xffff, v7;
	v7 =	vmul.f32 v11, v31  }
0x12b: {  	[tilespmem:v32+s9+$0x0] =	vst.idx.add.f32.msk $0xffff, v5;
	v5 =	vmul.f32 v9, v29  }
0x12c: {  	[tilespmem:v1+s9+$0x0] =	vst.idx.add.f32.msk $0xffff, v7;
	v7 =	vmul.f32 v63, v4  }
0x12d: {  	[tilespmem:v35+s9+$0x0] =	vst.idx.add.f32.msk $0xffff, v5;
	v5 =	vmul.f32 v14, v33  }
0x12e: {  	[tilespmem:v3+s9+$0x0] =	vst.idx.add.f32.msk $0xffff, v7  }
0x12f: {  	[tilespmem:v2+s9+$0x0] =	vst.idx.add.f32.msk $0xffff, v5  }
0x130: {  	v5 =	vld.idx.msk [tilespmem:v8+s29+$0x0], $0xffff  }
0x131: {  	v7 =	vld.idx.msk [tilespmem:v10+s29+$0x0], $0xffff  }
0x132: {  	v8 =	vld.idx.msk [tilespmem:v12+s29+$0x0], $0xffff  }
0x133: {  	v10 =	vld.idx.msk [tilespmem:v13+s29+$0x0], $0xffff  }
0x134: {  	v6 =	vmul.f32 v6, v26;
	v11 =	vld.idx.msk [tilespmem:v15+s29+$0x0], $0xffff  }
0x135: {  	v9 =	vld.idx.msk [tilespmem:v22+s29+$0x0], $0xffff;
	v5 =	vmul.f32 v5, v27  }
0x136: {  	[tilespmem:v30+s10+$0x0] =	vst.idx.add.f32.msk $0xffff, v6;
	v6 =	vmul.f32 v7, v28  }
0x137: {  	[tilespmem:v32+s10+$0x0] =	vst.idx.add.f32.msk $0xffff, v5;
	v5 =	vmul.f32 v8, v29  }
0x138: {  	[tilespmem:v34+s10+$0x0] =	vst.idx.add.f32.msk $0xffff, v6  }
0x139: {  	s19 =	simm.s32 $0x168C0;
	s16 =	simm.s32 $0x0;
	v13 =	vmul.f32 v10, v31;
	v12 =	vmul.f32 v11, v33;
	[tilespmem:v35+s10+$0x0] =	vst.idx.add.f32.msk $0xffff, v5  }
.LBB2_9:
0x13a: {  	v17 =	vld [tilespmem:s19+$0x30];
	s16 =	sadd.s32 $0x8, s16;
	v5 =	vmul.f32 v9, v4  }
0x13b: {  	v4 =	vld [tilespmem:s19+$0xFFFFFFD0];
	p0 =	slt.u32 s16, $0xF8  }
0x13c: {  	v7 =	vld [tilespmem:s19+$0xFFFFFFE0]  }
0x13d: {  	v8 =	vld [tilespmem:s19+$0xFFFFFFF0]  }
0x13e: {  	v14 =	vld [tilespmem:s19+$0x0]  }
0x13f: {  	v15 =	vld [tilespmem:s19+$0x10];
	v22 =	vshrl.u32 v17, $0xE  }
0x140: {  	v9 =	vshrl.u32 v4, $0xE;
	v6 =	vand.u32 $0x3FFF, v4;
	v4 =	vld [tilespmem:s19+$0x20]  }
0x141: {  	v16 =	vld [tilespmem:s19+$0xFFFFFFC0];
	v10 =	vshrl.u32 v7, $0xE;
	v7 =	vand.u32 $0x3FFF, v7  }
0x142: {  	v11 =	vshrl.u32 v8, $0xE;
	v8 =	vand.u32 $0x3FFF, v8;
	[tilespmem:v1+s10+$0x0] =	vst.idx.add.f32.msk $0xffff, v13  }
0x143: {  	v13 =	vshrl.u32 v14, $0xE;
	v1 =	vand.u32 $0x3FFF, v14;
	[tilespmem:v2+s10+$0x0] =	vst.idx.add.f32.msk $0xffff, v12  }
0x144: {  	s15 =	sadd.s32 $0x80, s15;
	v14 =	vshrl.u32 v15, $0xE;
	v2 =	vand.u32 $0x3FFF, v15;
	v18 =	vld.idx.msk [tilespmem:v22+s2+$0x0], $0xffff  }
0x145: {  	v15 =	vshrl.u32 v4, $0xE;
	v12 =	vand.u32 $0x3FFF, v4;
	v23 =	vld [tilespmem:s15+$0x30]  }
0x146: {  	v24 =	vshrl.u32 v16, $0xE;
	v16 =	vand.u32 $0x3FFF, v16;
	v4 =	vld.idx.msk [tilespmem:v9+s2+$0x0], $0xffff  }
0x147: {  	v26 =	vand.u32 $0x3FFF, v17;
	v25 =	vld.idx.msk [tilespmem:v10+s2+$0x0], $0xffff  }
0x148: {  	v27 =	vld.idx.msk [tilespmem:v11+s2+$0x0], $0xffff  }
0x149: {  	v28 =	vld.idx.msk [tilespmem:v13+s2+$0x0], $0xffff  }
0x14a: {  	v29 =	vld.idx.msk [tilespmem:v14+s2+$0x0], $0xffff;
	v17 =	vmul.f32 v18, v23  }
0x14b: {  	v19 =	vld.idx.msk [tilespmem:v24+s2+$0x0], $0xffff  }
0x14c: {  	[tilespmem:v26+s30+$0x0] =	vst.idx.add.f32.msk $0xffff, v17  }
0x14d: {  	v30 =	vld.idx.msk [tilespmem:v22+s26+$0x0], $0xffff  }
0x14e: {  	v31 =	vld.idx.msk [tilespmem:v15+s2+$0x0], $0xffff  }
0x14f: {  	v32 =	vld [tilespmem:s15+$0xFFFFFFC0]  }
0x150: {  	v20 =	vld [tilespmem:s15+$0xFFFFFFD0]  }
0x151: {  	v21 =	vld [tilespmem:s15+$0xFFFFFFE0]  }
0x152: {  	v18 =	vld [tilespmem:s15+$0xFFFFFFF0]  }
0x153: {  	v30 =	vmul.f32 v30, v23;
	v17 =	vld [tilespmem:s15+$0x0]  }
0x154: {  	v33 =	vmul.f32 v19, v32;
	v19 =	vld [tilespmem:s15+$0x10]  }
0x155: {  	v34 =	vmul.f32 v4, v20;
	[tilespmem:v26+s8+$0x0] =	vst.idx.add.f32.msk $0xffff, v30  }
0x156: {  	v25 =	vmul.f32 v25, v21;
	v30 =	vld.idx.msk [tilespmem:v22+s1+$0x0], $0xffff  }
0x157: {  	v27 =	vmul.f32 v27, v18;
	v4 =	vld [tilespmem:s15+$0x20]  }
0x158: {  	[tilespmem:v16+s30+$0x0] =	vst.idx.add.f32.msk $0xffff, v33;
	v28 =	vmul.f32 v28, v17  }
0x159: {  	[tilespmem:v6+s30+$0x0] =	vst.idx.add.f32.msk $0xffff, v34;
	v29 =	vmul.f32 v29, v19  }
0x15a: {  	[tilespmem:v7+s30+$0x0] =	vst.idx.add.f32.msk $0xffff, v25  }
0x15b: {  	[tilespmem:v8+s30+$0x0] =	vst.idx.add.f32.msk $0xffff, v27  }
0x15c: {  	v27 =	vmul.f32 v30, v23;
	[tilespmem:v1+s30+$0x0] =	vst.idx.add.f32.msk $0xffff, v28;
	v25 =	vmul.f32 v31, v4  }
0x15d: {  	[tilespmem:v2+s30+$0x0] =	vst.idx.add.f32.msk $0xffff, v29  }
0x15e: {  	[tilespmem:v26+s9+$0x0] =	vst.idx.add.f32.msk $0xffff, v27  }
0x15f: {  	v22 =	vld.idx.msk [tilespmem:v22+s29+$0x0], $0xffff  }
0x160: {  	[tilespmem:v12+s30+$0x0] =	vst.idx.add.f32.msk $0xffff, v25  }
0x161: {  	v25 =	vld.idx.msk [tilespmem:v24+s26+$0x0], $0xffff  }
0x162: {  	v27 =	vld.idx.msk [tilespmem:v9+s26+$0x0], $0xffff  }
0x163: {  	v28 =	vld.idx.msk [tilespmem:v10+s26+$0x0], $0xffff  }
0x164: {  	v29 =	vld.idx.msk [tilespmem:v11+s26+$0x0], $0xffff  }
0x165: {  	v22 =	vmul.f32 v22, v23;
	v30 =	vld.idx.msk [tilespmem:v13+s26+$0x0], $0xffff  }
0x166: {  	v23 =	vld.idx.msk [tilespmem:v14+s26+$0x0], $0xffff  }
0x167: {  	v25 =	vmul.f32 v25, v32;
	[tilespmem:v26+s10+$0x0] =	vst.idx.add.f32.msk $0xffff, v22  }
0x168: {  	v22 =	vmul.f32 v27, v20;
	v26 =	vld.idx.msk [tilespmem:v15+s26+$0x0], $0xffff  }
0x169: {  	[tilespmem:v16+s8+$0x0] =	vst.idx.add.f32.msk $0xffff, v25;
	v25 =	vmul.f32 v28, v21  }
0x16a: {  	[tilespmem:v6+s8+$0x0] =	vst.idx.add.f32.msk $0xffff, v22;
	v22 =	vmul.f32 v29, v18  }
0x16b: {  	[tilespmem:v7+s8+$0x0] =	vst.idx.add.f32.msk $0xffff, v25;
	v25 =	vmul.f32 v30, v17  }
0x16c: {  	[tilespmem:v8+s8+$0x0] =	vst.idx.add.f32.msk $0xffff, v22;
	v22 =	vmul.f32 v23, v19  }
0x16d: {  	[tilespmem:v1+s8+$0x0] =	vst.idx.add.f32.msk $0xffff, v25  }
0x16e: {  	[tilespmem:v2+s8+$0x0] =	vst.idx.add.f32.msk $0xffff, v22;
	v22 =	vmul.f32 v26, v4  }
0x16f: {  	v23 =	vld.idx.msk [tilespmem:v24+s1+$0x0], $0xffff  }
0x170: {  	[tilespmem:v12+s8+$0x0] =	vst.idx.add.f32.msk $0xffff, v22  }
0x171: {  	v22 =	vld.idx.msk [tilespmem:v9+s1+$0x0], $0xffff  }
0x172: {  	v25 =	vld.idx.msk [tilespmem:v10+s1+$0x0], $0xffff  }
0x173: {  	v26 =	vld.idx.msk [tilespmem:v11+s1+$0x0], $0xffff  }
0x174: {  	v27 =	vld.idx.msk [tilespmem:v13+s1+$0x0], $0xffff  }
0x175: {  	v23 =	vmul.f32 v23, v32;
	v28 =	vld.idx.msk [tilespmem:v14+s1+$0x0], $0xffff  }
0x176: {  	v29 =	vld.idx.msk [tilespmem:v15+s1+$0x0], $0xffff  }
0x177: {  	v22 =	vmul.f32 v22, v20;
	[tilespmem:v16+s9+$0x0] =	vst.idx.add.f32.msk $0xffff, v23  }
0x178: {  	v23 =	vld.idx.msk [tilespmem:v24+s29+$0x0], $0xffff;
	v24 =	vmul.f32 v25, v21  }
0x179: {  	[tilespmem:v6+s9+$0x0] =	vst.idx.add.f32.msk $0xffff, v22;
	v22 =	vmul.f32 v26, v18  }
0x17a: {  	[tilespmem:v7+s9+$0x0] =	vst.idx.add.f32.msk $0xffff, v24;
	v24 =	vmul.f32 v27, v17  }
0x17b: {  	[tilespmem:v8+s9+$0x0] =	vst.idx.add.f32.msk $0xffff, v22;
	v22 =	vmul.f32 v28, v19  }
0x17c: {  	[tilespmem:v1+s9+$0x0] =	vst.idx.add.f32.msk $0xffff, v24;
	v24 =	vmul.f32 v29, v4  }
0x17d: {  	[tilespmem:v2+s9+$0x0] =	vst.idx.add.f32.msk $0xffff, v22  }
0x17e: {  	v22 =	vmul.f32 v23, v32;
	[tilespmem:v12+s9+$0x0] =	vst.idx.add.f32.msk $0xffff, v24  }
0x17f: {  	v23 =	vld.idx.msk [tilespmem:v9+s29+$0x0], $0xffff  }
0x180: {  	v10 =	vld.idx.msk [tilespmem:v10+s29+$0x0], $0xffff  }
0x181: {  	v11 =	vld.idx.msk [tilespmem:v11+s29+$0x0], $0xffff  }
0x182: {  	v13 =	vld.idx.msk [tilespmem:v13+s29+$0x0], $0xffff  }
0x183: {  	v14 =	vld.idx.msk [tilespmem:v14+s29+$0x0], $0xffff  }
0x184: {  	v9 =	vld.idx.msk [tilespmem:v15+s29+$0x0], $0xffff  }
.Ltmp3:
0x185: {  	v15 =	vmul.f32 v23, v20;
	[tilespmem:v16+s10+$0x0] =	vst.idx.add.f32.msk $0xffff, v22;
	(pc) =	sbr.rel @p0 .LBB2_9-.Ltmp3, $4  }
0x186: {  	v10 =	vmul.f32 v10, v21;
	[tilespmem:v3+s10+$0x0] =	vst.idx.add.f32.msk $0xffff, v5;
	v3 =	vmov v12  }
0x187: {  	v5 =	vmul.f32 v11, v18;
	[tilespmem:v6+s10+$0x0] =	vst.idx.add.f32.msk $0xffff, v15  }
0x188: {  	v13 =	vmul.f32 v13, v17;
	[tilespmem:v7+s10+$0x0] =	vst.idx.add.f32.msk $0xffff, v10  }
0x189: {  	s19 =	sadd.s32 $0x80, s19;
	v12 =	vmul.f32 v14, v19;
	[tilespmem:v8+s10+$0x0] =	vst.idx.add.f32.msk $0xffff, v5  }
0x18a: {  	_ =	sdelay $0x2  }
0x18b: {  	p0 =	seq.s32 s13, $0x4  }
0x18c: {  	v4 =	vmul.f32 v9, v4;
	[tilespmem:v1+s10+$0x0] =	vst.idx.add.f32.msk $0xffff, v13;
	s14 =	sadd.s32 @!p0 s14, s18  }
0x18d: {  	[tilespmem:v2+s10+$0x0] =	vst.idx.add.f32.msk $0xffff, v12;
	s16 =	simm.s32 @!p0 $0x80;
	s14 =	sshrl.u32 @!p0 s14, $0x3  }
0x18e: {  	s19 =	simm.s32 @!p0 $0x200;
	s20 =	simm.s32 @!p0 $0x16800;
	[tilespmem:v3+s10+$0x0] =	vst.idx.add.f32.msk $0xffff, v4;
	s15 =	sadd.s32 @!p0 s3, s14  }
0x18f: {  	[tilespmem:s20], [sflag:$0x2] =	stream.strided.gather @!p0 [hbm4b:s15+s16], $0x1000, s19, s16, $0x38;
	[tilespmem:$0x1A800] =	vst v63  }
0x190: {  	s14 =	sadd.s32 @!p0 s5, s14;
	s15 =	simm.s32 @!p0 $0x17800  }
0x191: {  	[tilespmem:s15], [sflag:$0x2] =	stream.strided.gather @!p0 [hbm4b:s14+s16], $0x1000, s19, s16, $0x38;
	[tilespmem:$0x1A800] =	vst v63  }
0x192: {  	_ =	swait.ge [sflag:s11], $0x1000  }
0x193: {  	[sflag:s11] =	ssyncset.done $0x0  }
0x194: {  	[sflag:s11] =	ssyncadd.s32 $0xFFFFF000  }
0x195: {  	_ =	swait.ge [sflag:s11], $0x1000  }
0x196: {  	[sflag:s11] =	ssyncset.done $0x0  }
0x197: {  	s20 =	simm.s32 $0x18840;
	[sflag:s11] =	ssyncadd.s32 $0xFFFFF000  }
0x198: {  	v1 =	vld [tilespmem:s20+$0x30]  }
0x199: {  	v2 =	vld [tilespmem:s20+$0xFFFFFFD0]  }
0x19a: {  	v3 =	vld [tilespmem:s20+$0xFFFFFFE0]  }
0x19b: {  	v4 =	vld [tilespmem:s20+$0xFFFFFFF0]  }
0x19c: {  	v5 =	vld [tilespmem:s20+$0x0]  }
0x19d: {  	v7 =	vld [tilespmem:s20+$0x10]  }
0x19e: {  	v9 =	vld [tilespmem:s20+$0xFFFFFFC0]  }
0x19f: {  	s14 =	simm.s32 $0x19840;
	v11 =	vld [tilespmem:s20+$0x20];
	v6 =	vshrl.u32 v1, $0xE  }
0x1a0: {  	v16 =	vld [tilespmem:s14+$0x30]  }
0x1a1: {  	v26 =	vld [tilespmem:s14+$0xFFFFFFC0]  }
0x1a2: {  	v27 =	vld [tilespmem:s14+$0xFFFFFFD0]  }
0x1a3: {  	v28 =	vld [tilespmem:s14+$0xFFFFFFE0]  }
0x1a4: {  	v8 =	vshrl.u32 v2, $0xE;
	v14 =	vld.idx.msk [tilespmem:v6+s2+$0x0], $0xffff  }
0x1a5: {  	v29 =	vld [tilespmem:s14+$0xFFFFFFF0];
	v10 =	vshrl.u32 v3, $0xE  }
0x1a6: {  	v31 =	vld [tilespmem:s14+$0x0];
	v20 =	vand.u32 $0x3FFF, v1  }
0x1a7: {  	v33 =	vld [tilespmem:s14+$0x10]  }
0x1a8: {  	v12 =	vshrl.u32 v4, $0xE;
	v35 =	vand.u32 $0x3FFF, v4;
	v4 =	vld [tilespmem:s14+$0x20]  }
0x1a9: {  	v15 =	vshrl.u32 v7, $0xE;
	v18 =	vld.idx.msk [tilespmem:v8+s2+$0x0], $0xffff;
	v1 =	vmul.f32 v14, v16  }
0x1aa: {  	v13 =	vshrl.u32 v5, $0xE;
	v19 =	vld.idx.msk [tilespmem:v10+s2+$0x0], $0xffff  }
0x1ab: {  	v22 =	vshrl.u32 v11, $0xE;
	[tilespmem:v20+s30+$0x0] =	vst.idx.add.f32.msk $0xffff, v1  }
0x1ac: {  	v17 =	vshrl.u32 v9, $0xE;
	v1 =	vld.idx.msk [tilespmem:v6+s26+$0x0], $0xffff  }
0x1ad: {  	v34 =	vand.u32 $0x3FFF, v3;
	v21 =	vld.idx.msk [tilespmem:v12+s2+$0x0], $0xffff  }
0x1ae: {  	v24 =	vld.idx.msk [tilespmem:v15+s2+$0x0], $0xffff  }
0x1af: {  	v23 =	vld.idx.msk [tilespmem:v13+s2+$0x0], $0xffff  }
0x1b0: {  	v32 =	vand.u32 $0x3FFF, v2;
	v2 =	vand.u32 $0x3FFF, v7;
	v25 =	vld.idx.msk [tilespmem:v22+s2+$0x0], $0xffff;
	v7 =	vmul.f32 v19, v28  }
0x1b1: {  	v14 =	vld.idx.msk [tilespmem:v17+s2+$0x0], $0xffff;
	v1 =	vmul.f32 v1, v16  }
0x1b2: {  	[tilespmem:v34+s30+$0x0] =	vst.idx.add.f32.msk $0xffff, v7  }
0x1b3: {  	v30 =	vand.u32 $0x3FFF, v9;
	v7 =	vmul.f32 v24, v33;
	[tilespmem:v20+s8+$0x0] =	vst.idx.add.f32.msk $0xffff, v1  }
0x1b4: {  	v1 =	vand.u32 $0x3FFF, v5;
	v9 =	vld.idx.msk [tilespmem:v6+s1+$0x0], $0xffff  }
0x1b5: {  	[tilespmem:v2+s30+$0x0] =	vst.idx.add.f32.msk $0xffff, v7;
	v5 =	vmul.f32 v18, v27  }
0x1b6: {  	v3 =	vmul.f32 v14, v26;
	v62 =	vld.idx.msk [tilespmem:v15+s26+$0x0], $0xffff  }
0x1b7: {  	[tilespmem:v32+s30+$0x0] =	vst.idx.add.f32.msk $0xffff, v5;
	v5 =	vmul.f32 v23, v31  }
0x1b8: {  	v14 =	vmul.f32 v21, v29;
	[tilespmem:v30+s30+$0x0] =	vst.idx.add.f32.msk $0xffff, v3;
	v3 =	vand.u32 $0x3FFF, v11  }
0x1b9: {  	[tilespmem:v1+s30+$0x0] =	vst.idx.add.f32.msk $0xffff, v5;
	v5 =	vmul.f32 v9, v16  }
0x1ba: {  	[tilespmem:v35+s30+$0x0] =	vst.idx.add.f32.msk $0xffff, v14  }
0x1bb: {  	v7 =	vmul.f32 v25, v4;
	[tilespmem:v20+s9+$0x0] =	vst.idx.add.f32.msk $0xffff, v5  }
0x1bc: {  	v5 =	vld.idx.msk [tilespmem:v6+s29+$0x0], $0xffff  }
0x1bd: {  	[tilespmem:v3+s30+$0x0] =	vst.idx.add.f32.msk $0xffff, v7  }
0x1be: {  	v6 =	vld.idx.msk [tilespmem:v17+s26+$0x0], $0xffff  }
0x1bf: {  	v7 =	vld.idx.msk [tilespmem:v8+s26+$0x0], $0xffff  }
0x1c0: {  	v9 =	vld.idx.msk [tilespmem:v10+s26+$0x0], $0xffff  }
0x1c1: {  	v11 =	vld.idx.msk [tilespmem:v12+s26+$0x0], $0xffff;
	v5 =	vmul.f32 v5, v16  }
0x1c2: {  	v14 =	vld.idx.msk [tilespmem:v13+s26+$0x0], $0xffff  }
0x1c3: {  	v6 =	vmul.f32 v6, v26;
	[tilespmem:v20+s10+$0x0] =	vst.idx.add.f32.msk $0xffff, v5  }
0x1c4: {  	v5 =	vmul.f32 v7, v27;
	v7 =	vld.idx.msk [tilespmem:v22+s26+$0x0], $0xffff  }
0x1c5: {  	[tilespmem:v30+s8+$0x0] =	vst.idx.add.f32.msk $0xffff, v6;
	v6 =	vmul.f32 v9, v28  }
0x1c6: {  	[tilespmem:v32+s8+$0x0] =	vst.idx.add.f32.msk $0xffff, v5;
	v5 =	vmul.f32 v11, v29  }
0x1c7: {  	[tilespmem:v34+s8+$0x0] =	vst.idx.add.f32.msk $0xffff, v6;
	v6 =	vmul.f32 v14, v31  }
0x1c8: {  	[tilespmem:v35+s8+$0x0] =	vst.idx.add.f32.msk $0xffff, v5  }
0x1c9: {  	[tilespmem:v1+s8+$0x0] =	vst.idx.add.f32.msk $0xffff, v6  }
0x1ca: {  	v5 =	vmul.f32 v62, v33;
	v6 =	vld.idx.msk [tilespmem:v17+s1+$0x0], $0xffff  }
0x1cb: {  	v9 =	vld.idx.msk [tilespmem:v12+s1+$0x0], $0xffff  }
0x1cc: {  	[tilespmem:v2+s8+$0x0] =	vst.idx.add.f32.msk $0xffff, v5;
	v5 =	vmul.f32 v7, v4  }
0x1cd: {  	v7 =	vld.idx.msk [tilespmem:v10+s1+$0x0], $0xffff  }
0x1ce: {  	[tilespmem:v3+s8+$0x0] =	vst.idx.add.f32.msk $0xffff, v5  }
0x1cf: {  	v5 =	vld.idx.msk [tilespmem:v8+s1+$0x0], $0xffff  }
0x1d0: {  	v11 =	vld.idx.msk [tilespmem:v13+s1+$0x0], $0xffff  }
0x1d1: {  	v14 =	vld.idx.msk [tilespmem:v15+s1+$0x0], $0xffff;
	v6 =	vmul.f32 v6, v26  }
0x1d2: {  	v63 =	vld.idx.msk [tilespmem:v22+s1+$0x0], $0xffff  }
0x1d3: {  	[tilespmem:v30+s9+$0x0] =	vst.idx.add.f32.msk $0xffff, v6;
	v7 =	vmul.f32 v7, v28  }
0x1d4: {  	v6 =	vld.idx.msk [tilespmem:v17+s29+$0x0], $0xffff;
	v5 =	vmul.f32 v5, v27  }
0x1d5: {  	[tilespmem:v34+s9+$0x0] =	vst.idx.add.f32.msk $0xffff, v7;
	v7 =	vmul.f32 v11, v31  }
0x1d6: {  	[tilespmem:v32+s9+$0x0] =	vst.idx.add.f32.msk $0xffff, v5;
	v5 =	vmul.f32 v9, v29  }
0x1d7: {  	[tilespmem:v1+s9+$0x0] =	vst.idx.add.f32.msk $0xffff, v7;
	v7 =	vmul.f32 v63, v4  }
0x1d8: {  	[tilespmem:v35+s9+$0x0] =	vst.idx.add.f32.msk $0xffff, v5;
	v5 =	vmul.f32 v14, v33  }
0x1d9: {  	[tilespmem:v3+s9+$0x0] =	vst.idx.add.f32.msk $0xffff, v7  }
0x1da: {  	[tilespmem:v2+s9+$0x0] =	vst.idx.add.f32.msk $0xffff, v5  }
0x1db: {  	v5 =	vld.idx.msk [tilespmem:v8+s29+$0x0], $0xffff  }
0x1dc: {  	v7 =	vld.idx.msk [tilespmem:v10+s29+$0x0], $0xffff  }
0x1dd: {  	v8 =	vld.idx.msk [tilespmem:v12+s29+$0x0], $0xffff  }
0x1de: {  	v10 =	vld.idx.msk [tilespmem:v13+s29+$0x0], $0xffff  }
0x1df: {  	v6 =	vmul.f32 v6, v26;
	v11 =	vld.idx.msk [tilespmem:v15+s29+$0x0], $0xffff  }
0x1e0: {  	v9 =	vld.idx.msk [tilespmem:v22+s29+$0x0], $0xffff;
	v5 =	vmul.f32 v5, v27  }
0x1e1: {  	[tilespmem:v30+s10+$0x0] =	vst.idx.add.f32.msk $0xffff, v6;
	v6 =	vmul.f32 v7, v28  }
0x1e2: {  	[tilespmem:v32+s10+$0x0] =	vst.idx.add.f32.msk $0xffff, v5;
	v5 =	vmul.f32 v8, v29  }
0x1e3: {  	[tilespmem:v34+s10+$0x0] =	vst.idx.add.f32.msk $0xffff, v6  }
0x1e4: {  	s15 =	simm.s32 $0x0;
	s16 =	simm.s32 $0x188C0;
	v13 =	vmul.f32 v10, v31;
	v12 =	vmul.f32 v11, v33;
	[tilespmem:v35+s10+$0x0] =	vst.idx.add.f32.msk $0xffff, v5  }
.LBB2_11:
0x1e5: {  	v17 =	vld [tilespmem:s16+$0x30];
	s15 =	sadd.s32 $0x8, s15;
	v5 =	vmul.f32 v9, v4  }
0x1e6: {  	v4 =	vld [tilespmem:s16+$0xFFFFFFD0];
	p0 =	slt.u32 s15, $0xF8  }
0x1e7: {  	v7 =	vld [tilespmem:s16+$0xFFFFFFE0]  }
0x1e8: {  	v8 =	vld [tilespmem:s16+$0xFFFFFFF0]  }
0x1e9: {  	v14 =	vld [tilespmem:s16+$0x0]  }
0x1ea: {  	v15 =	vld [tilespmem:s16+$0x10];
	v22 =	vshrl.u32 v17, $0xE  }
0x1eb: {  	v9 =	vshrl.u32 v4, $0xE;
	v6 =	vand.u32 $0x3FFF, v4;
	v4 =	vld [tilespmem:s16+$0x20]  }
0x1ec: {  	v16 =	vld [tilespmem:s16+$0xFFFFFFC0];
	v10 =	vshrl.u32 v7, $0xE;
	v7 =	vand.u32 $0x3FFF, v7  }
0x1ed: {  	v11 =	vshrl.u32 v8, $0xE;
	v8 =	vand.u32 $0x3FFF, v8;
	[tilespmem:v1+s10+$0x0] =	vst.idx.add.f32.msk $0xffff, v13  }
0x1ee: {  	v13 =	vshrl.u32 v14, $0xE;
	v1 =	vand.u32 $0x3FFF, v14;
	[tilespmem:v2+s10+$0x0] =	vst.idx.add.f32.msk $0xffff, v12  }
0x1ef: {  	s14 =	sadd.s32 $0x80, s14;
	v14 =	vshrl.u32 v15, $0xE;
	v2 =	vand.u32 $0x3FFF, v15;
	v18 =	vld.idx.msk [tilespmem:v22+s2+$0x0], $0xffff  }
0x1f0: {  	v15 =	vshrl.u32 v4, $0xE;
	v12 =	vand.u32 $0x3FFF, v4;
	v23 =	vld [tilespmem:s14+$0x30]  }
0x1f1: {  	v24 =	vshrl.u32 v16, $0xE;
	v16 =	vand.u32 $0x3FFF, v16;
	v4 =	vld.idx.msk [tilespmem:v9+s2+$0x0], $0xffff  }
0x1f2: {  	v26 =	vand.u32 $0x3FFF, v17;
	v25 =	vld.idx.msk [tilespmem:v10+s2+$0x0], $0xffff  }
0x1f3: {  	v27 =	vld.idx.msk [tilespmem:v11+s2+$0x0], $0xffff  }
0x1f4: {  	v28 =	vld.idx.msk [tilespmem:v13+s2+$0x0], $0xffff  }
0x1f5: {  	v29 =	vld.idx.msk [tilespmem:v14+s2+$0x0], $0xffff;
	v17 =	vmul.f32 v18, v23  }
0x1f6: {  	v19 =	vld.idx.msk [tilespmem:v24+s2+$0x0], $0xffff  }
0x1f7: {  	[tilespmem:v26+s30+$0x0] =	vst.idx.add.f32.msk $0xffff, v17  }
0x1f8: {  	v30 =	vld.idx.msk [tilespmem:v22+s26+$0x0], $0xffff  }
0x1f9: {  	v31 =	vld.idx.msk [tilespmem:v15+s2+$0x0], $0xffff  }
0x1fa: {  	v32 =	vld [tilespmem:s14+$0xFFFFFFC0]  }
0x1fb: {  	v20 =	vld [tilespmem:s14+$0xFFFFFFD0]  }
0x1fc: {  	v21 =	vld [tilespmem:s14+$0xFFFFFFE0]  }
0x1fd: {  	v18 =	vld [tilespmem:s14+$0xFFFFFFF0]  }
0x1fe: {  	v30 =	vmul.f32 v30, v23;
	v17 =	vld [tilespmem:s14+$0x0]  }
0x1ff: {  	v33 =	vmul.f32 v19, v32;
	v19 =	vld [tilespmem:s14+$0x10]  }
0x200: {  	v34 =	vmul.f32 v4, v20;
	[tilespmem:v26+s8+$0x0] =	vst.idx.add.f32.msk $0xffff, v30  }
0x201: {  	v25 =	vmul.f32 v25, v21;
	v30 =	vld.idx.msk [tilespmem:v22+s1+$0x0], $0xffff  }
0x202: {  	v27 =	vmul.f32 v27, v18;
	v4 =	vld [tilespmem:s14+$0x20]  }
0x203: {  	[tilespmem:v16+s30+$0x0] =	vst.idx.add.f32.msk $0xffff, v33;
	v28 =	vmul.f32 v28, v17  }
0x204: {  	[tilespmem:v6+s30+$0x0] =	vst.idx.add.f32.msk $0xffff, v34;
	v29 =	vmul.f32 v29, v19  }
0x205: {  	[tilespmem:v7+s30+$0x0] =	vst.idx.add.f32.msk $0xffff, v25  }
0x206: {  	[tilespmem:v8+s30+$0x0] =	vst.idx.add.f32.msk $0xffff, v27  }
0x207: {  	v27 =	vmul.f32 v30, v23;
	[tilespmem:v1+s30+$0x0] =	vst.idx.add.f32.msk $0xffff, v28;
	v25 =	vmul.f32 v31, v4  }
0x208: {  	[tilespmem:v2+s30+$0x0] =	vst.idx.add.f32.msk $0xffff, v29  }
0x209: {  	[tilespmem:v26+s9+$0x0] =	vst.idx.add.f32.msk $0xffff, v27  }
0x20a: {  	v22 =	vld.idx.msk [tilespmem:v22+s29+$0x0], $0xffff  }
0x20b: {  	[tilespmem:v12+s30+$0x0] =	vst.idx.add.f32.msk $0xffff, v25  }
0x20c: {  	v25 =	vld.idx.msk [tilespmem:v24+s26+$0x0], $0xffff  }
0x20d: {  	v27 =	vld.idx.msk [tilespmem:v9+s26+$0x0], $0xffff  }
0x20e: {  	v28 =	vld.idx.msk [tilespmem:v10+s26+$0x0], $0xffff  }
0x20f: {  	v29 =	vld.idx.msk [tilespmem:v11+s26+$0x0], $0xffff  }
0x210: {  	v22 =	vmul.f32 v22, v23;
	v30 =	vld.idx.msk [tilespmem:v13+s26+$0x0], $0xffff  }
0x211: {  	v23 =	vld.idx.msk [tilespmem:v14+s26+$0x0], $0xffff  }
0x212: {  	v25 =	vmul.f32 v25, v32;
	[tilespmem:v26+s10+$0x0] =	vst.idx.add.f32.msk $0xffff, v22  }
0x213: {  	v22 =	vmul.f32 v27, v20;
	v26 =	vld.idx.msk [tilespmem:v15+s26+$0x0], $0xffff  }
0x214: {  	[tilespmem:v16+s8+$0x0] =	vst.idx.add.f32.msk $0xffff, v25;
	v25 =	vmul.f32 v28, v21  }
0x215: {  	[tilespmem:v6+s8+$0x0] =	vst.idx.add.f32.msk $0xffff, v22;
	v22 =	vmul.f32 v29, v18  }
0x216: {  	[tilespmem:v7+s8+$0x0] =	vst.idx.add.f32.msk $0xffff, v25;
	v25 =	vmul.f32 v30, v17  }
0x217: {  	[tilespmem:v8+s8+$0x0] =	vst.idx.add.f32.msk $0xffff, v22;
	v22 =	vmul.f32 v23, v19  }
0x218: {  	[tilespmem:v1+s8+$0x0] =	vst.idx.add.f32.msk $0xffff, v25  }
0x219: {  	[tilespmem:v2+s8+$0x0] =	vst.idx.add.f32.msk $0xffff, v22;
	v22 =	vmul.f32 v26, v4  }
0x21a: {  	v23 =	vld.idx.msk [tilespmem:v24+s1+$0x0], $0xffff  }
0x21b: {  	[tilespmem:v12+s8+$0x0] =	vst.idx.add.f32.msk $0xffff, v22  }
0x21c: {  	v22 =	vld.idx.msk [tilespmem:v9+s1+$0x0], $0xffff  }
0x21d: {  	v25 =	vld.idx.msk [tilespmem:v10+s1+$0x0], $0xffff  }
0x21e: {  	v26 =	vld.idx.msk [tilespmem:v11+s1+$0x0], $0xffff  }
0x21f: {  	v27 =	vld.idx.msk [tilespmem:v13+s1+$0x0], $0xffff  }
0x220: {  	v23 =	vmul.f32 v23, v32;
	v28 =	vld.idx.msk [tilespmem:v14+s1+$0x0], $0xffff  }
0x221: {  	v29 =	vld.idx.msk [tilespmem:v15+s1+$0x0], $0xffff  }
0x222: {  	v22 =	vmul.f32 v22, v20;
	[tilespmem:v16+s9+$0x0] =	vst.idx.add.f32.msk $0xffff, v23  }
0x223: {  	v23 =	vld.idx.msk [tilespmem:v24+s29+$0x0], $0xffff;
	v24 =	vmul.f32 v25, v21  }
0x224: {  	[tilespmem:v6+s9+$0x0] =	vst.idx.add.f32.msk $0xffff, v22;
	v22 =	vmul.f32 v26, v18  }
0x225: {  	[tilespmem:v7+s9+$0x0] =	vst.idx.add.f32.msk $0xffff, v24;
	v24 =	vmul.f32 v27, v17  }
0x226: {  	[tilespmem:v8+s9+$0x0] =	vst.idx.add.f32.msk $0xffff, v22;
	v22 =	vmul.f32 v28, v19  }
0x227: {  	[tilespmem:v1+s9+$0x0] =	vst.idx.add.f32.msk $0xffff, v24;
	v24 =	vmul.f32 v29, v4  }
0x228: {  	[tilespmem:v2+s9+$0x0] =	vst.idx.add.f32.msk $0xffff, v22  }
0x229: {  	v22 =	vmul.f32 v23, v32;
	[tilespmem:v12+s9+$0x0] =	vst.idx.add.f32.msk $0xffff, v24  }
0x22a: {  	v23 =	vld.idx.msk [tilespmem:v9+s29+$0x0], $0xffff  }
0x22b: {  	v10 =	vld.idx.msk [tilespmem:v10+s29+$0x0], $0xffff  }
0x22c: {  	v11 =	vld.idx.msk [tilespmem:v11+s29+$0x0], $0xffff  }
0x22d: {  	v13 =	vld.idx.msk [tilespmem:v13+s29+$0x0], $0xffff  }
0x22e: {  	v14 =	vld.idx.msk [tilespmem:v14+s29+$0x0], $0xffff  }
0x22f: {  	v9 =	vld.idx.msk [tilespmem:v15+s29+$0x0], $0xffff  }
.Ltmp4:
0x230: {  	v15 =	vmul.f32 v23, v20;
	[tilespmem:v16+s10+$0x0] =	vst.idx.add.f32.msk $0xffff, v22;
	(pc) =	sbr.rel @p0 .LBB2_11-.Ltmp4, $4  }
0x231: {  	v10 =	vmul.f32 v10, v21;
	[tilespmem:v3+s10+$0x0] =	vst.idx.add.f32.msk $0xffff, v5;
	v3 =	vmov v12  }
0x232: {  	v5 =	vmul.f32 v11, v18;
	[tilespmem:v6+s10+$0x0] =	vst.idx.add.f32.msk $0xffff, v15  }
0x233: {  	v13 =	vmul.f32 v13, v17;
	[tilespmem:v7+s10+$0x0] =	vst.idx.add.f32.msk $0xffff, v10  }
0x234: {  	s16 =	sadd.s32 $0x80, s16;
	v12 =	vmul.f32 v14, v19;
	[tilespmem:v8+s10+$0x0] =	vst.idx.add.f32.msk $0xffff, v5  }
0x235: {  	s13 =	sadd.s32 $0x1, s13  }
0x236: {  	p0 =	sne.s32 s13, $0x5  }
.Ltmp5:
0x237: {  	_ = 	snop;
	(pc) =	sbr.rel @p0 .LBB2_8-.Ltmp5, $4  }
0x238: {  	_ = 	snop  }
0x239: {  	v4 =	vmul.f32 v9, v4;
	[tilespmem:v1+s10+$0x0] =	vst.idx.add.f32.msk $0xffff, v13  }
0x23a: {  	[tilespmem:v2+s10+$0x0] =	vst.idx.add.f32.msk $0xffff, v12  }
0x23b: {  	[tilespmem:v3+s10+$0x0] =	vst.idx.add.f32.msk $0xffff, v4  }
0x23c: {  	s13 =	rddreg [dreg:$0xd]  }
0x23d: {  	[hbm4b:s13+s24] =	stream.strided.scatter [tilespmem:s30], [sflag:$0x4], $0x2800, s25, s24, $0x38;
	[tilespmem:$0x1A800] =	vst v63  }
0x23e: {  	_ =	swait.ge [sflag:s0], $0x2800  }
0x23f: {  	[sflag:s0] =	ssyncset.done $0x0  }
0x240: {  	s20 =	rddreg [dreg:$0xe];
	[sflag:s0] =	ssyncadd.s32 $0xFFFFD800  }
0x241: {  	[hbm4b:s20+s24] =	stream.strided.scatter [tilespmem:s8], [sflag:$0x4], $0x2800, s25, s24, $0x38;
	[tilespmem:$0x1A800] =	vst v63  }
0x242: {  	_ =	swait.ge [sflag:s0], $0x2800  }
0x243: {  	[sflag:s0] =	ssyncset.done $0x0  }
0x244: {  	[sflag:s0] =	ssyncadd.s32 $0xFFFFD800  }
0x245: {  	[hbm4b:s21+s24] =	stream.strided.scatter [tilespmem:s9], [sflag:$0x4], $0x2800, s25, s24, $0x38;
	[tilespmem:$0x1A800] =	vst v63  }
0x246: {  	s12 =	sadd.s32 $0x1, s12;
	_ =	swait.ge [sflag:s0], $0x2800  }
0x247: {  	p0 =	sne.s32 s12, s23;
	[sflag:s0] =	ssyncset.done $0x0  }
.Ltmp6:
0x248: {  	[sflag:s0] =	ssyncadd.s32 $0xFFFFD800;
	(pc) =	sbr.rel @p0 .LBB2_1-.Ltmp6, $4  }
0x249: {  	[hbm4b:s22+s24] =	stream.strided.scatter [tilespmem:s10], [sflag:$0x4], $0x2800, s25, s24, $0x38;
	[tilespmem:$0x1A800] =	vst v63  }
0x24a: {  	_ =	swait.ge [sflag:s0], $0x2800  }
0x24b: {  	[sflag:s0] =	ssyncset.done $0x0  }
0x24c: {  	[sflag:s0] =	ssyncadd.s32 $0xFFFFD800  }
0x24d: {  	_ =	sfence.sel $0x180000  }
0x24e: {  	[bflag:$0x0] =	sbarrier.arrive $0xFFFF  }
0x24f: {  	_ =	strace $0x90000047  }
0x250: {  	s0 =	stileid.u32;
	[bflag:$0x2] =	sbarrier.arrive $0xFFFF  }
0x251: {  	p0 =	sne.s32 s0, $0x0;
	s0 =	rddreg [dreg:$0x1]  }
0x252: {  	s0 =	sadd.s32 @!p0 $0x100000, s0  }
0x253: {  	[sflag:s0] =	ssyncadd.tile.s32 @!p0 $0x1;
	_ =	shalt  }
.Lfunc_end2:
_tile_overlayer_lowered:
.L_overlay_start_2:
0x254: {  	(tag) =	ssettag $0x2  }
0x255: {  	s0 =	rddreg [dreg:$0x0];
	s2 =	stileid.u32  }
0x256: {  	s1 =	rddreg [dreg:$0x1];
	p0 =	sne.s32 s2, $0x0  }
0x257: {  	s3 =	rddreg [dreg:$0x2];
	[bflag:$0x3] =	sbarrier.arrive $0xFFFF;
	s2 =	simm.s32 @!p0 $0x1C04  }
0x258: {  	[timem:s3], [sflag:s2] =	dma.local @!p0 [hbm:s0], s1  }
0x259: {  	s0 =	simm.s32 @!p0 $0x4  }
0x25a: {  	_ =	swait.ge @!p0 [sflag:s0], s1  }
0x25b: {  	s1 =	ssub.s32 @!p0 $0x0, s1;
	[sflag:s0] =	ssyncset.done @!p0 $0x0  }
0x25c: {  	[sflag:s0] =	ssyncadd.s32 @!p0 s1  }
0x25d: {  	[bflag:$0x3] =	sbarrier.arrive $0xFFFF  }
0x25e: {  	_ =	shalt  }

</sc_bundles>
